<compile_context>
chip_gen: v7x
topology: tpu7x:2x2x1
jax: 0.10.2.dev20260603
libtpu: 0.0.44.dev20260713+nightly
codegen_flags: <defaults>
</compile_context>

<pallas_src>
import functools

import jax
import jax.numpy as jnp
from jax import lax
from jax.experimental import pallas as pl
from jax.experimental.pallas import tpu as pltpu
from jax.experimental.pallas import tpu_sc as plsc

N = 10000
E = 160000
D = 256
H = 128
NC, NS = 2, 16
NW = NC * NS
B = 80
EP = 163840
BQ = EP // B
RT = BQ // NS
NSTAGE = 8
SQ = RT // NSTAGE
NBUF = 4
BA = 128
ROWS_A = EP // BA // NW
ACC_R = 10112
ZCH = ACC_R // NS
RB = 1000
NBANK = 4
HWORDS = NBANK * ACC_R

_MESH = plsc.VectorSubcoreMesh(core_axis_name="c", subcore_axis_name="s")
_SC_PARAMS = pltpu.CompilerParams(needs_layout_passes=False)


def _m8(v):
    return pl.multiple_of(v, 8)



@functools.partial(
    pl.kernel,
    out_type=jax.ShapeDtypeStruct((NW * HWORDS,), jnp.float32),
    mesh=_MESH,
    scratch_types=[
        pltpu.VMEM((HWORDS,), jnp.float32),
        pltpu.VMEM((ROWS_A * BA,), jnp.int32),
    ],
    compiler_params=_SC_PARAMS,
)
def _deg_kernel(dstf_h, zflat_h, deg2_h, histf, dstg):
    c = lax.axis_index("c")
    s = lax.axis_index("s")
    w = s * NC + c
    pltpu.sync_copy(zflat_h, histf)
    pltpu.sync_copy(dstf_h.at[pl.ds(_m8(w * (ROWS_A * BA)), ROWS_A * BA)], dstg)

    lane = jnp.arange(16, dtype=jnp.int32)
    bank_base = (lane & 3) * ACC_R
    group = lane >> 2
    masks = [group == k for k in range(4)]
    ones16 = jnp.ones((16,), jnp.float32)

    def count_row(r, _):
        for j in range(BA // 16):
            d = dstg[pl.ds(r * BA + j * 16, 16)]
            addr = bank_base + d
            for m in masks:
                plsc.addupdate_scatter(histf, [addr], ones16, mask=m)
        return 0

    lax.fori_loop(0, ROWS_A, count_row, 0)
    pltpu.sync_copy(histf, deg2_h.at[pl.ds(_m8(w * HWORDS), HWORDS)])



def _matmul_body(x_ref, w_ref, h_ref):
    h_ref[...] = jnp.dot(x_ref[...], w_ref[...],
                         preferred_element_type=jnp.float32)


def _matmul(x, W):
    return pl.pallas_call(
        _matmul_body,
        grid=(N // RB,),
        in_specs=[
            pl.BlockSpec((RB, D), lambda i: (i, 0)),
            pl.BlockSpec((D, D), lambda i: (0, 0)),
        ],
        out_specs=pl.BlockSpec((RB, D), lambda i: (i, 0)),
        out_shape=jax.ShapeDtypeStruct((N, D), jnp.float32),
    )(x, W)


def _post_body(h_ref, hist_ref, ones_ref, g_ref, dis_ref, deg_scr):
    i = pl.program_id(0)

    @pl.when(i == 0)
    def _():
        deg_scr[...] = lax.dot_general(
            hist_ref[...], ones_ref[...], (((0,), (0,)), ((), ())),
            precision=lax.Precision.HIGHEST,
            preferred_element_type=jnp.float32) + 1.0

    dis = lax.rsqrt(deg_scr[pl.ds(_m8(i * RB), RB), :])
    g = h_ref[...] * dis
    g_ref[0] = g[:, :H]
    g_ref[1] = g[:, H:]
    dis_ref[...] = dis


def _post(h, hist, ones_col):
    return pl.pallas_call(
        _post_body,
        grid=(N // RB,),
        in_specs=[
            pl.BlockSpec((RB, D), lambda i: (i, 0)),
            pl.BlockSpec((NW * NBANK, ACC_R), lambda i: (0, 0)),
            pl.BlockSpec((NW * NBANK, 1), lambda i: (0, 0)),
        ],
        scratch_shapes=[pltpu.VMEM((ACC_R, 1), jnp.float32)],
        out_specs=[
            pl.BlockSpec((NC, RB, H), lambda i: (0, i, 0)),
            pl.BlockSpec((RB, 1), lambda i: (i, 0)),
        ],
        out_shape=[
            jax.ShapeDtypeStruct((NC, N, H), jnp.float32),
            jax.ShapeDtypeStruct((N, 1), jnp.float32),
        ],
    )(h, hist, ones_col)



@functools.partial(
    pl.kernel,
    out_type=jax.ShapeDtypeStruct((ACC_R, D), jnp.float32),
    mesh=_MESH,
    scratch_types=[
        pltpu.VMEM_SHARED((ACC_R, H), jnp.float32),
        pltpu.VMEM((SQ, B), jnp.int32),
        pltpu.VMEM((SQ, B), jnp.int32),
        pltpu.VMEM((SQ, B), jnp.int32),
        pltpu.VMEM((SQ, B), jnp.int32),
        pltpu.VMEM((B, H), jnp.float32),
        pltpu.VMEM((B, H), jnp.float32),
        pltpu.VMEM((B, H), jnp.float32),
        pltpu.VMEM((B, H), jnp.float32),
        pltpu.SemaphoreType.DMA,
        pltpu.SemaphoreType.DMA,
        pltpu.SemaphoreType.DMA,
        pltpu.SemaphoreType.DMA,
        pltpu.SemaphoreType.DMA,
        pltpu.SemaphoreType.DMA,
        pltpu.SemaphoreType.DMA,
        pltpu.SemaphoreType.DMA,
        pltpu.SemaphoreType.DMA,
        pltpu.SemaphoreType.DMA,
    ],
)
def _msg_kernel(srcp2_h, dstp_h, g_h, z_h, accd_h,
                acc, srcsA, dstsA, srcsB, dstsB, r0, r1, r2, r3,
                gs0, gs1, gs2, gs3, ss0, ss1, ss2, ss3, is0, is1):
    c = lax.axis_index("c")
    s = lax.axis_index("s")
    rbufs = [r0, r1, r2, r3]
    gsems = [gs0, gs1, gs2, gs3]
    ssems = [ss0, ss1, ss2, ss3]
    ibufs = [(srcsA, dstsA), (srcsB, dstsB)]
    isems = [is0, is1]

    def _stage(q, pair, isem):
        sbuf, dbuf = ibufs[pair]
        pltpu.async_copy(
            srcp2_h.at[pl.ds(_m8(c * BQ + s * RT + q * SQ), SQ)], sbuf,
            isems[isem])
        pltpu.async_copy(
            dstp_h.at[pl.ds(_m8(s * RT + q * SQ), SQ)], dbuf, isems[isem])

    def _wait_stage(q, pair, isem):
        sbuf, dbuf = ibufs[pair]
        pltpu.make_async_copy(
            srcp2_h.at[pl.ds(_m8(c * BQ + s * RT + q * SQ), SQ)], sbuf,
            isems[isem]).wait()
        pltpu.make_async_copy(
            dstp_h.at[pl.ds(_m8(s * RT + q * SQ), SQ)], dbuf,
            isems[isem]).wait()

    _stage(0, 0, 0)
    pltpu.sync_copy(z_h, acc.at[pl.ds(_m8(s * ZCH), ZCH)])
    plsc.subcore_barrier()

    def _gather(srcs, j, bb):
        pltpu.async_copy(g_h.at[srcs.at[j]], rbufs[bb], gsems[bb])

    def _wait_gather(srcs, j, bb):
        pltpu.make_async_copy(g_h.at[srcs.at[j]], rbufs[bb], gsems[bb]).wait()

    def _scatter(dsts, j, bb):
        pltpu.async_copy(rbufs[bb], acc.at[dsts.at[j]], ssems[bb], add=True)

    def _wait_scatter(dsts, j, bb):
        pltpu.make_async_copy(rbufs[bb], acc.at[dsts.at[j]], ssems[bb]).wait()

    for q in range(NSTAGE):
        pair = q % 2
        srcs, dsts = ibufs[pair]
        _wait_stage(q, pair, pair)
        if q + 1 < NSTAGE:
            _stage(q + 1, 1 - pair, 1 - pair)

        def edge_body(io, _, srcs=srcs, dsts=dsts):
            base = io * NBUF
            for bb in range(NBUF):
                _wait_gather(srcs, base + bb, bb)
                _scatter(dsts, base + bb, bb)
            for bb in range(NBUF):
                _wait_scatter(dsts, base + bb, bb)
                _gather(srcs, base + NBUF + bb, bb)
            return 0

        for bb in range(NBUF):
            _gather(srcs, bb, bb)
        lax.fori_loop(0, SQ // NBUF - 1, edge_body, 0)
        for bb in range(NBUF):
            _wait_gather(srcs, SQ - NBUF + bb, bb)
            _scatter(dsts, SQ - NBUF + bb, bb)
        for bb in range(NBUF):
            _wait_scatter(dsts, SQ - NBUF + bb, bb)
    plsc.subcore_barrier()
    pltpu.sync_copy(
        acc.at[pl.ds(_m8(s * ZCH), ZCH)],
        accd_h.at[pl.ds(_m8(s * ZCH), ZCH),
                  pl.ds(pl.multiple_of(c * H, H), H)])



def _finish_body(a_ref, g0_ref, g1_ref, d_ref, b_ref, o_ref):
    g = jnp.concatenate([g0_ref[0], g1_ref[0]], axis=1)
    o_ref[...] = (a_ref[...] + g) * d_ref[...] + b_ref[...]


def _finish(accd, g3, discol, b2):
    return pl.pallas_call(
        _finish_body,
        grid=(N // RB,),
        in_specs=[
            pl.BlockSpec((RB, D), lambda i: (i, 0)),
            pl.BlockSpec((1, RB, H), lambda i: (0, i, 0)),
            pl.BlockSpec((1, RB, H), lambda i: (1, i, 0)),
            pl.BlockSpec((RB, 1), lambda i: (i, 0)),
            pl.BlockSpec((1, D), lambda i: (0, 0)),
        ],
        out_specs=pl.BlockSpec((RB, D), lambda i: (i, 0)),
        out_shape=jax.ShapeDtypeStruct((N, D), jnp.float32),
    )(accd, g3, g3, discol, b2)



def kernel(x, edge_index, W, b):
    ei = edge_index.astype(jnp.int32)
    pad_src = jnp.zeros((EP - E,), jnp.int32)
    pad_dst = jnp.full((EP - E,), N, jnp.int32)
    src = jnp.concatenate([ei[0], pad_src])
    dstf = jnp.concatenate([ei[1], pad_dst])
    srcp2 = jnp.concatenate([src, src + N]).reshape(2 * BQ, B)
    dstp = dstf.reshape(BQ, B)
    zflat = jnp.zeros((HWORDS,), jnp.float32)
    zH = jnp.zeros((ZCH, H), jnp.float32)
    ones_col = jnp.ones((NW * NBANK, 1), jnp.float32)

    deg2 = _deg_kernel(dstf, zflat)
    h = _matmul(x, W)
    hist = deg2.reshape(NW * NBANK, ACC_R)
    g3, discol = _post(h, hist, ones_col)
    g = g3.reshape(NC * N, H)
    accd = _msg_kernel(srcp2, dstp, g, zH)
    return _finish(accd, g3, discol, b.reshape(1, D))

# --- scband reference (transcript-rebuilt; emitter-appended) ---
"""Pipeline reference for scband-linear-encoder-53919019434038 (READ-ONLY COPY).

The authoritative reference and input builder live on the scoring server;
editing this copy changes nothing except your own understanding.
"""

import jax, jax.numpy as jnp
import numpy as np

N_NODES = 10000
N_EDGES = 160000
D_IN = 256
D_OUT = 256

def setup_inputs(seed: int = 0) -> dict:
    key = jax.random.key(seed)
    k1, k2, k3, k4 = jax.random.split(key, 4)
    x = jax.random.normal(k1, (N_NODES, D_IN), dtype=jnp.float32)
    edge_index = jax.random.randint(k2, (2, N_EDGES), 0, N_NODES, dtype=jnp.int64)
    # GCNConv linear weight (glorot) and zero bias, per PyG defaults
    limit = float(np.sqrt(6.0 / (D_IN + D_OUT)))
    W = jax.random.uniform(k3, (D_IN, D_OUT), minval=-limit, maxval=limit, dtype=jnp.float32)
    b = jnp.zeros((D_OUT,), dtype=jnp.float32)
    return {"x": x, "edge_index": edge_index, "W": W, "b": b}

def reference(x, edge_index, W, b):
    # Faithful GCNConv: add self-loops, symmetric normalization, linear, aggregate, bias
    N = x.shape[0]
    loop = jnp.arange(N, dtype=edge_index.dtype)
    src = jnp.concatenate([edge_index[0], loop])
    dst = jnp.concatenate([edge_index[1], loop])
    # degree (in-degree over dst with self loops), edge_weight = 1
    deg = jnp.zeros((N,), dtype=jnp.float32).at[dst].add(1.0)
    deg_inv_sqrt = jnp.where(deg > 0, 1.0 / jnp.sqrt(deg), 0.0)
    norm = deg_inv_sqrt[src] * deg_inv_sqrt[dst]
    h = x @ W
    msg = h[src] * norm[:, None]
    out = jnp.zeros((N, h.shape[1]), dtype=h.dtype).at[dst].add(msg)
    return out + b

if __name__ == "__main__":
    import jax
    _d = setup_inputs()
    print(jax.jit(kernel)(*tuple(_d.values())))

</pallas_src>

<mosaic_0001>
#map = affine_map<(d0, d1) -> (0)>
module attributes {stable_mosaic.version = 14 : i64} {
  func.func @_deg_kernel(%arg0: i32, %arg1: i32, %arg2: memref<163840xi32, #tpu.memory_space<hbm>>, %arg3: memref<40448xf32, #tpu.memory_space<hbm>>, %arg4: memref<1294336xf32, #tpu.memory_space<hbm>>, %arg5: memref<40448xf32, #tpu.memory_space<vmem>>, %arg6: memref<5120xi32, #tpu.memory_space<vmem>>) attributes {dimension_semantics = [#tpu.dimension_semantics<core_parallel>, #tpu.dimension_semantics<subcore_parallel>], iteration_bounds = array<i64: 2, 16>, scalar_prefetch = 0 : i64, scratch_operands = 2 : i64, tpu.core_type = #tpu.core_type<sc_vector_subcore>, window_params = [{transform_indices = #map}, {transform_indices = #map}, {transform_indices = #map}]} {
    %mul3A = arith.constant 2 : i32
    %mul3A_0 = arith.muli %arg1, %mul3A : i32
    %add3A = arith.addi %mul3A_0, %arg0 : i32
    "tpu.region"() ({
      %run_scoped3A = tpu.sem_alloc : memref<!tpu.dma_semaphore, #tpu.memory_space<semaphore_mem>>
      tpu.enqueue_dma source(%arg3 : memref<40448xf32, #tpu.memory_space<hbm>>) target(%arg5 : memref<40448xf32, #tpu.memory_space<vmem>>) target_semaphore(%run_scoped3A : memref<!tpu.dma_semaphore, #tpu.memory_space<semaphore_mem>>)
      tpu.wait_dma2 semaphore(%run_scoped3A : memref<!tpu.dma_semaphore, #tpu.memory_space<semaphore_mem>>) src(%arg3 : memref<40448xf32, #tpu.memory_space<hbm>>) dst(%arg5 : memref<40448xf32, #tpu.memory_space<vmem>>)
      tpu.yield
    }) : () -> ()
    %mul3A_1 = arith.constant 5120 : i32
    %mul3A_2 = arith.muli %add3A, %mul3A_1 : i32
    %multiple_of3A = tpu.assume_multiple %mul3A_2, 8 : i32
    "tpu.region"() ({
      %run_scoped3A = tpu.sem_alloc : memref<!tpu.dma_semaphore, #tpu.memory_space<semaphore_mem>>
      %dma_start3A = tpu.memref_slice %arg2[%multiple_of3A] : memref<163840xi32, #tpu.memory_space<hbm>> -> memref<5120xi32, #tpu.memory_space<hbm>>
      %dma_start3A_31 = tpu.memref_slice %arg2[%multiple_of3A] : memref<163840xi32, #tpu.memory_space<hbm>> -> memref<5120xi32, #tpu.memory_space<hbm>>
      tpu.enqueue_dma source(%dma_start3A_31 : memref<5120xi32, #tpu.memory_space<hbm>>) target(%arg6 : memref<5120xi32, #tpu.memory_space<vmem>>) target_semaphore(%run_scoped3A : memref<!tpu.dma_semaphore, #tpu.memory_space<semaphore_mem>>)
      %dma_wait3A = tpu.memref_slice %arg2[%multiple_of3A] : memref<163840xi32, #tpu.memory_space<hbm>> -> memref<5120xi32, #tpu.memory_space<hbm>>
      %dma_wait3A_32 = tpu.memref_slice %arg2[%multiple_of3A] : memref<163840xi32, #tpu.memory_space<hbm>> -> memref<5120xi32, #tpu.memory_space<hbm>>
      tpu.wait_dma2 semaphore(%run_scoped3A : memref<!tpu.dma_semaphore, #tpu.memory_space<semaphore_mem>>) src(%dma_wait3A_32 : memref<5120xi32, #tpu.memory_space<hbm>>) dst(%arg6 : memref<5120xi32, #tpu.memory_space<vmem>>)
      tpu.yield
    }) : () -> ()
    %iota3A = tpu.iota {dimensions = array<i32: 0>} : vector<16xi32>
    %and3A = arith.constant 3 : i32
    %and3A_3 = vector.broadcast %and3A : i32 to vector<16xi32>
    %and3A_4 = arith.andi %iota3A, %and3A_3 : vector<16xi32>
    %mul3A_5 = arith.constant 10112 : i32
    %mul3A_6 = vector.broadcast %mul3A_5 : i32 to vector<16xi32>
    %mul3A_7 = arith.muli %and3A_4, %mul3A_6 : vector<16xi32>
    %shift_right_arithmetic3A = arith.constant 2 : i32
    %shift_right_arithmetic3A_8 = vector.broadcast %shift_right_arithmetic3A : i32 to vector<16xi32>
    %shift_right_arithmetic3A_9 = arith.shrsi %iota3A, %shift_right_arithmetic3A_8 : vector<16xi32>
    %eq3A = arith.constant 0 : i32
    %eq3A_10 = vector.broadcast %eq3A : i32 to vector<16xi32>
    %eq3A_11 = arith.cmpi eq, %shift_right_arithmetic3A_9, %eq3A_10 : vector<16xi32>
    %eq3A_12 = arith.constant 1 : i32
    %eq3A_13 = vector.broadcast %eq3A_12 : i32 to vector<16xi32>
    %eq3A_14 = arith.cmpi eq, %shift_right_arithmetic3A_9, %eq3A_13 : vector<16xi32>
    %eq3A_15 = arith.constant 2 : i32
    %eq3A_16 = vector.broadcast %eq3A_15 : i32 to vector<16xi32>
    %eq3A_17 = arith.cmpi eq, %shift_right_arithmetic3A_9, %eq3A_16 : vector<16xi32>
    %eq3A_18 = arith.constant 3 : i32
    %eq3A_19 = vector.broadcast %eq3A_18 : i32 to vector<16xi32>
    %eq3A_20 = arith.cmpi eq, %shift_right_arithmetic3A_9, %eq3A_19 : vector<16xi32>
    %broadcast_in_dim3A = arith.constant 1.000000e+00 : f32
    %broadcast_in_dim3A_21 = vector.broadcast %broadcast_in_dim3A : f32 to vector<16xf32>
    %scan3A = arith.constant 0 : i32
    %scan3A_22 = arith.constant 0 : i32
    %scan3A_23 = arith.constant 40 : i32
    %scan3A_24 = arith.addi %scan3A_22, %scan3A_23 : i32
    %scan3A_25 = arith.constant 1 : i32
    %scan3A_26 = scf.for %scan3A_31 = %scan3A_22 to %scan3A_24 step %scan3A_25 iter_args(%scan3A_32 = %scan3A) -> (i32)  : i32 {
      %mul3A_33 = arith.constant 128 : i32
      %mul3A_34 = arith.muli %scan3A_31, %mul3A_33 : i32
      %add3A_35 = arith.constant 0 : i32
      %add3A_36 = arith.addi %mul3A_34, %add3A_35 : i32
      %get3A = arith.index_cast %add3A_36 : i32 to index
      %get3A_37 = tpu.vector_load %arg6[%get3A] {strides = array<i32>} : memref<5120xi32, #tpu.memory_space<vmem>>, vector<16xi32>,
      %add3A_38 = arith.addi %mul3A_7, %get3A_37 : vector<16xi32>
      tpu.vector_store_idx %arg5[%add3A_38], %broadcast_in_dim3A_21 masked %eq3A_11 {add = true} : memref<40448xf32, #tpu.memory_space<vmem>>[vector<16xi32>], vector<16xf32>, vector<16xi1>
      tpu.vector_store_idx %arg5[%add3A_38], %broadcast_in_dim3A_21 masked %eq3A_14 {add = true} : memref<40448xf32, #tpu.memory_space<vmem>>[vector<16xi32>], vector<16xf32>, vector<16xi1>
      tpu.vector_store_idx %arg5[%add3A_38], %broadcast_in_dim3A_21 masked %eq3A_17 {add = true} : memref<40448xf32, #tpu.memory_space<vmem>>[vector<16xi32>], vector<16xf32>, vector<16xi1>
      tpu.vector_store_idx %arg5[%add3A_38], %broadcast_in_dim3A_21 masked %eq3A_20 {add = true} : memref<40448xf32, #tpu.memory_space<vmem>>[vector<16xi32>], vector<16xf32>, vector<16xi1>
      %mul3A_39 = arith.constant 128 : i32
      %mul3A_40 = arith.muli %scan3A_31, %mul3A_39 : i32
      %add3A_41 = arith.constant 16 : i32
      %add3A_42 = arith.addi %mul3A_40, %add3A_41 : i32
      %get3A_43 = arith.index_cast %add3A_42 : i32 to index
      %get3A_44 = tpu.vector_load %arg6[%get3A_43] {strides = array<i32>} : memref<5120xi32, #tpu.memory_space<vmem>>, vector<16xi32>,
      %add3A_45 = arith.addi %mul3A_7, %get3A_44 : vector<16xi32>
      tpu.vector_store_idx %arg5[%add3A_45], %broadcast_in_dim3A_21 masked %eq3A_11 {add = true} : memref<40448xf32, #tpu.memory_space<vmem>>[vector<16xi32>], vector<16xf32>, vector<16xi1>
      tpu.vector_store_idx %arg5[%add3A_45], %broadcast_in_dim3A_21 masked %eq3A_14 {add = true} : memref<40448xf32, #tpu.memory_space<vmem>>[vector<16xi32>], vector<16xf32>, vector<16xi1>
      tpu.vector_store_idx %arg5[%add3A_45], %broadcast_in_dim3A_21 masked %eq3A_17 {add = true} : memref<40448xf32, #tpu.memory_space<vmem>>[vector<16xi32>], vector<16xf32>, vector<16xi1>
      tpu.vector_store_idx %arg5[%add3A_45], %broadcast_in_dim3A_21 masked %eq3A_20 {add = true} : memref<40448xf32, #tpu.memory_space<vmem>>[vector<16xi32>], vector<16xf32>, vector<16xi1>
      %mul3A_46 = arith.constant 128 : i32
      %mul3A_47 = arith.muli %scan3A_31, %mul3A_46 : i32
      %add3A_48 = arith.constant 32 : i32
      %add3A_49 = arith.addi %mul3A_47, %add3A_48 : i32
      %get3A_50 = arith.index_cast %add3A_49 : i32 to index
      %get3A_51 = tpu.vector_load %arg6[%get3A_50] {strides = array<i32>} : memref<5120xi32, #tpu.memory_space<vmem>>, vector<16xi32>,
      %add3A_52 = arith.addi %mul3A_7, %get3A_51 : vector<16xi32>
      tpu.vector_store_idx %arg5[%add3A_52], %broadcast_in_dim3A_21 masked %eq3A_11 {add = true} : memref<40448xf32, #tpu.memory_space<vmem>>[vector<16xi32>], vector<16xf32>, vector<16xi1>
      tpu.vector_store_idx %arg5[%add3A_52], %broadcast_in_dim3A_21 masked %eq3A_14 {add = true} : memref<40448xf32, #tpu.memory_space<vmem>>[vector<16xi32>], vector<16xf32>, vector<16xi1>
      tpu.vector_store_idx %arg5[%add3A_52], %broadcast_in_dim3A_21 masked %eq3A_17 {add = true} : memref<40448xf32, #tpu.memory_space<vmem>>[vector<16xi32>], vector<16xf32>, vector<16xi1>
      tpu.vector_store_idx %arg5[%add3A_52], %broadcast_in_dim3A_21 masked %eq3A_20 {add = true} : memref<40448xf32, #tpu.memory_space<vmem>>[vector<16xi32>], vector<16xf32>, vector<16xi1>
      %mul3A_53 = arith.constant 128 : i32
      %mul3A_54 = arith.muli %scan3A_31, %mul3A_53 : i32
      %add3A_55 = arith.constant 48 : i32
      %add3A_56 = arith.addi %mul3A_54, %add3A_55 : i32
      %get3A_57 = arith.index_cast %add3A_56 : i32 to index
      %get3A_58 = tpu.vector_load %arg6[%get3A_57] {strides = array<i32>} : memref<5120xi32, #tpu.memory_space<vmem>>, vector<16xi32>,
      %add3A_59 = arith.addi %mul3A_7, %get3A_58 : vector<16xi32>
      tpu.vector_store_idx %arg5[%add3A_59], %broadcast_in_dim3A_21 masked %eq3A_11 {add = true} : memref<40448xf32, #tpu.memory_space<vmem>>[vector<16xi32>], vector<16xf32>, vector<16xi1>
      tpu.vector_store_idx %arg5[%add3A_59], %broadcast_in_dim3A_21 masked %eq3A_14 {add = true} : memref<40448xf32, #tpu.memory_space<vmem>>[vector<16xi32>], vector<16xf32>, vector<16xi1>
      tpu.vector_store_idx %arg5[%add3A_59], %broadcast_in_dim3A_21 masked %eq3A_17 {add = true} : memref<40448xf32, #tpu.memory_space<vmem>>[vector<16xi32>], vector<16xf32>, vector<16xi1>
      tpu.vector_store_idx %arg5[%add3A_59], %broadcast_in_dim3A_21 masked %eq3A_20 {add = true} : memref<40448xf32, #tpu.memory_space<vmem>>[vector<16xi32>], vector<16xf32>, vector<16xi1>
      %mul3A_60 = arith.constant 128 : i32
      %mul3A_61 = arith.muli %scan3A_31, %mul3A_60 : i32
      %add3A_62 = arith.constant 64 : i32
      %add3A_63 = arith.addi %mul3A_61, %add3A_62 : i32
      %get3A_64 = arith.index_cast %add3A_63 : i32 to index
      %get3A_65 = tpu.vector_load %arg6[%get3A_64] {strides = array<i32>} : memref<5120xi32, #tpu.memory_space<vmem>>, vector<16xi32>,
      %add3A_66 = arith.addi %mul3A_7, %get3A_65 : vector<16xi32>
      tpu.vector_store_idx %arg5[%add3A_66], %broadcast_in_dim3A_21 masked %eq3A_11 {add = true} : memref<40448xf32, #tpu.memory_space<vmem>>[vector<16xi32>], vector<16xf32>, vector<16xi1>
      tpu.vector_store_idx %arg5[%add3A_66], %broadcast_in_dim3A_21 masked %eq3A_14 {add = true} : memref<40448xf32, #tpu.memory_space<vmem>>[vector<16xi32>], vector<16xf32>, vector<16xi1>
      tpu.vector_store_idx %arg5[%add3A_66], %broadcast_in_dim3A_21 masked %eq3A_17 {add = true} : memref<40448xf32, #tpu.memory_space<vmem>>[vector<16xi32>], vector<16xf32>, vector<16xi1>
      tpu.vector_store_idx %arg5[%add3A_66], %broadcast_in_dim3A_21 masked %eq3A_20 {add = true} : memref<40448xf32, #tpu.memory_space<vmem>>[vector<16xi32>], vector<16xf32>, vector<16xi1>
      %mul3A_67 = arith.constant 128 : i32
      %mul3A_68 = arith.muli %scan3A_31, %mul3A_67 : i32
      %add3A_69 = arith.constant 80 : i32
      %add3A_70 = arith.addi %mul3A_68, %add3A_69 : i32
      %get3A_71 = arith.index_cast %add3A_70 : i32 to index
      %get3A_72 = tpu.vector_load %arg6[%get3A_71] {strides = array<i32>} : memref<5120xi32, #tpu.memory_space<vmem>>, vector<16xi32>,
      %add3A_73 = arith.addi %mul3A_7, %get3A_72 : vector<16xi32>
      tpu.vector_store_idx %arg5[%add3A_73], %broadcast_in_dim3A_21 masked %eq3A_11 {add = true} : memref<40448xf32, #tpu.memory_space<vmem>>[vector<16xi32>], vector<16xf32>, vector<16xi1>
      tpu.vector_store_idx %arg5[%add3A_73], %broadcast_in_dim3A_21 masked %eq3A_14 {add = true} : memref<40448xf32, #tpu.memory_space<vmem>>[vector<16xi32>], vector<16xf32>, vector<16xi1>
      tpu.vector_store_idx %arg5[%add3A_73], %broadcast_in_dim3A_21 masked %eq3A_17 {add = true} : memref<40448xf32, #tpu.memory_space<vmem>>[vector<16xi32>], vector<16xf32>, vector<16xi1>
      tpu.vector_store_idx %arg5[%add3A_73], %broadcast_in_dim3A_21 masked %eq3A_20 {add = true} : memref<40448xf32, #tpu.memory_space<vmem>>[vector<16xi32>], vector<16xf32>, vector<16xi1>
      %mul3A_74 = arith.constant 128 : i32
      %mul3A_75 = arith.muli %scan3A_31, %mul3A_74 : i32
      %add3A_76 = arith.constant 96 : i32
      %add3A_77 = arith.addi %mul3A_75, %add3A_76 : i32
      %get3A_78 = arith.index_cast %add3A_77 : i32 to index
      %get3A_79 = tpu.vector_load %arg6[%get3A_78] {strides = array<i32>} : memref<5120xi32, #tpu.memory_space<vmem>>, vector<16xi32>,
      %add3A_80 = arith.addi %mul3A_7, %get3A_79 : vector<16xi32>
      tpu.vector_store_idx %arg5[%add3A_80], %broadcast_in_dim3A_21 masked %eq3A_11 {add = true} : memref<40448xf32, #tpu.memory_space<vmem>>[vector<16xi32>], vector<16xf32>, vector<16xi1>
      tpu.vector_store_idx %arg5[%add3A_80], %broadcast_in_dim3A_21 masked %eq3A_14 {add = true} : memref<40448xf32, #tpu.memory_space<vmem>>[vector<16xi32>], vector<16xf32>, vector<16xi1>
      tpu.vector_store_idx %arg5[%add3A_80], %broadcast_in_dim3A_21 masked %eq3A_17 {add = true} : memref<40448xf32, #tpu.memory_space<vmem>>[vector<16xi32>], vector<16xf32>, vector<16xi1>
      tpu.vector_store_idx %arg5[%add3A_80], %broadcast_in_dim3A_21 masked %eq3A_20 {add = true} : memref<40448xf32, #tpu.memory_space<vmem>>[vector<16xi32>], vector<16xf32>, vector<16xi1>
      %mul3A_81 = arith.constant 128 : i32
      %mul3A_82 = arith.muli %scan3A_31, %mul3A_81 : i32
      %add3A_83 = arith.constant 112 : i32
      %add3A_84 = arith.addi %mul3A_82, %add3A_83 : i32
      %get3A_85 = arith.index_cast %add3A_84 : i32 to index
      %get3A_86 = tpu.vector_load %arg6[%get3A_85] {strides = array<i32>} : memref<5120xi32, #tpu.memory_space<vmem>>, vector<16xi32>,
      %add3A_87 = arith.addi %mul3A_7, %get3A_86 : vector<16xi32>
      tpu.vector_store_idx %arg5[%add3A_87], %broadcast_in_dim3A_21 masked %eq3A_11 {add = true} : memref<40448xf32, #tpu.memory_space<vmem>>[vector<16xi32>], vector<16xf32>, vector<16xi1>
      tpu.vector_store_idx %arg5[%add3A_87], %broadcast_in_dim3A_21 masked %eq3A_14 {add = true} : memref<40448xf32, #tpu.memory_space<vmem>>[vector<16xi32>], vector<16xf32>, vector<16xi1>
      tpu.vector_store_idx %arg5[%add3A_87], %broadcast_in_dim3A_21 masked %eq3A_17 {add = true} : memref<40448xf32, #tpu.memory_space<vmem>>[vector<16xi32>], vector<16xf32>, vector<16xi1>
      tpu.vector_store_idx %arg5[%add3A_87], %broadcast_in_dim3A_21 masked %eq3A_20 {add = true} : memref<40448xf32, #tpu.memory_space<vmem>>[vector<16xi32>], vector<16xf32>, vector<16xi1>
      %scan3A_88 = arith.constant 0 : i32
      scf.yield %scan3A_88 : i32
    }
    %scan3A_27 = arith.constant 40 : i32
    %mul3A_28 = arith.constant 40448 : i32
    %mul3A_29 = arith.muli %add3A, %mul3A_28 : i32
    %multiple_of3A_30 = tpu.assume_multiple %mul3A_29, 8 : i32
    "tpu.region"() ({
      %run_scoped3A = tpu.sem_alloc : memref<!tpu.dma_semaphore, #tpu.memory_space<semaphore_mem>>
      %dma_start3A = tpu.memref_slice %arg4[%multiple_of3A_30] : memref<1294336xf32, #tpu.memory_space<hbm>> -> memref<40448xf32, #tpu.memory_space<hbm>>
      %dma_start3A_31 = tpu.memref_slice %arg4[%multiple_of3A_30] : memref<1294336xf32, #tpu.memory_space<hbm>> -> memref<40448xf32, #tpu.memory_space<hbm>>
      tpu.enqueue_dma source(%arg5 : memref<40448xf32, #tpu.memory_space<vmem>>) target(%dma_start3A_31 : memref<40448xf32, #tpu.memory_space<hbm>>) target_semaphore(%run_scoped3A : memref<!tpu.dma_semaphore, #tpu.memory_space<semaphore_mem>>)
      %dma_wait3A = tpu.memref_slice %arg4[%multiple_of3A_30] : memref<1294336xf32, #tpu.memory_space<hbm>> -> memref<40448xf32, #tpu.memory_space<hbm>>
      %dma_wait3A_32 = tpu.memref_slice %arg4[%multiple_of3A_30] : memref<1294336xf32, #tpu.memory_space<hbm>> -> memref<40448xf32, #tpu.memory_space<hbm>>
      tpu.wait_dma2 semaphore(%run_scoped3A : memref<!tpu.dma_semaphore, #tpu.memory_space<semaphore_mem>>) src(%arg5 : memref<40448xf32, #tpu.memory_space<vmem>>) dst(%dma_wait3A_32 : memref<40448xf32, #tpu.memory_space<hbm>>)
      tpu.yield
    }) : () -> ()
    return
  }
}

#map = affine_map<(d0, d1) -> (0, 0)>
module attributes {stable_mosaic.version = 14 : i64} {
  func.func @_msg_kernel(%arg0: i32, %arg1: i32, %arg2: memref<4096x80xi32, #tpu.memory_space<hbm>>, %arg3: memref<2048x80xi32, #tpu.memory_space<hbm>>, %arg4: memref<20000x128xf32, #tpu.memory_space<hbm>>, %arg5: memref<632x128xf32, #tpu.memory_space<hbm>>, %arg6: memref<10112x256xf32, #tpu.memory_space<hbm>>, %arg7: memref<10112x128xf32, #tpu.memory_space<vmem_shared>>, %arg8: memref<16x80xi32, #tpu.memory_space<vmem>>, %arg9: memref<16x80xi32, #tpu.memory_space<vmem>>, %arg10: memref<16x80xi32, #tpu.memory_space<vmem>>, %arg11: memref<16x80xi32, #tpu.memory_space<vmem>>, %arg12: memref<80x128xf32, #tpu.memory_space<vmem>>, %arg13: memref<80x128xf32, #tpu.memory_space<vmem>>, %arg14: memref<80x128xf32, #tpu.memory_space<vmem>>, %arg15: memref<80x128xf32, #tpu.memory_space<vmem>>, %arg16: memref<!tpu.dma_semaphore, #tpu.memory_space<semaphore_mem>>, %arg17: memref<!tpu.dma_semaphore, #tpu.memory_space<semaphore_mem>>, %arg18: memref<!tpu.dma_semaphore, #tpu.memory_space<semaphore_mem>>, %arg19: memref<!tpu.dma_semaphore, #tpu.memory_space<semaphore_mem>>, %arg20: memref<!tpu.dma_semaphore, #tpu.memory_space<semaphore_mem>>, %arg21: memref<!tpu.dma_semaphore, #tpu.memory_space<semaphore_mem>>, %arg22: memref<!tpu.dma_semaphore, #tpu.memory_space<semaphore_mem>>, %arg23: memref<!tpu.dma_semaphore, #tpu.memory_space<semaphore_mem>>, %arg24: memref<!tpu.dma_semaphore, #tpu.memory_space<semaphore_mem>>, %arg25: memref<!tpu.dma_semaphore, #tpu.memory_space<semaphore_mem>>) attributes {dimension_semantics = [#tpu.dimension_semantics<core_parallel>, #tpu.dimension_semantics<subcore_parallel>], iteration_bounds = array<i64: 2, 16>, scalar_prefetch = 0 : i64, scratch_operands = 19 : i64, tpu.core_type = #tpu.core_type<sc_vector_subcore>, window_params = [{transform_indices = #map}, {transform_indices = #map}, {transform_indices = #map}, {transform_indices = #map}, {transform_indices = #map}]} {
    %mul3A = arith.constant 2048 : i32
    %mul3A_0 = arith.muli %arg0, %mul3A : i32
    %mul3A_1 = arith.constant 128 : i32
    %mul3A_2 = arith.muli %arg1, %mul3A_1 : i32
    %add3A = arith.addi %mul3A_0, %mul3A_2 : i32
    %add3A_3 = arith.constant 0 : i32
    %add3A_4 = arith.addi %add3A, %add3A_3 : i32
    %multiple_of3A = tpu.assume_multiple %add3A_4, 8 : i32
    %dma_start3A = arith.constant 0 : i32
    %dma_start3A_5 = tpu.memref_slice %arg2[%multiple_of3A, %dma_start3A] : memref<4096x80xi32, #tpu.memory_space<hbm>> -> memref<16x80xi32, #tpu.memory_space<hbm>>
    %dma_start3A_6 = arith.constant 0 : i32
    %dma_start3A_7 = tpu.memref_slice %arg2[%multiple_of3A, %dma_start3A_6] : memref<4096x80xi32, #tpu.memory_space<hbm>> -> memref<16x80xi32, #tpu.memory_space<hbm>>
    tpu.enqueue_dma source(%dma_start3A_7 : memref<16x80xi32, #tpu.memory_space<hbm>>) target(%arg8 : memref<16x80xi32, #tpu.memory_space<vmem>>) target_semaphore(%arg24 : memref<!tpu.dma_semaphore, #tpu.memory_space<semaphore_mem>>)
    %mul3A_8 = arith.constant 128 : i32
    %mul3A_9 = arith.muli %arg1, %mul3A_8 : i32
    %add3A_10 = arith.constant 0 : i32
    %add3A_11 = arith.addi %mul3A_9, %add3A_10 : i32
    %multiple_of3A_12 = tpu.assume_multiple %add3A_11, 8 : i32
    %dma_start3A_13 = arith.constant 0 : i32
    %dma_start3A_14 = tpu.memref_slice %arg3[%multiple_of3A_12, %dma_start3A_13] : memref<2048x80xi32, #tpu.memory_space<hbm>> -> memref<16x80xi32, #tpu.memory_space<hbm>>
    %dma_start3A_15 = arith.constant 0 : i32
    %dma_start3A_16 = tpu.memref_slice %arg3[%multiple_of3A_12, %dma_start3A_15] : memref<2048x80xi32, #tpu.memory_space<hbm>> -> memref<16x80xi32, #tpu.memory_space<hbm>>
    tpu.enqueue_dma source(%dma_start3A_16 : memref<16x80xi32, #tpu.memory_space<hbm>>) target(%arg9 : memref<16x80xi32, #tpu.memory_space<vmem>>) target_semaphore(%arg24 : memref<!tpu.dma_semaphore, #tpu.memory_space<semaphore_mem>>)
    %mul3A_17 = arith.constant 632 : i32
    %mul3A_18 = arith.muli %arg1, %mul3A_17 : i32
    %multiple_of3A_19 = tpu.assume_multiple %mul3A_18, 8 : i32
    "tpu.region"() ({
      %run_scoped3A = tpu.sem_alloc : memref<!tpu.dma_semaphore, #tpu.memory_space<semaphore_mem>>
      %dma_start3A_1295 = arith.constant 0 : i32
      %dma_start3A_1296 = tpu.memref_slice %arg7[%multiple_of3A_19, %dma_start3A_1295] : memref<10112x128xf32, #tpu.memory_space<vmem_shared>> -> memref<632x128xf32, #tpu.memory_space<vmem_shared>>
      tpu.enqueue_dma source(%arg5 : memref<632x128xf32, #tpu.memory_space<hbm>>) target(%dma_start3A_1296 : memref<632x128xf32, #tpu.memory_space<vmem_shared>>) target_semaphore(%run_scoped3A : memref<!tpu.dma_semaphore, #tpu.memory_space<semaphore_mem>>)
      %dma_wait3A_1297 = arith.constant 0 : i32
      %dma_wait3A_1298 = tpu.memref_slice %arg7[%multiple_of3A_19, %dma_wait3A_1297] : memref<10112x128xf32, #tpu.memory_space<vmem_shared>> -> memref<632x128xf32, #tpu.memory_space<vmem_shared>>
      tpu.wait_dma2 semaphore(%run_scoped3A : memref<!tpu.dma_semaphore, #tpu.memory_space<semaphore_mem>>) src(%arg5 : memref<632x128xf32, #tpu.memory_space<hbm>>) dst(%dma_wait3A_1298 : memref<632x128xf32, #tpu.memory_space<vmem_shared>>)
      tpu.yield
    }) : () -> ()
    %barrier3A = arith.constant 0 : index
    tpu.barrier barrier_id(%barrier3A)
    %mul3A_20 = arith.constant 2048 : i32
    %mul3A_21 = arith.muli %arg0, %mul3A_20 : i32
    %mul3A_22 = arith.constant 128 : i32
    %mul3A_23 = arith.muli %arg1, %mul3A_22 : i32
    %add3A_24 = arith.addi %mul3A_21, %mul3A_23 : i32
    %add3A_25 = arith.constant 0 : i32
    %add3A_26 = arith.addi %add3A_24, %add3A_25 : i32
    %multiple_of3A_27 = tpu.assume_multiple %add3A_26, 8 : i32
    %dma_wait3A = arith.constant 0 : i32
    %dma_wait3A_28 = tpu.memref_slice %arg2[%multiple_of3A_27, %dma_wait3A] : memref<4096x80xi32, #tpu.memory_space<hbm>> -> memref<16x80xi32, #tpu.memory_space<hbm>>
    %dma_wait3A_29 = arith.constant 0 : i32
    %dma_wait3A_30 = tpu.memref_slice %arg2[%multiple_of3A_27, %dma_wait3A_29] : memref<4096x80xi32, #tpu.memory_space<hbm>> -> memref<16x80xi32, #tpu.memory_space<hbm>>
    tpu.wait_dma2 semaphore(%arg24 : memref<!tpu.dma_semaphore, #tpu.memory_space<semaphore_mem>>) src(%dma_wait3A_30 : memref<16x80xi32, #tpu.memory_space<hbm>>) dst(%arg8 : memref<16x80xi32, #tpu.memory_space<vmem>>)
    %mul3A_31 = arith.constant 128 : i32
    %mul3A_32 = arith.muli %arg1, %mul3A_31 : i32
    %add3A_33 = arith.constant 0 : i32
    %add3A_34 = arith.addi %mul3A_32, %add3A_33 : i32
    %multiple_of3A_35 = tpu.assume_multiple %add3A_34, 8 : i32
    %dma_wait3A_36 = arith.constant 0 : i32
    %dma_wait3A_37 = tpu.memref_slice %arg3[%multiple_of3A_35, %dma_wait3A_36] : memref<2048x80xi32, #tpu.memory_space<hbm>> -> memref<16x80xi32, #tpu.memory_space<hbm>>
    %dma_wait3A_38 = arith.constant 0 : i32
    %dma_wait3A_39 = tpu.memref_slice %arg3[%multiple_of3A_35, %dma_wait3A_38] : memref<2048x80xi32, #tpu.memory_space<hbm>> -> memref<16x80xi32, #tpu.memory_space<hbm>>
    tpu.wait_dma2 semaphore(%arg24 : memref<!tpu.dma_semaphore, #tpu.memory_space<semaphore_mem>>) src(%dma_wait3A_39 : memref<16x80xi32, #tpu.memory_space<hbm>>) dst(%arg9 : memref<16x80xi32, #tpu.memory_space<vmem>>)
    %mul3A_40 = arith.constant 2048 : i32
    %mul3A_41 = arith.muli %arg0, %mul3A_40 : i32
    %mul3A_42 = arith.constant 128 : i32
    %mul3A_43 = arith.muli %arg1, %mul3A_42 : i32
    %add3A_44 = arith.addi %mul3A_41, %mul3A_43 : i32
    %add3A_45 = arith.constant 16 : i32
    %add3A_46 = arith.addi %add3A_44, %add3A_45 : i32
    %multiple_of3A_47 = tpu.assume_multiple %add3A_46, 8 : i32
    %dma_start3A_48 = arith.constant 0 : i32
    %dma_start3A_49 = tpu.memref_slice %arg2[%multiple_of3A_47, %dma_start3A_48] : memref<4096x80xi32, #tpu.memory_space<hbm>> -> memref<16x80xi32, #tpu.memory_space<hbm>>
    %dma_start3A_50 = arith.constant 0 : i32
    %dma_start3A_51 = tpu.memref_slice %arg2[%multiple_of3A_47, %dma_start3A_50] : memref<4096x80xi32, #tpu.memory_space<hbm>> -> memref<16x80xi32, #tpu.memory_space<hbm>>
    tpu.enqueue_dma source(%dma_start3A_51 : memref<16x80xi32, #tpu.memory_space<hbm>>) target(%arg10 : memref<16x80xi32, #tpu.memory_space<vmem>>) target_semaphore(%arg25 : memref<!tpu.dma_semaphore, #tpu.memory_space<semaphore_mem>>)
    %mul3A_52 = arith.constant 128 : i32
    %mul3A_53 = arith.muli %arg1, %mul3A_52 : i32
    %add3A_54 = arith.constant 16 : i32
    %add3A_55 = arith.addi %mul3A_53, %add3A_54 : i32
    %multiple_of3A_56 = tpu.assume_multiple %add3A_55, 8 : i32
    %dma_start3A_57 = arith.constant 0 : i32
    %dma_start3A_58 = tpu.memref_slice %arg3[%multiple_of3A_56, %dma_start3A_57] : memref<2048x80xi32, #tpu.memory_space<hbm>> -> memref<16x80xi32, #tpu.memory_space<hbm>>
    %dma_start3A_59 = arith.constant 0 : i32
    %dma_start3A_60 = tpu.memref_slice %arg3[%multiple_of3A_56, %dma_start3A_59] : memref<2048x80xi32, #tpu.memory_space<hbm>> -> memref<16x80xi32, #tpu.memory_space<hbm>>
    tpu.enqueue_dma source(%dma_start3A_60 : memref<16x80xi32, #tpu.memory_space<hbm>>) target(%arg11 : memref<16x80xi32, #tpu.memory_space<vmem>>) target_semaphore(%arg25 : memref<!tpu.dma_semaphore, #tpu.memory_space<semaphore_mem>>)
    %dma_start3A_61 = arith.constant 0 : i32
    %dma_start3A_62 = arith.constant 0 : i32
    %dma_start3A_63 = tpu.memref_slice %arg8[%dma_start3A_61, %dma_start3A_62] : memref<16x80xi32, #tpu.memory_space<vmem>> -> memref<1x80xi32, #tpu.memory_space<vmem>>
    %dma_start3A_64 = tpu.memref_squeeze %dma_start3A_63 : memref<1x80xi32, #tpu.memory_space<vmem>> -> memref<80xi32, #tpu.memory_space<vmem>>
    %dma_start3A_65 = arith.constant 0 : i32
    %dma_start3A_66 = arith.constant 0 : i32
    %dma_start3A_67 = tpu.memref_slice %arg4[%dma_start3A_65, %dma_start3A_66] : memref<20000x128xf32, #tpu.memory_space<hbm>> -> memref<20000x128xf32, #tpu.memory_space<hbm>>
    tpu.enqueue_indirect_dma source(%dma_start3A_67 : memref<20000x128xf32, #tpu.memory_space<hbm>>) target(%arg12 : memref<80x128xf32, #tpu.memory_space<vmem>>) offsets(%dma_start3A_64 : memref<80xi32, #tpu.memory_space<vmem>>) semaphore(%arg16 : memref<!tpu.dma_semaphore, #tpu.memory_space<semaphore_mem>>)
    %dma_start3A_68 = arith.constant 1 : i32
    %dma_start3A_69 = arith.constant 0 : i32
    %dma_start3A_70 = tpu.memref_slice %arg8[%dma_start3A_68, %dma_start3A_69] : memref<16x80xi32, #tpu.memory_space<vmem>> -> memref<1x80xi32, #tpu.memory_space<vmem>>
    %dma_start3A_71 = tpu.memref_squeeze %dma_start3A_70 : memref<1x80xi32, #tpu.memory_space<vmem>> -> memref<80xi32, #tpu.memory_space<vmem>>
    %dma_start3A_72 = arith.constant 0 : i32
    %dma_start3A_73 = arith.constant 0 : i32
    %dma_start3A_74 = tpu.memref_slice %arg4[%dma_start3A_72, %dma_start3A_73] : memref<20000x128xf32, #tpu.memory_space<hbm>> -> memref<20000x128xf32, #tpu.memory_space<hbm>>
    tpu.enqueue_indirect_dma source(%dma_start3A_74 : memref<20000x128xf32, #tpu.memory_space<hbm>>) target(%arg13 : memref<80x128xf32, #tpu.memory_space<vmem>>) offsets(%dma_start3A_71 : memref<80xi32, #tpu.memory_space<vmem>>) semaphore(%arg17 : memref<!tpu.dma_semaphore, #tpu.memory_space<semaphore_mem>>)
    %dma_start3A_75 = arith.constant 2 : i32
    %dma_start3A_76 = arith.constant 0 : i32
    %dma_start3A_77 = tpu.memref_slice %arg8[%dma_start3A_75, %dma_start3A_76] : memref<16x80xi32, #tpu.memory_space<vmem>> -> memref<1x80xi32, #tpu.memory_space<vmem>>
    %dma_start3A_78 = tpu.memref_squeeze %dma_start3A_77 : memref<1x80xi32, #tpu.memory_space<vmem>> -> memref<80xi32, #tpu.memory_space<vmem>>
    %dma_start3A_79 = arith.constant 0 : i32
    %dma_start3A_80 = arith.constant 0 : i32
    %dma_start3A_81 = tpu.memref_slice %arg4[%dma_start3A_79, %dma_start3A_80] : memref<20000x128xf32, #tpu.memory_space<hbm>> -> memref<20000x128xf32, #tpu.memory_space<hbm>>
    tpu.enqueue_indirect_dma source(%dma_start3A_81 : memref<20000x128xf32, #tpu.memory_space<hbm>>) target(%arg14 : memref<80x128xf32, #tpu.memory_space<vmem>>) offsets(%dma_start3A_78 : memref<80xi32, #tpu.memory_space<vmem>>) semaphore(%arg18 : memref<!tpu.dma_semaphore, #tpu.memory_space<semaphore_mem>>)
    %dma_start3A_82 = arith.constant 3 : i32
    %dma_start3A_83 = arith.constant 0 : i32
    %dma_start3A_84 = tpu.memref_slice %arg8[%dma_start3A_82, %dma_start3A_83] : memref<16x80xi32, #tpu.memory_space<vmem>> -> memref<1x80xi32, #tpu.memory_space<vmem>>
    %dma_start3A_85 = tpu.memref_squeeze %dma_start3A_84 : memref<1x80xi32, #tpu.memory_space<vmem>> -> memref<80xi32, #tpu.memory_space<vmem>>
    %dma_start3A_86 = arith.constant 0 : i32
    %dma_start3A_87 = arith.constant 0 : i32
    %dma_start3A_88 = tpu.memref_slice %arg4[%dma_start3A_86, %dma_start3A_87] : memref<20000x128xf32, #tpu.memory_space<hbm>> -> memref<20000x128xf32, #tpu.memory_space<hbm>>
    tpu.enqueue_indirect_dma source(%dma_start3A_88 : memref<20000x128xf32, #tpu.memory_space<hbm>>) target(%arg15 : memref<80x128xf32, #tpu.memory_space<vmem>>) offsets(%dma_start3A_85 : memref<80xi32, #tpu.memory_space<vmem>>) semaphore(%arg19 : memref<!tpu.dma_semaphore, #tpu.memory_space<semaphore_mem>>)
    %scan3A = arith.constant 0 : i32
    %scan3A_89 = arith.constant 0 : i32
    %scan3A_90 = arith.constant 3 : i32
    %scan3A_91 = arith.addi %scan3A_89, %scan3A_90 : i32
    %scan3A_92 = arith.constant 1 : i32
    %scan3A_93 = scf.for %scan3A_1295 = %scan3A_89 to %scan3A_91 step %scan3A_92 iter_args(%scan3A_1296 = %scan3A) -> (i32)  : i32 {
      %mul3A_1297 = arith.constant 4 : i32
      %mul3A_1298 = arith.muli %scan3A_1295, %mul3A_1297 : i32
      %add3A_1299 = arith.constant 0 : i32
      %add3A_1300 = arith.addi %mul3A_1298, %add3A_1299 : i32
      %dma_wait3A_1301 = arith.constant 0 : i32
      %dma_wait3A_1302 = tpu.memref_slice %arg8[%add3A_1300, %dma_wait3A_1301] : memref<16x80xi32, #tpu.memory_space<vmem>> -> memref<1x80xi32, #tpu.memory_space<vmem>>
      %dma_wait3A_1303 = tpu.memref_squeeze %dma_wait3A_1302 : memref<1x80xi32, #tpu.memory_space<vmem>> -> memref<80xi32, #tpu.memory_space<vmem>>
      %dma_wait3A_1304 = arith.constant 0 : i32
      %dma_wait3A_1305 = arith.constant 0 : i32
      %dma_wait3A_1306 = tpu.memref_slice %arg4[%dma_wait3A_1304, %dma_wait3A_1305] : memref<20000x128xf32, #tpu.memory_space<hbm>> -> memref<20000x128xf32, #tpu.memory_space<hbm>>
      tpu.wait_indirect_dma semaphore(%arg16 : memref<!tpu.dma_semaphore, #tpu.memory_space<semaphore_mem>>) src(%dma_wait3A_1306 : memref<20000x128xf32, #tpu.memory_space<hbm>>) dst(%arg12 : memref<80x128xf32, #tpu.memory_space<vmem>>)
      %add3A_1307 = arith.constant 0 : i32
      %add3A_1308 = arith.addi %mul3A_1298, %add3A_1307 : i32
      %dma_start3A_1309 = arith.constant 0 : i32
      %dma_start3A_1310 = tpu.memref_slice %arg9[%add3A_1308, %dma_start3A_1309] : memref<16x80xi32, #tpu.memory_space<vmem>> -> memref<1x80xi32, #tpu.memory_space<vmem>>
      %dma_start3A_1311 = tpu.memref_squeeze %dma_start3A_1310 : memref<1x80xi32, #tpu.memory_space<vmem>> -> memref<80xi32, #tpu.memory_space<vmem>>
      %dma_start3A_1312 = arith.constant 0 : i32
      %dma_start3A_1313 = arith.constant 0 : i32
      %dma_start3A_1314 = tpu.memref_slice %arg7[%dma_start3A_1312, %dma_start3A_1313] : memref<10112x128xf32, #tpu.memory_space<vmem_shared>> -> memref<10112x128xf32, #tpu.memory_space<vmem_shared>>
      tpu.enqueue_indirect_dma source(%arg12 : memref<80x128xf32, #tpu.memory_space<vmem>>) target(%dma_start3A_1314 : memref<10112x128xf32, #tpu.memory_space<vmem_shared>>) offsets(%dma_start3A_1311 : memref<80xi32, #tpu.memory_space<vmem>>) semaphore(%arg20 : memref<!tpu.dma_semaphore, #tpu.memory_space<semaphore_mem>>) {add = true}
      %add3A_1315 = arith.constant 1 : i32
      %add3A_1316 = arith.addi %mul3A_1298, %add3A_1315 : i32
      %dma_wait3A_1317 = arith.constant 0 : i32
      %dma_wait3A_1318 = tpu.memref_slice %arg8[%add3A_1316, %dma_wait3A_1317] : memref<16x80xi32, #tpu.memory_space<vmem>> -> memref<1x80xi32, #tpu.memory_space<vmem>>
      %dma_wait3A_1319 = tpu.memref_squeeze %dma_wait3A_1318 : memref<1x80xi32, #tpu.memory_space<vmem>> -> memref<80xi32, #tpu.memory_space<vmem>>
      %dma_wait3A_1320 = arith.constant 0 : i32
      %dma_wait3A_1321 = arith.constant 0 : i32
      %dma_wait3A_1322 = tpu.memref_slice %arg4[%dma_wait3A_1320, %dma_wait3A_1321] : memref<20000x128xf32, #tpu.memory_space<hbm>> -> memref<20000x128xf32, #tpu.memory_space<hbm>>
      tpu.wait_indirect_dma semaphore(%arg17 : memref<!tpu.dma_semaphore, #tpu.memory_space<semaphore_mem>>) src(%dma_wait3A_1322 : memref<20000x128xf32, #tpu.memory_space<hbm>>) dst(%arg13 : memref<80x128xf32, #tpu.memory_space<vmem>>)
      %add3A_1323 = arith.constant 1 : i32
      %add3A_1324 = arith.addi %mul3A_1298, %add3A_1323 : i32
      %dma_start3A_1325 = arith.constant 0 : i32
      %dma_start3A_1326 = tpu.memref_slice %arg9[%add3A_1324, %dma_start3A_1325] : memref<16x80xi32, #tpu.memory_space<vmem>> -> memref<1x80xi32, #tpu.memory_space<vmem>>
      %dma_start3A_1327 = tpu.memref_squeeze %dma_start3A_1326 : memref<1x80xi32, #tpu.memory_space<vmem>> -> memref<80xi32, #tpu.memory_space<vmem>>
      %dma_start3A_1328 = arith.constant 0 : i32
      %dma_start3A_1329 = arith.constant 0 : i32
      %dma_start3A_1330 = tpu.memref_slice %arg7[%dma_start3A_1328, %dma_start3A_1329] : memref<10112x128xf32, #tpu.memory_space<vmem_shared>> -> memref<10112x128xf32, #tpu.memory_space<vmem_shared>>
      tpu.enqueue_indirect_dma source(%arg13 : memref<80x128xf32, #tpu.memory_space<vmem>>) target(%dma_start3A_1330 : memref<10112x128xf32, #tpu.memory_space<vmem_shared>>) offsets(%dma_start3A_1327 : memref<80xi32, #tpu.memory_space<vmem>>) semaphore(%arg21 : memref<!tpu.dma_semaphore, #tpu.memory_space<semaphore_mem>>) {add = true}
      %add3A_1331 = arith.constant 2 : i32
      %add3A_1332 = arith.addi %mul3A_1298, %add3A_1331 : i32
      %dma_wait3A_1333 = arith.constant 0 : i32
      %dma_wait3A_1334 = tpu.memref_slice %arg8[%add3A_1332, %dma_wait3A_1333] : memref<16x80xi32, #tpu.memory_space<vmem>> -> memref<1x80xi32, #tpu.memory_space<vmem>>
      %dma_wait3A_1335 = tpu.memref_squeeze %dma_wait3A_1334 : memref<1x80xi32, #tpu.memory_space<vmem>> -> memref<80xi32, #tpu.memory_space<vmem>>
      %dma_wait3A_1336 = arith.constant 0 : i32
      %dma_wait3A_1337 = arith.constant 0 : i32
      %dma_wait3A_1338 = tpu.memref_slice %arg4[%dma_wait3A_1336, %dma_wait3A_1337] : memref<20000x128xf32, #tpu.memory_space<hbm>> -> memref<20000x128xf32, #tpu.memory_space<hbm>>
      tpu.wait_indirect_dma semaphore(%arg18 : memref<!tpu.dma_semaphore, #tpu.memory_space<semaphore_mem>>) src(%dma_wait3A_1338 : memref<20000x128xf32, #tpu.memory_space<hbm>>) dst(%arg14 : memref<80x128xf32, #tpu.memory_space<vmem>>)
      %add3A_1339 = arith.constant 2 : i32
      %add3A_1340 = arith.addi %mul3A_1298, %add3A_1339 : i32
      %dma_start3A_1341 = arith.constant 0 : i32
      %dma_start3A_1342 = tpu.memref_slice %arg9[%add3A_1340, %dma_start3A_1341] : memref<16x80xi32, #tpu.memory_space<vmem>> -> memref<1x80xi32, #tpu.memory_space<vmem>>
      %dma_start3A_1343 = tpu.memref_squeeze %dma_start3A_1342 : memref<1x80xi32, #tpu.memory_space<vmem>> -> memref<80xi32, #tpu.memory_space<vmem>>
      %dma_start3A_1344 = arith.constant 0 : i32
      %dma_start3A_1345 = arith.constant 0 : i32
      %dma_start3A_1346 = tpu.memref_slice %arg7[%dma_start3A_1344, %dma_start3A_1345] : memref<10112x128xf32, #tpu.memory_space<vmem_shared>> -> memref<10112x128xf32, #tpu.memory_space<vmem_shared>>
      tpu.enqueue_indirect_dma source(%arg14 : memref<80x128xf32, #tpu.memory_space<vmem>>) target(%dma_start3A_1346 : memref<10112x128xf32, #tpu.memory_space<vmem_shared>>) offsets(%dma_start3A_1343 : memref<80xi32, #tpu.memory_space<vmem>>) semaphore(%arg22 : memref<!tpu.dma_semaphore, #tpu.memory_space<semaphore_mem>>) {add = true}
      %add3A_1347 = arith.constant 3 : i32
      %add3A_1348 = arith.addi %mul3A_1298, %add3A_1347 : i32
      %dma_wait3A_1349 = arith.constant 0 : i32
      %dma_wait3A_1350 = tpu.memref_slice %arg8[%add3A_1348, %dma_wait3A_1349] : memref<16x80xi32, #tpu.memory_space<vmem>> -> memref<1x80xi32, #tpu.memory_space<vmem>>
      %dma_wait3A_1351 = tpu.memref_squeeze %dma_wait3A_1350 : memref<1x80xi32, #tpu.memory_space<vmem>> -> memref<80xi32, #tpu.memory_space<vmem>>
      %dma_wait3A_1352 = arith.constant 0 : i32
      %dma_wait3A_1353 = arith.constant 0 : i32
      %dma_wait3A_1354 = tpu.memref_slice %arg4[%dma_wait3A_1352, %dma_wait3A_1353] : memref<20000x128xf32, #tpu.memory_space<hbm>> -> memref<20000x128xf32, #tpu.memory_space<hbm>>
      tpu.wait_indirect_dma semaphore(%arg19 : memref<!tpu.dma_semaphore, #tpu.memory_space<semaphore_mem>>) src(%dma_wait3A_1354 : memref<20000x128xf32, #tpu.memory_space<hbm>>) dst(%arg15 : memref<80x128xf32, #tpu.memory_space<vmem>>)
      %add3A_1355 = arith.constant 3 : i32
      %add3A_1356 = arith.addi %mul3A_1298, %add3A_1355 : i32
      %dma_start3A_1357 = arith.constant 0 : i32
      %dma_start3A_1358 = tpu.memref_slice %arg9[%add3A_1356, %dma_start3A_1357] : memref<16x80xi32, #tpu.memory_space<vmem>> -> memref<1x80xi32, #tpu.memory_space<vmem>>
      %dma_start3A_1359 = tpu.memref_squeeze %dma_start3A_1358 : memref<1x80xi32, #tpu.memory_space<vmem>> -> memref<80xi32, #tpu.memory_space<vmem>>
      %dma_start3A_1360 = arith.constant 0 : i32
      %dma_start3A_1361 = arith.constant 0 : i32
      %dma_start3A_1362 = tpu.memref_slice %arg7[%dma_start3A_1360, %dma_start3A_1361] : memref<10112x128xf32, #tpu.memory_space<vmem_shared>> -> memref<10112x128xf32, #tpu.memory_space<vmem_shared>>
      tpu.enqueue_indirect_dma source(%arg15 : memref<80x128xf32, #tpu.memory_space<vmem>>) target(%dma_start3A_1362 : memref<10112x128xf32, #tpu.memory_space<vmem_shared>>) offsets(%dma_start3A_1359 : memref<80xi32, #tpu.memory_space<vmem>>) semaphore(%arg23 : memref<!tpu.dma_semaphore, #tpu.memory_space<semaphore_mem>>) {add = true}
      %add3A_1363 = arith.constant 0 : i32
      %add3A_1364 = arith.addi %mul3A_1298, %add3A_1363 : i32
      %dma_wait3A_1365 = arith.constant 0 : i32
      %dma_wait3A_1366 = tpu.memref_slice %arg9[%add3A_1364, %dma_wait3A_1365] : memref<16x80xi32, #tpu.memory_space<vmem>> -> memref<1x80xi32, #tpu.memory_space<vmem>>
      %dma_wait3A_1367 = tpu.memref_squeeze %dma_wait3A_1366 : memref<1x80xi32, #tpu.memory_space<vmem>> -> memref<80xi32, #tpu.memory_space<vmem>>
      %dma_wait3A_1368 = arith.constant 0 : i32
      %dma_wait3A_1369 = arith.constant 0 : i32
      %dma_wait3A_1370 = tpu.memref_slice %arg7[%dma_wait3A_1368, %dma_wait3A_1369] : memref<10112x128xf32, #tpu.memory_space<vmem_shared>> -> memref<10112x128xf32, #tpu.memory_space<vmem_shared>>
      tpu.wait_indirect_dma semaphore(%arg20 : memref<!tpu.dma_semaphore, #tpu.memory_space<semaphore_mem>>) src(%arg12 : memref<80x128xf32, #tpu.memory_space<vmem>>) dst(%dma_wait3A_1370 : memref<10112x128xf32, #tpu.memory_space<vmem_shared>>)
      %add3A_1371 = arith.constant 4 : i32
      %add3A_1372 = arith.addi %mul3A_1298, %add3A_1371 : i32
      %add3A_1373 = arith.constant 0 : i32
      %add3A_1374 = arith.addi %add3A_1372, %add3A_1373 : i32
      %dma_start3A_1375 = arith.constant 0 : i32
      %dma_start3A_1376 = tpu.memref_slice %arg8[%add3A_1374, %dma_start3A_1375] : memref<16x80xi32, #tpu.memory_space<vmem>> -> memref<1x80xi32, #tpu.memory_space<vmem>>
      %dma_start3A_1377 = tpu.memref_squeeze %dma_start3A_1376 : memref<1x80xi32, #tpu.memory_space<vmem>> -> memref<80xi32, #tpu.memory_space<vmem>>
      %dma_start3A_1378 = arith.constant 0 : i32
      %dma_start3A_1379 = arith.constant 0 : i32
      %dma_start3A_1380 = tpu.memref_slice %arg4[%dma_start3A_1378, %dma_start3A_1379] : memref<20000x128xf32, #tpu.memory_space<hbm>> -> memref<20000x128xf32, #tpu.memory_space<hbm>>
      tpu.enqueue_indirect_dma source(%dma_start3A_1380 : memref<20000x128xf32, #tpu.memory_space<hbm>>) target(%arg12 : memref<80x128xf32, #tpu.memory_space<vmem>>) offsets(%dma_start3A_1377 : memref<80xi32, #tpu.memory_space<vmem>>) semaphore(%arg16 : memref<!tpu.dma_semaphore, #tpu.memory_space<semaphore_mem>>)
      %add3A_1381 = arith.constant 1 : i32
      %add3A_1382 = arith.addi %mul3A_1298, %add3A_1381 : i32
      %dma_wait3A_1383 = arith.constant 0 : i32
      %dma_wait3A_1384 = tpu.memref_slice %arg9[%add3A_1382, %dma_wait3A_1383] : memref<16x80xi32, #tpu.memory_space<vmem>> -> memref<1x80xi32, #tpu.memory_space<vmem>>
      %dma_wait3A_1385 = tpu.memref_squeeze %dma_wait3A_1384 : memref<1x80xi32, #tpu.memory_space<vmem>> -> memref<80xi32, #tpu.memory_space<vmem>>
      %dma_wait3A_1386 = arith.constant 0 : i32
      %dma_wait3A_1387 = arith.constant 0 : i32
      %dma_wait3A_1388 = tpu.memref_slice %arg7[%dma_wait3A_1386, %dma_wait3A_1387] : memref<10112x128xf32, #tpu.memory_space<vmem_shared>> -> memref<10112x128xf32, #tpu.memory_space<vmem_shared>>
      tpu.wait_indirect_dma semaphore(%arg21 : memref<!tpu.dma_semaphore, #tpu.memory_space<semaphore_mem>>) src(%arg13 : memref<80x128xf32, #tpu.memory_space<vmem>>) dst(%dma_wait3A_1388 : memref<10112x128xf32, #tpu.memory_space<vmem_shared>>)
      %add3A_1389 = arith.constant 4 : i32
      %add3A_1390 = arith.addi %mul3A_1298, %add3A_1389 : i32
      %add3A_1391 = arith.constant 1 : i32
      %add3A_1392 = arith.addi %add3A_1390, %add3A_1391 : i32
      %dma_start3A_1393 = arith.constant 0 : i32
      %dma_start3A_1394 = tpu.memref_slice %arg8[%add3A_1392, %dma_start3A_1393] : memref<16x80xi32, #tpu.memory_space<vmem>> -> memref<1x80xi32, #tpu.memory_space<vmem>>
      %dma_start3A_1395 = tpu.memref_squeeze %dma_start3A_1394 : memref<1x80xi32, #tpu.memory_space<vmem>> -> memref<80xi32, #tpu.memory_space<vmem>>
      %dma_start3A_1396 = arith.constant 0 : i32
      %dma_start3A_1397 = arith.constant 0 : i32
      %dma_start3A_1398 = tpu.memref_slice %arg4[%dma_start3A_1396, %dma_start3A_1397] : memref<20000x128xf32, #tpu.memory_space<hbm>> -> memref<20000x128xf32, #tpu.memory_space<hbm>>
      tpu.enqueue_indirect_dma source(%dma_start3A_1398 : memref<20000x128xf32, #tpu.memory_space<hbm>>) target(%arg13 : memref<80x128xf32, #tpu.memory_space<vmem>>) offsets(%dma_start3A_1395 : memref<80xi32, #tpu.memory_space<vmem>>) semaphore(%arg17 : memref<!tpu.dma_semaphore, #tpu.memory_space<semaphore_mem>>)
      %add3A_1399 = arith.constant 2 : i32
      %add3A_1400 = arith.addi %mul3A_1298, %add3A_1399 : i32
      %dma_wait3A_1401 = arith.constant 0 : i32
      %dma_wait3A_1402 = tpu.memref_slice %arg9[%add3A_1400, %dma_wait3A_1401] : memref<16x80xi32, #tpu.memory_space<vmem>> -> memref<1x80xi32, #tpu.memory_space<vmem>>
      %dma_wait3A_1403 = tpu.memref_squeeze %dma_wait3A_1402 : memref<1x80xi32, #tpu.memory_space<vmem>> -> memref<80xi32, #tpu.memory_space<vmem>>
      %dma_wait3A_1404 = arith.constant 0 : i32
      %dma_wait3A_1405 = arith.constant 0 : i32
      %dma_wait3A_1406 = tpu.memref_slice %arg7[%dma_wait3A_1404, %dma_wait3A_1405] : memref<10112x128xf32, #tpu.memory_space<vmem_shared>> -> memref<10112x128xf32, #tpu.memory_space<vmem_shared>>
      tpu.wait_indirect_dma semaphore(%arg22 : memref<!tpu.dma_semaphore, #tpu.memory_space<semaphore_mem>>) src(%arg14 : memref<80x128xf32, #tpu.memory_space<vmem>>) dst(%dma_wait3A_1406 : memref<10112x128xf32, #tpu.memory_space<vmem_shared>>)
      %add3A_1407 = arith.constant 4 : i32
      %add3A_1408 = arith.addi %mul3A_1298, %add3A_1407 : i32
      %add3A_1409 = arith.constant 2 : i32
      %add3A_1410 = arith.addi %add3A_1408, %add3A_1409 : i32
      %dma_start3A_1411 = arith.constant 0 : i32
      %dma_start3A_1412 = tpu.memref_slice %arg8[%add3A_1410, %dma_start3A_1411] : memref<16x80xi32, #tpu.memory_space<vmem>> -> memref<1x80xi32, #tpu.memory_space<vmem>>
      %dma_start3A_1413 = tpu.memref_squeeze %dma_start3A_1412 : memref<1x80xi32, #tpu.memory_space<vmem>> -> memref<80xi32, #tpu.memory_space<vmem>>
      %dma_start3A_1414 = arith.constant 0 : i32
      %dma_start3A_1415 = arith.constant 0 : i32
      %dma_start3A_1416 = tpu.memref_slice %arg4[%dma_start3A_1414, %dma_start3A_1415] : memref<20000x128xf32, #tpu.memory_space<hbm>> -> memref<20000x128xf32, #tpu.memory_space<hbm>>
      tpu.enqueue_indirect_dma source(%dma_start3A_1416 : memref<20000x128xf32, #tpu.memory_space<hbm>>) target(%arg14 : memref<80x128xf32, #tpu.memory_space<vmem>>) offsets(%dma_start3A_1413 : memref<80xi32, #tpu.memory_space<vmem>>) semaphore(%arg18 : memref<!tpu.dma_semaphore, #tpu.memory_space<semaphore_mem>>)
      %add3A_1417 = arith.constant 3 : i32
      %add3A_1418 = arith.addi %mul3A_1298, %add3A_1417 : i32
      %dma_wait3A_1419 = arith.constant 0 : i32
      %dma_wait3A_1420 = tpu.memref_slice %arg9[%add3A_1418, %dma_wait3A_1419] : memref<16x80xi32, #tpu.memory_space<vmem>> -> memref<1x80xi32, #tpu.memory_space<vmem>>
      %dma_wait3A_1421 = tpu.memref_squeeze %dma_wait3A_1420 : memref<1x80xi32, #tpu.memory_space<vmem>> -> memref<80xi32, #tpu.memory_space<vmem>>
      %dma_wait3A_1422 = arith.constant 0 : i32
      %dma_wait3A_1423 = arith.constant 0 : i32
      %dma_wait3A_1424 = tpu.memref_slice %arg7[%dma_wait3A_1422, %dma_wait3A_1423] : memref<10112x128xf32, #tpu.memory_space<vmem_shared>> -> memref<10112x128xf32, #tpu.memory_space<vmem_shared>>
      tpu.wait_indirect_dma semaphore(%arg23 : memref<!tpu.dma_semaphore, #tpu.memory_space<semaphore_mem>>) src(%arg15 : memref<80x128xf32, #tpu.memory_space<vmem>>) dst(%dma_wait3A_1424 : memref<10112x128xf32, #tpu.memory_space<vmem_shared>>)
      %add3A_1425 = arith.constant 4 : i32
      %add3A_1426 = arith.addi %mul3A_1298, %add3A_1425 : i32
      %add3A_1427 = arith.constant 3 : i32
      %add3A_1428 = arith.addi %add3A_1426, %add3A_1427 : i32
      %dma_start3A_1429 = arith.constant 0 : i32
      %dma_start3A_1430 = tpu.memref_slice %arg8[%add3A_1428, %dma_start3A_1429] : memref<16x80xi32, #tpu.memory_space<vmem>> -> memref<1x80xi32, #tpu.memory_space<vmem>>
      %dma_start3A_1431 = tpu.memref_squeeze %dma_start3A_1430 : memref<1x80xi32, #tpu.memory_space<vmem>> -> memref<80xi32, #tpu.memory_space<vmem>>
      %dma_start3A_1432 = arith.constant 0 : i32
      %dma_start3A_1433 = arith.constant 0 : i32
      %dma_start3A_1434 = tpu.memref_slice %arg4[%dma_start3A_1432, %dma_start3A_1433] : memref<20000x128xf32, #tpu.memory_space<hbm>> -> memref<20000x128xf32, #tpu.memory_space<hbm>>
      tpu.enqueue_indirect_dma source(%dma_start3A_1434 : memref<20000x128xf32, #tpu.memory_space<hbm>>) target(%arg15 : memref<80x128xf32, #tpu.memory_space<vmem>>) offsets(%dma_start3A_1431 : memref<80xi32, #tpu.memory_space<vmem>>) semaphore(%arg19 : memref<!tpu.dma_semaphore, #tpu.memory_space<semaphore_mem>>)
      %scan3A_1435 = arith.constant 0 : i32
      scf.yield %scan3A_1435 : i32
    }
    %scan3A_94 = arith.constant 3 : i32
    %dma_wait3A_95 = arith.constant 12 : i32
    %dma_wait3A_96 = arith.constant 0 : i32
    %dma_wait3A_97 = tpu.memref_slice %arg8[%dma_wait3A_95, %dma_wait3A_96] : memref<16x80xi32, #tpu.memory_space<vmem>> -> memref<1x80xi32, #tpu.memory_space<vmem>>
    %dma_wait3A_98 = tpu.memref_squeeze %dma_wait3A_97 : memref<1x80xi32, #tpu.memory_space<vmem>> -> memref<80xi32, #tpu.memory_space<vmem>>
    %dma_wait3A_99 = arith.constant 0 : i32
    %dma_wait3A_100 = arith.constant 0 : i32
    %dma_wait3A_101 = tpu.memref_slice %arg4[%dma_wait3A_99, %dma_wait3A_100] : memref<20000x128xf32, #tpu.memory_space<hbm>> -> memref<20000x128xf32, #tpu.memory_space<hbm>>
    tpu.wait_indirect_dma semaphore(%arg16 : memref<!tpu.dma_semaphore, #tpu.memory_space<semaphore_mem>>) src(%dma_wait3A_101 : memref<20000x128xf32, #tpu.memory_space<hbm>>) dst(%arg12 : memref<80x128xf32, #tpu.memory_space<vmem>>)
    %dma_start3A_102 = arith.constant 12 : i32
    %dma_start3A_103 = arith.constant 0 : i32
    %dma_start3A_104 = tpu.memref_slice %arg9[%dma_start3A_102, %dma_start3A_103] : memref<16x80xi32, #tpu.memory_space<vmem>> -> memref<1x80xi32, #tpu.memory_space<vmem>>
    %dma_start3A_105 = tpu.memref_squeeze %dma_start3A_104 : memref<1x80xi32, #tpu.memory_space<vmem>> -> memref<80xi32, #tpu.memory_space<vmem>>
    %dma_start3A_106 = arith.constant 0 : i32
    %dma_start3A_107 = arith.constant 0 : i32
    %dma_start3A_108 = tpu.memref_slice %arg7[%dma_start3A_106, %dma_start3A_107] : memref<10112x128xf32, #tpu.memory_space<vmem_shared>> -> memref<10112x128xf32, #tpu.memory_space<vmem_shared>>
    tpu.enqueue_indirect_dma source(%arg12 : memref<80x128xf32, #tpu.memory_space<vmem>>) target(%dma_start3A_108 : memref<10112x128xf32, #tpu.memory_space<vmem_shared>>) offsets(%dma_start3A_105 : memref<80xi32, #tpu.memory_space<vmem>>) semaphore(%arg20 : memref<!tpu.dma_semaphore, #tpu.memory_space<semaphore_mem>>) {add = true}
    %dma_wait3A_109 = arith.constant 13 : i32
    %dma_wait3A_110 = arith.constant 0 : i32
    %dma_wait3A_111 = tpu.memref_slice %arg8[%dma_wait3A_109, %dma_wait3A_110] : memref<16x80xi32, #tpu.memory_space<vmem>> -> memref<1x80xi32, #tpu.memory_space<vmem>>
    %dma_wait3A_112 = tpu.memref_squeeze %dma_wait3A_111 : memref<1x80xi32, #tpu.memory_space<vmem>> -> memref<80xi32, #tpu.memory_space<vmem>>
    %dma_wait3A_113 = arith.constant 0 : i32
    %dma_wait3A_114 = arith.constant 0 : i32
    %dma_wait3A_115 = tpu.memref_slice %arg4[%dma_wait3A_113, %dma_wait3A_114] : memref<20000x128xf32, #tpu.memory_space<hbm>> -> memref<20000x128xf32, #tpu.memory_space<hbm>>
    tpu.wait_indirect_dma semaphore(%arg17 : memref<!tpu.dma_semaphore, #tpu.memory_space<semaphore_mem>>) src(%dma_wait3A_115 : memref<20000x128xf32, #tpu.memory_space<hbm>>) dst(%arg13 : memref<80x128xf32, #tpu.memory_space<vmem>>)
    %dma_start3A_116 = arith.constant 13 : i32
    %dma_start3A_117 = arith.constant 0 : i32
    %dma_start3A_118 = tpu.memref_slice %arg9[%dma_start3A_116, %dma_start3A_117] : memref<16x80xi32, #tpu.memory_space<vmem>> -> memref<1x80xi32, #tpu.memory_space<vmem>>
    %dma_start3A_119 = tpu.memref_squeeze %dma_start3A_118 : memref<1x80xi32, #tpu.memory_space<vmem>> -> memref<80xi32, #tpu.memory_space<vmem>>
    %dma_start3A_120 = arith.constant 0 : i32
    %dma_start3A_121 = arith.constant 0 : i32
    %dma_start3A_122 = tpu.memref_slice %arg7[%dma_start3A_120, %dma_start3A_121] : memref<10112x128xf32, #tpu.memory_space<vmem_shared>> -> memref<10112x128xf32, #tpu.memory_space<vmem_shared>>
    tpu.enqueue_indirect_dma source(%arg13 : memref<80x128xf32, #tpu.memory_space<vmem>>) target(%dma_start3A_122 : memref<10112x128xf32, #tpu.memory_space<vmem_shared>>) offsets(%dma_start3A_119 : memref<80xi32, #tpu.memory_space<vmem>>) semaphore(%arg21 : memref<!tpu.dma_semaphore, #tpu.memory_space<semaphore_mem>>) {add = true}
    %dma_wait3A_123 = arith.constant 14 : i32
    %dma_wait3A_124 = arith.constant 0 : i32
    %dma_wait3A_125 = tpu.memref_slice %arg8[%dma_wait3A_123, %dma_wait3A_124] : memref<16x80xi32, #tpu.memory_space<vmem>> -> memref<1x80xi32, #tpu.memory_space<vmem>>
    %dma_wait3A_126 = tpu.memref_squeeze %dma_wait3A_125 : memref<1x80xi32, #tpu.memory_space<vmem>> -> memref<80xi32, #tpu.memory_space<vmem>>
    %dma_wait3A_127 = arith.constant 0 : i32
    %dma_wait3A_128 = arith.constant 0 : i32
    %dma_wait3A_129 = tpu.memref_slice %arg4[%dma_wait3A_127, %dma_wait3A_128] : memref<20000x128xf32, #tpu.memory_space<hbm>> -> memref<20000x128xf32, #tpu.memory_space<hbm>>
    tpu.wait_indirect_dma semaphore(%arg18 : memref<!tpu.dma_semaphore, #tpu.memory_space<semaphore_mem>>) src(%dma_wait3A_129 : memref<20000x128xf32, #tpu.memory_space<hbm>>) dst(%arg14 : memref<80x128xf32, #tpu.memory_space<vmem>>)
    %dma_start3A_130 = arith.constant 14 : i32
    %dma_start3A_131 = arith.constant 0 : i32
    %dma_start3A_132 = tpu.memref_slice %arg9[%dma_start3A_130, %dma_start3A_131] : memref<16x80xi32, #tpu.memory_space<vmem>> -> memref<1x80xi32, #tpu.memory_space<vmem>>
    %dma_start3A_133 = tpu.memref_squeeze %dma_start3A_132 : memref<1x80xi32, #tpu.memory_space<vmem>> -> memref<80xi32, #tpu.memory_space<vmem>>
    %dma_start3A_134 = arith.constant 0 : i32
    %dma_start3A_135 = arith.constant 0 : i32
    %dma_start3A_136 = tpu.memref_slice %arg7[%dma_start3A_134, %dma_start3A_135] : memref<10112x128xf32, #tpu.memory_space<vmem_shared>> -> memref<10112x128xf32, #tpu.memory_space<vmem_shared>>
    tpu.enqueue_indirect_dma source(%arg14 : memref<80x128xf32, #tpu.memory_space<vmem>>) target(%dma_start3A_136 : memref<10112x128xf32, #tpu.memory_space<vmem_shared>>) offsets(%dma_start3A_133 : memref<80xi32, #tpu.memory_space<vmem>>) semaphore(%arg22 : memref<!tpu.dma_semaphore, #tpu.memory_space<semaphore_mem>>) {add = true}
    %dma_wait3A_137 = arith.constant 15 : i32
    %dma_wait3A_138 = arith.constant 0 : i32
    %dma_wait3A_139 = tpu.memref_slice %arg8[%dma_wait3A_137, %dma_wait3A_138] : memref<16x80xi32, #tpu.memory_space<vmem>> -> memref<1x80xi32, #tpu.memory_space<vmem>>
    %dma_wait3A_140 = tpu.memref_squeeze %dma_wait3A_139 : memref<1x80xi32, #tpu.memory_space<vmem>> -> memref<80xi32, #tpu.memory_space<vmem>>
    %dma_wait3A_141 = arith.constant 0 : i32
    %dma_wait3A_142 = arith.constant 0 : i32
    %dma_wait3A_143 = tpu.memref_slice %arg4[%dma_wait3A_141, %dma_wait3A_142] : memref<20000x128xf32, #tpu.memory_space<hbm>> -> memref<20000x128xf32, #tpu.memory_space<hbm>>
    tpu.wait_indirect_dma semaphore(%arg19 : memref<!tpu.dma_semaphore, #tpu.memory_space<semaphore_mem>>) src(%dma_wait3A_143 : memref<20000x128xf32, #tpu.memory_space<hbm>>) dst(%arg15 : memref<80x128xf32, #tpu.memory_space<vmem>>)
    %dma_start3A_144 = arith.constant 15 : i32
    %dma_start3A_145 = arith.constant 0 : i32
    %dma_start3A_146 = tpu.memref_slice %arg9[%dma_start3A_144, %dma_start3A_145] : memref<16x80xi32, #tpu.memory_space<vmem>> -> memref<1x80xi32, #tpu.memory_space<vmem>>
    %dma_start3A_147 = tpu.memref_squeeze %dma_start3A_146 : memref<1x80xi32, #tpu.memory_space<vmem>> -> memref<80xi32, #tpu.memory_space<vmem>>
    %dma_start3A_148 = arith.constant 0 : i32
    %dma_start3A_149 = arith.constant 0 : i32
    %dma_start3A_150 = tpu.memref_slice %arg7[%dma_start3A_148, %dma_start3A_149] : memref<10112x128xf32, #tpu.memory_space<vmem_shared>> -> memref<10112x128xf32, #tpu.memory_space<vmem_shared>>
    tpu.enqueue_indirect_dma source(%arg15 : memref<80x128xf32, #tpu.memory_space<vmem>>) target(%dma_start3A_150 : memref<10112x128xf32, #tpu.memory_space<vmem_shared>>) offsets(%dma_start3A_147 : memref<80xi32, #tpu.memory_space<vmem>>) semaphore(%arg23 : memref<!tpu.dma_semaphore, #tpu.memory_space<semaphore_mem>>) {add = true}
    %dma_wait3A_151 = arith.constant 12 : i32
    %dma_wait3A_152 = arith.constant 0 : i32
    %dma_wait3A_153 = tpu.memref_slice %arg9[%dma_wait3A_151, %dma_wait3A_152] : memref<16x80xi32, #tpu.memory_space<vmem>> -> memref<1x80xi32, #tpu.memory_space<vmem>>
    %dma_wait3A_154 = tpu.memref_squeeze %dma_wait3A_153 : memref<1x80xi32, #tpu.memory_space<vmem>> -> memref<80xi32, #tpu.memory_space<vmem>>
    %dma_wait3A_155 = arith.constant 0 : i32
    %dma_wait3A_156 = arith.constant 0 : i32
    %dma_wait3A_157 = tpu.memref_slice %arg7[%dma_wait3A_155, %dma_wait3A_156] : memref<10112x128xf32, #tpu.memory_space<vmem_shared>> -> memref<10112x128xf32, #tpu.memory_space<vmem_shared>>
    tpu.wait_indirect_dma semaphore(%arg20 : memref<!tpu.dma_semaphore, #tpu.memory_space<semaphore_mem>>) src(%arg12 : memref<80x128xf32, #tpu.memory_space<vmem>>) dst(%dma_wait3A_157 : memref<10112x128xf32, #tpu.memory_space<vmem_shared>>)
    %dma_wait3A_158 = arith.constant 13 : i32
    %dma_wait3A_159 = arith.constant 0 : i32
    %dma_wait3A_160 = tpu.memref_slice %arg9[%dma_wait3A_158, %dma_wait3A_159] : memref<16x80xi32, #tpu.memory_space<vmem>> -> memref<1x80xi32, #tpu.memory_space<vmem>>
    %dma_wait3A_161 = tpu.memref_squeeze %dma_wait3A_160 : memref<1x80xi32, #tpu.memory_space<vmem>> -> memref<80xi32, #tpu.memory_space<vmem>>
    %dma_wait3A_162 = arith.constant 0 : i32
    %dma_wait3A_163 = arith.constant 0 : i32
    %dma_wait3A_164 = tpu.memref_slice %arg7[%dma_wait3A_162, %dma_wait3A_163] : memref<10112x128xf32, #tpu.memory_space<vmem_shared>> -> memref<10112x128xf32, #tpu.memory_space<vmem_shared>>
    tpu.wait_indirect_dma semaphore(%arg21 : memref<!tpu.dma_semaphore, #tpu.memory_space<semaphore_mem>>) src(%arg13 : memref<80x128xf32, #tpu.memory_space<vmem>>) dst(%dma_wait3A_164 : memref<10112x128xf32, #tpu.memory_space<vmem_shared>>)
    %dma_wait3A_165 = arith.constant 14 : i32
    %dma_wait3A_166 = arith.constant 0 : i32
    %dma_wait3A_167 = tpu.memref_slice %arg9[%dma_wait3A_165, %dma_wait3A_166] : memref<16x80xi32, #tpu.memory_space<vmem>> -> memref<1x80xi32, #tpu.memory_space<vmem>>
    %dma_wait3A_168 = tpu.memref_squeeze %dma_wait3A_167 : memref<1x80xi32, #tpu.memory_space<vmem>> -> memref<80xi32, #tpu.memory_space<vmem>>
    %dma_wait3A_169 = arith.constant 0 : i32
    %dma_wait3A_170 = arith.constant 0 : i32
    %dma_wait3A_171 = tpu.memref_slice %arg7[%dma_wait3A_169, %dma_wait3A_170] : memref<10112x128xf32, #tpu.memory_space<vmem_shared>> -> memref<10112x128xf32, #tpu.memory_space<vmem_shared>>
    tpu.wait_indirect_dma semaphore(%arg22 : memref<!tpu.dma_semaphore, #tpu.memory_space<semaphore_mem>>) src(%arg14 : memref<80x128xf32, #tpu.memory_space<vmem>>) dst(%dma_wait3A_171 : memref<10112x128xf32, #tpu.memory_space<vmem_shared>>)
    %dma_wait3A_172 = arith.constant 15 : i32
    %dma_wait3A_173 = arith.constant 0 : i32
    %dma_wait3A_174 = tpu.memref_slice %arg9[%dma_wait3A_172, %dma_wait3A_173] : memref<16x80xi32, #tpu.memory_space<vmem>> -> memref<1x80xi32, #tpu.memory_space<vmem>>
    %dma_wait3A_175 = tpu.memref_squeeze %dma_wait3A_174 : memref<1x80xi32, #tpu.memory_space<vmem>> -> memref<80xi32, #tpu.memory_space<vmem>>
    %dma_wait3A_176 = arith.constant 0 : i32
    %dma_wait3A_177 = arith.constant 0 : i32
    %dma_wait3A_178 = tpu.memref_slice %arg7[%dma_wait3A_176, %dma_wait3A_177] : memref<10112x128xf32, #tpu.memory_space<vmem_shared>> -> memref<10112x128xf32, #tpu.memory_space<vmem_shared>>
    tpu.wait_indirect_dma semaphore(%arg23 : memref<!tpu.dma_semaphore, #tpu.memory_space<semaphore_mem>>) src(%arg15 : memref<80x128xf32, #tpu.memory_space<vmem>>) dst(%dma_wait3A_178 : memref<10112x128xf32, #tpu.memory_space<vmem_shared>>)
    %mul3A_179 = arith.constant 2048 : i32
    %mul3A_180 = arith.muli %arg0, %mul3A_179 : i32
    %mul3A_181 = arith.constant 128 : i32
    %mul3A_182 = arith.muli %arg1, %mul3A_181 : i32
    %add3A_183 = arith.addi %mul3A_180, %mul3A_182 : i32
    %add3A_184 = arith.constant 16 : i32
    %add3A_185 = arith.addi %add3A_183, %add3A_184 : i32
    %multiple_of3A_186 = tpu.assume_multiple %add3A_185, 8 : i32
    %dma_wait3A_187 = arith.constant 0 : i32
    %dma_wait3A_188 = tpu.memref_slice %arg2[%multiple_of3A_186, %dma_wait3A_187] : memref<4096x80xi32, #tpu.memory_space<hbm>> -> memref<16x80xi32, #tpu.memory_space<hbm>>
    %dma_wait3A_189 = arith.constant 0 : i32
    %dma_wait3A_190 = tpu.memref_slice %arg2[%multiple_of3A_186, %dma_wait3A_189] : memref<4096x80xi32, #tpu.memory_space<hbm>> -> memref<16x80xi32, #tpu.memory_space<hbm>>
    tpu.wait_dma2 semaphore(%arg25 : memref<!tpu.dma_semaphore, #tpu.memory_space<semaphore_mem>>) src(%dma_wait3A_190 : memref<16x80xi32, #tpu.memory_space<hbm>>) dst(%arg10 : memref<16x80xi32, #tpu.memory_space<vmem>>)
    %mul3A_191 = arith.constant 128 : i32
    %mul3A_192 = arith.muli %arg1, %mul3A_191 : i32
    %add3A_193 = arith.constant 16 : i32
    %add3A_194 = arith.addi %mul3A_192, %add3A_193 : i32
    %multiple_of3A_195 = tpu.assume_multiple %add3A_194, 8 : i32
    %dma_wait3A_196 = arith.constant 0 : i32
    %dma_wait3A_197 = tpu.memref_slice %arg3[%multiple_of3A_195, %dma_wait3A_196] : memref<2048x80xi32, #tpu.memory_space<hbm>> -> memref<16x80xi32, #tpu.memory_space<hbm>>
    %dma_wait3A_198 = arith.constant 0 : i32
    %dma_wait3A_199 = tpu.memref_slice %arg3[%multiple_of3A_195, %dma_wait3A_198] : memref<2048x80xi32, #tpu.memory_space<hbm>> -> memref<16x80xi32, #tpu.memory_space<hbm>>
    tpu.wait_dma2 semaphore(%arg25 : memref<!tpu.dma_semaphore, #tpu.memory_space<semaphore_mem>>) src(%dma_wait3A_199 : memref<16x80xi32, #tpu.memory_space<hbm>>) dst(%arg11 : memref<16x80xi32, #tpu.memory_space<vmem>>)
    %mul3A_200 = arith.constant 2048 : i32
    %mul3A_201 = arith.muli %arg0, %mul3A_200 : i32
    %mul3A_202 = arith.constant 128 : i32
    %mul3A_203 = arith.muli %arg1, %mul3A_202 : i32
    %add3A_204 = arith.addi %mul3A_201, %mul3A_203 : i32
    %add3A_205 = arith.constant 32 : i32
    %add3A_206 = arith.addi %add3A_204, %add3A_205 : i32
    %multiple_of3A_207 = tpu.assume_multiple %add3A_206, 8 : i32
    %dma_start3A_208 = arith.constant 0 : i32
    %dma_start3A_209 = tpu.memref_slice %arg2[%multiple_of3A_207, %dma_start3A_208] : memref<4096x80xi32, #tpu.memory_space<hbm>> -> memref<16x80xi32, #tpu.memory_space<hbm>>
    %dma_start3A_210 = arith.constant 0 : i32
    %dma_start3A_211 = tpu.memref_slice %arg2[%multiple_of3A_207, %dma_start3A_210] : memref<4096x80xi32, #tpu.memory_space<hbm>> -> memref<16x80xi32, #tpu.memory_space<hbm>>
    tpu.enqueue_dma source(%dma_start3A_211 : memref<16x80xi32, #tpu.memory_space<hbm>>) target(%arg8 : memref<16x80xi32, #tpu.memory_space<vmem>>) target_semaphore(%arg24 : memref<!tpu.dma_semaphore, #tpu.memory_space<semaphore_mem>>)
    %mul3A_212 = arith.constant 128 : i32
    %mul3A_213 = arith.muli %arg1, %mul3A_212 : i32
    %add3A_214 = arith.constant 32 : i32
    %add3A_215 = arith.addi %mul3A_213, %add3A_214 : i32
    %multiple_of3A_216 = tpu.assume_multiple %add3A_215, 8 : i32
    %dma_start3A_217 = arith.constant 0 : i32
    %dma_start3A_218 = tpu.memref_slice %arg3[%multiple_of3A_216, %dma_start3A_217] : memref<2048x80xi32, #tpu.memory_space<hbm>> -> memref<16x80xi32, #tpu.memory_space<hbm>>
    %dma_start3A_219 = arith.constant 0 : i32
    %dma_start3A_220 = tpu.memref_slice %arg3[%multiple_of3A_216, %dma_start3A_219] : memref<2048x80xi32, #tpu.memory_space<hbm>> -> memref<16x80xi32, #tpu.memory_space<hbm>>
    tpu.enqueue_dma source(%dma_start3A_220 : memref<16x80xi32, #tpu.memory_space<hbm>>) target(%arg9 : memref<16x80xi32, #tpu.memory_space<vmem>>) target_semaphore(%arg24 : memref<!tpu.dma_semaphore, #tpu.memory_space<semaphore_mem>>)
    %dma_start3A_221 = arith.constant 0 : i32
    %dma_start3A_222 = arith.constant 0 : i32
    %dma_start3A_223 = tpu.memref_slice %arg10[%dma_start3A_221, %dma_start3A_222] : memref<16x80xi32, #tpu.memory_space<vmem>> -> memref<1x80xi32, #tpu.memory_space<vmem>>
    %dma_start3A_224 = tpu.memref_squeeze %dma_start3A_223 : memref<1x80xi32, #tpu.memory_space<vmem>> -> memref<80xi32, #tpu.memory_space<vmem>>
    %dma_start3A_225 = arith.constant 0 : i32
    %dma_start3A_226 = arith.constant 0 : i32
    %dma_start3A_227 = tpu.memref_slice %arg4[%dma_start3A_225, %dma_start3A_226] : memref<20000x128xf32, #tpu.memory_space<hbm>> -> memref<20000x128xf32, #tpu.memory_space<hbm>>
    tpu.enqueue_indirect_dma source(%dma_start3A_227 : memref<20000x128xf32, #tpu.memory_space<hbm>>) target(%arg12 : memref<80x128xf32, #tpu.memory_space<vmem>>) offsets(%dma_start3A_224 : memref<80xi32, #tpu.memory_space<vmem>>) semaphore(%arg16 : memref<!tpu.dma_semaphore, #tpu.memory_space<semaphore_mem>>)
    %dma_start3A_228 = arith.constant 1 : i32
    %dma_start3A_229 = arith.constant 0 : i32
    %dma_start3A_230 = tpu.memref_slice %arg10[%dma_start3A_228, %dma_start3A_229] : memref<16x80xi32, #tpu.memory_space<vmem>> -> memref<1x80xi32, #tpu.memory_space<vmem>>
    %dma_start3A_231 = tpu.memref_squeeze %dma_start3A_230 : memref<1x80xi32, #tpu.memory_space<vmem>> -> memref<80xi32, #tpu.memory_space<vmem>>
    %dma_start3A_232 = arith.constant 0 : i32
    %dma_start3A_233 = arith.constant 0 : i32
    %dma_start3A_234 = tpu.memref_slice %arg4[%dma_start3A_232, %dma_start3A_233] : memref<20000x128xf32, #tpu.memory_space<hbm>> -> memref<20000x128xf32, #tpu.memory_space<hbm>>
    tpu.enqueue_indirect_dma source(%dma_start3A_234 : memref<20000x128xf32, #tpu.memory_space<hbm>>) target(%arg13 : memref<80x128xf32, #tpu.memory_space<vmem>>) offsets(%dma_start3A_231 : memref<80xi32, #tpu.memory_space<vmem>>) semaphore(%arg17 : memref<!tpu.dma_semaphore, #tpu.memory_space<semaphore_mem>>)
    %dma_start3A_235 = arith.constant 2 : i32
    %dma_start3A_236 = arith.constant 0 : i32
    %dma_start3A_237 = tpu.memref_slice %arg10[%dma_start3A_235, %dma_start3A_236] : memref<16x80xi32, #tpu.memory_space<vmem>> -> memref<1x80xi32, #tpu.memory_space<vmem>>
    %dma_start3A_238 = tpu.memref_squeeze %dma_start3A_237 : memref<1x80xi32, #tpu.memory_space<vmem>> -> memref<80xi32, #tpu.memory_space<vmem>>
    %dma_start3A_239 = arith.constant 0 : i32
    %dma_start3A_240 = arith.constant 0 : i32
    %dma_start3A_241 = tpu.memref_slice %arg4[%dma_start3A_239, %dma_start3A_240] : memref<20000x128xf32, #tpu.memory_space<hbm>> -> memref<20000x128xf32, #tpu.memory_space<hbm>>
    tpu.enqueue_indirect_dma source(%dma_start3A_241 : memref<20000x128xf32, #tpu.memory_space<hbm>>) target(%arg14 : memref<80x128xf32, #tpu.memory_space<vmem>>) offsets(%dma_start3A_238 : memref<80xi32, #tpu.memory_space<vmem>>) semaphore(%arg18 : memref<!tpu.dma_semaphore, #tpu.memory_space<semaphore_mem>>)
    %dma_start3A_242 = arith.constant 3 : i32
    %dma_start3A_243 = arith.constant 0 : i32
    %dma_start3A_244 = tpu.memref_slice %arg10[%dma_start3A_242, %dma_start3A_243] : memref<16x80xi32, #tpu.memory_space<vmem>> -> memref<1x80xi32, #tpu.memory_space<vmem>>
    %dma_start3A_245 = tpu.memref_squeeze %dma_start3A_244 : memref<1x80xi32, #tpu.memory_space<vmem>> -> memref<80xi32, #tpu.memory_space<vmem>>
    %dma_start3A_246 = arith.constant 0 : i32
    %dma_start3A_247 = arith.constant 0 : i32
    %dma_start3A_248 = tpu.memref_slice %arg4[%dma_start3A_246, %dma_start3A_247] : memref<20000x128xf32, #tpu.memory_space<hbm>> -> memref<20000x128xf32, #tpu.memory_space<hbm>>
    tpu.enqueue_indirect_dma source(%dma_start3A_248 : memref<20000x128xf32, #tpu.memory_space<hbm>>) target(%arg15 : memref<80x128xf32, #tpu.memory_space<vmem>>) offsets(%dma_start3A_245 : memref<80xi32, #tpu.memory_space<vmem>>) semaphore(%arg19 : memref<!tpu.dma_semaphore, #tpu.memory_space<semaphore_mem>>)
    %scan3A_249 = arith.constant 0 : i32
    %scan3A_250 = arith.constant 0 : i32
    %scan3A_251 = arith.constant 3 : i32
    %scan3A_252 = arith.addi %scan3A_250, %scan3A_251 : i32
    %scan3A_253 = arith.constant 1 : i32
    %scan3A_254 = scf.for %scan3A_1295 = %scan3A_250 to %scan3A_252 step %scan3A_253 iter_args(%scan3A_1296 = %scan3A_249) -> (i32)  : i32 {
      %mul3A_1297 = arith.constant 4 : i32
      %mul3A_1298 = arith.muli %scan3A_1295, %mul3A_1297 : i32
      %add3A_1299 = arith.constant 0 : i32
      %add3A_1300 = arith.addi %mul3A_1298, %add3A_1299 : i32
      %dma_wait3A_1301 = arith.constant 0 : i32
      %dma_wait3A_1302 = tpu.memref_slice %arg10[%add3A_1300, %dma_wait3A_1301] : memref<16x80xi32, #tpu.memory_space<vmem>> -> memref<1x80xi32, #tpu.memory_space<vmem>>
      %dma_wait3A_1303 = tpu.memref_squeeze %dma_wait3A_1302 : memref<1x80xi32, #tpu.memory_space<vmem>> -> memref<80xi32, #tpu.memory_space<vmem>>
      %dma_wait3A_1304 = arith.constant 0 : i32
      %dma_wait3A_1305 = arith.constant 0 : i32
      %dma_wait3A_1306 = tpu.memref_slice %arg4[%dma_wait3A_1304, %dma_wait3A_1305] : memref<20000x128xf32, #tpu.memory_space<hbm>> -> memref<20000x128xf32, #tpu.memory_space<hbm>>
      tpu.wait_indirect_dma semaphore(%arg16 : memref<!tpu.dma_semaphore, #tpu.memory_space<semaphore_mem>>) src(%dma_wait3A_1306 : memref<20000x128xf32, #tpu.memory_space<hbm>>) dst(%arg12 : memref<80x128xf32, #tpu.memory_space<vmem>>)
      %add3A_1307 = arith.constant 0 : i32
      %add3A_1308 = arith.addi %mul3A_1298, %add3A_1307 : i32
      %dma_start3A_1309 = arith.constant 0 : i32
      %dma_start3A_1310 = tpu.memref_slice %arg11[%add3A_1308, %dma_start3A_1309] : memref<16x80xi32, #tpu.memory_space<vmem>> -> memref<1x80xi32, #tpu.memory_space<vmem>>
      %dma_start3A_1311 = tpu.memref_squeeze %dma_start3A_1310 : memref<1x80xi32, #tpu.memory_space<vmem>> -> memref<80xi32, #tpu.memory_space<vmem>>
      %dma_start3A_1312 = arith.constant 0 : i32
      %dma_start3A_1313 = arith.constant 0 : i32
      %dma_start3A_1314 = tpu.memref_slice %arg7[%dma_start3A_1312, %dma_start3A_1313] : memref<10112x128xf32, #tpu.memory_space<vmem_shared>> -> memref<10112x128xf32, #tpu.memory_space<vmem_shared>>
      tpu.enqueue_indirect_dma source(%arg12 : memref<80x128xf32, #tpu.memory_space<vmem>>) target(%dma_start3A_1314 : memref<10112x128xf32, #tpu.memory_space<vmem_shared>>) offsets(%dma_start3A_1311 : memref<80xi32, #tpu.memory_space<vmem>>) semaphore(%arg20 : memref<!tpu.dma_semaphore, #tpu.memory_space<semaphore_mem>>) {add = true}
      %add3A_1315 = arith.constant 1 : i32
      %add3A_1316 = arith.addi %mul3A_1298, %add3A_1315 : i32
      %dma_wait3A_1317 = arith.constant 0 : i32
      %dma_wait3A_1318 = tpu.memref_slice %arg10[%add3A_1316, %dma_wait3A_1317] : memref<16x80xi32, #tpu.memory_space<vmem>> -> memref<1x80xi32, #tpu.memory_space<vmem>>
      %dma_wait3A_1319 = tpu.memref_squeeze %dma_wait3A_1318 : memref<1x80xi32, #tpu.memory_space<vmem>> -> memref<80xi32, #tpu.memory_space<vmem>>
      %dma_wait3A_1320 = arith.constant 0 : i32
      %dma_wait3A_1321 = arith.constant 0 : i32
      %dma_wait3A_1322 = tpu.memref_slice %arg4[%dma_wait3A_1320, %dma_wait3A_1321] : memref<20000x128xf32, #tpu.memory_space<hbm>> -> memref<20000x128xf32, #tpu.memory_space<hbm>>
      tpu.wait_indirect_dma semaphore(%arg17 : memref<!tpu.dma_semaphore, #tpu.memory_space<semaphore_mem>>) src(%dma_wait3A_1322 : memref<20000x128xf32, #tpu.memory_space<hbm>>) dst(%arg13 : memref<80x128xf32, #tpu.memory_space<vmem>>)
      %add3A_1323 = arith.constant 1 : i32
      %add3A_1324 = arith.addi %mul3A_1298, %add3A_1323 : i32
      %dma_start3A_1325 = arith.constant 0 : i32
      %dma_start3A_1326 = tpu.memref_slice %arg11[%add3A_1324, %dma_start3A_1325] : memref<16x80xi32, #tpu.memory_space<vmem>> -> memref<1x80xi32, #tpu.memory_space<vmem>>
      %dma_start3A_1327 = tpu.memref_squeeze %dma_start3A_1326 : memref<1x80xi32, #tpu.memory_space<vmem>> -> memref<80xi32, #tpu.memory_space<vmem>>
      %dma_start3A_1328 = arith.constant 0 : i32
      %dma_start3A_1329 = arith.constant 0 : i32
      %dma_start3A_1330 = tpu.memref_slice %arg7[%dma_start3A_1328, %dma_start3A_1329] : memref<10112x128xf32, #tpu.memory_space<vmem_shared>> -> memref<10112x128xf32, #tpu.memory_space<vmem_shared>>
      tpu.enqueue_indirect_dma source(%arg13 : memref<80x128xf32, #tpu.memory_space<vmem>>) target(%dma_start3A_1330 : memref<10112x128xf32, #tpu.memory_space<vmem_shared>>) offsets(%dma_start3A_1327 : memref<80xi32, #tpu.memory_space<vmem>>) semaphore(%arg21 : memref<!tpu.dma_semaphore, #tpu.memory_space<semaphore_mem>>) {add = true}
      %add3A_1331 = arith.constant 2 : i32
      %add3A_1332 = arith.addi %mul3A_1298, %add3A_1331 : i32
      %dma_wait3A_1333 = arith.constant 0 : i32
      %dma_wait3A_1334 = tpu.memref_slice %arg10[%add3A_1332, %dma_wait3A_1333] : memref<16x80xi32, #tpu.memory_space<vmem>> -> memref<1x80xi32, #tpu.memory_space<vmem>>
      %dma_wait3A_1335 = tpu.memref_squeeze %dma_wait3A_1334 : memref<1x80xi32, #tpu.memory_space<vmem>> -> memref<80xi32, #tpu.memory_space<vmem>>
      %dma_wait3A_1336 = arith.constant 0 : i32
      %dma_wait3A_1337 = arith.constant 0 : i32
      %dma_wait3A_1338 = tpu.memref_slice %arg4[%dma_wait3A_1336, %dma_wait3A_1337] : memref<20000x128xf32, #tpu.memory_space<hbm>> -> memref<20000x128xf32, #tpu.memory_space<hbm>>
      tpu.wait_indirect_dma semaphore(%arg18 : memref<!tpu.dma_semaphore, #tpu.memory_space<semaphore_mem>>) src(%dma_wait3A_1338 : memref<20000x128xf32, #tpu.memory_space<hbm>>) dst(%arg14 : memref<80x128xf32, #tpu.memory_space<vmem>>)
      %add3A_1339 = arith.constant 2 : i32
      %add3A_1340 = arith.addi %mul3A_1298, %add3A_1339 : i32
      %dma_start3A_1341 = arith.constant 0 : i32
      %dma_start3A_1342 = tpu.memref_slice %arg11[%add3A_1340, %dma_start3A_1341] : memref<16x80xi32, #tpu.memory_space<vmem>> -> memref<1x80xi32, #tpu.memory_space<vmem>>
      %dma_start3A_1343 = tpu.memref_squeeze %dma_start3A_1342 : memref<1x80xi32, #tpu.memory_space<vmem>> -> memref<80xi32, #tpu.memory_space<vmem>>
      %dma_start3A_1344 = arith.constant 0 : i32
      %dma_start3A_1345 = arith.constant 0 : i32
      %dma_start3A_1346 = tpu.memref_slice %arg7[%dma_start3A_1344, %dma_start3A_1345] : memref<10112x128xf32, #tpu.memory_space<vmem_shared>> -> memref<10112x128xf32, #tpu.memory_space<vmem_shared>>
      tpu.enqueue_indirect_dma source(%arg14 : memref<80x128xf32, #tpu.memory_space<vmem>>) target(%dma_start3A_1346 : memref<10112x128xf32, #tpu.memory_space<vmem_shared>>) offsets(%dma_start3A_1343 : memref<80xi32, #tpu.memory_space<vmem>>) semaphore(%arg22 : memref<!tpu.dma_semaphore, #tpu.memory_space<semaphore_mem>>) {add = true}
      %add3A_1347 = arith.constant 3 : i32
      %add3A_1348 = arith.addi %mul3A_1298, %add3A_1347 : i32
      %dma_wait3A_1349 = arith.constant 0 : i32
      %dma_wait3A_1350 = tpu.memref_slice %arg10[%add3A_1348, %dma_wait3A_1349] : memref<16x80xi32, #tpu.memory_space<vmem>> -> memref<1x80xi32, #tpu.memory_space<vmem>>
      %dma_wait3A_1351 = tpu.memref_squeeze %dma_wait3A_1350 : memref<1x80xi32, #tpu.memory_space<vmem>> -> memref<80xi32, #tpu.memory_space<vmem>>
      %dma_wait3A_1352 = arith.constant 0 : i32
      %dma_wait3A_1353 = arith.constant 0 : i32
      %dma_wait3A_1354 = tpu.memref_slice %arg4[%dma_wait3A_1352, %dma_wait3A_1353] : memref<20000x128xf32, #tpu.memory_space<hbm>> -> memref<20000x128xf32, #tpu.memory_space<hbm>>
      tpu.wait_indirect_dma semaphore(%arg19 : memref<!tpu.dma_semaphore, #tpu.memory_space<semaphore_mem>>) src(%dma_wait3A_1354 : memref<20000x128xf32, #tpu.memory_space<hbm>>) dst(%arg15 : memref<80x128xf32, #tpu.memory_space<vmem>>)
      %add3A_1355 = arith.constant 3 : i32
      %add3A_1356 = arith.addi %mul3A_1298, %add3A_1355 : i32
      %dma_start3A_1357 = arith.constant 0 : i32
      %dma_start3A_1358 = tpu.memref_slice %arg11[%add3A_1356, %dma_start3A_1357] : memref<16x80xi32, #tpu.memory_space<vmem>> -> memref<1x80xi32, #tpu.memory_space<vmem>>
      %dma_start3A_1359 = tpu.memref_squeeze %dma_start3A_1358 : memref<1x80xi32, #tpu.memory_space<vmem>> -> memref<80xi32, #tpu.memory_space<vmem>>
      %dma_start3A_1360 = arith.constant 0 : i32
      %dma_start3A_1361 = arith.constant 0 : i32
      %dma_start3A_1362 = tpu.memref_slice %arg7[%dma_start3A_1360, %dma_start3A_1361] : memref<10112x128xf32, #tpu.memory_space<vmem_shared>> -> memref<10112x128xf32, #tpu.memory_space<vmem_shared>>
      tpu.enqueue_indirect_dma source(%arg15 : memref<80x128xf32, #tpu.memory_space<vmem>>) target(%dma_start3A_1362 : memref<10112x128xf32, #tpu.memory_space<vmem_shared>>) offsets(%dma_start3A_1359 : memref<80xi32, #tpu.memory_space<vmem>>) semaphore(%arg23 : memref<!tpu.dma_semaphore, #tpu.memory_space<semaphore_mem>>) {add = true}
      %add3A_1363 = arith.constant 0 : i32
      %add3A_1364 = arith.addi %mul3A_1298, %add3A_1363 : i32
      %dma_wait3A_1365 = arith.constant 0 : i32
      %dma_wait3A_1366 = tpu.memref_slice %arg11[%add3A_1364, %dma_wait3A_1365] : memref<16x80xi32, #tpu.memory_space<vmem>> -> memref<1x80xi32, #tpu.memory_space<vmem>>
      %dma_wait3A_1367 = tpu.memref_squeeze %dma_wait3A_1366 : memref<1x80xi32, #tpu.memory_space<vmem>> -> memref<80xi32, #tpu.memory_space<vmem>>
      %dma_wait3A_1368 = arith.constant 0 : i32
      %dma_wait3A_1369 = arith.constant 0 : i32
      %dma_wait3A_1370 = tpu.memref_slice %arg7[%dma_wait3A_1368, %dma_wait3A_1369] : memref<10112x128xf32, #tpu.memory_space<vmem_shared>> -> memref<10112x128xf32, #tpu.memory_space<vmem_shared>>
      tpu.wait_indirect_dma semaphore(%arg20 : memref<!tpu.dma_semaphore, #tpu.memory_space<semaphore_mem>>) src(%arg12 : memref<80x128xf32, #tpu.memory_space<vmem>>) dst(%dma_wait3A_1370 : memref<10112x128xf32, #tpu.memory_space<vmem_shared>>)
      %add3A_1371 = arith.constant 4 : i32
      %add3A_1372 = arith.addi %mul3A_1298, %add3A_1371 : i32
      %add3A_1373 = arith.constant 0 : i32
      %add3A_1374 = arith.addi %add3A_1372, %add3A_1373 : i32
      %dma_start3A_1375 = arith.constant 0 : i32
      %dma_start3A_1376 = tpu.memref_slice %arg10[%add3A_1374, %dma_start3A_1375] : memref<16x80xi32, #tpu.memory_space<vmem>> -> memref<1x80xi32, #tpu.memory_space<vmem>>
      %dma_start3A_1377 = tpu.memref_squeeze %dma_start3A_1376 : memref<1x80xi32, #tpu.memory_space<vmem>> -> memref<80xi32, #tpu.memory_space<vmem>>
      %dma_start3A_1378 = arith.constant 0 : i32
      %dma_start3A_1379 = arith.constant 0 : i32
      %dma_start3A_1380 = tpu.memref_slice %arg4[%dma_start3A_1378, %dma_start3A_1379] : memref<20000x128xf32, #tpu.memory_space<hbm>> -> memref<20000x128xf32, #tpu.memory_space<hbm>>
      tpu.enqueue_indirect_dma source(%dma_start3A_1380 : memref<20000x128xf32, #tpu.memory_space<hbm>>) target(%arg12 : memref<80x128xf32, #tpu.memory_space<vmem>>) offsets(%dma_start3A_1377 : memref<80xi32, #tpu.memory_space<vmem>>) semaphore(%arg16 : memref<!tpu.dma_semaphore, #tpu.memory_space<semaphore_mem>>)
      %add3A_1381 = arith.constant 1 : i32
      %add3A_1382 = arith.addi %mul3A_1298, %add3A_1381 : i32
      %dma_wait3A_1383 = arith.constant 0 : i32
      %dma_wait3A_1384 = tpu.memref_slice %arg11[%add3A_1382, %dma_wait3A_1383] : memref<16x80xi32, #tpu.memory_space<vmem>> -> memref<1x80xi32, #tpu.memory_space<vmem>>
      %dma_wait3A_1385 = tpu.memref_squeeze %dma_wait3A_1384 : memref<1x80xi32, #tpu.memory_space<vmem>> -> memref<80xi32, #tpu.memory_space<vmem>>
      %dma_wait3A_1386 = arith.constant 0 : i32
      %dma_wait3A_1387 = arith.constant 0 : i32
      %dma_wait3A_1388 = tpu.memref_slice %arg7[%dma_wait3A_1386, %dma_wait3A_1387] : memref<10112x128xf32, #tpu.memory_space<vmem_shared>> -> memref<10112x128xf32, #tpu.memory_space<vmem_shared>>
      tpu.wait_indirect_dma semaphore(%arg21 : memref<!tpu.dma_semaphore, #tpu.memory_space<semaphore_mem>>) src(%arg13 : memref<80x128xf32, #tpu.memory_space<vmem>>) dst(%dma_wait3A_1388 : memref<10112x128xf32, #tpu.memory_space<vmem_shared>>)
      %add3A_1389 = arith.constant 4 : i32
      %add3A_1390 = arith.addi %mul3A_1298, %add3A_1389 : i32
      %add3A_1391 = arith.constant 1 : i32
      %add3A_1392 = arith.addi %add3A_1390, %add3A_1391 : i32
      %dma_start3A_1393 = arith.constant 0 : i32
      %dma_start3A_1394 = tpu.memref_slice %arg10[%add3A_1392, %dma_start3A_1393] : memref<16x80xi32, #tpu.memory_space<vmem>> -> memref<1x80xi32, #tpu.memory_space<vmem>>
      %dma_start3A_1395 = tpu.memref_squeeze %dma_start3A_1394 : memref<1x80xi32, #tpu.memory_space<vmem>> -> memref<80xi32, #tpu.memory_space<vmem>>
      %dma_start3A_1396 = arith.constant 0 : i32
      %dma_start3A_1397 = arith.constant 0 : i32
      %dma_start3A_1398 = tpu.memref_slice %arg4[%dma_start3A_1396, %dma_start3A_1397] : memref<20000x128xf32, #tpu.memory_space<hbm>> -> memref<20000x128xf32, #tpu.memory_space<hbm>>
      tpu.enqueue_indirect_dma source(%dma_start3A_1398 : memref<20000x128xf32, #tpu.memory_space<hbm>>) target(%arg13 : memref<80x128xf32, #tpu.memory_space<vmem>>) offsets(%dma_start3A_1395 : memref<80xi32, #tpu.memory_space<vmem>>) semaphore(%arg17 : memref<!tpu.dma_semaphore, #tpu.memory_space<semaphore_mem>>)
      %add3A_1399 = arith.constant 2 : i32
      %add3A_1400 = arith.addi %mul3A_1298, %add3A_1399 : i32
      %dma_wait3A_1401 = arith.constant 0 : i32
      %dma_wait3A_1402 = tpu.memref_slice %arg11[%add3A_1400, %dma_wait3A_1401] : memref<16x80xi32, #tpu.memory_space<vmem>> -> memref<1x80xi32, #tpu.memory_space<vmem>>
      %dma_wait3A_1403 = tpu.memref_squeeze %dma_wait3A_1402 : memref<1x80xi32, #tpu.memory_space<vmem>> -> memref<80xi32, #tpu.memory_space<vmem>>
      %dma_wait3A_1404 = arith.constant 0 : i32
      %dma_wait3A_1405 = arith.constant 0 : i32
      %dma_wait3A_1406 = tpu.memref_slice %arg7[%dma_wait3A_1404, %dma_wait3A_1405] : memref<10112x128xf32, #tpu.memory_space<vmem_shared>> -> memref<10112x128xf32, #tpu.memory_space<vmem_shared>>
      tpu.wait_indirect_dma semaphore(%arg22 : memref<!tpu.dma_semaphore, #tpu.memory_space<semaphore_mem>>) src(%arg14 : memref<80x128xf32, #tpu.memory_space<vmem>>) dst(%dma_wait3A_1406 : memref<10112x128xf32, #tpu.memory_space<vmem_shared>>)
      %add3A_1407 = arith.constant 4 : i32
      %add3A_1408 = arith.addi %mul3A_1298, %add3A_1407 : i32
      %add3A_1409 = arith.constant 2 : i32
      %add3A_1410 = arith.addi %add3A_1408, %add3A_1409 : i32
      %dma_start3A_1411 = arith.constant 0 : i32
      %dma_start3A_1412 = tpu.memref_slice %arg10[%add3A_1410, %dma_start3A_1411] : memref<16x80xi32, #tpu.memory_space<vmem>> -> memref<1x80xi32, #tpu.memory_space<vmem>>
      %dma_start3A_1413 = tpu.memref_squeeze %dma_start3A_1412 : memref<1x80xi32, #tpu.memory_space<vmem>> -> memref<80xi32, #tpu.memory_space<vmem>>
      %dma_start3A_1414 = arith.constant 0 : i32
      %dma_start3A_1415 = arith.constant 0 : i32
      %dma_start3A_1416 = tpu.memref_slice %arg4[%dma_start3A_1414, %dma_start3A_1415] : memref<20000x128xf32, #tpu.memory_space<hbm>> -> memref<20000x128xf32, #tpu.memory_space<hbm>>
      tpu.enqueue_indirect_dma source(%dma_start3A_1416 : memref<20000x128xf32, #tpu.memory_space<hbm>>) target(%arg14 : memref<80x128xf32, #tpu.memory_space<vmem>>) offsets(%dma_start3A_1413 : memref<80xi32, #tpu.memory_space<vmem>>) semaphore(%arg18 : memref<!tpu.dma_semaphore, #tpu.memory_space<semaphore_mem>>)
      %add3A_1417 = arith.constant 3 : i32
      %add3A_1418 = arith.addi %mul3A_1298, %add3A_1417 : i32
      %dma_wait3A_1419 = arith.constant 0 : i32
      %dma_wait3A_1420 = tpu.memref_slice %arg11[%add3A_1418, %dma_wait3A_1419] : memref<16x80xi32, #tpu.memory_space<vmem>> -> memref<1x80xi32, #tpu.memory_space<vmem>>
      %dma_wait3A_1421 = tpu.memref_squeeze %dma_wait3A_1420 : memref<1x80xi32, #tpu.memory_space<vmem>> -> memref<80xi32, #tpu.memory_space<vmem>>
      %dma_wait3A_1422 = arith.constant 0 : i32
      %dma_wait3A_1423 = arith.constant 0 : i32
      %dma_wait3A_1424 = tpu.memref_slice %arg7[%dma_wait3A_1422, %dma_wait3A_1423] : memref<10112x128xf32, #tpu.memory_space<vmem_shared>> -> memref<10112x128xf32, #tpu.memory_space<vmem_shared>>
      tpu.wait_indirect_dma semaphore(%arg23 : memref<!tpu.dma_semaphore, #tpu.memory_space<semaphore_mem>>) src(%arg15 : memref<80x128xf32, #tpu.memory_space<vmem>>) dst(%dma_wait3A_1424 : memref<10112x128xf32, #tpu.memory_space<vmem_shared>>)
      %add3A_1425 = arith.constant 4 : i32
      %add3A_1426 = arith.addi %mul3A_1298, %add3A_1425 : i32
      %add3A_1427 = arith.constant 3 : i32
      %add3A_1428 = arith.addi %add3A_1426, %add3A_1427 : i32
      %dma_start3A_1429 = arith.constant 0 : i32
      %dma_start3A_1430 = tpu.memref_slice %arg10[%add3A_1428, %dma_start3A_1429] : memref<16x80xi32, #tpu.memory_space<vmem>> -> memref<1x80xi32, #tpu.memory_space<vmem>>
      %dma_start3A_1431 = tpu.memref_squeeze %dma_start3A_1430 : memref<1x80xi32, #tpu.memory_space<vmem>> -> memref<80xi32, #tpu.memory_space<vmem>>
      %dma_start3A_1432 = arith.constant 0 : i32
      %dma_start3A_1433 = arith.constant 0 : i32
      %dma_start3A_1434 = tpu.memref_slice %arg4[%dma_start3A_1432, %dma_start3A_1433] : memref<20000x128xf32, #tpu.memory_space<hbm>> -> memref<20000x128xf32, #tpu.memory_space<hbm>>
      tpu.enqueue_indirect_dma source(%dma_start3A_1434 : memref<20000x128xf32, #tpu.memory_space<hbm>>) target(%arg15 : memref<80x128xf32, #tpu.memory_space<vmem>>) offsets(%dma_start3A_1431 : memref<80xi32, #tpu.memory_space<vmem>>) semaphore(%arg19 : memref<!tpu.dma_semaphore, #tpu.memory_space<semaphore_mem>>)
      %scan3A_1435 = arith.constant 0 : i32
      scf.yield %scan3A_1435 : i32
    }
    %scan3A_255 = arith.constant 3 : i32
    %dma_wait3A_256 = arith.constant 12 : i32
    %dma_wait3A_257 = arith.constant 0 : i32
    %dma_wait3A_258 = tpu.memref_slice %arg10[%dma_wait3A_256, %dma_wait3A_257] : memref<16x80xi32, #tpu.memory_space<vmem>> -> memref<1x80xi32, #tpu.memory_space<vmem>>
    %dma_wait3A_259 = tpu.memref_squeeze %dma_wait3A_258 : memref<1x80xi32, #tpu.memory_space<vmem>> -> memref<80xi32, #tpu.memory_space<vmem>>
    %dma_wait3A_260 = arith.constant 0 : i32
    %dma_wait3A_261 = arith.constant 0 : i32
    %dma_wait3A_262 = tpu.memref_slice %arg4[%dma_wait3A_260, %dma_wait3A_261] : memref<20000x128xf32, #tpu.memory_space<hbm>> -> memref<20000x128xf32, #tpu.memory_space<hbm>>
    tpu.wait_indirect_dma semaphore(%arg16 : memref<!tpu.dma_semaphore, #tpu.memory_space<semaphore_mem>>) src(%dma_wait3A_262 : memref<20000x128xf32, #tpu.memory_space<hbm>>) dst(%arg12 : memref<80x128xf32, #tpu.memory_space<vmem>>)
    %dma_start3A_263 = arith.constant 12 : i32
    %dma_start3A_264 = arith.constant 0 : i32
    %dma_start3A_265 = tpu.memref_slice %arg11[%dma_start3A_263, %dma_start3A_264] : memref<16x80xi32, #tpu.memory_space<vmem>> -> memref<1x80xi32, #tpu.memory_space<vmem>>
    %dma_start3A_266 = tpu.memref_squeeze %dma_start3A_265 : memref<1x80xi32, #tpu.memory_space<vmem>> -> memref<80xi32, #tpu.memory_space<vmem>>
    %dma_start3A_267 = arith.constant 0 : i32
    %dma_start3A_268 = arith.constant 0 : i32
    %dma_start3A_269 = tpu.memref_slice %arg7[%dma_start3A_267, %dma_start3A_268] : memref<10112x128xf32, #tpu.memory_space<vmem_shared>> -> memref<10112x128xf32, #tpu.memory_space<vmem_shared>>
    tpu.enqueue_indirect_dma source(%arg12 : memref<80x128xf32, #tpu.memory_space<vmem>>) target(%dma_start3A_269 : memref<10112x128xf32, #tpu.memory_space<vmem_shared>>) offsets(%dma_start3A_266 : memref<80xi32, #tpu.memory_space<vmem>>) semaphore(%arg20 : memref<!tpu.dma_semaphore, #tpu.memory_space<semaphore_mem>>) {add = true}
    %dma_wait3A_270 = arith.constant 13 : i32
    %dma_wait3A_271 = arith.constant 0 : i32
    %dma_wait3A_272 = tpu.memref_slice %arg10[%dma_wait3A_270, %dma_wait3A_271] : memref<16x80xi32, #tpu.memory_space<vmem>> -> memref<1x80xi32, #tpu.memory_space<vmem>>
    %dma_wait3A_273 = tpu.memref_squeeze %dma_wait3A_272 : memref<1x80xi32, #tpu.memory_space<vmem>> -> memref<80xi32, #tpu.memory_space<vmem>>
    %dma_wait3A_274 = arith.constant 0 : i32
    %dma_wait3A_275 = arith.constant 0 : i32
    %dma_wait3A_276 = tpu.memref_slice %arg4[%dma_wait3A_274, %dma_wait3A_275] : memref<20000x128xf32, #tpu.memory_space<hbm>> -> memref<20000x128xf32, #tpu.memory_space<hbm>>
    tpu.wait_indirect_dma semaphore(%arg17 : memref<!tpu.dma_semaphore, #tpu.memory_space<semaphore_mem>>) src(%dma_wait3A_276 : memref<20000x128xf32, #tpu.memory_space<hbm>>) dst(%arg13 : memref<80x128xf32, #tpu.memory_space<vmem>>)
    %dma_start3A_277 = arith.constant 13 : i32
    %dma_start3A_278 = arith.constant 0 : i32
    %dma_start3A_279 = tpu.memref_slice %arg11[%dma_start3A_277, %dma_start3A_278] : memref<16x80xi32, #tpu.memory_space<vmem>> -> memref<1x80xi32, #tpu.memory_space<vmem>>
    %dma_start3A_280 = tpu.memref_squeeze %dma_start3A_279 : memref<1x80xi32, #tpu.memory_space<vmem>> -> memref<80xi32, #tpu.memory_space<vmem>>
    %dma_start3A_281 = arith.constant 0 : i32
    %dma_start3A_282 = arith.constant 0 : i32
    %dma_start3A_283 = tpu.memref_slice %arg7[%dma_start3A_281, %dma_start3A_282] : memref<10112x128xf32, #tpu.memory_space<vmem_shared>> -> memref<10112x128xf32, #tpu.memory_space<vmem_shared>>
    tpu.enqueue_indirect_dma source(%arg13 : memref<80x128xf32, #tpu.memory_space<vmem>>) target(%dma_start3A_283 : memref<10112x128xf32, #tpu.memory_space<vmem_shared>>) offsets(%dma_start3A_280 : memref<80xi32, #tpu.memory_space<vmem>>) semaphore(%arg21 : memref<!tpu.dma_semaphore, #tpu.memory_space<semaphore_mem>>) {add = true}
    %dma_wait3A_284 = arith.constant 14 : i32
    %dma_wait3A_285 = arith.constant 0 : i32
    %dma_wait3A_286 = tpu.memref_slice %arg10[%dma_wait3A_284, %dma_wait3A_285] : memref<16x80xi32, #tpu.memory_space<vmem>> -> memref<1x80xi32, #tpu.memory_space<vmem>>
    %dma_wait3A_287 = tpu.memref_squeeze %dma_wait3A_286 : memref<1x80xi32, #tpu.memory_space<vmem>> -> memref<80xi32, #tpu.memory_space<vmem>>
    %dma_wait3A_288 = arith.constant 0 : i32
    %dma_wait3A_289 = arith.constant 0 : i32
    %dma_wait3A_290 = tpu.memref_slice %arg4[%dma_wait3A_288, %dma_wait3A_289] : memref<20000x128xf32, #tpu.memory_space<hbm>> -> memref<20000x128xf32, #tpu.memory_space<hbm>>
    tpu.wait_indirect_dma semaphore(%arg18 : memref<!tpu.dma_semaphore, #tpu.memory_space<semaphore_mem>>) src(%dma_wait3A_290 : memref<20000x128xf32, #tpu.memory_space<hbm>>) dst(%arg14 : memref<80x128xf32, #tpu.memory_space<vmem>>)
    %dma_start3A_291 = arith.constant 14 : i32
    %dma_start3A_292 = arith.constant 0 : i32
    %dma_start3A_293 = tpu.memref_slice %arg11[%dma_start3A_291, %dma_start3A_292] : memref<16x80xi32, #tpu.memory_space<vmem>> -> memref<1x80xi32, #tpu.memory_space<vmem>>
    %dma_start3A_294 = tpu.memref_squeeze %dma_start3A_293 : memref<1x80xi32, #tpu.memory_space<vmem>> -> memref<80xi32, #tpu.memory_space<vmem>>
    %dma_start3A_295 = arith.constant 0 : i32
    %dma_start3A_296 = arith.constant 0 : i32
    %dma_start3A_297 = tpu.memref_slice %arg7[%dma_start3A_295, %dma_start3A_296] : memref<10112x128xf32, #tpu.memory_space<vmem_shared>> -> memref<10112x128xf32, #tpu.memory_space<vmem_shared>>
    tpu.enqueue_indirect_dma source(%arg14 : memref<80x128xf32, #tpu.memory_space<vmem>>) target(%dma_start3A_297 : memref<10112x128xf32, #tpu.memory_space<vmem_shared>>) offsets(%dma_start3A_294 : memref<80xi32, #tpu.memory_space<vmem>>) semaphore(%arg22 : memref<!tpu.dma_semaphore, #tpu.memory_space<semaphore_mem>>) {add = true}
    %dma_wait3A_298 = arith.constant 15 : i32
    %dma_wait3A_299 = arith.constant 0 : i32
    %dma_wait3A_300 = tpu.memref_slice %arg10[%dma_wait3A_298, %dma_wait3A_299] : memref<16x80xi32, #tpu.memory_space<vmem>> -> memref<1x80xi32, #tpu.memory_space<vmem>>
    %dma_wait3A_301 = tpu.memref_squeeze %dma_wait3A_300 : memref<1x80xi32, #tpu.memory_space<vmem>> -> memref<80xi32, #tpu.memory_space<vmem>>
    %dma_wait3A_302 = arith.constant 0 : i32
    %dma_wait3A_303 = arith.constant 0 : i32
    %dma_wait3A_304 = tpu.memref_slice %arg4[%dma_wait3A_302, %dma_wait3A_303] : memref<20000x128xf32, #tpu.memory_space<hbm>> -> memref<20000x128xf32, #tpu.memory_space<hbm>>
    tpu.wait_indirect_dma semaphore(%arg19 : memref<!tpu.dma_semaphore, #tpu.memory_space<semaphore_mem>>) src(%dma_wait3A_304 : memref<20000x128xf32, #tpu.memory_space<hbm>>) dst(%arg15 : memref<80x128xf32, #tpu.memory_space<vmem>>)
    %dma_start3A_305 = arith.constant 15 : i32
    %dma_start3A_306 = arith.constant 0 : i32
    %dma_start3A_307 = tpu.memref_slice %arg11[%dma_start3A_305, %dma_start3A_306] : memref<16x80xi32, #tpu.memory_space<vmem>> -> memref<1x80xi32, #tpu.memory_space<vmem>>
    %dma_start3A_308 = tpu.memref_squeeze %dma_start3A_307 : memref<1x80xi32, #tpu.memory_space<vmem>> -> memref<80xi32, #tpu.memory_space<vmem>>
    %dma_start3A_309 = arith.constant 0 : i32
    %dma_start3A_310 = arith.constant 0 : i32
    %dma_start3A_311 = tpu.memref_slice %arg7[%dma_start3A_309, %dma_start3A_310] : memref<10112x128xf32, #tpu.memory_space<vmem_shared>> -> memref<10112x128xf32, #tpu.memory_space<vmem_shared>>
    tpu.enqueue_indirect_dma source(%arg15 : memref<80x128xf32, #tpu.memory_space<vmem>>) target(%dma_start3A_311 : memref<10112x128xf32, #tpu.memory_space<vmem_shared>>) offsets(%dma_start3A_308 : memref<80xi32, #tpu.memory_space<vmem>>) semaphore(%arg23 : memref<!tpu.dma_semaphore, #tpu.memory_space<semaphore_mem>>) {add = true}
    %dma_wait3A_312 = arith.constant 12 : i32
    %dma_wait3A_313 = arith.constant 0 : i32
    %dma_wait3A_314 = tpu.memref_slice %arg11[%dma_wait3A_312, %dma_wait3A_313] : memref<16x80xi32, #tpu.memory_space<vmem>> -> memref<1x80xi32, #tpu.memory_space<vmem>>
    %dma_wait3A_315 = tpu.memref_squeeze %dma_wait3A_314 : memref<1x80xi32, #tpu.memory_space<vmem>> -> memref<80xi32, #tpu.memory_space<vmem>>
    %dma_wait3A_316 = arith.constant 0 : i32
    %dma_wait3A_317 = arith.constant 0 : i32
    %dma_wait3A_318 = tpu.memref_slice %arg7[%dma_wait3A_316, %dma_wait3A_317] : memref<10112x128xf32, #tpu.memory_space<vmem_shared>> -> memref<10112x128xf32, #tpu.memory_space<vmem_shared>>
    tpu.wait_indirect_dma semaphore(%arg20 : memref<!tpu.dma_semaphore, #tpu.memory_space<semaphore_mem>>) src(%arg12 : memref<80x128xf32, #tpu.memory_space<vmem>>) dst(%dma_wait3A_318 : memref<10112x128xf32, #tpu.memory_space<vmem_shared>>)
    %dma_wait3A_319 = arith.constant 13 : i32
    %dma_wait3A_320 = arith.constant 0 : i32
    %dma_wait3A_321 = tpu.memref_slice %arg11[%dma_wait3A_319, %dma_wait3A_320] : memref<16x80xi32, #tpu.memory_space<vmem>> -> memref<1x80xi32, #tpu.memory_space<vmem>>
    %dma_wait3A_322 = tpu.memref_squeeze %dma_wait3A_321 : memref<1x80xi32, #tpu.memory_space<vmem>> -> memref<80xi32, #tpu.memory_space<vmem>>
    %dma_wait3A_323 = arith.constant 0 : i32
    %dma_wait3A_324 = arith.constant 0 : i32
    %dma_wait3A_325 = tpu.memref_slice %arg7[%dma_wait3A_323, %dma_wait3A_324] : memref<10112x128xf32, #tpu.memory_space<vmem_shared>> -> memref<10112x128xf32, #tpu.memory_space<vmem_shared>>
    tpu.wait_indirect_dma semaphore(%arg21 : memref<!tpu.dma_semaphore, #tpu.memory_space<semaphore_mem>>) src(%arg13 : memref<80x128xf32, #tpu.memory_space<vmem>>) dst(%dma_wait3A_325 : memref<10112x128xf32, #tpu.memory_space<vmem_shared>>)
    %dma_wait3A_326 = arith.constant 14 : i32
    %dma_wait3A_327 = arith.constant 0 : i32
    %dma_wait3A_328 = tpu.memref_slice %arg11[%dma_wait3A_326, %dma_wait3A_327] : memref<16x80xi32, #tpu.memory_space<vmem>> -> memref<1x80xi32, #tpu.memory_space<vmem>>
    %dma_wait3A_329 = tpu.memref_squeeze %dma_wait3A_328 : memref<1x80xi32, #tpu.memory_space<vmem>> -> memref<80xi32, #tpu.memory_space<vmem>>
    %dma_wait3A_330 = arith.constant 0 : i32
    %dma_wait3A_331 = arith.constant 0 : i32
    %dma_wait3A_332 = tpu.memref_slice %arg7[%dma_wait3A_330, %dma_wait3A_331] : memref<10112x128xf32, #tpu.memory_space<vmem_shared>> -> memref<10112x128xf32, #tpu.memory_space<vmem_shared>>
    tpu.wait_indirect_dma semaphore(%arg22 : memref<!tpu.dma_semaphore, #tpu.memory_space<semaphore_mem>>) src(%arg14 : memref<80x128xf32, #tpu.memory_space<vmem>>) dst(%dma_wait3A_332 : memref<10112x128xf32, #tpu.memory_space<vmem_shared>>)
    %dma_wait3A_333 = arith.constant 15 : i32
    %dma_wait3A_334 = arith.constant 0 : i32
    %dma_wait3A_335 = tpu.memref_slice %arg11[%dma_wait3A_333, %dma_wait3A_334] : memref<16x80xi32, #tpu.memory_space<vmem>> -> memref<1x80xi32, #tpu.memory_space<vmem>>
    %dma_wait3A_336 = tpu.memref_squeeze %dma_wait3A_335 : memref<1x80xi32, #tpu.memory_space<vmem>> -> memref<80xi32, #tpu.memory_space<vmem>>
    %dma_wait3A_337 = arith.constant 0 : i32
    %dma_wait3A_338 = arith.constant 0 : i32
    %dma_wait3A_339 = tpu.memref_slice %arg7[%dma_wait3A_337, %dma_wait3A_338] : memref<10112x128xf32, #tpu.memory_space<vmem_shared>> -> memref<10112x128xf32, #tpu.memory_space<vmem_shared>>
    tpu.wait_indirect_dma semaphore(%arg23 : memref<!tpu.dma_semaphore, #tpu.memory_space<semaphore_mem>>) src(%arg15 : memref<80x128xf32, #tpu.memory_space<vmem>>) dst(%dma_wait3A_339 : memref<10112x128xf32, #tpu.memory_space<vmem_shared>>)
    %mul3A_340 = arith.constant 2048 : i32
    %mul3A_341 = arith.muli %arg0, %mul3A_340 : i32
    %mul3A_342 = arith.constant 128 : i32
    %mul3A_343 = arith.muli %arg1, %mul3A_342 : i32
    %add3A_344 = arith.addi %mul3A_341, %mul3A_343 : i32
    %add3A_345 = arith.constant 32 : i32
    %add3A_346 = arith.addi %add3A_344, %add3A_345 : i32
    %multiple_of3A_347 = tpu.assume_multiple %add3A_346, 8 : i32
    %dma_wait3A_348 = arith.constant 0 : i32
    %dma_wait3A_349 = tpu.memref_slice %arg2[%multiple_of3A_347, %dma_wait3A_348] : memref<4096x80xi32, #tpu.memory_space<hbm>> -> memref<16x80xi32, #tpu.memory_space<hbm>>
    %dma_wait3A_350 = arith.constant 0 : i32
    %dma_wait3A_351 = tpu.memref_slice %arg2[%multiple_of3A_347, %dma_wait3A_350] : memref<4096x80xi32, #tpu.memory_space<hbm>> -> memref<16x80xi32, #tpu.memory_space<hbm>>
    tpu.wait_dma2 semaphore(%arg24 : memref<!tpu.dma_semaphore, #tpu.memory_space<semaphore_mem>>) src(%dma_wait3A_351 : memref<16x80xi32, #tpu.memory_space<hbm>>) dst(%arg8 : memref<16x80xi32, #tpu.memory_space<vmem>>)
    %mul3A_352 = arith.constant 128 : i32
    %mul3A_353 = arith.muli %arg1, %mul3A_352 : i32
    %add3A_354 = arith.constant 32 : i32
    %add3A_355 = arith.addi %mul3A_353, %add3A_354 : i32
    %multiple_of3A_356 = tpu.assume_multiple %add3A_355, 8 : i32
    %dma_wait3A_357 = arith.constant 0 : i32
    %dma_wait3A_358 = tpu.memref_slice %arg3[%multiple_of3A_356, %dma_wait3A_357] : memref<2048x80xi32, #tpu.memory_space<hbm>> -> memref<16x80xi32, #tpu.memory_space<hbm>>
    %dma_wait3A_359 = arith.constant 0 : i32
    %dma_wait3A_360 = tpu.memref_slice %arg3[%multiple_of3A_356, %dma_wait3A_359] : memref<2048x80xi32, #tpu.memory_space<hbm>> -> memref<16x80xi32, #tpu.memory_space<hbm>>
    tpu.wait_dma2 semaphore(%arg24 : memref<!tpu.dma_semaphore, #tpu.memory_space<semaphore_mem>>) src(%dma_wait3A_360 : memref<16x80xi32, #tpu.memory_space<hbm>>) dst(%arg9 : memref<16x80xi32, #tpu.memory_space<vmem>>)
    %mul3A_361 = arith.constant 2048 : i32
    %mul3A_362 = arith.muli %arg0, %mul3A_361 : i32
    %mul3A_363 = arith.constant 128 : i32
    %mul3A_364 = arith.muli %arg1, %mul3A_363 : i32
    %add3A_365 = arith.addi %mul3A_362, %mul3A_364 : i32
    %add3A_366 = arith.constant 48 : i32
    %add3A_367 = arith.addi %add3A_365, %add3A_366 : i32
    %multiple_of3A_368 = tpu.assume_multiple %add3A_367, 8 : i32
    %dma_start3A_369 = arith.constant 0 : i32
    %dma_start3A_370 = tpu.memref_slice %arg2[%multiple_of3A_368, %dma_start3A_369] : memref<4096x80xi32, #tpu.memory_space<hbm>> -> memref<16x80xi32, #tpu.memory_space<hbm>>
    %dma_start3A_371 = arith.constant 0 : i32
    %dma_start3A_372 = tpu.memref_slice %arg2[%multiple_of3A_368, %dma_start3A_371] : memref<4096x80xi32, #tpu.memory_space<hbm>> -> memref<16x80xi32, #tpu.memory_space<hbm>>
    tpu.enqueue_dma source(%dma_start3A_372 : memref<16x80xi32, #tpu.memory_space<hbm>>) target(%arg10 : memref<16x80xi32, #tpu.memory_space<vmem>>) target_semaphore(%arg25 : memref<!tpu.dma_semaphore, #tpu.memory_space<semaphore_mem>>)
    %mul3A_373 = arith.constant 128 : i32
    %mul3A_374 = arith.muli %arg1, %mul3A_373 : i32
    %add3A_375 = arith.constant 48 : i32
    %add3A_376 = arith.addi %mul3A_374, %add3A_375 : i32
    %multiple_of3A_377 = tpu.assume_multiple %add3A_376, 8 : i32
    %dma_start3A_378 = arith.constant 0 : i32
    %dma_start3A_379 = tpu.memref_slice %arg3[%multiple_of3A_377, %dma_start3A_378] : memref<2048x80xi32, #tpu.memory_space<hbm>> -> memref<16x80xi32, #tpu.memory_space<hbm>>
    %dma_start3A_380 = arith.constant 0 : i32
    %dma_start3A_381 = tpu.memref_slice %arg3[%multiple_of3A_377, %dma_start3A_380] : memref<2048x80xi32, #tpu.memory_space<hbm>> -> memref<16x80xi32, #tpu.memory_space<hbm>>
    tpu.enqueue_dma source(%dma_start3A_381 : memref<16x80xi32, #tpu.memory_space<hbm>>) target(%arg11 : memref<16x80xi32, #tpu.memory_space<vmem>>) target_semaphore(%arg25 : memref<!tpu.dma_semaphore, #tpu.memory_space<semaphore_mem>>)
    %dma_start3A_382 = arith.constant 0 : i32
    %dma_start3A_383 = arith.constant 0 : i32
    %dma_start3A_384 = tpu.memref_slice %arg8[%dma_start3A_382, %dma_start3A_383] : memref<16x80xi32, #tpu.memory_space<vmem>> -> memref<1x80xi32, #tpu.memory_space<vmem>>
    %dma_start3A_385 = tpu.memref_squeeze %dma_start3A_384 : memref<1x80xi32, #tpu.memory_space<vmem>> -> memref<80xi32, #tpu.memory_space<vmem>>
    %dma_start3A_386 = arith.constant 0 : i32
    %dma_start3A_387 = arith.constant 0 : i32
    %dma_start3A_388 = tpu.memref_slice %arg4[%dma_start3A_386, %dma_start3A_387] : memref<20000x128xf32, #tpu.memory_space<hbm>> -> memref<20000x128xf32, #tpu.memory_space<hbm>>
    tpu.enqueue_indirect_dma source(%dma_start3A_388 : memref<20000x128xf32, #tpu.memory_space<hbm>>) target(%arg12 : memref<80x128xf32, #tpu.memory_space<vmem>>) offsets(%dma_start3A_385 : memref<80xi32, #tpu.memory_space<vmem>>) semaphore(%arg16 : memref<!tpu.dma_semaphore, #tpu.memory_space<semaphore_mem>>)
    %dma_start3A_389 = arith.constant 1 : i32
    %dma_start3A_390 = arith.constant 0 : i32
    %dma_start3A_391 = tpu.memref_slice %arg8[%dma_start3A_389, %dma_start3A_390] : memref<16x80xi32, #tpu.memory_space<vmem>> -> memref<1x80xi32, #tpu.memory_space<vmem>>
    %dma_start3A_392 = tpu.memref_squeeze %dma_start3A_391 : memref<1x80xi32, #tpu.memory_space<vmem>> -> memref<80xi32, #tpu.memory_space<vmem>>
    %dma_start3A_393 = arith.constant 0 : i32
    %dma_start3A_394 = arith.constant 0 : i32
    %dma_start3A_395 = tpu.memref_slice %arg4[%dma_start3A_393, %dma_start3A_394] : memref<20000x128xf32, #tpu.memory_space<hbm>> -> memref<20000x128xf32, #tpu.memory_space<hbm>>
    tpu.enqueue_indirect_dma source(%dma_start3A_395 : memref<20000x128xf32, #tpu.memory_space<hbm>>) target(%arg13 : memref<80x128xf32, #tpu.memory_space<vmem>>) offsets(%dma_start3A_392 : memref<80xi32, #tpu.memory_space<vmem>>) semaphore(%arg17 : memref<!tpu.dma_semaphore, #tpu.memory_space<semaphore_mem>>)
    %dma_start3A_396 = arith.constant 2 : i32
    %dma_start3A_397 = arith.constant 0 : i32
    %dma_start3A_398 = tpu.memref_slice %arg8[%dma_start3A_396, %dma_start3A_397] : memref<16x80xi32, #tpu.memory_space<vmem>> -> memref<1x80xi32, #tpu.memory_space<vmem>>
    %dma_start3A_399 = tpu.memref_squeeze %dma_start3A_398 : memref<1x80xi32, #tpu.memory_space<vmem>> -> memref<80xi32, #tpu.memory_space<vmem>>
    %dma_start3A_400 = arith.constant 0 : i32
    %dma_start3A_401 = arith.constant 0 : i32
    %dma_start3A_402 = tpu.memref_slice %arg4[%dma_start3A_400, %dma_start3A_401] : memref<20000x128xf32, #tpu.memory_space<hbm>> -> memref<20000x128xf32, #tpu.memory_space<hbm>>
    tpu.enqueue_indirect_dma source(%dma_start3A_402 : memref<20000x128xf32, #tpu.memory_space<hbm>>) target(%arg14 : memref<80x128xf32, #tpu.memory_space<vmem>>) offsets(%dma_start3A_399 : memref<80xi32, #tpu.memory_space<vmem>>) semaphore(%arg18 : memref<!tpu.dma_semaphore, #tpu.memory_space<semaphore_mem>>)
    %dma_start3A_403 = arith.constant 3 : i32
    %dma_start3A_404 = arith.constant 0 : i32
    %dma_start3A_405 = tpu.memref_slice %arg8[%dma_start3A_403, %dma_start3A_404] : memref<16x80xi32, #tpu.memory_space<vmem>> -> memref<1x80xi32, #tpu.memory_space<vmem>>
    %dma_start3A_406 = tpu.memref_squeeze %dma_start3A_405 : memref<1x80xi32, #tpu.memory_space<vmem>> -> memref<80xi32, #tpu.memory_space<vmem>>
    %dma_start3A_407 = arith.constant 0 : i32
    %dma_start3A_408 = arith.constant 0 : i32
    %dma_start3A_409 = tpu.memref_slice %arg4[%dma_start3A_407, %dma_start3A_408] : memref<20000x128xf32, #tpu.memory_space<hbm>> -> memref<20000x128xf32, #tpu.memory_space<hbm>>
    tpu.enqueue_indirect_dma source(%dma_start3A_409 : memref<20000x128xf32, #tpu.memory_space<hbm>>) target(%arg15 : memref<80x128xf32, #tpu.memory_space<vmem>>) offsets(%dma_start3A_406 : memref<80xi32, #tpu.memory_space<vmem>>) semaphore(%arg19 : memref<!tpu.dma_semaphore, #tpu.memory_space<semaphore_mem>>)
    %scan3A_410 = arith.constant 0 : i32
    %scan3A_411 = arith.constant 0 : i32
    %scan3A_412 = arith.constant 3 : i32
    %scan3A_413 = arith.addi %scan3A_411, %scan3A_412 : i32
    %scan3A_414 = arith.constant 1 : i32
    %scan3A_415 = scf.for %scan3A_1295 = %scan3A_411 to %scan3A_413 step %scan3A_414 iter_args(%scan3A_1296 = %scan3A_410) -> (i32)  : i32 {
      %mul3A_1297 = arith.constant 4 : i32
      %mul3A_1298 = arith.muli %scan3A_1295, %mul3A_1297 : i32
      %add3A_1299 = arith.constant 0 : i32
      %add3A_1300 = arith.addi %mul3A_1298, %add3A_1299 : i32
      %dma_wait3A_1301 = arith.constant 0 : i32
      %dma_wait3A_1302 = tpu.memref_slice %arg8[%add3A_1300, %dma_wait3A_1301] : memref<16x80xi32, #tpu.memory_space<vmem>> -> memref<1x80xi32, #tpu.memory_space<vmem>>
      %dma_wait3A_1303 = tpu.memref_squeeze %dma_wait3A_1302 : memref<1x80xi32, #tpu.memory_space<vmem>> -> memref<80xi32, #tpu.memory_space<vmem>>
      %dma_wait3A_1304 = arith.constant 0 : i32
      %dma_wait3A_1305 = arith.constant 0 : i32
      %dma_wait3A_1306 = tpu.memref_slice %arg4[%dma_wait3A_1304, %dma_wait3A_1305] : memref<20000x128xf32, #tpu.memory_space<hbm>> -> memref<20000x128xf32, #tpu.memory_space<hbm>>
      tpu.wait_indirect_dma semaphore(%arg16 : memref<!tpu.dma_semaphore, #tpu.memory_space<semaphore_mem>>) src(%dma_wait3A_1306 : memref<20000x128xf32, #tpu.memory_space<hbm>>) dst(%arg12 : memref<80x128xf32, #tpu.memory_space<vmem>>)
      %add3A_1307 = arith.constant 0 : i32
      %add3A_1308 = arith.addi %mul3A_1298, %add3A_1307 : i32
      %dma_start3A_1309 = arith.constant 0 : i32
      %dma_start3A_1310 = tpu.memref_slice %arg9[%add3A_1308, %dma_start3A_1309] : memref<16x80xi32, #tpu.memory_space<vmem>> -> memref<1x80xi32, #tpu.memory_space<vmem>>
      %dma_start3A_1311 = tpu.memref_squeeze %dma_start3A_1310 : memref<1x80xi32, #tpu.memory_space<vmem>> -> memref<80xi32, #tpu.memory_space<vmem>>
      %dma_start3A_1312 = arith.constant 0 : i32
      %dma_start3A_1313 = arith.constant 0 : i32
      %dma_start3A_1314 = tpu.memref_slice %arg7[%dma_start3A_1312, %dma_start3A_1313] : memref<10112x128xf32, #tpu.memory_space<vmem_shared>> -> memref<10112x128xf32, #tpu.memory_space<vmem_shared>>
      tpu.enqueue_indirect_dma source(%arg12 : memref<80x128xf32, #tpu.memory_space<vmem>>) target(%dma_start3A_1314 : memref<10112x128xf32, #tpu.memory_space<vmem_shared>>) offsets(%dma_start3A_1311 : memref<80xi32, #tpu.memory_space<vmem>>) semaphore(%arg20 : memref<!tpu.dma_semaphore, #tpu.memory_space<semaphore_mem>>) {add = true}
      %add3A_1315 = arith.constant 1 : i32
      %add3A_1316 = arith.addi %mul3A_1298, %add3A_1315 : i32
      %dma_wait3A_1317 = arith.constant 0 : i32
      %dma_wait3A_1318 = tpu.memref_slice %arg8[%add3A_1316, %dma_wait3A_1317] : memref<16x80xi32, #tpu.memory_space<vmem>> -> memref<1x80xi32, #tpu.memory_space<vmem>>
      %dma_wait3A_1319 = tpu.memref_squeeze %dma_wait3A_1318 : memref<1x80xi32, #tpu.memory_space<vmem>> -> memref<80xi32, #tpu.memory_space<vmem>>
      %dma_wait3A_1320 = arith.constant 0 : i32
      %dma_wait3A_1321 = arith.constant 0 : i32
      %dma_wait3A_1322 = tpu.memref_slice %arg4[%dma_wait3A_1320, %dma_wait3A_1321] : memref<20000x128xf32, #tpu.memory_space<hbm>> -> memref<20000x128xf32, #tpu.memory_space<hbm>>
      tpu.wait_indirect_dma semaphore(%arg17 : memref<!tpu.dma_semaphore, #tpu.memory_space<semaphore_mem>>) src(%dma_wait3A_1322 : memref<20000x128xf32, #tpu.memory_space<hbm>>) dst(%arg13 : memref<80x128xf32, #tpu.memory_space<vmem>>)
      %add3A_1323 = arith.constant 1 : i32
      %add3A_1324 = arith.addi %mul3A_1298, %add3A_1323 : i32
      %dma_start3A_1325 = arith.constant 0 : i32
      %dma_start3A_1326 = tpu.memref_slice %arg9[%add3A_1324, %dma_start3A_1325] : memref<16x80xi32, #tpu.memory_space<vmem>> -> memref<1x80xi32, #tpu.memory_space<vmem>>
      %dma_start3A_1327 = tpu.memref_squeeze %dma_start3A_1326 : memref<1x80xi32, #tpu.memory_space<vmem>> -> memref<80xi32, #tpu.memory_space<vmem>>
      %dma_start3A_1328 = arith.constant 0 : i32
      %dma_start3A_1329 = arith.constant 0 : i32
      %dma_start3A_1330 = tpu.memref_slice %arg7[%dma_start3A_1328, %dma_start3A_1329] : memref<10112x128xf32, #tpu.memory_space<vmem_shared>> -> memref<10112x128xf32, #tpu.memory_space<vmem_shared>>
      tpu.enqueue_indirect_dma source(%arg13 : memref<80x128xf32, #tpu.memory_space<vmem>>) target(%dma_start3A_1330 : memref<10112x128xf32, #tpu.memory_space<vmem_shared>>) offsets(%dma_start3A_1327 : memref<80xi32, #tpu.memory_space<vmem>>) semaphore(%arg21 : memref<!tpu.dma_semaphore, #tpu.memory_space<semaphore_mem>>) {add = true}
      %add3A_1331 = arith.constant 2 : i32
      %add3A_1332 = arith.addi %mul3A_1298, %add3A_1331 : i32
      %dma_wait3A_1333 = arith.constant 0 : i32
      %dma_wait3A_1334 = tpu.memref_slice %arg8[%add3A_1332, %dma_wait3A_1333] : memref<16x80xi32, #tpu.memory_space<vmem>> -> memref<1x80xi32, #tpu.memory_space<vmem>>
      %dma_wait3A_1335 = tpu.memref_squeeze %dma_wait3A_1334 : memref<1x80xi32, #tpu.memory_space<vmem>> -> memref<80xi32, #tpu.memory_space<vmem>>
      %dma_wait3A_1336 = arith.constant 0 : i32
      %dma_wait3A_1337 = arith.constant 0 : i32
      %dma_wait3A_1338 = tpu.memref_slice %arg4[%dma_wait3A_1336, %dma_wait3A_1337] : memref<20000x128xf32, #tpu.memory_space<hbm>> -> memref<20000x128xf32, #tpu.memory_space<hbm>>
      tpu.wait_indirect_dma semaphore(%arg18 : memref<!tpu.dma_semaphore, #tpu.memory_space<semaphore_mem>>) src(%dma_wait3A_1338 : memref<20000x128xf32, #tpu.memory_space<hbm>>) dst(%arg14 : memref<80x128xf32, #tpu.memory_space<vmem>>)
      %add3A_1339 = arith.constant 2 : i32
      %add3A_1340 = arith.addi %mul3A_1298, %add3A_1339 : i32
      %dma_start3A_1341 = arith.constant 0 : i32
      %dma_start3A_1342 = tpu.memref_slice %arg9[%add3A_1340, %dma_start3A_1341] : memref<16x80xi32, #tpu.memory_space<vmem>> -> memref<1x80xi32, #tpu.memory_space<vmem>>
      %dma_start3A_1343 = tpu.memref_squeeze %dma_start3A_1342 : memref<1x80xi32, #tpu.memory_space<vmem>> -> memref<80xi32, #tpu.memory_space<vmem>>
      %dma_start3A_1344 = arith.constant 0 : i32
      %dma_start3A_1345 = arith.constant 0 : i32
      %dma_start3A_1346 = tpu.memref_slice %arg7[%dma_start3A_1344, %dma_start3A_1345] : memref<10112x128xf32, #tpu.memory_space<vmem_shared>> -> memref<10112x128xf32, #tpu.memory_space<vmem_shared>>
      tpu.enqueue_indirect_dma source(%arg14 : memref<80x128xf32, #tpu.memory_space<vmem>>) target(%dma_start3A_1346 : memref<10112x128xf32, #tpu.memory_space<vmem_shared>>) offsets(%dma_start3A_1343 : memref<80xi32, #tpu.memory_space<vmem>>) semaphore(%arg22 : memref<!tpu.dma_semaphore, #tpu.memory_space<semaphore_mem>>) {add = true}
      %add3A_1347 = arith.constant 3 : i32
      %add3A_1348 = arith.addi %mul3A_1298, %add3A_1347 : i32
      %dma_wait3A_1349 = arith.constant 0 : i32
      %dma_wait3A_1350 = tpu.memref_slice %arg8[%add3A_1348, %dma_wait3A_1349] : memref<16x80xi32, #tpu.memory_space<vmem>> -> memref<1x80xi32, #tpu.memory_space<vmem>>
      %dma_wait3A_1351 = tpu.memref_squeeze %dma_wait3A_1350 : memref<1x80xi32, #tpu.memory_space<vmem>> -> memref<80xi32, #tpu.memory_space<vmem>>
      %dma_wait3A_1352 = arith.constant 0 : i32
      %dma_wait3A_1353 = arith.constant 0 : i32
      %dma_wait3A_1354 = tpu.memref_slice %arg4[%dma_wait3A_1352, %dma_wait3A_1353] : memref<20000x128xf32, #tpu.memory_space<hbm>> -> memref<20000x128xf32, #tpu.memory_space<hbm>>
      tpu.wait_indirect_dma semaphore(%arg19 : memref<!tpu.dma_semaphore, #tpu.memory_space<semaphore_mem>>) src(%dma_wait3A_1354 : memref<20000x128xf32, #tpu.memory_space<hbm>>) dst(%arg15 : memref<80x128xf32, #tpu.memory_space<vmem>>)
      %add3A_1355 = arith.constant 3 : i32
      %add3A_1356 = arith.addi %mul3A_1298, %add3A_1355 : i32
      %dma_start3A_1357 = arith.constant 0 : i32
      %dma_start3A_1358 = tpu.memref_slice %arg9[%add3A_1356, %dma_start3A_1357] : memref<16x80xi32, #tpu.memory_space<vmem>> -> memref<1x80xi32, #tpu.memory_space<vmem>>
      %dma_start3A_1359 = tpu.memref_squeeze %dma_start3A_1358 : memref<1x80xi32, #tpu.memory_space<vmem>> -> memref<80xi32, #tpu.memory_space<vmem>>
      %dma_start3A_1360 = arith.constant 0 : i32
      %dma_start3A_1361 = arith.constant 0 : i32
      %dma_start3A_1362 = tpu.memref_slice %arg7[%dma_start3A_1360, %dma_start3A_1361] : memref<10112x128xf32, #tpu.memory_space<vmem_shared>> -> memref<10112x128xf32, #tpu.memory_space<vmem_shared>>
      tpu.enqueue_indirect_dma source(%arg15 : memref<80x128xf32, #tpu.memory_space<vmem>>) target(%dma_start3A_1362 : memref<10112x128xf32, #tpu.memory_space<vmem_shared>>) offsets(%dma_start3A_1359 : memref<80xi32, #tpu.memory_space<vmem>>) semaphore(%arg23 : memref<!tpu.dma_semaphore, #tpu.memory_space<semaphore_mem>>) {add = true}
      %add3A_1363 = arith.constant 0 : i32
      %add3A_1364 = arith.addi %mul3A_1298, %add3A_1363 : i32
      %dma_wait3A_1365 = arith.constant 0 : i32
      %dma_wait3A_1366 = tpu.memref_slice %arg9[%add3A_1364, %dma_wait3A_1365] : memref<16x80xi32, #tpu.memory_space<vmem>> -> memref<1x80xi32, #tpu.memory_space<vmem>>
      %dma_wait3A_1367 = tpu.memref_squeeze %dma_wait3A_1366 : memref<1x80xi32, #tpu.memory_space<vmem>> -> memref<80xi32, #tpu.memory_space<vmem>>
      %dma_wait3A_1368 = arith.constant 0 : i32
      %dma_wait3A_1369 = arith.constant 0 : i32
      %dma_wait3A_1370 = tpu.memref_slice %arg7[%dma_wait3A_1368, %dma_wait3A_1369] : memref<10112x128xf32, #tpu.memory_space<vmem_shared>> -> memref<10112x128xf32, #tpu.memory_space<vmem_shared>>
      tpu.wait_indirect_dma semaphore(%arg20 : memref<!tpu.dma_semaphore, #tpu.memory_space<semaphore_mem>>) src(%arg12 : memref<80x128xf32, #tpu.memory_space<vmem>>) dst(%dma_wait3A_1370 : memref<10112x128xf32, #tpu.memory_space<vmem_shared>>)
      %add3A_1371 = arith.constant 4 : i32
      %add3A_1372 = arith.addi %mul3A_1298, %add3A_1371 : i32
      %add3A_1373 = arith.constant 0 : i32
      %add3A_1374 = arith.addi %add3A_1372, %add3A_1373 : i32
      %dma_start3A_1375 = arith.constant 0 : i32
      %dma_start3A_1376 = tpu.memref_slice %arg8[%add3A_1374, %dma_start3A_1375] : memref<16x80xi32, #tpu.memory_space<vmem>> -> memref<1x80xi32, #tpu.memory_space<vmem>>
      %dma_start3A_1377 = tpu.memref_squeeze %dma_start3A_1376 : memref<1x80xi32, #tpu.memory_space<vmem>> -> memref<80xi32, #tpu.memory_space<vmem>>
      %dma_start3A_1378 = arith.constant 0 : i32
      %dma_start3A_1379 = arith.constant 0 : i32
      %dma_start3A_1380 = tpu.memref_slice %arg4[%dma_start3A_1378, %dma_start3A_1379] : memref<20000x128xf32, #tpu.memory_space<hbm>> -> memref<20000x128xf32, #tpu.memory_space<hbm>>
      tpu.enqueue_indirect_dma source(%dma_start3A_1380 : memref<20000x128xf32, #tpu.memory_space<hbm>>) target(%arg12 : memref<80x128xf32, #tpu.memory_space<vmem>>) offsets(%dma_start3A_1377 : memref<80xi32, #tpu.memory_space<vmem>>) semaphore(%arg16 : memref<!tpu.dma_semaphore, #tpu.memory_space<semaphore_mem>>)
      %add3A_1381 = arith.constant 1 : i32
      %add3A_1382 = arith.addi %mul3A_1298, %add3A_1381 : i32
      %dma_wait3A_1383 = arith.constant 0 : i32
      %dma_wait3A_1384 = tpu.memref_slice %arg9[%add3A_1382, %dma_wait3A_1383] : memref<16x80xi32, #tpu.memory_space<vmem>> -> memref<1x80xi32, #tpu.memory_space<vmem>>
      %dma_wait3A_1385 = tpu.memref_squeeze %dma_wait3A_1384 : memref<1x80xi32, #tpu.memory_space<vmem>> -> memref<80xi32, #tpu.memory_space<vmem>>
      %dma_wait3A_1386 = arith.constant 0 : i32
      %dma_wait3A_1387 = arith.constant 0 : i32
      %dma_wait3A_1388 = tpu.memref_slice %arg7[%dma_wait3A_1386, %dma_wait3A_1387] : memref<10112x128xf32, #tpu.memory_space<vmem_shared>> -> memref<10112x128xf32, #tpu.memory_space<vmem_shared>>
      tpu.wait_indirect_dma semaphore(%arg21 : memref<!tpu.dma_semaphore, #tpu.memory_space<semaphore_mem>>) src(%arg13 : memref<80x128xf32, #tpu.memory_space<vmem>>) dst(%dma_wait3A_1388 : memref<10112x128xf32, #tpu.memory_space<vmem_shared>>)
      %add3A_1389 = arith.constant 4 : i32
      %add3A_1390 = arith.addi %mul3A_1298, %add3A_1389 : i32
      %add3A_1391 = arith.constant 1 : i32
      %add3A_1392 = arith.addi %add3A_1390, %add3A_1391 : i32
      %dma_start3A_1393 = arith.constant 0 : i32
      %dma_start3A_1394 = tpu.memref_slice %arg8[%add3A_1392, %dma_start3A_1393] : memref<16x80xi32, #tpu.memory_space<vmem>> -> memref<1x80xi32, #tpu.memory_space<vmem>>
      %dma_start3A_1395 = tpu.memref_squeeze %dma_start3A_1394 : memref<1x80xi32, #tpu.memory_space<vmem>> -> memref<80xi32, #tpu.memory_space<vmem>>
      %dma_start3A_1396 = arith.constant 0 : i32
      %dma_start3A_1397 = arith.constant 0 : i32
      %dma_start3A_1398 = tpu.memref_slice %arg4[%dma_start3A_1396, %dma_start3A_1397] : memref<20000x128xf32, #tpu.memory_space<hbm>> -> memref<20000x128xf32, #tpu.memory_space<hbm>>
      tpu.enqueue_indirect_dma source(%dma_start3A_1398 : memref<20000x128xf32, #tpu.memory_space<hbm>>) target(%arg13 : memref<80x128xf32, #tpu.memory_space<vmem>>) offsets(%dma_start3A_1395 : memref<80xi32, #tpu.memory_space<vmem>>) semaphore(%arg17 : memref<!tpu.dma_semaphore, #tpu.memory_space<semaphore_mem>>)
      %add3A_1399 = arith.constant 2 : i32
      %add3A_1400 = arith.addi %mul3A_1298, %add3A_1399 : i32
      %dma_wait3A_1401 = arith.constant 0 : i32
      %dma_wait3A_1402 = tpu.memref_slice %arg9[%add3A_1400, %dma_wait3A_1401] : memref<16x80xi32, #tpu.memory_space<vmem>> -> memref<1x80xi32, #tpu.memory_space<vmem>>
      %dma_wait3A_1403 = tpu.memref_squeeze %dma_wait3A_1402 : memref<1x80xi32, #tpu.memory_space<vmem>> -> memref<80xi32, #tpu.memory_space<vmem>>
      %dma_wait3A_1404 = arith.constant 0 : i32
      %dma_wait3A_1405 = arith.constant 0 : i32
      %dma_wait3A_1406 = tpu.memref_slice %arg7[%dma_wait3A_1404, %dma_wait3A_1405] : memref<10112x128xf32, #tpu.memory_space<vmem_shared>> -> memref<10112x128xf32, #tpu.memory_space<vmem_shared>>
      tpu.wait_indirect_dma semaphore(%arg22 : memref<!tpu.dma_semaphore, #tpu.memory_space<semaphore_mem>>) src(%arg14 : memref<80x128xf32, #tpu.memory_space<vmem>>) dst(%dma_wait3A_1406 : memref<10112x128xf32, #tpu.memory_space<vmem_shared>>)
      %add3A_1407 = arith.constant 4 : i32
      %add3A_1408 = arith.addi %mul3A_1298, %add3A_1407 : i32
      %add3A_1409 = arith.constant 2 : i32
      %add3A_1410 = arith.addi %add3A_1408, %add3A_1409 : i32
      %dma_start3A_1411 = arith.constant 0 : i32
      %dma_start3A_1412 = tpu.memref_slice %arg8[%add3A_1410, %dma_start3A_1411] : memref<16x80xi32, #tpu.memory_space<vmem>> -> memref<1x80xi32, #tpu.memory_space<vmem>>
      %dma_start3A_1413 = tpu.memref_squeeze %dma_start3A_1412 : memref<1x80xi32, #tpu.memory_space<vmem>> -> memref<80xi32, #tpu.memory_space<vmem>>
      %dma_start3A_1414 = arith.constant 0 : i32
      %dma_start3A_1415 = arith.constant 0 : i32
      %dma_start3A_1416 = tpu.memref_slice %arg4[%dma_start3A_1414, %dma_start3A_1415] : memref<20000x128xf32, #tpu.memory_space<hbm>> -> memref<20000x128xf32, #tpu.memory_space<hbm>>
      tpu.enqueue_indirect_dma source(%dma_start3A_1416 : memref<20000x128xf32, #tpu.memory_space<hbm>>) target(%arg14 : memref<80x128xf32, #tpu.memory_space<vmem>>) offsets(%dma_start3A_1413 : memref<80xi32, #tpu.memory_space<vmem>>) semaphore(%arg18 : memref<!tpu.dma_semaphore, #tpu.memory_space<semaphore_mem>>)
      %add3A_1417 = arith.constant 3 : i32
      %add3A_1418 = arith.addi %mul3A_1298, %add3A_1417 : i32
      %dma_wait3A_1419 = arith.constant 0 : i32
      %dma_wait3A_1420 = tpu.memref_slice %arg9[%add3A_1418, %dma_wait3A_1419] : memref<16x80xi32, #tpu.memory_space<vmem>> -> memref<1x80xi32, #tpu.memory_space<vmem>>
      %dma_wait3A_1421 = tpu.memref_squeeze %dma_wait3A_1420 : memref<1x80xi32, #tpu.memory_space<vmem>> -> memref<80xi32, #tpu.memory_space<vmem>>
      %dma_wait3A_1422 = arith.constant 0 : i32
      %dma_wait3A_1423 = arith.constant 0 : i32
      %dma_wait3A_1424 = tpu.memref_slice %arg7[%dma_wait3A_1422, %dma_wait3A_1423] : memref<10112x128xf32, #tpu.memory_space<vmem_shared>> -> memref<10112x128xf32, #tpu.memory_space<vmem_shared>>
      tpu.wait_indirect_dma semaphore(%arg23 : memref<!tpu.dma_semaphore, #tpu.memory_space<semaphore_mem>>) src(%arg15 : memref<80x128xf32, #tpu.memory_space<vmem>>) dst(%dma_wait3A_1424 : memref<10112x128xf32, #tpu.memory_space<vmem_shared>>)
      %add3A_1425 = arith.constant 4 : i32
      %add3A_1426 = arith.addi %mul3A_1298, %add3A_1425 : i32
      %add3A_1427 = arith.constant 3 : i32
      %add3A_1428 = arith.addi %add3A_1426, %add3A_1427 : i32
      %dma_start3A_1429 = arith.constant 0 : i32
      %dma_start3A_1430 = tpu.memref_slice %arg8[%add3A_1428, %dma_start3A_1429] : memref<16x80xi32, #tpu.memory_space<vmem>> -> memref<1x80xi32, #tpu.memory_space<vmem>>
      %dma_start3A_1431 = tpu.memref_squeeze %dma_start3A_1430 : memref<1x80xi32, #tpu.memory_space<vmem>> -> memref<80xi32, #tpu.memory_space<vmem>>
      %dma_start3A_1432 = arith.constant 0 : i32
      %dma_start3A_1433 = arith.constant 0 : i32
      %dma_start3A_1434 = tpu.memref_slice %arg4[%dma_start3A_1432, %dma_start3A_1433] : memref<20000x128xf32, #tpu.memory_space<hbm>> -> memref<20000x128xf32, #tpu.memory_space<hbm>>
      tpu.enqueue_indirect_dma source(%dma_start3A_1434 : memref<20000x128xf32, #tpu.memory_space<hbm>>) target(%arg15 : memref<80x128xf32, #tpu.memory_space<vmem>>) offsets(%dma_start3A_1431 : memref<80xi32, #tpu.memory_space<vmem>>) semaphore(%arg19 : memref<!tpu.dma_semaphore, #tpu.memory_space<semaphore_mem>>)
      %scan3A_1435 = arith.constant 0 : i32
      scf.yield %scan3A_1435 : i32
    }
    %scan3A_416 = arith.constant 3 : i32
    %dma_wait3A_417 = arith.constant 12 : i32
    %dma_wait3A_418 = arith.constant 0 : i32
    %dma_wait3A_419 = tpu.memref_slice %arg8[%dma_wait3A_417, %dma_wait3A_418] : memref<16x80xi32, #tpu.memory_space<vmem>> -> memref<1x80xi32, #tpu.memory_space<vmem>>
    %dma_wait3A_420 = tpu.memref_squeeze %dma_wait3A_419 : memref<1x80xi32, #tpu.memory_space<vmem>> -> memref<80xi32, #tpu.memory_space<vmem>>
    %dma_wait3A_421 = arith.constant 0 : i32
    %dma_wait3A_422 = arith.constant 0 : i32
    %dma_wait3A_423 = tpu.memref_slice %arg4[%dma_wait3A_421, %dma_wait3A_422] : memref<20000x128xf32, #tpu.memory_space<hbm>> -> memref<20000x128xf32, #tpu.memory_space<hbm>>
    tpu.wait_indirect_dma semaphore(%arg16 : memref<!tpu.dma_semaphore, #tpu.memory_space<semaphore_mem>>) src(%dma_wait3A_423 : memref<20000x128xf32, #tpu.memory_space<hbm>>) dst(%arg12 : memref<80x128xf32, #tpu.memory_space<vmem>>)
    %dma_start3A_424 = arith.constant 12 : i32
    %dma_start3A_425 = arith.constant 0 : i32
    %dma_start3A_426 = tpu.memref_slice %arg9[%dma_start3A_424, %dma_start3A_425] : memref<16x80xi32, #tpu.memory_space<vmem>> -> memref<1x80xi32, #tpu.memory_space<vmem>>
    %dma_start3A_427 = tpu.memref_squeeze %dma_start3A_426 : memref<1x80xi32, #tpu.memory_space<vmem>> -> memref<80xi32, #tpu.memory_space<vmem>>
    %dma_start3A_428 = arith.constant 0 : i32
    %dma_start3A_429 = arith.constant 0 : i32
    %dma_start3A_430 = tpu.memref_slice %arg7[%dma_start3A_428, %dma_start3A_429] : memref<10112x128xf32, #tpu.memory_space<vmem_shared>> -> memref<10112x128xf32, #tpu.memory_space<vmem_shared>>
    tpu.enqueue_indirect_dma source(%arg12 : memref<80x128xf32, #tpu.memory_space<vmem>>) target(%dma_start3A_430 : memref<10112x128xf32, #tpu.memory_space<vmem_shared>>) offsets(%dma_start3A_427 : memref<80xi32, #tpu.memory_space<vmem>>) semaphore(%arg20 : memref<!tpu.dma_semaphore, #tpu.memory_space<semaphore_mem>>) {add = true}
    %dma_wait3A_431 = arith.constant 13 : i32
    %dma_wait3A_432 = arith.constant 0 : i32
    %dma_wait3A_433 = tpu.memref_slice %arg8[%dma_wait3A_431, %dma_wait3A_432] : memref<16x80xi32, #tpu.memory_space<vmem>> -> memref<1x80xi32, #tpu.memory_space<vmem>>
    %dma_wait3A_434 = tpu.memref_squeeze %dma_wait3A_433 : memref<1x80xi32, #tpu.memory_space<vmem>> -> memref<80xi32, #tpu.memory_space<vmem>>
    %dma_wait3A_435 = arith.constant 0 : i32
    %dma_wait3A_436 = arith.constant 0 : i32
    %dma_wait3A_437 = tpu.memref_slice %arg4[%dma_wait3A_435, %dma_wait3A_436] : memref<20000x128xf32, #tpu.memory_space<hbm>> -> memref<20000x128xf32, #tpu.memory_space<hbm>>
    tpu.wait_indirect_dma semaphore(%arg17 : memref<!tpu.dma_semaphore, #tpu.memory_space<semaphore_mem>>) src(%dma_wait3A_437 : memref<20000x128xf32, #tpu.memory_space<hbm>>) dst(%arg13 : memref<80x128xf32, #tpu.memory_space<vmem>>)
    %dma_start3A_438 = arith.constant 13 : i32
    %dma_start3A_439 = arith.constant 0 : i32
    %dma_start3A_440 = tpu.memref_slice %arg9[%dma_start3A_438, %dma_start3A_439] : memref<16x80xi32, #tpu.memory_space<vmem>> -> memref<1x80xi32, #tpu.memory_space<vmem>>
    %dma_start3A_441 = tpu.memref_squeeze %dma_start3A_440 : memref<1x80xi32, #tpu.memory_space<vmem>> -> memref<80xi32, #tpu.memory_space<vmem>>
    %dma_start3A_442 = arith.constant 0 : i32
    %dma_start3A_443 = arith.constant 0 : i32
    %dma_start3A_444 = tpu.memref_slice %arg7[%dma_start3A_442, %dma_start3A_443] : memref<10112x128xf32, #tpu.memory_space<vmem_shared>> -> memref<10112x128xf32, #tpu.memory_space<vmem_shared>>
    tpu.enqueue_indirect_dma source(%arg13 : memref<80x128xf32, #tpu.memory_space<vmem>>) target(%dma_start3A_444 : memref<10112x128xf32, #tpu.memory_space<vmem_shared>>) offsets(%dma_start3A_441 : memref<80xi32, #tpu.memory_space<vmem>>) semaphore(%arg21 : memref<!tpu.dma_semaphore, #tpu.memory_space<semaphore_mem>>) {add = true}
    %dma_wait3A_445 = arith.constant 14 : i32
    %dma_wait3A_446 = arith.constant 0 : i32
    %dma_wait3A_447 = tpu.memref_slice %arg8[%dma_wait3A_445, %dma_wait3A_446] : memref<16x80xi32, #tpu.memory_space<vmem>> -> memref<1x80xi32, #tpu.memory_space<vmem>>
    %dma_wait3A_448 = tpu.memref_squeeze %dma_wait3A_447 : memref<1x80xi32, #tpu.memory_space<vmem>> -> memref<80xi32, #tpu.memory_space<vmem>>
    %dma_wait3A_449 = arith.constant 0 : i32
    %dma_wait3A_450 = arith.constant 0 : i32
    %dma_wait3A_451 = tpu.memref_slice %arg4[%dma_wait3A_449, %dma_wait3A_450] : memref<20000x128xf32, #tpu.memory_space<hbm>> -> memref<20000x128xf32, #tpu.memory_space<hbm>>
    tpu.wait_indirect_dma semaphore(%arg18 : memref<!tpu.dma_semaphore, #tpu.memory_space<semaphore_mem>>) src(%dma_wait3A_451 : memref<20000x128xf32, #tpu.memory_space<hbm>>) dst(%arg14 : memref<80x128xf32, #tpu.memory_space<vmem>>)
    %dma_start3A_452 = arith.constant 14 : i32
    %dma_start3A_453 = arith.constant 0 : i32
    %dma_start3A_454 = tpu.memref_slice %arg9[%dma_start3A_452, %dma_start3A_453] : memref<16x80xi32, #tpu.memory_space<vmem>> -> memref<1x80xi32, #tpu.memory_space<vmem>>
    %dma_start3A_455 = tpu.memref_squeeze %dma_start3A_454 : memref<1x80xi32, #tpu.memory_space<vmem>> -> memref<80xi32, #tpu.memory_space<vmem>>
    %dma_start3A_456 = arith.constant 0 : i32
    %dma_start3A_457 = arith.constant 0 : i32
    %dma_start3A_458 = tpu.memref_slice %arg7[%dma_start3A_456, %dma_start3A_457] : memref<10112x128xf32, #tpu.memory_space<vmem_shared>> -> memref<10112x128xf32, #tpu.memory_space<vmem_shared>>
    tpu.enqueue_indirect_dma source(%arg14 : memref<80x128xf32, #tpu.memory_space<vmem>>) target(%dma_start3A_458 : memref<10112x128xf32, #tpu.memory_space<vmem_shared>>) offsets(%dma_start3A_455 : memref<80xi32, #tpu.memory_space<vmem>>) semaphore(%arg22 : memref<!tpu.dma_semaphore, #tpu.memory_space<semaphore_mem>>) {add = true}
    %dma_wait3A_459 = arith.constant 15 : i32
    %dma_wait3A_460 = arith.constant 0 : i32
    %dma_wait3A_461 = tpu.memref_slice %arg8[%dma_wait3A_459, %dma_wait3A_460] : memref<16x80xi32, #tpu.memory_space<vmem>> -> memref<1x80xi32, #tpu.memory_space<vmem>>
    %dma_wait3A_462 = tpu.memref_squeeze %dma_wait3A_461 : memref<1x80xi32, #tpu.memory_space<vmem>> -> memref<80xi32, #tpu.memory_space<vmem>>
    %dma_wait3A_463 = arith.constant 0 : i32
    %dma_wait3A_464 = arith.constant 0 : i32
    %dma_wait3A_465 = tpu.memref_slice %arg4[%dma_wait3A_463, %dma_wait3A_464] : memref<20000x128xf32, #tpu.memory_space<hbm>> -> memref<20000x128xf32, #tpu.memory_space<hbm>>
    tpu.wait_indirect_dma semaphore(%arg19 : memref<!tpu.dma_semaphore, #tpu.memory_space<semaphore_mem>>) src(%dma_wait3A_465 : memref<20000x128xf32, #tpu.memory_space<hbm>>) dst(%arg15 : memref<80x128xf32, #tpu.memory_space<vmem>>)
    %dma_start3A_466 = arith.constant 15 : i32
    %dma_start3A_467 = arith.constant 0 : i32
    %dma_start3A_468 = tpu.memref_slice %arg9[%dma_start3A_466, %dma_start3A_467] : memref<16x80xi32, #tpu.memory_space<vmem>> -> memref<1x80xi32, #tpu.memory_space<vmem>>
    %dma_start3A_469 = tpu.memref_squeeze %dma_start3A_468 : memref<1x80xi32, #tpu.memory_space<vmem>> -> memref<80xi32, #tpu.memory_space<vmem>>
    %dma_start3A_470 = arith.constant 0 : i32
    %dma_start3A_471 = arith.constant 0 : i32
    %dma_start3A_472 = tpu.memref_slice %arg7[%dma_start3A_470, %dma_start3A_471] : memref<10112x128xf32, #tpu.memory_space<vmem_shared>> -> memref<10112x128xf32, #tpu.memory_space<vmem_shared>>
    tpu.enqueue_indirect_dma source(%arg15 : memref<80x128xf32, #tpu.memory_space<vmem>>) target(%dma_start3A_472 : memref<10112x128xf32, #tpu.memory_space<vmem_shared>>) offsets(%dma_start3A_469 : memref<80xi32, #tpu.memory_space<vmem>>) semaphore(%arg23 : memref<!tpu.dma_semaphore, #tpu.memory_space<semaphore_mem>>) {add = true}
    %dma_wait3A_473 = arith.constant 12 : i32
    %dma_wait3A_474 = arith.constant 0 : i32
    %dma_wait3A_475 = tpu.memref_slice %arg9[%dma_wait3A_473, %dma_wait3A_474] : memref<16x80xi32, #tpu.memory_space<vmem>> -> memref<1x80xi32, #tpu.memory_space<vmem>>
    %dma_wait3A_476 = tpu.memref_squeeze %dma_wait3A_475 : memref<1x80xi32, #tpu.memory_space<vmem>> -> memref<80xi32, #tpu.memory_space<vmem>>
    %dma_wait3A_477 = arith.constant 0 : i32
    %dma_wait3A_478 = arith.constant 0 : i32
    %dma_wait3A_479 = tpu.memref_slice %arg7[%dma_wait3A_477, %dma_wait3A_478] : memref<10112x128xf32, #tpu.memory_space<vmem_shared>> -> memref<10112x128xf32, #tpu.memory_space<vmem_shared>>
    tpu.wait_indirect_dma semaphore(%arg20 : memref<!tpu.dma_semaphore, #tpu.memory_space<semaphore_mem>>) src(%arg12 : memref<80x128xf32, #tpu.memory_space<vmem>>) dst(%dma_wait3A_479 : memref<10112x128xf32, #tpu.memory_space<vmem_shared>>)
    %dma_wait3A_480 = arith.constant 13 : i32
    %dma_wait3A_481 = arith.constant 0 : i32
    %dma_wait3A_482 = tpu.memref_slice %arg9[%dma_wait3A_480, %dma_wait3A_481] : memref<16x80xi32, #tpu.memory_space<vmem>> -> memref<1x80xi32, #tpu.memory_space<vmem>>
    %dma_wait3A_483 = tpu.memref_squeeze %dma_wait3A_482 : memref<1x80xi32, #tpu.memory_space<vmem>> -> memref<80xi32, #tpu.memory_space<vmem>>
    %dma_wait3A_484 = arith.constant 0 : i32
    %dma_wait3A_485 = arith.constant 0 : i32
    %dma_wait3A_486 = tpu.memref_slice %arg7[%dma_wait3A_484, %dma_wait3A_485] : memref<10112x128xf32, #tpu.memory_space<vmem_shared>> -> memref<10112x128xf32, #tpu.memory_space<vmem_shared>>
    tpu.wait_indirect_dma semaphore(%arg21 : memref<!tpu.dma_semaphore, #tpu.memory_space<semaphore_mem>>) src(%arg13 : memref<80x128xf32, #tpu.memory_space<vmem>>) dst(%dma_wait3A_486 : memref<10112x128xf32, #tpu.memory_space<vmem_shared>>)
    %dma_wait3A_487 = arith.constant 14 : i32
    %dma_wait3A_488 = arith.constant 0 : i32
    %dma_wait3A_489 = tpu.memref_slice %arg9[%dma_wait3A_487, %dma_wait3A_488] : memref<16x80xi32, #tpu.memory_space<vmem>> -> memref<1x80xi32, #tpu.memory_space<vmem>>
    %dma_wait3A_490 = tpu.memref_squeeze %dma_wait3A_489 : memref<1x80xi32, #tpu.memory_space<vmem>> -> memref<80xi32, #tpu.memory_space<vmem>>
    %dma_wait3A_491 = arith.constant 0 : i32
    %dma_wait3A_492 = arith.constant 0 : i32
    %dma_wait3A_493 = tpu.memref_slice %arg7[%dma_wait3A_491, %dma_wait3A_492] : memref<10112x128xf32, #tpu.memory_space<vmem_shared>> -> memref<10112x128xf32, #tpu.memory_space<vmem_shared>>
    tpu.wait_indirect_dma semaphore(%arg22 : memref<!tpu.dma_semaphore, #tpu.memory_space<semaphore_mem>>) src(%arg14 : memref<80x128xf32, #tpu.memory_space<vmem>>) dst(%dma_wait3A_493 : memref<10112x128xf32, #tpu.memory_space<vmem_shared>>)
    %dma_wait3A_494 = arith.constant 15 : i32
    %dma_wait3A_495 = arith.constant 0 : i32
    %dma_wait3A_496 = tpu.memref_slice %arg9[%dma_wait3A_494, %dma_wait3A_495] : memref<16x80xi32, #tpu.memory_space<vmem>> -> memref<1x80xi32, #tpu.memory_space<vmem>>
    %dma_wait3A_497 = tpu.memref_squeeze %dma_wait3A_496 : memref<1x80xi32, #tpu.memory_space<vmem>> -> memref<80xi32, #tpu.memory_space<vmem>>
    %dma_wait3A_498 = arith.constant 0 : i32
    %dma_wait3A_499 = arith.constant 0 : i32
    %dma_wait3A_500 = tpu.memref_slice %arg7[%dma_wait3A_498, %dma_wait3A_499] : memref<10112x128xf32, #tpu.memory_space<vmem_shared>> -> memref<10112x128xf32, #tpu.memory_space<vmem_shared>>
    tpu.wait_indirect_dma semaphore(%arg23 : memref<!tpu.dma_semaphore, #tpu.memory_space<semaphore_mem>>) src(%arg15 : memref<80x128xf32, #tpu.memory_space<vmem>>) dst(%dma_wait3A_500 : memref<10112x128xf32, #tpu.memory_space<vmem_shared>>)
    %mul3A_501 = arith.constant 2048 : i32
    %mul3A_502 = arith.muli %arg0, %mul3A_501 : i32
    %mul3A_503 = arith.constant 128 : i32
    %mul3A_504 = arith.muli %arg1, %mul3A_503 : i32
    %add3A_505 = arith.addi %mul3A_502, %mul3A_504 : i32
    %add3A_506 = arith.constant 48 : i32
    %add3A_507 = arith.addi %add3A_505, %add3A_506 : i32
    %multiple_of3A_508 = tpu.assume_multiple %add3A_507, 8 : i32
    %dma_wait3A_509 = arith.constant 0 : i32
    %dma_wait3A_510 = tpu.memref_slice %arg2[%multiple_of3A_508, %dma_wait3A_509] : memref<4096x80xi32, #tpu.memory_space<hbm>> -> memref<16x80xi32, #tpu.memory_space<hbm>>
    %dma_wait3A_511 = arith.constant 0 : i32
    %dma_wait3A_512 = tpu.memref_slice %arg2[%multiple_of3A_508, %dma_wait3A_511] : memref<4096x80xi32, #tpu.memory_space<hbm>> -> memref<16x80xi32, #tpu.memory_space<hbm>>
    tpu.wait_dma2 semaphore(%arg25 : memref<!tpu.dma_semaphore, #tpu.memory_space<semaphore_mem>>) src(%dma_wait3A_512 : memref<16x80xi32, #tpu.memory_space<hbm>>) dst(%arg10 : memref<16x80xi32, #tpu.memory_space<vmem>>)
    %mul3A_513 = arith.constant 128 : i32
    %mul3A_514 = arith.muli %arg1, %mul3A_513 : i32
    %add3A_515 = arith.constant 48 : i32
    %add3A_516 = arith.addi %mul3A_514, %add3A_515 : i32
    %multiple_of3A_517 = tpu.assume_multiple %add3A_516, 8 : i32
    %dma_wait3A_518 = arith.constant 0 : i32
    %dma_wait3A_519 = tpu.memref_slice %arg3[%multiple_of3A_517, %dma_wait3A_518] : memref<2048x80xi32, #tpu.memory_space<hbm>> -> memref<16x80xi32, #tpu.memory_space<hbm>>
    %dma_wait3A_520 = arith.constant 0 : i32
    %dma_wait3A_521 = tpu.memref_slice %arg3[%multiple_of3A_517, %dma_wait3A_520] : memref<2048x80xi32, #tpu.memory_space<hbm>> -> memref<16x80xi32, #tpu.memory_space<hbm>>
    tpu.wait_dma2 semaphore(%arg25 : memref<!tpu.dma_semaphore, #tpu.memory_space<semaphore_mem>>) src(%dma_wait3A_521 : memref<16x80xi32, #tpu.memory_space<hbm>>) dst(%arg11 : memref<16x80xi32, #tpu.memory_space<vmem>>)
    %mul3A_522 = arith.constant 2048 : i32
    %mul3A_523 = arith.muli %arg0, %mul3A_522 : i32
    %mul3A_524 = arith.constant 128 : i32
    %mul3A_525 = arith.muli %arg1, %mul3A_524 : i32
    %add3A_526 = arith.addi %mul3A_523, %mul3A_525 : i32
    %add3A_527 = arith.constant 64 : i32
    %add3A_528 = arith.addi %add3A_526, %add3A_527 : i32
    %multiple_of3A_529 = tpu.assume_multiple %add3A_528, 8 : i32
    %dma_start3A_530 = arith.constant 0 : i32
    %dma_start3A_531 = tpu.memref_slice %arg2[%multiple_of3A_529, %dma_start3A_530] : memref<4096x80xi32, #tpu.memory_space<hbm>> -> memref<16x80xi32, #tpu.memory_space<hbm>>
    %dma_start3A_532 = arith.constant 0 : i32
    %dma_start3A_533 = tpu.memref_slice %arg2[%multiple_of3A_529, %dma_start3A_532] : memref<4096x80xi32, #tpu.memory_space<hbm>> -> memref<16x80xi32, #tpu.memory_space<hbm>>
    tpu.enqueue_dma source(%dma_start3A_533 : memref<16x80xi32, #tpu.memory_space<hbm>>) target(%arg8 : memref<16x80xi32, #tpu.memory_space<vmem>>) target_semaphore(%arg24 : memref<!tpu.dma_semaphore, #tpu.memory_space<semaphore_mem>>)
    %mul3A_534 = arith.constant 128 : i32
    %mul3A_535 = arith.muli %arg1, %mul3A_534 : i32
    %add3A_536 = arith.constant 64 : i32
    %add3A_537 = arith.addi %mul3A_535, %add3A_536 : i32
    %multiple_of3A_538 = tpu.assume_multiple %add3A_537, 8 : i32
    %dma_start3A_539 = arith.constant 0 : i32
    %dma_start3A_540 = tpu.memref_slice %arg3[%multiple_of3A_538, %dma_start3A_539] : memref<2048x80xi32, #tpu.memory_space<hbm>> -> memref<16x80xi32, #tpu.memory_space<hbm>>
    %dma_start3A_541 = arith.constant 0 : i32
    %dma_start3A_542 = tpu.memref_slice %arg3[%multiple_of3A_538, %dma_start3A_541] : memref<2048x80xi32, #tpu.memory_space<hbm>> -> memref<16x80xi32, #tpu.memory_space<hbm>>
    tpu.enqueue_dma source(%dma_start3A_542 : memref<16x80xi32, #tpu.memory_space<hbm>>) target(%arg9 : memref<16x80xi32, #tpu.memory_space<vmem>>) target_semaphore(%arg24 : memref<!tpu.dma_semaphore, #tpu.memory_space<semaphore_mem>>)
    %dma_start3A_543 = arith.constant 0 : i32
    %dma_start3A_544 = arith.constant 0 : i32
    %dma_start3A_545 = tpu.memref_slice %arg10[%dma_start3A_543, %dma_start3A_544] : memref<16x80xi32, #tpu.memory_space<vmem>> -> memref<1x80xi32, #tpu.memory_space<vmem>>
    %dma_start3A_546 = tpu.memref_squeeze %dma_start3A_545 : memref<1x80xi32, #tpu.memory_space<vmem>> -> memref<80xi32, #tpu.memory_space<vmem>>
    %dma_start3A_547 = arith.constant 0 : i32
    %dma_start3A_548 = arith.constant 0 : i32
    %dma_start3A_549 = tpu.memref_slice %arg4[%dma_start3A_547, %dma_start3A_548] : memref<20000x128xf32, #tpu.memory_space<hbm>> -> memref<20000x128xf32, #tpu.memory_space<hbm>>
    tpu.enqueue_indirect_dma source(%dma_start3A_549 : memref<20000x128xf32, #tpu.memory_space<hbm>>) target(%arg12 : memref<80x128xf32, #tpu.memory_space<vmem>>) offsets(%dma_start3A_546 : memref<80xi32, #tpu.memory_space<vmem>>) semaphore(%arg16 : memref<!tpu.dma_semaphore, #tpu.memory_space<semaphore_mem>>)
    %dma_start3A_550 = arith.constant 1 : i32
    %dma_start3A_551 = arith.constant 0 : i32
    %dma_start3A_552 = tpu.memref_slice %arg10[%dma_start3A_550, %dma_start3A_551] : memref<16x80xi32, #tpu.memory_space<vmem>> -> memref<1x80xi32, #tpu.memory_space<vmem>>
    %dma_start3A_553 = tpu.memref_squeeze %dma_start3A_552 : memref<1x80xi32, #tpu.memory_space<vmem>> -> memref<80xi32, #tpu.memory_space<vmem>>
    %dma_start3A_554 = arith.constant 0 : i32
    %dma_start3A_555 = arith.constant 0 : i32
    %dma_start3A_556 = tpu.memref_slice %arg4[%dma_start3A_554, %dma_start3A_555] : memref<20000x128xf32, #tpu.memory_space<hbm>> -> memref<20000x128xf32, #tpu.memory_space<hbm>>
    tpu.enqueue_indirect_dma source(%dma_start3A_556 : memref<20000x128xf32, #tpu.memory_space<hbm>>) target(%arg13 : memref<80x128xf32, #tpu.memory_space<vmem>>) offsets(%dma_start3A_553 : memref<80xi32, #tpu.memory_space<vmem>>) semaphore(%arg17 : memref<!tpu.dma_semaphore, #tpu.memory_space<semaphore_mem>>)
    %dma_start3A_557 = arith.constant 2 : i32
    %dma_start3A_558 = arith.constant 0 : i32
    %dma_start3A_559 = tpu.memref_slice %arg10[%dma_start3A_557, %dma_start3A_558] : memref<16x80xi32, #tpu.memory_space<vmem>> -> memref<1x80xi32, #tpu.memory_space<vmem>>
    %dma_start3A_560 = tpu.memref_squeeze %dma_start3A_559 : memref<1x80xi32, #tpu.memory_space<vmem>> -> memref<80xi32, #tpu.memory_space<vmem>>
    %dma_start3A_561 = arith.constant 0 : i32
    %dma_start3A_562 = arith.constant 0 : i32
    %dma_start3A_563 = tpu.memref_slice %arg4[%dma_start3A_561, %dma_start3A_562] : memref<20000x128xf32, #tpu.memory_space<hbm>> -> memref<20000x128xf32, #tpu.memory_space<hbm>>
    tpu.enqueue_indirect_dma source(%dma_start3A_563 : memref<20000x128xf32, #tpu.memory_space<hbm>>) target(%arg14 : memref<80x128xf32, #tpu.memory_space<vmem>>) offsets(%dma_start3A_560 : memref<80xi32, #tpu.memory_space<vmem>>) semaphore(%arg18 : memref<!tpu.dma_semaphore, #tpu.memory_space<semaphore_mem>>)
    %dma_start3A_564 = arith.constant 3 : i32
    %dma_start3A_565 = arith.constant 0 : i32
    %dma_start3A_566 = tpu.memref_slice %arg10[%dma_start3A_564, %dma_start3A_565] : memref<16x80xi32, #tpu.memory_space<vmem>> -> memref<1x80xi32, #tpu.memory_space<vmem>>
    %dma_start3A_567 = tpu.memref_squeeze %dma_start3A_566 : memref<1x80xi32, #tpu.memory_space<vmem>> -> memref<80xi32, #tpu.memory_space<vmem>>
    %dma_start3A_568 = arith.constant 0 : i32
    %dma_start3A_569 = arith.constant 0 : i32
    %dma_start3A_570 = tpu.memref_slice %arg4[%dma_start3A_568, %dma_start3A_569] : memref<20000x128xf32, #tpu.memory_space<hbm>> -> memref<20000x128xf32, #tpu.memory_space<hbm>>
    tpu.enqueue_indirect_dma source(%dma_start3A_570 : memref<20000x128xf32, #tpu.memory_space<hbm>>) target(%arg15 : memref<80x128xf32, #tpu.memory_space<vmem>>) offsets(%dma_start3A_567 : memref<80xi32, #tpu.memory_space<vmem>>) semaphore(%arg19 : memref<!tpu.dma_semaphore, #tpu.memory_space<semaphore_mem>>)
    %scan3A_571 = arith.constant 0 : i32
    %scan3A_572 = arith.constant 0 : i32
    %scan3A_573 = arith.constant 3 : i32
    %scan3A_574 = arith.addi %scan3A_572, %scan3A_573 : i32
    %scan3A_575 = arith.constant 1 : i32
    %scan3A_576 = scf.for %scan3A_1295 = %scan3A_572 to %scan3A_574 step %scan3A_575 iter_args(%scan3A_1296 = %scan3A_571) -> (i32)  : i32 {
      %mul3A_1297 = arith.constant 4 : i32
      %mul3A_1298 = arith.muli %scan3A_1295, %mul3A_1297 : i32
      %add3A_1299 = arith.constant 0 : i32
      %add3A_1300 = arith.addi %mul3A_1298, %add3A_1299 : i32
      %dma_wait3A_1301 = arith.constant 0 : i32
      %dma_wait3A_1302 = tpu.memref_slice %arg10[%add3A_1300, %dma_wait3A_1301] : memref<16x80xi32, #tpu.memory_space<vmem>> -> memref<1x80xi32, #tpu.memory_space<vmem>>
      %dma_wait3A_1303 = tpu.memref_squeeze %dma_wait3A_1302 : memref<1x80xi32, #tpu.memory_space<vmem>> -> memref<80xi32, #tpu.memory_space<vmem>>
      %dma_wait3A_1304 = arith.constant 0 : i32
      %dma_wait3A_1305 = arith.constant 0 : i32
      %dma_wait3A_1306 = tpu.memref_slice %arg4[%dma_wait3A_1304, %dma_wait3A_1305] : memref<20000x128xf32, #tpu.memory_space<hbm>> -> memref<20000x128xf32, #tpu.memory_space<hbm>>
      tpu.wait_indirect_dma semaphore(%arg16 : memref<!tpu.dma_semaphore, #tpu.memory_space<semaphore_mem>>) src(%dma_wait3A_1306 : memref<20000x128xf32, #tpu.memory_space<hbm>>) dst(%arg12 : memref<80x128xf32, #tpu.memory_space<vmem>>)
      %add3A_1307 = arith.constant 0 : i32
      %add3A_1308 = arith.addi %mul3A_1298, %add3A_1307 : i32
      %dma_start3A_1309 = arith.constant 0 : i32
      %dma_start3A_1310 = tpu.memref_slice %arg11[%add3A_1308, %dma_start3A_1309] : memref<16x80xi32, #tpu.memory_space<vmem>> -> memref<1x80xi32, #tpu.memory_space<vmem>>
      %dma_start3A_1311 = tpu.memref_squeeze %dma_start3A_1310 : memref<1x80xi32, #tpu.memory_space<vmem>> -> memref<80xi32, #tpu.memory_space<vmem>>
      %dma_start3A_1312 = arith.constant 0 : i32
      %dma_start3A_1313 = arith.constant 0 : i32
      %dma_start3A_1314 = tpu.memref_slice %arg7[%dma_start3A_1312, %dma_start3A_1313] : memref<10112x128xf32, #tpu.memory_space<vmem_shared>> -> memref<10112x128xf32, #tpu.memory_space<vmem_shared>>
      tpu.enqueue_indirect_dma source(%arg12 : memref<80x128xf32, #tpu.memory_space<vmem>>) target(%dma_start3A_1314 : memref<10112x128xf32, #tpu.memory_space<vmem_shared>>) offsets(%dma_start3A_1311 : memref<80xi32, #tpu.memory_space<vmem>>) semaphore(%arg20 : memref<!tpu.dma_semaphore, #tpu.memory_space<semaphore_mem>>) {add = true}
      %add3A_1315 = arith.constant 1 : i32
      %add3A_1316 = arith.addi %mul3A_1298, %add3A_1315 : i32
      %dma_wait3A_1317 = arith.constant 0 : i32
      %dma_wait3A_1318 = tpu.memref_slice %arg10[%add3A_1316, %dma_wait3A_1317] : memref<16x80xi32, #tpu.memory_space<vmem>> -> memref<1x80xi32, #tpu.memory_space<vmem>>
      %dma_wait3A_1319 = tpu.memref_squeeze %dma_wait3A_1318 : memref<1x80xi32, #tpu.memory_space<vmem>> -> memref<80xi32, #tpu.memory_space<vmem>>
      %dma_wait3A_1320 = arith.constant 0 : i32
      %dma_wait3A_1321 = arith.constant 0 : i32
      %dma_wait3A_1322 = tpu.memref_slice %arg4[%dma_wait3A_1320, %dma_wait3A_1321] : memref<20000x128xf32, #tpu.memory_space<hbm>> -> memref<20000x128xf32, #tpu.memory_space<hbm>>
      tpu.wait_indirect_dma semaphore(%arg17 : memref<!tpu.dma_semaphore, #tpu.memory_space<semaphore_mem>>) src(%dma_wait3A_1322 : memref<20000x128xf32, #tpu.memory_space<hbm>>) dst(%arg13 : memref<80x128xf32, #tpu.memory_space<vmem>>)
      %add3A_1323 = arith.constant 1 : i32
      %add3A_1324 = arith.addi %mul3A_1298, %add3A_1323 : i32
      %dma_start3A_1325 = arith.constant 0 : i32
      %dma_start3A_1326 = tpu.memref_slice %arg11[%add3A_1324, %dma_start3A_1325] : memref<16x80xi32, #tpu.memory_space<vmem>> -> memref<1x80xi32, #tpu.memory_space<vmem>>
      %dma_start3A_1327 = tpu.memref_squeeze %dma_start3A_1326 : memref<1x80xi32, #tpu.memory_space<vmem>> -> memref<80xi32, #tpu.memory_space<vmem>>
      %dma_start3A_1328 = arith.constant 0 : i32
      %dma_start3A_1329 = arith.constant 0 : i32
      %dma_start3A_1330 = tpu.memref_slice %arg7[%dma_start3A_1328, %dma_start3A_1329] : memref<10112x128xf32, #tpu.memory_space<vmem_shared>> -> memref<10112x128xf32, #tpu.memory_space<vmem_shared>>
      tpu.enqueue_indirect_dma source(%arg13 : memref<80x128xf32, #tpu.memory_space<vmem>>) target(%dma_start3A_1330 : memref<10112x128xf32, #tpu.memory_space<vmem_shared>>) offsets(%dma_start3A_1327 : memref<80xi32, #tpu.memory_space<vmem>>) semaphore(%arg21 : memref<!tpu.dma_semaphore, #tpu.memory_space<semaphore_mem>>) {add = true}
      %add3A_1331 = arith.constant 2 : i32
      %add3A_1332 = arith.addi %mul3A_1298, %add3A_1331 : i32
      %dma_wait3A_1333 = arith.constant 0 : i32
      %dma_wait3A_1334 = tpu.memref_slice %arg10[%add3A_1332, %dma_wait3A_1333] : memref<16x80xi32, #tpu.memory_space<vmem>> -> memref<1x80xi32, #tpu.memory_space<vmem>>
      %dma_wait3A_1335 = tpu.memref_squeeze %dma_wait3A_1334 : memref<1x80xi32, #tpu.memory_space<vmem>> -> memref<80xi32, #tpu.memory_space<vmem>>
      %dma_wait3A_1336 = arith.constant 0 : i32
      %dma_wait3A_1337 = arith.constant 0 : i32
      %dma_wait3A_1338 = tpu.memref_slice %arg4[%dma_wait3A_1336, %dma_wait3A_1337] : memref<20000x128xf32, #tpu.memory_space<hbm>> -> memref<20000x128xf32, #tpu.memory_space<hbm>>
      tpu.wait_indirect_dma semaphore(%arg18 : memref<!tpu.dma_semaphore, #tpu.memory_space<semaphore_mem>>) src(%dma_wait3A_1338 : memref<20000x128xf32, #tpu.memory_space<hbm>>) dst(%arg14 : memref<80x128xf32, #tpu.memory_space<vmem>>)
      %add3A_1339 = arith.constant 2 : i32
      %add3A_1340 = arith.addi %mul3A_1298, %add3A_1339 : i32
      %dma_start3A_1341 = arith.constant 0 : i32
      %dma_start3A_1342 = tpu.memref_slice %arg11[%add3A_1340, %dma_start3A_1341] : memref<16x80xi32, #tpu.memory_space<vmem>> -> memref<1x80xi32, #tpu.memory_space<vmem>>
      %dma_start3A_1343 = tpu.memref_squeeze %dma_start3A_1342 : memref<1x80xi32, #tpu.memory_space<vmem>> -> memref<80xi32, #tpu.memory_space<vmem>>
      %dma_start3A_1344 = arith.constant 0 : i32
      %dma_start3A_1345 = arith.constant 0 : i32
      %dma_start3A_1346 = tpu.memref_slice %arg7[%dma_start3A_1344, %dma_start3A_1345] : memref<10112x128xf32, #tpu.memory_space<vmem_shared>> -> memref<10112x128xf32, #tpu.memory_space<vmem_shared>>
      tpu.enqueue_indirect_dma source(%arg14 : memref<80x128xf32, #tpu.memory_space<vmem>>) target(%dma_start3A_1346 : memref<10112x128xf32, #tpu.memory_space<vmem_shared>>) offsets(%dma_start3A_1343 : memref<80xi32, #tpu.memory_space<vmem>>) semaphore(%arg22 : memref<!tpu.dma_semaphore, #tpu.memory_space<semaphore_mem>>) {add = true}
      %add3A_1347 = arith.constant 3 : i32
      %add3A_1348 = arith.addi %mul3A_1298, %add3A_1347 : i32
      %dma_wait3A_1349 = arith.constant 0 : i32
      %dma_wait3A_1350 = tpu.memref_slice %arg10[%add3A_1348, %dma_wait3A_1349] : memref<16x80xi32, #tpu.memory_space<vmem>> -> memref<1x80xi32, #tpu.memory_space<vmem>>
      %dma_wait3A_1351 = tpu.memref_squeeze %dma_wait3A_1350 : memref<1x80xi32, #tpu.memory_space<vmem>> -> memref<80xi32, #tpu.memory_space<vmem>>
      %dma_wait3A_1352 = arith.constant 0 : i32
      %dma_wait3A_1353 = arith.constant 0 : i32
      %dma_wait3A_1354 = tpu.memref_slice %arg4[%dma_wait3A_1352, %dma_wait3A_1353] : memref<20000x128xf32, #tpu.memory_space<hbm>> -> memref<20000x128xf32, #tpu.memory_space<hbm>>
      tpu.wait_indirect_dma semaphore(%arg19 : memref<!tpu.dma_semaphore, #tpu.memory_space<semaphore_mem>>) src(%dma_wait3A_1354 : memref<20000x128xf32, #tpu.memory_space<hbm>>) dst(%arg15 : memref<80x128xf32, #tpu.memory_space<vmem>>)
      %add3A_1355 = arith.constant 3 : i32
      %add3A_1356 = arith.addi %mul3A_1298, %add3A_1355 : i32
      %dma_start3A_1357 = arith.constant 0 : i32
      %dma_start3A_1358 = tpu.memref_slice %arg11[%add3A_1356, %dma_start3A_1357] : memref<16x80xi32, #tpu.memory_space<vmem>> -> memref<1x80xi32, #tpu.memory_space<vmem>>
      %dma_start3A_1359 = tpu.memref_squeeze %dma_start3A_1358 : memref<1x80xi32, #tpu.memory_space<vmem>> -> memref<80xi32, #tpu.memory_space<vmem>>
      %dma_start3A_1360 = arith.constant 0 : i32
      %dma_start3A_1361 = arith.constant 0 : i32
      %dma_start3A_1362 = tpu.memref_slice %arg7[%dma_start3A_1360, %dma_start3A_1361] : memref<10112x128xf32, #tpu.memory_space<vmem_shared>> -> memref<10112x128xf32, #tpu.memory_space<vmem_shared>>
      tpu.enqueue_indirect_dma source(%arg15 : memref<80x128xf32, #tpu.memory_space<vmem>>) target(%dma_start3A_1362 : memref<10112x128xf32, #tpu.memory_space<vmem_shared>>) offsets(%dma_start3A_1359 : memref<80xi32, #tpu.memory_space<vmem>>) semaphore(%arg23 : memref<!tpu.dma_semaphore, #tpu.memory_space<semaphore_mem>>) {add = true}
      %add3A_1363 = arith.constant 0 : i32
      %add3A_1364 = arith.addi %mul3A_1298, %add3A_1363 : i32
      %dma_wait3A_1365 = arith.constant 0 : i32
      %dma_wait3A_1366 = tpu.memref_slice %arg11[%add3A_1364, %dma_wait3A_1365] : memref<16x80xi32, #tpu.memory_space<vmem>> -> memref<1x80xi32, #tpu.memory_space<vmem>>
      %dma_wait3A_1367 = tpu.memref_squeeze %dma_wait3A_1366 : memref<1x80xi32, #tpu.memory_space<vmem>> -> memref<80xi32, #tpu.memory_space<vmem>>
      %dma_wait3A_1368 = arith.constant 0 : i32
      %dma_wait3A_1369 = arith.constant 0 : i32
      %dma_wait3A_1370 = tpu.memref_slice %arg7[%dma_wait3A_1368, %dma_wait3A_1369] : memref<10112x128xf32, #tpu.memory_space<vmem_shared>> -> memref<10112x128xf32, #tpu.memory_space<vmem_shared>>
      tpu.wait_indirect_dma semaphore(%arg20 : memref<!tpu.dma_semaphore, #tpu.memory_space<semaphore_mem>>) src(%arg12 : memref<80x128xf32, #tpu.memory_space<vmem>>) dst(%dma_wait3A_1370 : memref<10112x128xf32, #tpu.memory_space<vmem_shared>>)
      %add3A_1371 = arith.constant 4 : i32
      %add3A_1372 = arith.addi %mul3A_1298, %add3A_1371 : i32
      %add3A_1373 = arith.constant 0 : i32
      %add3A_1374 = arith.addi %add3A_1372, %add3A_1373 : i32
      %dma_start3A_1375 = arith.constant 0 : i32
      %dma_start3A_1376 = tpu.memref_slice %arg10[%add3A_1374, %dma_start3A_1375] : memref<16x80xi32, #tpu.memory_space<vmem>> -> memref<1x80xi32, #tpu.memory_space<vmem>>
      %dma_start3A_1377 = tpu.memref_squeeze %dma_start3A_1376 : memref<1x80xi32, #tpu.memory_space<vmem>> -> memref<80xi32, #tpu.memory_space<vmem>>
      %dma_start3A_1378 = arith.constant 0 : i32
      %dma_start3A_1379 = arith.constant 0 : i32
      %dma_start3A_1380 = tpu.memref_slice %arg4[%dma_start3A_1378, %dma_start3A_1379] : memref<20000x128xf32, #tpu.memory_space<hbm>> -> memref<20000x128xf32, #tpu.memory_space<hbm>>
      tpu.enqueue_indirect_dma source(%dma_start3A_1380 : memref<20000x128xf32, #tpu.memory_space<hbm>>) target(%arg12 : memref<80x128xf32, #tpu.memory_space<vmem>>) offsets(%dma_start3A_1377 : memref<80xi32, #tpu.memory_space<vmem>>) semaphore(%arg16 : memref<!tpu.dma_semaphore, #tpu.memory_space<semaphore_mem>>)
      %add3A_1381 = arith.constant 1 : i32
      %add3A_1382 = arith.addi %mul3A_1298, %add3A_1381 : i32
      %dma_wait3A_1383 = arith.constant 0 : i32
      %dma_wait3A_1384 = tpu.memref_slice %arg11[%add3A_1382, %dma_wait3A_1383] : memref<16x80xi32, #tpu.memory_space<vmem>> -> memref<1x80xi32, #tpu.memory_space<vmem>>
      %dma_wait3A_1385 = tpu.memref_squeeze %dma_wait3A_1384 : memref<1x80xi32, #tpu.memory_space<vmem>> -> memref<80xi32, #tpu.memory_space<vmem>>
      %dma_wait3A_1386 = arith.constant 0 : i32
      %dma_wait3A_1387 = arith.constant 0 : i32
      %dma_wait3A_1388 = tpu.memref_slice %arg7[%dma_wait3A_1386, %dma_wait3A_1387] : memref<10112x128xf32, #tpu.memory_space<vmem_shared>> -> memref<10112x128xf32, #tpu.memory_space<vmem_shared>>
      tpu.wait_indirect_dma semaphore(%arg21 : memref<!tpu.dma_semaphore, #tpu.memory_space<semaphore_mem>>) src(%arg13 : memref<80x128xf32, #tpu.memory_space<vmem>>) dst(%dma_wait3A_1388 : memref<10112x128xf32, #tpu.memory_space<vmem_shared>>)
      %add3A_1389 = arith.constant 4 : i32
      %add3A_1390 = arith.addi %mul3A_1298, %add3A_1389 : i32
      %add3A_1391 = arith.constant 1 : i32
      %add3A_1392 = arith.addi %add3A_1390, %add3A_1391 : i32
      %dma_start3A_1393 = arith.constant 0 : i32
      %dma_start3A_1394 = tpu.memref_slice %arg10[%add3A_1392, %dma_start3A_1393] : memref<16x80xi32, #tpu.memory_space<vmem>> -> memref<1x80xi32, #tpu.memory_space<vmem>>
      %dma_start3A_1395 = tpu.memref_squeeze %dma_start3A_1394 : memref<1x80xi32, #tpu.memory_space<vmem>> -> memref<80xi32, #tpu.memory_space<vmem>>
      %dma_start3A_1396 = arith.constant 0 : i32
      %dma_start3A_1397 = arith.constant 0 : i32
      %dma_start3A_1398 = tpu.memref_slice %arg4[%dma_start3A_1396, %dma_start3A_1397] : memref<20000x128xf32, #tpu.memory_space<hbm>> -> memref<20000x128xf32, #tpu.memory_space<hbm>>
      tpu.enqueue_indirect_dma source(%dma_start3A_1398 : memref<20000x128xf32, #tpu.memory_space<hbm>>) target(%arg13 : memref<80x128xf32, #tpu.memory_space<vmem>>) offsets(%dma_start3A_1395 : memref<80xi32, #tpu.memory_space<vmem>>) semaphore(%arg17 : memref<!tpu.dma_semaphore, #tpu.memory_space<semaphore_mem>>)
      %add3A_1399 = arith.constant 2 : i32
      %add3A_1400 = arith.addi %mul3A_1298, %add3A_1399 : i32
      %dma_wait3A_1401 = arith.constant 0 : i32
      %dma_wait3A_1402 = tpu.memref_slice %arg11[%add3A_1400, %dma_wait3A_1401] : memref<16x80xi32, #tpu.memory_space<vmem>> -> memref<1x80xi32, #tpu.memory_space<vmem>>
      %dma_wait3A_1403 = tpu.memref_squeeze %dma_wait3A_1402 : memref<1x80xi32, #tpu.memory_space<vmem>> -> memref<80xi32, #tpu.memory_space<vmem>>
      %dma_wait3A_1404 = arith.constant 0 : i32
      %dma_wait3A_1405 = arith.constant 0 : i32
      %dma_wait3A_1406 = tpu.memref_slice %arg7[%dma_wait3A_1404, %dma_wait3A_1405] : memref<10112x128xf32, #tpu.memory_space<vmem_shared>> -> memref<10112x128xf32, #tpu.memory_space<vmem_shared>>
      tpu.wait_indirect_dma semaphore(%arg22 : memref<!tpu.dma_semaphore, #tpu.memory_space<semaphore_mem>>) src(%arg14 : memref<80x128xf32, #tpu.memory_space<vmem>>) dst(%dma_wait3A_1406 : memref<10112x128xf32, #tpu.memory_space<vmem_shared>>)
      %add3A_1407 = arith.constant 4 : i32
      %add3A_1408 = arith.addi %mul3A_1298, %add3A_1407 : i32
      %add3A_1409 = arith.constant 2 : i32
      %add3A_1410 = arith.addi %add3A_1408, %add3A_1409 : i32
      %dma_start3A_1411 = arith.constant 0 : i32
      %dma_start3A_1412 = tpu.memref_slice %arg10[%add3A_1410, %dma_start3A_1411] : memref<16x80xi32, #tpu.memory_space<vmem>> -> memref<1x80xi32, #tpu.memory_space<vmem>>
      %dma_start3A_1413 = tpu.memref_squeeze %dma_start3A_1412 : memref<1x80xi32, #tpu.memory_space<vmem>> -> memref<80xi32, #tpu.memory_space<vmem>>
      %dma_start3A_1414 = arith.constant 0 : i32
      %dma_start3A_1415 = arith.constant 0 : i32
      %dma_start3A_1416 = tpu.memref_slice %arg4[%dma_start3A_1414, %dma_start3A_1415] : memref<20000x128xf32, #tpu.memory_space<hbm>> -> memref<20000x128xf32, #tpu.memory_space<hbm>>
      tpu.enqueue_indirect_dma source(%dma_start3A_1416 : memref<20000x128xf32, #tpu.memory_space<hbm>>) target(%arg14 : memref<80x128xf32, #tpu.memory_space<vmem>>) offsets(%dma_start3A_1413 : memref<80xi32, #tpu.memory_space<vmem>>) semaphore(%arg18 : memref<!tpu.dma_semaphore, #tpu.memory_space<semaphore_mem>>)
      %add3A_1417 = arith.constant 3 : i32
      %add3A_1418 = arith.addi %mul3A_1298, %add3A_1417 : i32
      %dma_wait3A_1419 = arith.constant 0 : i32
      %dma_wait3A_1420 = tpu.memref_slice %arg11[%add3A_1418, %dma_wait3A_1419] : memref<16x80xi32, #tpu.memory_space<vmem>> -> memref<1x80xi32, #tpu.memory_space<vmem>>
      %dma_wait3A_1421 = tpu.memref_squeeze %dma_wait3A_1420 : memref<1x80xi32, #tpu.memory_space<vmem>> -> memref<80xi32, #tpu.memory_space<vmem>>
      %dma_wait3A_1422 = arith.constant 0 : i32
      %dma_wait3A_1423 = arith.constant 0 : i32
      %dma_wait3A_1424 = tpu.memref_slice %arg7[%dma_wait3A_1422, %dma_wait3A_1423] : memref<10112x128xf32, #tpu.memory_space<vmem_shared>> -> memref<10112x128xf32, #tpu.memory_space<vmem_shared>>
      tpu.wait_indirect_dma semaphore(%arg23 : memref<!tpu.dma_semaphore, #tpu.memory_space<semaphore_mem>>) src(%arg15 : memref<80x128xf32, #tpu.memory_space<vmem>>) dst(%dma_wait3A_1424 : memref<10112x128xf32, #tpu.memory_space<vmem_shared>>)
      %add3A_1425 = arith.constant 4 : i32
      %add3A_1426 = arith.addi %mul3A_1298, %add3A_1425 : i32
      %add3A_1427 = arith.constant 3 : i32
      %add3A_1428 = arith.addi %add3A_1426, %add3A_1427 : i32
      %dma_start3A_1429 = arith.constant 0 : i32
      %dma_start3A_1430 = tpu.memref_slice %arg10[%add3A_1428, %dma_start3A_1429] : memref<16x80xi32, #tpu.memory_space<vmem>> -> memref<1x80xi32, #tpu.memory_space<vmem>>
      %dma_start3A_1431 = tpu.memref_squeeze %dma_start3A_1430 : memref<1x80xi32, #tpu.memory_space<vmem>> -> memref<80xi32, #tpu.memory_space<vmem>>
      %dma_start3A_1432 = arith.constant 0 : i32
      %dma_start3A_1433 = arith.constant 0 : i32
      %dma_start3A_1434 = tpu.memref_slice %arg4[%dma_start3A_1432, %dma_start3A_1433] : memref<20000x128xf32, #tpu.memory_space<hbm>> -> memref<20000x128xf32, #tpu.memory_space<hbm>>
      tpu.enqueue_indirect_dma source(%dma_start3A_1434 : memref<20000x128xf32, #tpu.memory_space<hbm>>) target(%arg15 : memref<80x128xf32, #tpu.memory_space<vmem>>) offsets(%dma_start3A_1431 : memref<80xi32, #tpu.memory_space<vmem>>) semaphore(%arg19 : memref<!tpu.dma_semaphore, #tpu.memory_space<semaphore_mem>>)
      %scan3A_1435 = arith.constant 0 : i32
      scf.yield %scan3A_1435 : i32
    }
    %scan3A_577 = arith.constant 3 : i32
    %dma_wait3A_578 = arith.constant 12 : i32
    %dma_wait3A_579 = arith.constant 0 : i32
    %dma_wait3A_580 = tpu.memref_slice %arg10[%dma_wait3A_578, %dma_wait3A_579] : memref<16x80xi32, #tpu.memory_space<vmem>> -> memref<1x80xi32, #tpu.memory_space<vmem>>
    %dma_wait3A_581 = tpu.memref_squeeze %dma_wait3A_580 : memref<1x80xi32, #tpu.memory_space<vmem>> -> memref<80xi32, #tpu.memory_space<vmem>>
    %dma_wait3A_582 = arith.constant 0 : i32
    %dma_wait3A_583 = arith.constant 0 : i32
    %dma_wait3A_584 = tpu.memref_slice %arg4[%dma_wait3A_582, %dma_wait3A_583] : memref<20000x128xf32, #tpu.memory_space<hbm>> -> memref<20000x128xf32, #tpu.memory_space<hbm>>
    tpu.wait_indirect_dma semaphore(%arg16 : memref<!tpu.dma_semaphore, #tpu.memory_space<semaphore_mem>>) src(%dma_wait3A_584 : memref<20000x128xf32, #tpu.memory_space<hbm>>) dst(%arg12 : memref<80x128xf32, #tpu.memory_space<vmem>>)
    %dma_start3A_585 = arith.constant 12 : i32
    %dma_start3A_586 = arith.constant 0 : i32
    %dma_start3A_587 = tpu.memref_slice %arg11[%dma_start3A_585, %dma_start3A_586] : memref<16x80xi32, #tpu.memory_space<vmem>> -> memref<1x80xi32, #tpu.memory_space<vmem>>
    %dma_start3A_588 = tpu.memref_squeeze %dma_start3A_587 : memref<1x80xi32, #tpu.memory_space<vmem>> -> memref<80xi32, #tpu.memory_space<vmem>>
    %dma_start3A_589 = arith.constant 0 : i32
    %dma_start3A_590 = arith.constant 0 : i32
    %dma_start3A_591 = tpu.memref_slice %arg7[%dma_start3A_589, %dma_start3A_590] : memref<10112x128xf32, #tpu.memory_space<vmem_shared>> -> memref<10112x128xf32, #tpu.memory_space<vmem_shared>>
    tpu.enqueue_indirect_dma source(%arg12 : memref<80x128xf32, #tpu.memory_space<vmem>>) target(%dma_start3A_591 : memref<10112x128xf32, #tpu.memory_space<vmem_shared>>) offsets(%dma_start3A_588 : memref<80xi32, #tpu.memory_space<vmem>>) semaphore(%arg20 : memref<!tpu.dma_semaphore, #tpu.memory_space<semaphore_mem>>) {add = true}
    %dma_wait3A_592 = arith.constant 13 : i32
    %dma_wait3A_593 = arith.constant 0 : i32
    %dma_wait3A_594 = tpu.memref_slice %arg10[%dma_wait3A_592, %dma_wait3A_593] : memref<16x80xi32, #tpu.memory_space<vmem>> -> memref<1x80xi32, #tpu.memory_space<vmem>>
    %dma_wait3A_595 = tpu.memref_squeeze %dma_wait3A_594 : memref<1x80xi32, #tpu.memory_space<vmem>> -> memref<80xi32, #tpu.memory_space<vmem>>
    %dma_wait3A_596 = arith.constant 0 : i32
    %dma_wait3A_597 = arith.constant 0 : i32
    %dma_wait3A_598 = tpu.memref_slice %arg4[%dma_wait3A_596, %dma_wait3A_597] : memref<20000x128xf32, #tpu.memory_space<hbm>> -> memref<20000x128xf32, #tpu.memory_space<hbm>>
    tpu.wait_indirect_dma semaphore(%arg17 : memref<!tpu.dma_semaphore, #tpu.memory_space<semaphore_mem>>) src(%dma_wait3A_598 : memref<20000x128xf32, #tpu.memory_space<hbm>>) dst(%arg13 : memref<80x128xf32, #tpu.memory_space<vmem>>)
    %dma_start3A_599 = arith.constant 13 : i32
    %dma_start3A_600 = arith.constant 0 : i32
    %dma_start3A_601 = tpu.memref_slice %arg11[%dma_start3A_599, %dma_start3A_600] : memref<16x80xi32, #tpu.memory_space<vmem>> -> memref<1x80xi32, #tpu.memory_space<vmem>>
    %dma_start3A_602 = tpu.memref_squeeze %dma_start3A_601 : memref<1x80xi32, #tpu.memory_space<vmem>> -> memref<80xi32, #tpu.memory_space<vmem>>
    %dma_start3A_603 = arith.constant 0 : i32
    %dma_start3A_604 = arith.constant 0 : i32
    %dma_start3A_605 = tpu.memref_slice %arg7[%dma_start3A_603, %dma_start3A_604] : memref<10112x128xf32, #tpu.memory_space<vmem_shared>> -> memref<10112x128xf32, #tpu.memory_space<vmem_shared>>
    tpu.enqueue_indirect_dma source(%arg13 : memref<80x128xf32, #tpu.memory_space<vmem>>) target(%dma_start3A_605 : memref<10112x128xf32, #tpu.memory_space<vmem_shared>>) offsets(%dma_start3A_602 : memref<80xi32, #tpu.memory_space<vmem>>) semaphore(%arg21 : memref<!tpu.dma_semaphore, #tpu.memory_space<semaphore_mem>>) {add = true}
    %dma_wait3A_606 = arith.constant 14 : i32
    %dma_wait3A_607 = arith.constant 0 : i32
    %dma_wait3A_608 = tpu.memref_slice %arg10[%dma_wait3A_606, %dma_wait3A_607] : memref<16x80xi32, #tpu.memory_space<vmem>> -> memref<1x80xi32, #tpu.memory_space<vmem>>
    %dma_wait3A_609 = tpu.memref_squeeze %dma_wait3A_608 : memref<1x80xi32, #tpu.memory_space<vmem>> -> memref<80xi32, #tpu.memory_space<vmem>>
    %dma_wait3A_610 = arith.constant 0 : i32
    %dma_wait3A_611 = arith.constant 0 : i32
    %dma_wait3A_612 = tpu.memref_slice %arg4[%dma_wait3A_610, %dma_wait3A_611] : memref<20000x128xf32, #tpu.memory_space<hbm>> -> memref<20000x128xf32, #tpu.memory_space<hbm>>
    tpu.wait_indirect_dma semaphore(%arg18 : memref<!tpu.dma_semaphore, #tpu.memory_space<semaphore_mem>>) src(%dma_wait3A_612 : memref<20000x128xf32, #tpu.memory_space<hbm>>) dst(%arg14 : memref<80x128xf32, #tpu.memory_space<vmem>>)
    %dma_start3A_613 = arith.constant 14 : i32
    %dma_start3A_614 = arith.constant 0 : i32
    %dma_start3A_615 = tpu.memref_slice %arg11[%dma_start3A_613, %dma_start3A_614] : memref<16x80xi32, #tpu.memory_space<vmem>> -> memref<1x80xi32, #tpu.memory_space<vmem>>
    %dma_start3A_616 = tpu.memref_squeeze %dma_start3A_615 : memref<1x80xi32, #tpu.memory_space<vmem>> -> memref<80xi32, #tpu.memory_space<vmem>>
    %dma_start3A_617 = arith.constant 0 : i32
    %dma_start3A_618 = arith.constant 0 : i32
    %dma_start3A_619 = tpu.memref_slice %arg7[%dma_start3A_617, %dma_start3A_618] : memref<10112x128xf32, #tpu.memory_space<vmem_shared>> -> memref<10112x128xf32, #tpu.memory_space<vmem_shared>>
    tpu.enqueue_indirect_dma source(%arg14 : memref<80x128xf32, #tpu.memory_space<vmem>>) target(%dma_start3A_619 : memref<10112x128xf32, #tpu.memory_space<vmem_shared>>) offsets(%dma_start3A_616 : memref<80xi32, #tpu.memory_space<vmem>>) semaphore(%arg22 : memref<!tpu.dma_semaphore, #tpu.memory_space<semaphore_mem>>) {add = true}
    %dma_wait3A_620 = arith.constant 15 : i32
    %dma_wait3A_621 = arith.constant 0 : i32
    %dma_wait3A_622 = tpu.memref_slice %arg10[%dma_wait3A_620, %dma_wait3A_621] : memref<16x80xi32, #tpu.memory_space<vmem>> -> memref<1x80xi32, #tpu.memory_space<vmem>>
    %dma_wait3A_623 = tpu.memref_squeeze %dma_wait3A_622 : memref<1x80xi32, #tpu.memory_space<vmem>> -> memref<80xi32, #tpu.memory_space<vmem>>
    %dma_wait3A_624 = arith.constant 0 : i32
    %dma_wait3A_625 = arith.constant 0 : i32
    %dma_wait3A_626 = tpu.memref_slice %arg4[%dma_wait3A_624, %dma_wait3A_625] : memref<20000x128xf32, #tpu.memory_space<hbm>> -> memref<20000x128xf32, #tpu.memory_space<hbm>>
    tpu.wait_indirect_dma semaphore(%arg19 : memref<!tpu.dma_semaphore, #tpu.memory_space<semaphore_mem>>) src(%dma_wait3A_626 : memref<20000x128xf32, #tpu.memory_space<hbm>>) dst(%arg15 : memref<80x128xf32, #tpu.memory_space<vmem>>)
    %dma_start3A_627 = arith.constant 15 : i32
    %dma_start3A_628 = arith.constant 0 : i32
    %dma_start3A_629 = tpu.memref_slice %arg11[%dma_start3A_627, %dma_start3A_628] : memref<16x80xi32, #tpu.memory_space<vmem>> -> memref<1x80xi32, #tpu.memory_space<vmem>>
    %dma_start3A_630 = tpu.memref_squeeze %dma_start3A_629 : memref<1x80xi32, #tpu.memory_space<vmem>> -> memref<80xi32, #tpu.memory_space<vmem>>
    %dma_start3A_631 = arith.constant 0 : i32
    %dma_start3A_632 = arith.constant 0 : i32
    %dma_start3A_633 = tpu.memref_slice %arg7[%dma_start3A_631, %dma_start3A_632] : memref<10112x128xf32, #tpu.memory_space<vmem_shared>> -> memref<10112x128xf32, #tpu.memory_space<vmem_shared>>
    tpu.enqueue_indirect_dma source(%arg15 : memref<80x128xf32, #tpu.memory_space<vmem>>) target(%dma_start3A_633 : memref<10112x128xf32, #tpu.memory_space<vmem_shared>>) offsets(%dma_start3A_630 : memref<80xi32, #tpu.memory_space<vmem>>) semaphore(%arg23 : memref<!tpu.dma_semaphore, #tpu.memory_space<semaphore_mem>>) {add = true}
    %dma_wait3A_634 = arith.constant 12 : i32
    %dma_wait3A_635 = arith.constant 0 : i32
    %dma_wait3A_636 = tpu.memref_slice %arg11[%dma_wait3A_634, %dma_wait3A_635] : memref<16x80xi32, #tpu.memory_space<vmem>> -> memref<1x80xi32, #tpu.memory_space<vmem>>
    %dma_wait3A_637 = tpu.memref_squeeze %dma_wait3A_636 : memref<1x80xi32, #tpu.memory_space<vmem>> -> memref<80xi32, #tpu.memory_space<vmem>>
    %dma_wait3A_638 = arith.constant 0 : i32
    %dma_wait3A_639 = arith.constant 0 : i32
    %dma_wait3A_640 = tpu.memref_slice %arg7[%dma_wait3A_638, %dma_wait3A_639] : memref<10112x128xf32, #tpu.memory_space<vmem_shared>> -> memref<10112x128xf32, #tpu.memory_space<vmem_shared>>
    tpu.wait_indirect_dma semaphore(%arg20 : memref<!tpu.dma_semaphore, #tpu.memory_space<semaphore_mem>>) src(%arg12 : memref<80x128xf32, #tpu.memory_space<vmem>>) dst(%dma_wait3A_640 : memref<10112x128xf32, #tpu.memory_space<vmem_shared>>)
    %dma_wait3A_641 = arith.constant 13 : i32
    %dma_wait3A_642 = arith.constant 0 : i32
    %dma_wait3A_643 = tpu.memref_slice %arg11[%dma_wait3A_641, %dma_wait3A_642] : memref<16x80xi32, #tpu.memory_space<vmem>> -> memref<1x80xi32, #tpu.memory_space<vmem>>
    %dma_wait3A_644 = tpu.memref_squeeze %dma_wait3A_643 : memref<1x80xi32, #tpu.memory_space<vmem>> -> memref<80xi32, #tpu.memory_space<vmem>>
    %dma_wait3A_645 = arith.constant 0 : i32
    %dma_wait3A_646 = arith.constant 0 : i32
    %dma_wait3A_647 = tpu.memref_slice %arg7[%dma_wait3A_645, %dma_wait3A_646] : memref<10112x128xf32, #tpu.memory_space<vmem_shared>> -> memref<10112x128xf32, #tpu.memory_space<vmem_shared>>
    tpu.wait_indirect_dma semaphore(%arg21 : memref<!tpu.dma_semaphore, #tpu.memory_space<semaphore_mem>>) src(%arg13 : memref<80x128xf32, #tpu.memory_space<vmem>>) dst(%dma_wait3A_647 : memref<10112x128xf32, #tpu.memory_space<vmem_shared>>)
    %dma_wait3A_648 = arith.constant 14 : i32
    %dma_wait3A_649 = arith.constant 0 : i32
    %dma_wait3A_650 = tpu.memref_slice %arg11[%dma_wait3A_648, %dma_wait3A_649] : memref<16x80xi32, #tpu.memory_space<vmem>> -> memref<1x80xi32, #tpu.memory_space<vmem>>
    %dma_wait3A_651 = tpu.memref_squeeze %dma_wait3A_650 : memref<1x80xi32, #tpu.memory_space<vmem>> -> memref<80xi32, #tpu.memory_space<vmem>>
    %dma_wait3A_652 = arith.constant 0 : i32
    %dma_wait3A_653 = arith.constant 0 : i32
    %dma_wait3A_654 = tpu.memref_slice %arg7[%dma_wait3A_652, %dma_wait3A_653] : memref<10112x128xf32, #tpu.memory_space<vmem_shared>> -> memref<10112x128xf32, #tpu.memory_space<vmem_shared>>
    tpu.wait_indirect_dma semaphore(%arg22 : memref<!tpu.dma_semaphore, #tpu.memory_space<semaphore_mem>>) src(%arg14 : memref<80x128xf32, #tpu.memory_space<vmem>>) dst(%dma_wait3A_654 : memref<10112x128xf32, #tpu.memory_space<vmem_shared>>)
    %dma_wait3A_655 = arith.constant 15 : i32
    %dma_wait3A_656 = arith.constant 0 : i32
    %dma_wait3A_657 = tpu.memref_slice %arg11[%dma_wait3A_655, %dma_wait3A_656] : memref<16x80xi32, #tpu.memory_space<vmem>> -> memref<1x80xi32, #tpu.memory_space<vmem>>
    %dma_wait3A_658 = tpu.memref_squeeze %dma_wait3A_657 : memref<1x80xi32, #tpu.memory_space<vmem>> -> memref<80xi32, #tpu.memory_space<vmem>>
    %dma_wait3A_659 = arith.constant 0 : i32
    %dma_wait3A_660 = arith.constant 0 : i32
    %dma_wait3A_661 = tpu.memref_slice %arg7[%dma_wait3A_659, %dma_wait3A_660] : memref<10112x128xf32, #tpu.memory_space<vmem_shared>> -> memref<10112x128xf32, #tpu.memory_space<vmem_shared>>
    tpu.wait_indirect_dma semaphore(%arg23 : memref<!tpu.dma_semaphore, #tpu.memory_space<semaphore_mem>>) src(%arg15 : memref<80x128xf32, #tpu.memory_space<vmem>>) dst(%dma_wait3A_661 : memref<10112x128xf32, #tpu.memory_space<vmem_shared>>)
    %mul3A_662 = arith.constant 2048 : i32
    %mul3A_663 = arith.muli %arg0, %mul3A_662 : i32
    %mul3A_664 = arith.constant 128 : i32
    %mul3A_665 = arith.muli %arg1, %mul3A_664 : i32
    %add3A_666 = arith.addi %mul3A_663, %mul3A_665 : i32
    %add3A_667 = arith.constant 64 : i32
    %add3A_668 = arith.addi %add3A_666, %add3A_667 : i32
    %multiple_of3A_669 = tpu.assume_multiple %add3A_668, 8 : i32
    %dma_wait3A_670 = arith.constant 0 : i32
    %dma_wait3A_671 = tpu.memref_slice %arg2[%multiple_of3A_669, %dma_wait3A_670] : memref<4096x80xi32, #tpu.memory_space<hbm>> -> memref<16x80xi32, #tpu.memory_space<hbm>>
    %dma_wait3A_672 = arith.constant 0 : i32
    %dma_wait3A_673 = tpu.memref_slice %arg2[%multiple_of3A_669, %dma_wait3A_672] : memref<4096x80xi32, #tpu.memory_space<hbm>> -> memref<16x80xi32, #tpu.memory_space<hbm>>
    tpu.wait_dma2 semaphore(%arg24 : memref<!tpu.dma_semaphore, #tpu.memory_space<semaphore_mem>>) src(%dma_wait3A_673 : memref<16x80xi32, #tpu.memory_space<hbm>>) dst(%arg8 : memref<16x80xi32, #tpu.memory_space<vmem>>)
    %mul3A_674 = arith.constant 128 : i32
    %mul3A_675 = arith.muli %arg1, %mul3A_674 : i32
    %add3A_676 = arith.constant 64 : i32
    %add3A_677 = arith.addi %mul3A_675, %add3A_676 : i32
    %multiple_of3A_678 = tpu.assume_multiple %add3A_677, 8 : i32
    %dma_wait3A_679 = arith.constant 0 : i32
    %dma_wait3A_680 = tpu.memref_slice %arg3[%multiple_of3A_678, %dma_wait3A_679] : memref<2048x80xi32, #tpu.memory_space<hbm>> -> memref<16x80xi32, #tpu.memory_space<hbm>>
    %dma_wait3A_681 = arith.constant 0 : i32
    %dma_wait3A_682 = tpu.memref_slice %arg3[%multiple_of3A_678, %dma_wait3A_681] : memref<2048x80xi32, #tpu.memory_space<hbm>> -> memref<16x80xi32, #tpu.memory_space<hbm>>
    tpu.wait_dma2 semaphore(%arg24 : memref<!tpu.dma_semaphore, #tpu.memory_space<semaphore_mem>>) src(%dma_wait3A_682 : memref<16x80xi32, #tpu.memory_space<hbm>>) dst(%arg9 : memref<16x80xi32, #tpu.memory_space<vmem>>)
    %mul3A_683 = arith.constant 2048 : i32
    %mul3A_684 = arith.muli %arg0, %mul3A_683 : i32
    %mul3A_685 = arith.constant 128 : i32
    %mul3A_686 = arith.muli %arg1, %mul3A_685 : i32
    %add3A_687 = arith.addi %mul3A_684, %mul3A_686 : i32
    %add3A_688 = arith.constant 80 : i32
    %add3A_689 = arith.addi %add3A_687, %add3A_688 : i32
    %multiple_of3A_690 = tpu.assume_multiple %add3A_689, 8 : i32
    %dma_start3A_691 = arith.constant 0 : i32
    %dma_start3A_692 = tpu.memref_slice %arg2[%multiple_of3A_690, %dma_start3A_691] : memref<4096x80xi32, #tpu.memory_space<hbm>> -> memref<16x80xi32, #tpu.memory_space<hbm>>
    %dma_start3A_693 = arith.constant 0 : i32
    %dma_start3A_694 = tpu.memref_slice %arg2[%multiple_of3A_690, %dma_start3A_693] : memref<4096x80xi32, #tpu.memory_space<hbm>> -> memref<16x80xi32, #tpu.memory_space<hbm>>
    tpu.enqueue_dma source(%dma_start3A_694 : memref<16x80xi32, #tpu.memory_space<hbm>>) target(%arg10 : memref<16x80xi32, #tpu.memory_space<vmem>>) target_semaphore(%arg25 : memref<!tpu.dma_semaphore, #tpu.memory_space<semaphore_mem>>)
    %mul3A_695 = arith.constant 128 : i32
    %mul3A_696 = arith.muli %arg1, %mul3A_695 : i32
    %add3A_697 = arith.constant 80 : i32
    %add3A_698 = arith.addi %mul3A_696, %add3A_697 : i32
    %multiple_of3A_699 = tpu.assume_multiple %add3A_698, 8 : i32
    %dma_start3A_700 = arith.constant 0 : i32
    %dma_start3A_701 = tpu.memref_slice %arg3[%multiple_of3A_699, %dma_start3A_700] : memref<2048x80xi32, #tpu.memory_space<hbm>> -> memref<16x80xi32, #tpu.memory_space<hbm>>
    %dma_start3A_702 = arith.constant 0 : i32
    %dma_start3A_703 = tpu.memref_slice %arg3[%multiple_of3A_699, %dma_start3A_702] : memref<2048x80xi32, #tpu.memory_space<hbm>> -> memref<16x80xi32, #tpu.memory_space<hbm>>
    tpu.enqueue_dma source(%dma_start3A_703 : memref<16x80xi32, #tpu.memory_space<hbm>>) target(%arg11 : memref<16x80xi32, #tpu.memory_space<vmem>>) target_semaphore(%arg25 : memref<!tpu.dma_semaphore, #tpu.memory_space<semaphore_mem>>)
    %dma_start3A_704 = arith.constant 0 : i32
    %dma_start3A_705 = arith.constant 0 : i32
    %dma_start3A_706 = tpu.memref_slice %arg8[%dma_start3A_704, %dma_start3A_705] : memref<16x80xi32, #tpu.memory_space<vmem>> -> memref<1x80xi32, #tpu.memory_space<vmem>>
    %dma_start3A_707 = tpu.memref_squeeze %dma_start3A_706 : memref<1x80xi32, #tpu.memory_space<vmem>> -> memref<80xi32, #tpu.memory_space<vmem>>
    %dma_start3A_708 = arith.constant 0 : i32
    %dma_start3A_709 = arith.constant 0 : i32
    %dma_start3A_710 = tpu.memref_slice %arg4[%dma_start3A_708, %dma_start3A_709] : memref<20000x128xf32, #tpu.memory_space<hbm>> -> memref<20000x128xf32, #tpu.memory_space<hbm>>
    tpu.enqueue_indirect_dma source(%dma_start3A_710 : memref<20000x128xf32, #tpu.memory_space<hbm>>) target(%arg12 : memref<80x128xf32, #tpu.memory_space<vmem>>) offsets(%dma_start3A_707 : memref<80xi32, #tpu.memory_space<vmem>>) semaphore(%arg16 : memref<!tpu.dma_semaphore, #tpu.memory_space<semaphore_mem>>)
    %dma_start3A_711 = arith.constant 1 : i32
    %dma_start3A_712 = arith.constant 0 : i32
    %dma_start3A_713 = tpu.memref_slice %arg8[%dma_start3A_711, %dma_start3A_712] : memref<16x80xi32, #tpu.memory_space<vmem>> -> memref<1x80xi32, #tpu.memory_space<vmem>>
    %dma_start3A_714 = tpu.memref_squeeze %dma_start3A_713 : memref<1x80xi32, #tpu.memory_space<vmem>> -> memref<80xi32, #tpu.memory_space<vmem>>
    %dma_start3A_715 = arith.constant 0 : i32
    %dma_start3A_716 = arith.constant 0 : i32
    %dma_start3A_717 = tpu.memref_slice %arg4[%dma_start3A_715, %dma_start3A_716] : memref<20000x128xf32, #tpu.memory_space<hbm>> -> memref<20000x128xf32, #tpu.memory_space<hbm>>
    tpu.enqueue_indirect_dma source(%dma_start3A_717 : memref<20000x128xf32, #tpu.memory_space<hbm>>) target(%arg13 : memref<80x128xf32, #tpu.memory_space<vmem>>) offsets(%dma_start3A_714 : memref<80xi32, #tpu.memory_space<vmem>>) semaphore(%arg17 : memref<!tpu.dma_semaphore, #tpu.memory_space<semaphore_mem>>)
    %dma_start3A_718 = arith.constant 2 : i32
    %dma_start3A_719 = arith.constant 0 : i32
    %dma_start3A_720 = tpu.memref_slice %arg8[%dma_start3A_718, %dma_start3A_719] : memref<16x80xi32, #tpu.memory_space<vmem>> -> memref<1x80xi32, #tpu.memory_space<vmem>>
    %dma_start3A_721 = tpu.memref_squeeze %dma_start3A_720 : memref<1x80xi32, #tpu.memory_space<vmem>> -> memref<80xi32, #tpu.memory_space<vmem>>
    %dma_start3A_722 = arith.constant 0 : i32
    %dma_start3A_723 = arith.constant 0 : i32
    %dma_start3A_724 = tpu.memref_slice %arg4[%dma_start3A_722, %dma_start3A_723] : memref<20000x128xf32, #tpu.memory_space<hbm>> -> memref<20000x128xf32, #tpu.memory_space<hbm>>
    tpu.enqueue_indirect_dma source(%dma_start3A_724 : memref<20000x128xf32, #tpu.memory_space<hbm>>) target(%arg14 : memref<80x128xf32, #tpu.memory_space<vmem>>) offsets(%dma_start3A_721 : memref<80xi32, #tpu.memory_space<vmem>>) semaphore(%arg18 : memref<!tpu.dma_semaphore, #tpu.memory_space<semaphore_mem>>)
    %dma_start3A_725 = arith.constant 3 : i32
    %dma_start3A_726 = arith.constant 0 : i32
    %dma_start3A_727 = tpu.memref_slice %arg8[%dma_start3A_725, %dma_start3A_726] : memref<16x80xi32, #tpu.memory_space<vmem>> -> memref<1x80xi32, #tpu.memory_space<vmem>>
    %dma_start3A_728 = tpu.memref_squeeze %dma_start3A_727 : memref<1x80xi32, #tpu.memory_space<vmem>> -> memref<80xi32, #tpu.memory_space<vmem>>
    %dma_start3A_729 = arith.constant 0 : i32
    %dma_start3A_730 = arith.constant 0 : i32
    %dma_start3A_731 = tpu.memref_slice %arg4[%dma_start3A_729, %dma_start3A_730] : memref<20000x128xf32, #tpu.memory_space<hbm>> -> memref<20000x128xf32, #tpu.memory_space<hbm>>
    tpu.enqueue_indirect_dma source(%dma_start3A_731 : memref<20000x128xf32, #tpu.memory_space<hbm>>) target(%arg15 : memref<80x128xf32, #tpu.memory_space<vmem>>) offsets(%dma_start3A_728 : memref<80xi32, #tpu.memory_space<vmem>>) semaphore(%arg19 : memref<!tpu.dma_semaphore, #tpu.memory_space<semaphore_mem>>)
    %scan3A_732 = arith.constant 0 : i32
    %scan3A_733 = arith.constant 0 : i32
    %scan3A_734 = arith.constant 3 : i32
    %scan3A_735 = arith.addi %scan3A_733, %scan3A_734 : i32
    %scan3A_736 = arith.constant 1 : i32
    %scan3A_737 = scf.for %scan3A_1295 = %scan3A_733 to %scan3A_735 step %scan3A_736 iter_args(%scan3A_1296 = %scan3A_732) -> (i32)  : i32 {
      %mul3A_1297 = arith.constant 4 : i32
      %mul3A_1298 = arith.muli %scan3A_1295, %mul3A_1297 : i32
      %add3A_1299 = arith.constant 0 : i32
      %add3A_1300 = arith.addi %mul3A_1298, %add3A_1299 : i32
      %dma_wait3A_1301 = arith.constant 0 : i32
      %dma_wait3A_1302 = tpu.memref_slice %arg8[%add3A_1300, %dma_wait3A_1301] : memref<16x80xi32, #tpu.memory_space<vmem>> -> memref<1x80xi32, #tpu.memory_space<vmem>>
      %dma_wait3A_1303 = tpu.memref_squeeze %dma_wait3A_1302 : memref<1x80xi32, #tpu.memory_space<vmem>> -> memref<80xi32, #tpu.memory_space<vmem>>
      %dma_wait3A_1304 = arith.constant 0 : i32
      %dma_wait3A_1305 = arith.constant 0 : i32
      %dma_wait3A_1306 = tpu.memref_slice %arg4[%dma_wait3A_1304, %dma_wait3A_1305] : memref<20000x128xf32, #tpu.memory_space<hbm>> -> memref<20000x128xf32, #tpu.memory_space<hbm>>
      tpu.wait_indirect_dma semaphore(%arg16 : memref<!tpu.dma_semaphore, #tpu.memory_space<semaphore_mem>>) src(%dma_wait3A_1306 : memref<20000x128xf32, #tpu.memory_space<hbm>>) dst(%arg12 : memref<80x128xf32, #tpu.memory_space<vmem>>)
      %add3A_1307 = arith.constant 0 : i32
      %add3A_1308 = arith.addi %mul3A_1298, %add3A_1307 : i32
      %dma_start3A_1309 = arith.constant 0 : i32
      %dma_start3A_1310 = tpu.memref_slice %arg9[%add3A_1308, %dma_start3A_1309] : memref<16x80xi32, #tpu.memory_space<vmem>> -> memref<1x80xi32, #tpu.memory_space<vmem>>
      %dma_start3A_1311 = tpu.memref_squeeze %dma_start3A_1310 : memref<1x80xi32, #tpu.memory_space<vmem>> -> memref<80xi32, #tpu.memory_space<vmem>>
      %dma_start3A_1312 = arith.constant 0 : i32
      %dma_start3A_1313 = arith.constant 0 : i32
      %dma_start3A_1314 = tpu.memref_slice %arg7[%dma_start3A_1312, %dma_start3A_1313] : memref<10112x128xf32, #tpu.memory_space<vmem_shared>> -> memref<10112x128xf32, #tpu.memory_space<vmem_shared>>
      tpu.enqueue_indirect_dma source(%arg12 : memref<80x128xf32, #tpu.memory_space<vmem>>) target(%dma_start3A_1314 : memref<10112x128xf32, #tpu.memory_space<vmem_shared>>) offsets(%dma_start3A_1311 : memref<80xi32, #tpu.memory_space<vmem>>) semaphore(%arg20 : memref<!tpu.dma_semaphore, #tpu.memory_space<semaphore_mem>>) {add = true}
      %add3A_1315 = arith.constant 1 : i32
      %add3A_1316 = arith.addi %mul3A_1298, %add3A_1315 : i32
      %dma_wait3A_1317 = arith.constant 0 : i32
      %dma_wait3A_1318 = tpu.memref_slice %arg8[%add3A_1316, %dma_wait3A_1317] : memref<16x80xi32, #tpu.memory_space<vmem>> -> memref<1x80xi32, #tpu.memory_space<vmem>>
      %dma_wait3A_1319 = tpu.memref_squeeze %dma_wait3A_1318 : memref<1x80xi32, #tpu.memory_space<vmem>> -> memref<80xi32, #tpu.memory_space<vmem>>
      %dma_wait3A_1320 = arith.constant 0 : i32
      %dma_wait3A_1321 = arith.constant 0 : i32
      %dma_wait3A_1322 = tpu.memref_slice %arg4[%dma_wait3A_1320, %dma_wait3A_1321] : memref<20000x128xf32, #tpu.memory_space<hbm>> -> memref<20000x128xf32, #tpu.memory_space<hbm>>
      tpu.wait_indirect_dma semaphore(%arg17 : memref<!tpu.dma_semaphore, #tpu.memory_space<semaphore_mem>>) src(%dma_wait3A_1322 : memref<20000x128xf32, #tpu.memory_space<hbm>>) dst(%arg13 : memref<80x128xf32, #tpu.memory_space<vmem>>)
      %add3A_1323 = arith.constant 1 : i32
      %add3A_1324 = arith.addi %mul3A_1298, %add3A_1323 : i32
      %dma_start3A_1325 = arith.constant 0 : i32
      %dma_start3A_1326 = tpu.memref_slice %arg9[%add3A_1324, %dma_start3A_1325] : memref<16x80xi32, #tpu.memory_space<vmem>> -> memref<1x80xi32, #tpu.memory_space<vmem>>
      %dma_start3A_1327 = tpu.memref_squeeze %dma_start3A_1326 : memref<1x80xi32, #tpu.memory_space<vmem>> -> memref<80xi32, #tpu.memory_space<vmem>>
      %dma_start3A_1328 = arith.constant 0 : i32
      %dma_start3A_1329 = arith.constant 0 : i32
      %dma_start3A_1330 = tpu.memref_slice %arg7[%dma_start3A_1328, %dma_start3A_1329] : memref<10112x128xf32, #tpu.memory_space<vmem_shared>> -> memref<10112x128xf32, #tpu.memory_space<vmem_shared>>
      tpu.enqueue_indirect_dma source(%arg13 : memref<80x128xf32, #tpu.memory_space<vmem>>) target(%dma_start3A_1330 : memref<10112x128xf32, #tpu.memory_space<vmem_shared>>) offsets(%dma_start3A_1327 : memref<80xi32, #tpu.memory_space<vmem>>) semaphore(%arg21 : memref<!tpu.dma_semaphore, #tpu.memory_space<semaphore_mem>>) {add = true}
      %add3A_1331 = arith.constant 2 : i32
      %add3A_1332 = arith.addi %mul3A_1298, %add3A_1331 : i32
      %dma_wait3A_1333 = arith.constant 0 : i32
      %dma_wait3A_1334 = tpu.memref_slice %arg8[%add3A_1332, %dma_wait3A_1333] : memref<16x80xi32, #tpu.memory_space<vmem>> -> memref<1x80xi32, #tpu.memory_space<vmem>>
      %dma_wait3A_1335 = tpu.memref_squeeze %dma_wait3A_1334 : memref<1x80xi32, #tpu.memory_space<vmem>> -> memref<80xi32, #tpu.memory_space<vmem>>
      %dma_wait3A_1336 = arith.constant 0 : i32
      %dma_wait3A_1337 = arith.constant 0 : i32
      %dma_wait3A_1338 = tpu.memref_slice %arg4[%dma_wait3A_1336, %dma_wait3A_1337] : memref<20000x128xf32, #tpu.memory_space<hbm>> -> memref<20000x128xf32, #tpu.memory_space<hbm>>
      tpu.wait_indirect_dma semaphore(%arg18 : memref<!tpu.dma_semaphore, #tpu.memory_space<semaphore_mem>>) src(%dma_wait3A_1338 : memref<20000x128xf32, #tpu.memory_space<hbm>>) dst(%arg14 : memref<80x128xf32, #tpu.memory_space<vmem>>)
      %add3A_1339 = arith.constant 2 : i32
      %add3A_1340 = arith.addi %mul3A_1298, %add3A_1339 : i32
      %dma_start3A_1341 = arith.constant 0 : i32
      %dma_start3A_1342 = tpu.memref_slice %arg9[%add3A_1340, %dma_start3A_1341] : memref<16x80xi32, #tpu.memory_space<vmem>> -> memref<1x80xi32, #tpu.memory_space<vmem>>
      %dma_start3A_1343 = tpu.memref_squeeze %dma_start3A_1342 : memref<1x80xi32, #tpu.memory_space<vmem>> -> memref<80xi32, #tpu.memory_space<vmem>>
      %dma_start3A_1344 = arith.constant 0 : i32
      %dma_start3A_1345 = arith.constant 0 : i32
      %dma_start3A_1346 = tpu.memref_slice %arg7[%dma_start3A_1344, %dma_start3A_1345] : memref<10112x128xf32, #tpu.memory_space<vmem_shared>> -> memref<10112x128xf32, #tpu.memory_space<vmem_shared>>
      tpu.enqueue_indirect_dma source(%arg14 : memref<80x128xf32, #tpu.memory_space<vmem>>) target(%dma_start3A_1346 : memref<10112x128xf32, #tpu.memory_space<vmem_shared>>) offsets(%dma_start3A_1343 : memref<80xi32, #tpu.memory_space<vmem>>) semaphore(%arg22 : memref<!tpu.dma_semaphore, #tpu.memory_space<semaphore_mem>>) {add = true}
      %add3A_1347 = arith.constant 3 : i32
      %add3A_1348 = arith.addi %mul3A_1298, %add3A_1347 : i32
      %dma_wait3A_1349 = arith.constant 0 : i32
      %dma_wait3A_1350 = tpu.memref_slice %arg8[%add3A_1348, %dma_wait3A_1349] : memref<16x80xi32, #tpu.memory_space<vmem>> -> memref<1x80xi32, #tpu.memory_space<vmem>>
      %dma_wait3A_1351 = tpu.memref_squeeze %dma_wait3A_1350 : memref<1x80xi32, #tpu.memory_space<vmem>> -> memref<80xi32, #tpu.memory_space<vmem>>
      %dma_wait3A_1352 = arith.constant 0 : i32
      %dma_wait3A_1353 = arith.constant 0 : i32
      %dma_wait3A_1354 = tpu.memref_slice %arg4[%dma_wait3A_1352, %dma_wait3A_1353] : memref<20000x128xf32, #tpu.memory_space<hbm>> -> memref<20000x128xf32, #tpu.memory_space<hbm>>
      tpu.wait_indirect_dma semaphore(%arg19 : memref<!tpu.dma_semaphore, #tpu.memory_space<semaphore_mem>>) src(%dma_wait3A_1354 : memref<20000x128xf32, #tpu.memory_space<hbm>>) dst(%arg15 : memref<80x128xf32, #tpu.memory_space<vmem>>)
      %add3A_1355 = arith.constant 3 : i32
      %add3A_1356 = arith.addi %mul3A_1298, %add3A_1355 : i32
      %dma_start3A_1357 = arith.constant 0 : i32
      %dma_start3A_1358 = tpu.memref_slice %arg9[%add3A_1356, %dma_start3A_1357] : memref<16x80xi32, #tpu.memory_space<vmem>> -> memref<1x80xi32, #tpu.memory_space<vmem>>
      %dma_start3A_1359 = tpu.memref_squeeze %dma_start3A_1358 : memref<1x80xi32, #tpu.memory_space<vmem>> -> memref<80xi32, #tpu.memory_space<vmem>>
      %dma_start3A_1360 = arith.constant 0 : i32
      %dma_start3A_1361 = arith.constant 0 : i32
      %dma_start3A_1362 = tpu.memref_slice %arg7[%dma_start3A_1360, %dma_start3A_1361] : memref<10112x128xf32, #tpu.memory_space<vmem_shared>> -> memref<10112x128xf32, #tpu.memory_space<vmem_shared>>
      tpu.enqueue_indirect_dma source(%arg15 : memref<80x128xf32, #tpu.memory_space<vmem>>) target(%dma_start3A_1362 : memref<10112x128xf32, #tpu.memory_space<vmem_shared>>) offsets(%dma_start3A_1359 : memref<80xi32, #tpu.memory_space<vmem>>) semaphore(%arg23 : memref<!tpu.dma_semaphore, #tpu.memory_space<semaphore_mem>>) {add = true}
      %add3A_1363 = arith.constant 0 : i32
      %add3A_1364 = arith.addi %mul3A_1298, %add3A_1363 : i32
      %dma_wait3A_1365 = arith.constant 0 : i32
      %dma_wait3A_1366 = tpu.memref_slice %arg9[%add3A_1364, %dma_wait3A_1365] : memref<16x80xi32, #tpu.memory_space<vmem>> -> memref<1x80xi32, #tpu.memory_space<vmem>>
      %dma_wait3A_1367 = tpu.memref_squeeze %dma_wait3A_1366 : memref<1x80xi32, #tpu.memory_space<vmem>> -> memref<80xi32, #tpu.memory_space<vmem>>
      %dma_wait3A_1368 = arith.constant 0 : i32
      %dma_wait3A_1369 = arith.constant 0 : i32
      %dma_wait3A_1370 = tpu.memref_slice %arg7[%dma_wait3A_1368, %dma_wait3A_1369] : memref<10112x128xf32, #tpu.memory_space<vmem_shared>> -> memref<10112x128xf32, #tpu.memory_space<vmem_shared>>
      tpu.wait_indirect_dma semaphore(%arg20 : memref<!tpu.dma_semaphore, #tpu.memory_space<semaphore_mem>>) src(%arg12 : memref<80x128xf32, #tpu.memory_space<vmem>>) dst(%dma_wait3A_1370 : memref<10112x128xf32, #tpu.memory_space<vmem_shared>>)
      %add3A_1371 = arith.constant 4 : i32
      %add3A_1372 = arith.addi %mul3A_1298, %add3A_1371 : i32
      %add3A_1373 = arith.constant 0 : i32
      %add3A_1374 = arith.addi %add3A_1372, %add3A_1373 : i32
      %dma_start3A_1375 = arith.constant 0 : i32
      %dma_start3A_1376 = tpu.memref_slice %arg8[%add3A_1374, %dma_start3A_1375] : memref<16x80xi32, #tpu.memory_space<vmem>> -> memref<1x80xi32, #tpu.memory_space<vmem>>
      %dma_start3A_1377 = tpu.memref_squeeze %dma_start3A_1376 : memref<1x80xi32, #tpu.memory_space<vmem>> -> memref<80xi32, #tpu.memory_space<vmem>>
      %dma_start3A_1378 = arith.constant 0 : i32
      %dma_start3A_1379 = arith.constant 0 : i32
      %dma_start3A_1380 = tpu.memref_slice %arg4[%dma_start3A_1378, %dma_start3A_1379] : memref<20000x128xf32, #tpu.memory_space<hbm>> -> memref<20000x128xf32, #tpu.memory_space<hbm>>
      tpu.enqueue_indirect_dma source(%dma_start3A_1380 : memref<20000x128xf32, #tpu.memory_space<hbm>>) target(%arg12 : memref<80x128xf32, #tpu.memory_space<vmem>>) offsets(%dma_start3A_1377 : memref<80xi32, #tpu.memory_space<vmem>>) semaphore(%arg16 : memref<!tpu.dma_semaphore, #tpu.memory_space<semaphore_mem>>)
      %add3A_1381 = arith.constant 1 : i32
      %add3A_1382 = arith.addi %mul3A_1298, %add3A_1381 : i32
      %dma_wait3A_1383 = arith.constant 0 : i32
      %dma_wait3A_1384 = tpu.memref_slice %arg9[%add3A_1382, %dma_wait3A_1383] : memref<16x80xi32, #tpu.memory_space<vmem>> -> memref<1x80xi32, #tpu.memory_space<vmem>>
      %dma_wait3A_1385 = tpu.memref_squeeze %dma_wait3A_1384 : memref<1x80xi32, #tpu.memory_space<vmem>> -> memref<80xi32, #tpu.memory_space<vmem>>
      %dma_wait3A_1386 = arith.constant 0 : i32
      %dma_wait3A_1387 = arith.constant 0 : i32
      %dma_wait3A_1388 = tpu.memref_slice %arg7[%dma_wait3A_1386, %dma_wait3A_1387] : memref<10112x128xf32, #tpu.memory_space<vmem_shared>> -> memref<10112x128xf32, #tpu.memory_space<vmem_shared>>
      tpu.wait_indirect_dma semaphore(%arg21 : memref<!tpu.dma_semaphore, #tpu.memory_space<semaphore_mem>>) src(%arg13 : memref<80x128xf32, #tpu.memory_space<vmem>>) dst(%dma_wait3A_1388 : memref<10112x128xf32, #tpu.memory_space<vmem_shared>>)
      %add3A_1389 = arith.constant 4 : i32
      %add3A_1390 = arith.addi %mul3A_1298, %add3A_1389 : i32
      %add3A_1391 = arith.constant 1 : i32
      %add3A_1392 = arith.addi %add3A_1390, %add3A_1391 : i32
      %dma_start3A_1393 = arith.constant 0 : i32
      %dma_start3A_1394 = tpu.memref_slice %arg8[%add3A_1392, %dma_start3A_1393] : memref<16x80xi32, #tpu.memory_space<vmem>> -> memref<1x80xi32, #tpu.memory_space<vmem>>
      %dma_start3A_1395 = tpu.memref_squeeze %dma_start3A_1394 : memref<1x80xi32, #tpu.memory_space<vmem>> -> memref<80xi32, #tpu.memory_space<vmem>>
      %dma_start3A_1396 = arith.constant 0 : i32
      %dma_start3A_1397 = arith.constant 0 : i32
      %dma_start3A_1398 = tpu.memref_slice %arg4[%dma_start3A_1396, %dma_start3A_1397] : memref<20000x128xf32, #tpu.memory_space<hbm>> -> memref<20000x128xf32, #tpu.memory_space<hbm>>
      tpu.enqueue_indirect_dma source(%dma_start3A_1398 : memref<20000x128xf32, #tpu.memory_space<hbm>>) target(%arg13 : memref<80x128xf32, #tpu.memory_space<vmem>>) offsets(%dma_start3A_1395 : memref<80xi32, #tpu.memory_space<vmem>>) semaphore(%arg17 : memref<!tpu.dma_semaphore, #tpu.memory_space<semaphore_mem>>)
      %add3A_1399 = arith.constant 2 : i32
      %add3A_1400 = arith.addi %mul3A_1298, %add3A_1399 : i32
      %dma_wait3A_1401 = arith.constant 0 : i32
      %dma_wait3A_1402 = tpu.memref_slice %arg9[%add3A_1400, %dma_wait3A_1401] : memref<16x80xi32, #tpu.memory_space<vmem>> -> memref<1x80xi32, #tpu.memory_space<vmem>>
      %dma_wait3A_1403 = tpu.memref_squeeze %dma_wait3A_1402 : memref<1x80xi32, #tpu.memory_space<vmem>> -> memref<80xi32, #tpu.memory_space<vmem>>
      %dma_wait3A_1404 = arith.constant 0 : i32
      %dma_wait3A_1405 = arith.constant 0 : i32
      %dma_wait3A_1406 = tpu.memref_slice %arg7[%dma_wait3A_1404, %dma_wait3A_1405] : memref<10112x128xf32, #tpu.memory_space<vmem_shared>> -> memref<10112x128xf32, #tpu.memory_space<vmem_shared>>
      tpu.wait_indirect_dma semaphore(%arg22 : memref<!tpu.dma_semaphore, #tpu.memory_space<semaphore_mem>>) src(%arg14 : memref<80x128xf32, #tpu.memory_space<vmem>>) dst(%dma_wait3A_1406 : memref<10112x128xf32, #tpu.memory_space<vmem_shared>>)
      %add3A_1407 = arith.constant 4 : i32
      %add3A_1408 = arith.addi %mul3A_1298, %add3A_1407 : i32
      %add3A_1409 = arith.constant 2 : i32
      %add3A_1410 = arith.addi %add3A_1408, %add3A_1409 : i32
      %dma_start3A_1411 = arith.constant 0 : i32
      %dma_start3A_1412 = tpu.memref_slice %arg8[%add3A_1410, %dma_start3A_1411] : memref<16x80xi32, #tpu.memory_space<vmem>> -> memref<1x80xi32, #tpu.memory_space<vmem>>
      %dma_start3A_1413 = tpu.memref_squeeze %dma_start3A_1412 : memref<1x80xi32, #tpu.memory_space<vmem>> -> memref<80xi32, #tpu.memory_space<vmem>>
      %dma_start3A_1414 = arith.constant 0 : i32
      %dma_start3A_1415 = arith.constant 0 : i32
      %dma_start3A_1416 = tpu.memref_slice %arg4[%dma_start3A_1414, %dma_start3A_1415] : memref<20000x128xf32, #tpu.memory_space<hbm>> -> memref<20000x128xf32, #tpu.memory_space<hbm>>
      tpu.enqueue_indirect_dma source(%dma_start3A_1416 : memref<20000x128xf32, #tpu.memory_space<hbm>>) target(%arg14 : memref<80x128xf32, #tpu.memory_space<vmem>>) offsets(%dma_start3A_1413 : memref<80xi32, #tpu.memory_space<vmem>>) semaphore(%arg18 : memref<!tpu.dma_semaphore, #tpu.memory_space<semaphore_mem>>)
      %add3A_1417 = arith.constant 3 : i32
      %add3A_1418 = arith.addi %mul3A_1298, %add3A_1417 : i32
      %dma_wait3A_1419 = arith.constant 0 : i32
      %dma_wait3A_1420 = tpu.memref_slice %arg9[%add3A_1418, %dma_wait3A_1419] : memref<16x80xi32, #tpu.memory_space<vmem>> -> memref<1x80xi32, #tpu.memory_space<vmem>>
      %dma_wait3A_1421 = tpu.memref_squeeze %dma_wait3A_1420 : memref<1x80xi32, #tpu.memory_space<vmem>> -> memref<80xi32, #tpu.memory_space<vmem>>
      %dma_wait3A_1422 = arith.constant 0 : i32
      %dma_wait3A_1423 = arith.constant 0 : i32
      %dma_wait3A_1424 = tpu.memref_slice %arg7[%dma_wait3A_1422, %dma_wait3A_1423] : memref<10112x128xf32, #tpu.memory_space<vmem_shared>> -> memref<10112x128xf32, #tpu.memory_space<vmem_shared>>
      tpu.wait_indirect_dma semaphore(%arg23 : memref<!tpu.dma_semaphore, #tpu.memory_space<semaphore_mem>>) src(%arg15 : memref<80x128xf32, #tpu.memory_space<vmem>>) dst(%dma_wait3A_1424 : memref<10112x128xf32, #tpu.memory_space<vmem_shared>>)
      %add3A_1425 = arith.constant 4 : i32
      %add3A_1426 = arith.addi %mul3A_1298, %add3A_1425 : i32
      %add3A_1427 = arith.constant 3 : i32
      %add3A_1428 = arith.addi %add3A_1426, %add3A_1427 : i32
      %dma_start3A_1429 = arith.constant 0 : i32
      %dma_start3A_1430 = tpu.memref_slice %arg8[%add3A_1428, %dma_start3A_1429] : memref<16x80xi32, #tpu.memory_space<vmem>> -> memref<1x80xi32, #tpu.memory_space<vmem>>
      %dma_start3A_1431 = tpu.memref_squeeze %dma_start3A_1430 : memref<1x80xi32, #tpu.memory_space<vmem>> -> memref<80xi32, #tpu.memory_space<vmem>>
      %dma_start3A_1432 = arith.constant 0 : i32
      %dma_start3A_1433 = arith.constant 0 : i32
      %dma_start3A_1434 = tpu.memref_slice %arg4[%dma_start3A_1432, %dma_start3A_1433] : memref<20000x128xf32, #tpu.memory_space<hbm>> -> memref<20000x128xf32, #tpu.memory_space<hbm>>
      tpu.enqueue_indirect_dma source(%dma_start3A_1434 : memref<20000x128xf32, #tpu.memory_space<hbm>>) target(%arg15 : memref<80x128xf32, #tpu.memory_space<vmem>>) offsets(%dma_start3A_1431 : memref<80xi32, #tpu.memory_space<vmem>>) semaphore(%arg19 : memref<!tpu.dma_semaphore, #tpu.memory_space<semaphore_mem>>)
      %scan3A_1435 = arith.constant 0 : i32
      scf.yield %scan3A_1435 : i32
    }
    %scan3A_738 = arith.constant 3 : i32
    %dma_wait3A_739 = arith.constant 12 : i32
    %dma_wait3A_740 = arith.constant 0 : i32
    %dma_wait3A_741 = tpu.memref_slice %arg8[%dma_wait3A_739, %dma_wait3A_740] : memref<16x80xi32, #tpu.memory_space<vmem>> -> memref<1x80xi32, #tpu.memory_space<vmem>>
    %dma_wait3A_742 = tpu.memref_squeeze %dma_wait3A_741 : memref<1x80xi32, #tpu.memory_space<vmem>> -> memref<80xi32, #tpu.memory_space<vmem>>
    %dma_wait3A_743 = arith.constant 0 : i32
    %dma_wait3A_744 = arith.constant 0 : i32
    %dma_wait3A_745 = tpu.memref_slice %arg4[%dma_wait3A_743, %dma_wait3A_744] : memref<20000x128xf32, #tpu.memory_space<hbm>> -> memref<20000x128xf32, #tpu.memory_space<hbm>>
    tpu.wait_indirect_dma semaphore(%arg16 : memref<!tpu.dma_semaphore, #tpu.memory_space<semaphore_mem>>) src(%dma_wait3A_745 : memref<20000x128xf32, #tpu.memory_space<hbm>>) dst(%arg12 : memref<80x128xf32, #tpu.memory_space<vmem>>)
    %dma_start3A_746 = arith.constant 12 : i32
    %dma_start3A_747 = arith.constant 0 : i32
    %dma_start3A_748 = tpu.memref_slice %arg9[%dma_start3A_746, %dma_start3A_747] : memref<16x80xi32, #tpu.memory_space<vmem>> -> memref<1x80xi32, #tpu.memory_space<vmem>>
    %dma_start3A_749 = tpu.memref_squeeze %dma_start3A_748 : memref<1x80xi32, #tpu.memory_space<vmem>> -> memref<80xi32, #tpu.memory_space<vmem>>
    %dma_start3A_750 = arith.constant 0 : i32
    %dma_start3A_751 = arith.constant 0 : i32
    %dma_start3A_752 = tpu.memref_slice %arg7[%dma_start3A_750, %dma_start3A_751] : memref<10112x128xf32, #tpu.memory_space<vmem_shared>> -> memref<10112x128xf32, #tpu.memory_space<vmem_shared>>
    tpu.enqueue_indirect_dma source(%arg12 : memref<80x128xf32, #tpu.memory_space<vmem>>) target(%dma_start3A_752 : memref<10112x128xf32, #tpu.memory_space<vmem_shared>>) offsets(%dma_start3A_749 : memref<80xi32, #tpu.memory_space<vmem>>) semaphore(%arg20 : memref<!tpu.dma_semaphore, #tpu.memory_space<semaphore_mem>>) {add = true}
    %dma_wait3A_753 = arith.constant 13 : i32
    %dma_wait3A_754 = arith.constant 0 : i32
    %dma_wait3A_755 = tpu.memref_slice %arg8[%dma_wait3A_753, %dma_wait3A_754] : memref<16x80xi32, #tpu.memory_space<vmem>> -> memref<1x80xi32, #tpu.memory_space<vmem>>
    %dma_wait3A_756 = tpu.memref_squeeze %dma_wait3A_755 : memref<1x80xi32, #tpu.memory_space<vmem>> -> memref<80xi32, #tpu.memory_space<vmem>>
    %dma_wait3A_757 = arith.constant 0 : i32
    %dma_wait3A_758 = arith.constant 0 : i32
    %dma_wait3A_759 = tpu.memref_slice %arg4[%dma_wait3A_757, %dma_wait3A_758] : memref<20000x128xf32, #tpu.memory_space<hbm>> -> memref<20000x128xf32, #tpu.memory_space<hbm>>
    tpu.wait_indirect_dma semaphore(%arg17 : memref<!tpu.dma_semaphore, #tpu.memory_space<semaphore_mem>>) src(%dma_wait3A_759 : memref<20000x128xf32, #tpu.memory_space<hbm>>) dst(%arg13 : memref<80x128xf32, #tpu.memory_space<vmem>>)
    %dma_start3A_760 = arith.constant 13 : i32
    %dma_start3A_761 = arith.constant 0 : i32
    %dma_start3A_762 = tpu.memref_slice %arg9[%dma_start3A_760, %dma_start3A_761] : memref<16x80xi32, #tpu.memory_space<vmem>> -> memref<1x80xi32, #tpu.memory_space<vmem>>
    %dma_start3A_763 = tpu.memref_squeeze %dma_start3A_762 : memref<1x80xi32, #tpu.memory_space<vmem>> -> memref<80xi32, #tpu.memory_space<vmem>>
    %dma_start3A_764 = arith.constant 0 : i32
    %dma_start3A_765 = arith.constant 0 : i32
    %dma_start3A_766 = tpu.memref_slice %arg7[%dma_start3A_764, %dma_start3A_765] : memref<10112x128xf32, #tpu.memory_space<vmem_shared>> -> memref<10112x128xf32, #tpu.memory_space<vmem_shared>>
    tpu.enqueue_indirect_dma source(%arg13 : memref<80x128xf32, #tpu.memory_space<vmem>>) target(%dma_start3A_766 : memref<10112x128xf32, #tpu.memory_space<vmem_shared>>) offsets(%dma_start3A_763 : memref<80xi32, #tpu.memory_space<vmem>>) semaphore(%arg21 : memref<!tpu.dma_semaphore, #tpu.memory_space<semaphore_mem>>) {add = true}
    %dma_wait3A_767 = arith.constant 14 : i32
    %dma_wait3A_768 = arith.constant 0 : i32
    %dma_wait3A_769 = tpu.memref_slice %arg8[%dma_wait3A_767, %dma_wait3A_768] : memref<16x80xi32, #tpu.memory_space<vmem>> -> memref<1x80xi32, #tpu.memory_space<vmem>>
    %dma_wait3A_770 = tpu.memref_squeeze %dma_wait3A_769 : memref<1x80xi32, #tpu.memory_space<vmem>> -> memref<80xi32, #tpu.memory_space<vmem>>
    %dma_wait3A_771 = arith.constant 0 : i32
    %dma_wait3A_772 = arith.constant 0 : i32
    %dma_wait3A_773 = tpu.memref_slice %arg4[%dma_wait3A_771, %dma_wait3A_772] : memref<20000x128xf32, #tpu.memory_space<hbm>> -> memref<20000x128xf32, #tpu.memory_space<hbm>>
    tpu.wait_indirect_dma semaphore(%arg18 : memref<!tpu.dma_semaphore, #tpu.memory_space<semaphore_mem>>) src(%dma_wait3A_773 : memref<20000x128xf32, #tpu.memory_space<hbm>>) dst(%arg14 : memref<80x128xf32, #tpu.memory_space<vmem>>)
    %dma_start3A_774 = arith.constant 14 : i32
    %dma_start3A_775 = arith.constant 0 : i32
    %dma_start3A_776 = tpu.memref_slice %arg9[%dma_start3A_774, %dma_start3A_775] : memref<16x80xi32, #tpu.memory_space<vmem>> -> memref<1x80xi32, #tpu.memory_space<vmem>>
    %dma_start3A_777 = tpu.memref_squeeze %dma_start3A_776 : memref<1x80xi32, #tpu.memory_space<vmem>> -> memref<80xi32, #tpu.memory_space<vmem>>
    %dma_start3A_778 = arith.constant 0 : i32
    %dma_start3A_779 = arith.constant 0 : i32
    %dma_start3A_780 = tpu.memref_slice %arg7[%dma_start3A_778, %dma_start3A_779] : memref<10112x128xf32, #tpu.memory_space<vmem_shared>> -> memref<10112x128xf32, #tpu.memory_space<vmem_shared>>
    tpu.enqueue_indirect_dma source(%arg14 : memref<80x128xf32, #tpu.memory_space<vmem>>) target(%dma_start3A_780 : memref<10112x128xf32, #tpu.memory_space<vmem_shared>>) offsets(%dma_start3A_777 : memref<80xi32, #tpu.memory_space<vmem>>) semaphore(%arg22 : memref<!tpu.dma_semaphore, #tpu.memory_space<semaphore_mem>>) {add = true}
    %dma_wait3A_781 = arith.constant 15 : i32
    %dma_wait3A_782 = arith.constant 0 : i32
    %dma_wait3A_783 = tpu.memref_slice %arg8[%dma_wait3A_781, %dma_wait3A_782] : memref<16x80xi32, #tpu.memory_space<vmem>> -> memref<1x80xi32, #tpu.memory_space<vmem>>
    %dma_wait3A_784 = tpu.memref_squeeze %dma_wait3A_783 : memref<1x80xi32, #tpu.memory_space<vmem>> -> memref<80xi32, #tpu.memory_space<vmem>>
    %dma_wait3A_785 = arith.constant 0 : i32
    %dma_wait3A_786 = arith.constant 0 : i32
    %dma_wait3A_787 = tpu.memref_slice %arg4[%dma_wait3A_785, %dma_wait3A_786] : memref<20000x128xf32, #tpu.memory_space<hbm>> -> memref<20000x128xf32, #tpu.memory_space<hbm>>
    tpu.wait_indirect_dma semaphore(%arg19 : memref<!tpu.dma_semaphore, #tpu.memory_space<semaphore_mem>>) src(%dma_wait3A_787 : memref<20000x128xf32, #tpu.memory_space<hbm>>) dst(%arg15 : memref<80x128xf32, #tpu.memory_space<vmem>>)
    %dma_start3A_788 = arith.constant 15 : i32
    %dma_start3A_789 = arith.constant 0 : i32
    %dma_start3A_790 = tpu.memref_slice %arg9[%dma_start3A_788, %dma_start3A_789] : memref<16x80xi32, #tpu.memory_space<vmem>> -> memref<1x80xi32, #tpu.memory_space<vmem>>
    %dma_start3A_791 = tpu.memref_squeeze %dma_start3A_790 : memref<1x80xi32, #tpu.memory_space<vmem>> -> memref<80xi32, #tpu.memory_space<vmem>>
    %dma_start3A_792 = arith.constant 0 : i32
    %dma_start3A_793 = arith.constant 0 : i32
    %dma_start3A_794 = tpu.memref_slice %arg7[%dma_start3A_792, %dma_start3A_793] : memref<10112x128xf32, #tpu.memory_space<vmem_shared>> -> memref<10112x128xf32, #tpu.memory_space<vmem_shared>>
    tpu.enqueue_indirect_dma source(%arg15 : memref<80x128xf32, #tpu.memory_space<vmem>>) target(%dma_start3A_794 : memref<10112x128xf32, #tpu.memory_space<vmem_shared>>) offsets(%dma_start3A_791 : memref<80xi32, #tpu.memory_space<vmem>>) semaphore(%arg23 : memref<!tpu.dma_semaphore, #tpu.memory_space<semaphore_mem>>) {add = true}
    %dma_wait3A_795 = arith.constant 12 : i32
    %dma_wait3A_796 = arith.constant 0 : i32
    %dma_wait3A_797 = tpu.memref_slice %arg9[%dma_wait3A_795, %dma_wait3A_796] : memref<16x80xi32, #tpu.memory_space<vmem>> -> memref<1x80xi32, #tpu.memory_space<vmem>>
    %dma_wait3A_798 = tpu.memref_squeeze %dma_wait3A_797 : memref<1x80xi32, #tpu.memory_space<vmem>> -> memref<80xi32, #tpu.memory_space<vmem>>
    %dma_wait3A_799 = arith.constant 0 : i32
    %dma_wait3A_800 = arith.constant 0 : i32
    %dma_wait3A_801 = tpu.memref_slice %arg7[%dma_wait3A_799, %dma_wait3A_800] : memref<10112x128xf32, #tpu.memory_space<vmem_shared>> -> memref<10112x128xf32, #tpu.memory_space<vmem_shared>>
    tpu.wait_indirect_dma semaphore(%arg20 : memref<!tpu.dma_semaphore, #tpu.memory_space<semaphore_mem>>) src(%arg12 : memref<80x128xf32, #tpu.memory_space<vmem>>) dst(%dma_wait3A_801 : memref<10112x128xf32, #tpu.memory_space<vmem_shared>>)
    %dma_wait3A_802 = arith.constant 13 : i32
    %dma_wait3A_803 = arith.constant 0 : i32
    %dma_wait3A_804 = tpu.memref_slice %arg9[%dma_wait3A_802, %dma_wait3A_803] : memref<16x80xi32, #tpu.memory_space<vmem>> -> memref<1x80xi32, #tpu.memory_space<vmem>>
    %dma_wait3A_805 = tpu.memref_squeeze %dma_wait3A_804 : memref<1x80xi32, #tpu.memory_space<vmem>> -> memref<80xi32, #tpu.memory_space<vmem>>
    %dma_wait3A_806 = arith.constant 0 : i32
    %dma_wait3A_807 = arith.constant 0 : i32
    %dma_wait3A_808 = tpu.memref_slice %arg7[%dma_wait3A_806, %dma_wait3A_807] : memref<10112x128xf32, #tpu.memory_space<vmem_shared>> -> memref<10112x128xf32, #tpu.memory_space<vmem_shared>>
    tpu.wait_indirect_dma semaphore(%arg21 : memref<!tpu.dma_semaphore, #tpu.memory_space<semaphore_mem>>) src(%arg13 : memref<80x128xf32, #tpu.memory_space<vmem>>) dst(%dma_wait3A_808 : memref<10112x128xf32, #tpu.memory_space<vmem_shared>>)
    %dma_wait3A_809 = arith.constant 14 : i32
    %dma_wait3A_810 = arith.constant 0 : i32
    %dma_wait3A_811 = tpu.memref_slice %arg9[%dma_wait3A_809, %dma_wait3A_810] : memref<16x80xi32, #tpu.memory_space<vmem>> -> memref<1x80xi32, #tpu.memory_space<vmem>>
    %dma_wait3A_812 = tpu.memref_squeeze %dma_wait3A_811 : memref<1x80xi32, #tpu.memory_space<vmem>> -> memref<80xi32, #tpu.memory_space<vmem>>
    %dma_wait3A_813 = arith.constant 0 : i32
    %dma_wait3A_814 = arith.constant 0 : i32
    %dma_wait3A_815 = tpu.memref_slice %arg7[%dma_wait3A_813, %dma_wait3A_814] : memref<10112x128xf32, #tpu.memory_space<vmem_shared>> -> memref<10112x128xf32, #tpu.memory_space<vmem_shared>>
    tpu.wait_indirect_dma semaphore(%arg22 : memref<!tpu.dma_semaphore, #tpu.memory_space<semaphore_mem>>) src(%arg14 : memref<80x128xf32, #tpu.memory_space<vmem>>) dst(%dma_wait3A_815 : memref<10112x128xf32, #tpu.memory_space<vmem_shared>>)
    %dma_wait3A_816 = arith.constant 15 : i32
    %dma_wait3A_817 = arith.constant 0 : i32
    %dma_wait3A_818 = tpu.memref_slice %arg9[%dma_wait3A_816, %dma_wait3A_817] : memref<16x80xi32, #tpu.memory_space<vmem>> -> memref<1x80xi32, #tpu.memory_space<vmem>>
    %dma_wait3A_819 = tpu.memref_squeeze %dma_wait3A_818 : memref<1x80xi32, #tpu.memory_space<vmem>> -> memref<80xi32, #tpu.memory_space<vmem>>
    %dma_wait3A_820 = arith.constant 0 : i32
    %dma_wait3A_821 = arith.constant 0 : i32
    %dma_wait3A_822 = tpu.memref_slice %arg7[%dma_wait3A_820, %dma_wait3A_821] : memref<10112x128xf32, #tpu.memory_space<vmem_shared>> -> memref<10112x128xf32, #tpu.memory_space<vmem_shared>>
    tpu.wait_indirect_dma semaphore(%arg23 : memref<!tpu.dma_semaphore, #tpu.memory_space<semaphore_mem>>) src(%arg15 : memref<80x128xf32, #tpu.memory_space<vmem>>) dst(%dma_wait3A_822 : memref<10112x128xf32, #tpu.memory_space<vmem_shared>>)
    %mul3A_823 = arith.constant 2048 : i32
    %mul3A_824 = arith.muli %arg0, %mul3A_823 : i32
    %mul3A_825 = arith.constant 128 : i32
    %mul3A_826 = arith.muli %arg1, %mul3A_825 : i32
    %add3A_827 = arith.addi %mul3A_824, %mul3A_826 : i32
    %add3A_828 = arith.constant 80 : i32
    %add3A_829 = arith.addi %add3A_827, %add3A_828 : i32
    %multiple_of3A_830 = tpu.assume_multiple %add3A_829, 8 : i32
    %dma_wait3A_831 = arith.constant 0 : i32
    %dma_wait3A_832 = tpu.memref_slice %arg2[%multiple_of3A_830, %dma_wait3A_831] : memref<4096x80xi32, #tpu.memory_space<hbm>> -> memref<16x80xi32, #tpu.memory_space<hbm>>
    %dma_wait3A_833 = arith.constant 0 : i32
    %dma_wait3A_834 = tpu.memref_slice %arg2[%multiple_of3A_830, %dma_wait3A_833] : memref<4096x80xi32, #tpu.memory_space<hbm>> -> memref<16x80xi32, #tpu.memory_space<hbm>>
    tpu.wait_dma2 semaphore(%arg25 : memref<!tpu.dma_semaphore, #tpu.memory_space<semaphore_mem>>) src(%dma_wait3A_834 : memref<16x80xi32, #tpu.memory_space<hbm>>) dst(%arg10 : memref<16x80xi32, #tpu.memory_space<vmem>>)
    %mul3A_835 = arith.constant 128 : i32
    %mul3A_836 = arith.muli %arg1, %mul3A_835 : i32
    %add3A_837 = arith.constant 80 : i32
    %add3A_838 = arith.addi %mul3A_836, %add3A_837 : i32
    %multiple_of3A_839 = tpu.assume_multiple %add3A_838, 8 : i32
    %dma_wait3A_840 = arith.constant 0 : i32
    %dma_wait3A_841 = tpu.memref_slice %arg3[%multiple_of3A_839, %dma_wait3A_840] : memref<2048x80xi32, #tpu.memory_space<hbm>> -> memref<16x80xi32, #tpu.memory_space<hbm>>
    %dma_wait3A_842 = arith.constant 0 : i32
    %dma_wait3A_843 = tpu.memref_slice %arg3[%multiple_of3A_839, %dma_wait3A_842] : memref<2048x80xi32, #tpu.memory_space<hbm>> -> memref<16x80xi32, #tpu.memory_space<hbm>>
    tpu.wait_dma2 semaphore(%arg25 : memref<!tpu.dma_semaphore, #tpu.memory_space<semaphore_mem>>) src(%dma_wait3A_843 : memref<16x80xi32, #tpu.memory_space<hbm>>) dst(%arg11 : memref<16x80xi32, #tpu.memory_space<vmem>>)
    %mul3A_844 = arith.constant 2048 : i32
    %mul3A_845 = arith.muli %arg0, %mul3A_844 : i32
    %mul3A_846 = arith.constant 128 : i32
    %mul3A_847 = arith.muli %arg1, %mul3A_846 : i32
    %add3A_848 = arith.addi %mul3A_845, %mul3A_847 : i32
    %add3A_849 = arith.constant 96 : i32
    %add3A_850 = arith.addi %add3A_848, %add3A_849 : i32
    %multiple_of3A_851 = tpu.assume_multiple %add3A_850, 8 : i32
    %dma_start3A_852 = arith.constant 0 : i32
    %dma_start3A_853 = tpu.memref_slice %arg2[%multiple_of3A_851, %dma_start3A_852] : memref<4096x80xi32, #tpu.memory_space<hbm>> -> memref<16x80xi32, #tpu.memory_space<hbm>>
    %dma_start3A_854 = arith.constant 0 : i32
    %dma_start3A_855 = tpu.memref_slice %arg2[%multiple_of3A_851, %dma_start3A_854] : memref<4096x80xi32, #tpu.memory_space<hbm>> -> memref<16x80xi32, #tpu.memory_space<hbm>>
    tpu.enqueue_dma source(%dma_start3A_855 : memref<16x80xi32, #tpu.memory_space<hbm>>) target(%arg8 : memref<16x80xi32, #tpu.memory_space<vmem>>) target_semaphore(%arg24 : memref<!tpu.dma_semaphore, #tpu.memory_space<semaphore_mem>>)
    %mul3A_856 = arith.constant 128 : i32
    %mul3A_857 = arith.muli %arg1, %mul3A_856 : i32
    %add3A_858 = arith.constant 96 : i32
    %add3A_859 = arith.addi %mul3A_857, %add3A_858 : i32
    %multiple_of3A_860 = tpu.assume_multiple %add3A_859, 8 : i32
    %dma_start3A_861 = arith.constant 0 : i32
    %dma_start3A_862 = tpu.memref_slice %arg3[%multiple_of3A_860, %dma_start3A_861] : memref<2048x80xi32, #tpu.memory_space<hbm>> -> memref<16x80xi32, #tpu.memory_space<hbm>>
    %dma_start3A_863 = arith.constant 0 : i32
    %dma_start3A_864 = tpu.memref_slice %arg3[%multiple_of3A_860, %dma_start3A_863] : memref<2048x80xi32, #tpu.memory_space<hbm>> -> memref<16x80xi32, #tpu.memory_space<hbm>>
    tpu.enqueue_dma source(%dma_start3A_864 : memref<16x80xi32, #tpu.memory_space<hbm>>) target(%arg9 : memref<16x80xi32, #tpu.memory_space<vmem>>) target_semaphore(%arg24 : memref<!tpu.dma_semaphore, #tpu.memory_space<semaphore_mem>>)
    %dma_start3A_865 = arith.constant 0 : i32
    %dma_start3A_866 = arith.constant 0 : i32
    %dma_start3A_867 = tpu.memref_slice %arg10[%dma_start3A_865, %dma_start3A_866] : memref<16x80xi32, #tpu.memory_space<vmem>> -> memref<1x80xi32, #tpu.memory_space<vmem>>
    %dma_start3A_868 = tpu.memref_squeeze %dma_start3A_867 : memref<1x80xi32, #tpu.memory_space<vmem>> -> memref<80xi32, #tpu.memory_space<vmem>>
    %dma_start3A_869 = arith.constant 0 : i32
    %dma_start3A_870 = arith.constant 0 : i32
    %dma_start3A_871 = tpu.memref_slice %arg4[%dma_start3A_869, %dma_start3A_870] : memref<20000x128xf32, #tpu.memory_space<hbm>> -> memref<20000x128xf32, #tpu.memory_space<hbm>>
    tpu.enqueue_indirect_dma source(%dma_start3A_871 : memref<20000x128xf32, #tpu.memory_space<hbm>>) target(%arg12 : memref<80x128xf32, #tpu.memory_space<vmem>>) offsets(%dma_start3A_868 : memref<80xi32, #tpu.memory_space<vmem>>) semaphore(%arg16 : memref<!tpu.dma_semaphore, #tpu.memory_space<semaphore_mem>>)
    %dma_start3A_872 = arith.constant 1 : i32
    %dma_start3A_873 = arith.constant 0 : i32
    %dma_start3A_874 = tpu.memref_slice %arg10[%dma_start3A_872, %dma_start3A_873] : memref<16x80xi32, #tpu.memory_space<vmem>> -> memref<1x80xi32, #tpu.memory_space<vmem>>
    %dma_start3A_875 = tpu.memref_squeeze %dma_start3A_874 : memref<1x80xi32, #tpu.memory_space<vmem>> -> memref<80xi32, #tpu.memory_space<vmem>>
    %dma_start3A_876 = arith.constant 0 : i32
    %dma_start3A_877 = arith.constant 0 : i32
    %dma_start3A_878 = tpu.memref_slice %arg4[%dma_start3A_876, %dma_start3A_877] : memref<20000x128xf32, #tpu.memory_space<hbm>> -> memref<20000x128xf32, #tpu.memory_space<hbm>>
    tpu.enqueue_indirect_dma source(%dma_start3A_878 : memref<20000x128xf32, #tpu.memory_space<hbm>>) target(%arg13 : memref<80x128xf32, #tpu.memory_space<vmem>>) offsets(%dma_start3A_875 : memref<80xi32, #tpu.memory_space<vmem>>) semaphore(%arg17 : memref<!tpu.dma_semaphore, #tpu.memory_space<semaphore_mem>>)
    %dma_start3A_879 = arith.constant 2 : i32
    %dma_start3A_880 = arith.constant 0 : i32
    %dma_start3A_881 = tpu.memref_slice %arg10[%dma_start3A_879, %dma_start3A_880] : memref<16x80xi32, #tpu.memory_space<vmem>> -> memref<1x80xi32, #tpu.memory_space<vmem>>
    %dma_start3A_882 = tpu.memref_squeeze %dma_start3A_881 : memref<1x80xi32, #tpu.memory_space<vmem>> -> memref<80xi32, #tpu.memory_space<vmem>>
    %dma_start3A_883 = arith.constant 0 : i32
    %dma_start3A_884 = arith.constant 0 : i32
    %dma_start3A_885 = tpu.memref_slice %arg4[%dma_start3A_883, %dma_start3A_884] : memref<20000x128xf32, #tpu.memory_space<hbm>> -> memref<20000x128xf32, #tpu.memory_space<hbm>>
    tpu.enqueue_indirect_dma source(%dma_start3A_885 : memref<20000x128xf32, #tpu.memory_space<hbm>>) target(%arg14 : memref<80x128xf32, #tpu.memory_space<vmem>>) offsets(%dma_start3A_882 : memref<80xi32, #tpu.memory_space<vmem>>) semaphore(%arg18 : memref<!tpu.dma_semaphore, #tpu.memory_space<semaphore_mem>>)
    %dma_start3A_886 = arith.constant 3 : i32
    %dma_start3A_887 = arith.constant 0 : i32
    %dma_start3A_888 = tpu.memref_slice %arg10[%dma_start3A_886, %dma_start3A_887] : memref<16x80xi32, #tpu.memory_space<vmem>> -> memref<1x80xi32, #tpu.memory_space<vmem>>
    %dma_start3A_889 = tpu.memref_squeeze %dma_start3A_888 : memref<1x80xi32, #tpu.memory_space<vmem>> -> memref<80xi32, #tpu.memory_space<vmem>>
    %dma_start3A_890 = arith.constant 0 : i32
    %dma_start3A_891 = arith.constant 0 : i32
    %dma_start3A_892 = tpu.memref_slice %arg4[%dma_start3A_890, %dma_start3A_891] : memref<20000x128xf32, #tpu.memory_space<hbm>> -> memref<20000x128xf32, #tpu.memory_space<hbm>>
    tpu.enqueue_indirect_dma source(%dma_start3A_892 : memref<20000x128xf32, #tpu.memory_space<hbm>>) target(%arg15 : memref<80x128xf32, #tpu.memory_space<vmem>>) offsets(%dma_start3A_889 : memref<80xi32, #tpu.memory_space<vmem>>) semaphore(%arg19 : memref<!tpu.dma_semaphore, #tpu.memory_space<semaphore_mem>>)
    %scan3A_893 = arith.constant 0 : i32
    %scan3A_894 = arith.constant 0 : i32
    %scan3A_895 = arith.constant 3 : i32
    %scan3A_896 = arith.addi %scan3A_894, %scan3A_895 : i32
    %scan3A_897 = arith.constant 1 : i32
    %scan3A_898 = scf.for %scan3A_1295 = %scan3A_894 to %scan3A_896 step %scan3A_897 iter_args(%scan3A_1296 = %scan3A_893) -> (i32)  : i32 {
      %mul3A_1297 = arith.constant 4 : i32
      %mul3A_1298 = arith.muli %scan3A_1295, %mul3A_1297 : i32
      %add3A_1299 = arith.constant 0 : i32
      %add3A_1300 = arith.addi %mul3A_1298, %add3A_1299 : i32
      %dma_wait3A_1301 = arith.constant 0 : i32
      %dma_wait3A_1302 = tpu.memref_slice %arg10[%add3A_1300, %dma_wait3A_1301] : memref<16x80xi32, #tpu.memory_space<vmem>> -> memref<1x80xi32, #tpu.memory_space<vmem>>
      %dma_wait3A_1303 = tpu.memref_squeeze %dma_wait3A_1302 : memref<1x80xi32, #tpu.memory_space<vmem>> -> memref<80xi32, #tpu.memory_space<vmem>>
      %dma_wait3A_1304 = arith.constant 0 : i32
      %dma_wait3A_1305 = arith.constant 0 : i32
      %dma_wait3A_1306 = tpu.memref_slice %arg4[%dma_wait3A_1304, %dma_wait3A_1305] : memref<20000x128xf32, #tpu.memory_space<hbm>> -> memref<20000x128xf32, #tpu.memory_space<hbm>>
      tpu.wait_indirect_dma semaphore(%arg16 : memref<!tpu.dma_semaphore, #tpu.memory_space<semaphore_mem>>) src(%dma_wait3A_1306 : memref<20000x128xf32, #tpu.memory_space<hbm>>) dst(%arg12 : memref<80x128xf32, #tpu.memory_space<vmem>>)
      %add3A_1307 = arith.constant 0 : i32
      %add3A_1308 = arith.addi %mul3A_1298, %add3A_1307 : i32
      %dma_start3A_1309 = arith.constant 0 : i32
      %dma_start3A_1310 = tpu.memref_slice %arg11[%add3A_1308, %dma_start3A_1309] : memref<16x80xi32, #tpu.memory_space<vmem>> -> memref<1x80xi32, #tpu.memory_space<vmem>>
      %dma_start3A_1311 = tpu.memref_squeeze %dma_start3A_1310 : memref<1x80xi32, #tpu.memory_space<vmem>> -> memref<80xi32, #tpu.memory_space<vmem>>
      %dma_start3A_1312 = arith.constant 0 : i32
      %dma_start3A_1313 = arith.constant 0 : i32
      %dma_start3A_1314 = tpu.memref_slice %arg7[%dma_start3A_1312, %dma_start3A_1313] : memref<10112x128xf32, #tpu.memory_space<vmem_shared>> -> memref<10112x128xf32, #tpu.memory_space<vmem_shared>>
      tpu.enqueue_indirect_dma source(%arg12 : memref<80x128xf32, #tpu.memory_space<vmem>>) target(%dma_start3A_1314 : memref<10112x128xf32, #tpu.memory_space<vmem_shared>>) offsets(%dma_start3A_1311 : memref<80xi32, #tpu.memory_space<vmem>>) semaphore(%arg20 : memref<!tpu.dma_semaphore, #tpu.memory_space<semaphore_mem>>) {add = true}
      %add3A_1315 = arith.constant 1 : i32
      %add3A_1316 = arith.addi %mul3A_1298, %add3A_1315 : i32
      %dma_wait3A_1317 = arith.constant 0 : i32
      %dma_wait3A_1318 = tpu.memref_slice %arg10[%add3A_1316, %dma_wait3A_1317] : memref<16x80xi32, #tpu.memory_space<vmem>> -> memref<1x80xi32, #tpu.memory_space<vmem>>
      %dma_wait3A_1319 = tpu.memref_squeeze %dma_wait3A_1318 : memref<1x80xi32, #tpu.memory_space<vmem>> -> memref<80xi32, #tpu.memory_space<vmem>>
      %dma_wait3A_1320 = arith.constant 0 : i32
      %dma_wait3A_1321 = arith.constant 0 : i32
      %dma_wait3A_1322 = tpu.memref_slice %arg4[%dma_wait3A_1320, %dma_wait3A_1321] : memref<20000x128xf32, #tpu.memory_space<hbm>> -> memref<20000x128xf32, #tpu.memory_space<hbm>>
      tpu.wait_indirect_dma semaphore(%arg17 : memref<!tpu.dma_semaphore, #tpu.memory_space<semaphore_mem>>) src(%dma_wait3A_1322 : memref<20000x128xf32, #tpu.memory_space<hbm>>) dst(%arg13 : memref<80x128xf32, #tpu.memory_space<vmem>>)
      %add3A_1323 = arith.constant 1 : i32
      %add3A_1324 = arith.addi %mul3A_1298, %add3A_1323 : i32
      %dma_start3A_1325 = arith.constant 0 : i32
      %dma_start3A_1326 = tpu.memref_slice %arg11[%add3A_1324, %dma_start3A_1325] : memref<16x80xi32, #tpu.memory_space<vmem>> -> memref<1x80xi32, #tpu.memory_space<vmem>>
      %dma_start3A_1327 = tpu.memref_squeeze %dma_start3A_1326 : memref<1x80xi32, #tpu.memory_space<vmem>> -> memref<80xi32, #tpu.memory_space<vmem>>
      %dma_start3A_1328 = arith.constant 0 : i32
      %dma_start3A_1329 = arith.constant 0 : i32
      %dma_start3A_1330 = tpu.memref_slice %arg7[%dma_start3A_1328, %dma_start3A_1329] : memref<10112x128xf32, #tpu.memory_space<vmem_shared>> -> memref<10112x128xf32, #tpu.memory_space<vmem_shared>>
      tpu.enqueue_indirect_dma source(%arg13 : memref<80x128xf32, #tpu.memory_space<vmem>>) target(%dma_start3A_1330 : memref<10112x128xf32, #tpu.memory_space<vmem_shared>>) offsets(%dma_start3A_1327 : memref<80xi32, #tpu.memory_space<vmem>>) semaphore(%arg21 : memref<!tpu.dma_semaphore, #tpu.memory_space<semaphore_mem>>) {add = true}
      %add3A_1331 = arith.constant 2 : i32
      %add3A_1332 = arith.addi %mul3A_1298, %add3A_1331 : i32
      %dma_wait3A_1333 = arith.constant 0 : i32
      %dma_wait3A_1334 = tpu.memref_slice %arg10[%add3A_1332, %dma_wait3A_1333] : memref<16x80xi32, #tpu.memory_space<vmem>> -> memref<1x80xi32, #tpu.memory_space<vmem>>
      %dma_wait3A_1335 = tpu.memref_squeeze %dma_wait3A_1334 : memref<1x80xi32, #tpu.memory_space<vmem>> -> memref<80xi32, #tpu.memory_space<vmem>>
      %dma_wait3A_1336 = arith.constant 0 : i32
      %dma_wait3A_1337 = arith.constant 0 : i32
      %dma_wait3A_1338 = tpu.memref_slice %arg4[%dma_wait3A_1336, %dma_wait3A_1337] : memref<20000x128xf32, #tpu.memory_space<hbm>> -> memref<20000x128xf32, #tpu.memory_space<hbm>>
      tpu.wait_indirect_dma semaphore(%arg18 : memref<!tpu.dma_semaphore, #tpu.memory_space<semaphore_mem>>) src(%dma_wait3A_1338 : memref<20000x128xf32, #tpu.memory_space<hbm>>) dst(%arg14 : memref<80x128xf32, #tpu.memory_space<vmem>>)
      %add3A_1339 = arith.constant 2 : i32
      %add3A_1340 = arith.addi %mul3A_1298, %add3A_1339 : i32
      %dma_start3A_1341 = arith.constant 0 : i32
      %dma_start3A_1342 = tpu.memref_slice %arg11[%add3A_1340, %dma_start3A_1341] : memref<16x80xi32, #tpu.memory_space<vmem>> -> memref<1x80xi32, #tpu.memory_space<vmem>>
      %dma_start3A_1343 = tpu.memref_squeeze %dma_start3A_1342 : memref<1x80xi32, #tpu.memory_space<vmem>> -> memref<80xi32, #tpu.memory_space<vmem>>
      %dma_start3A_1344 = arith.constant 0 : i32
      %dma_start3A_1345 = arith.constant 0 : i32
      %dma_start3A_1346 = tpu.memref_slice %arg7[%dma_start3A_1344, %dma_start3A_1345] : memref<10112x128xf32, #tpu.memory_space<vmem_shared>> -> memref<10112x128xf32, #tpu.memory_space<vmem_shared>>
      tpu.enqueue_indirect_dma source(%arg14 : memref<80x128xf32, #tpu.memory_space<vmem>>) target(%dma_start3A_1346 : memref<10112x128xf32, #tpu.memory_space<vmem_shared>>) offsets(%dma_start3A_1343 : memref<80xi32, #tpu.memory_space<vmem>>) semaphore(%arg22 : memref<!tpu.dma_semaphore, #tpu.memory_space<semaphore_mem>>) {add = true}
      %add3A_1347 = arith.constant 3 : i32
      %add3A_1348 = arith.addi %mul3A_1298, %add3A_1347 : i32
      %dma_wait3A_1349 = arith.constant 0 : i32
      %dma_wait3A_1350 = tpu.memref_slice %arg10[%add3A_1348, %dma_wait3A_1349] : memref<16x80xi32, #tpu.memory_space<vmem>> -> memref<1x80xi32, #tpu.memory_space<vmem>>
      %dma_wait3A_1351 = tpu.memref_squeeze %dma_wait3A_1350 : memref<1x80xi32, #tpu.memory_space<vmem>> -> memref<80xi32, #tpu.memory_space<vmem>>
      %dma_wait3A_1352 = arith.constant 0 : i32
      %dma_wait3A_1353 = arith.constant 0 : i32
      %dma_wait3A_1354 = tpu.memref_slice %arg4[%dma_wait3A_1352, %dma_wait3A_1353] : memref<20000x128xf32, #tpu.memory_space<hbm>> -> memref<20000x128xf32, #tpu.memory_space<hbm>>
      tpu.wait_indirect_dma semaphore(%arg19 : memref<!tpu.dma_semaphore, #tpu.memory_space<semaphore_mem>>) src(%dma_wait3A_1354 : memref<20000x128xf32, #tpu.memory_space<hbm>>) dst(%arg15 : memref<80x128xf32, #tpu.memory_space<vmem>>)
      %add3A_1355 = arith.constant 3 : i32
      %add3A_1356 = arith.addi %mul3A_1298, %add3A_1355 : i32
      %dma_start3A_1357 = arith.constant 0 : i32
      %dma_start3A_1358 = tpu.memref_slice %arg11[%add3A_1356, %dma_start3A_1357] : memref<16x80xi32, #tpu.memory_space<vmem>> -> memref<1x80xi32, #tpu.memory_space<vmem>>
      %dma_start3A_1359 = tpu.memref_squeeze %dma_start3A_1358 : memref<1x80xi32, #tpu.memory_space<vmem>> -> memref<80xi32, #tpu.memory_space<vmem>>
      %dma_start3A_1360 = arith.constant 0 : i32
      %dma_start3A_1361 = arith.constant 0 : i32
      %dma_start3A_1362 = tpu.memref_slice %arg7[%dma_start3A_1360, %dma_start3A_1361] : memref<10112x128xf32, #tpu.memory_space<vmem_shared>> -> memref<10112x128xf32, #tpu.memory_space<vmem_shared>>
      tpu.enqueue_indirect_dma source(%arg15 : memref<80x128xf32, #tpu.memory_space<vmem>>) target(%dma_start3A_1362 : memref<10112x128xf32, #tpu.memory_space<vmem_shared>>) offsets(%dma_start3A_1359 : memref<80xi32, #tpu.memory_space<vmem>>) semaphore(%arg23 : memref<!tpu.dma_semaphore, #tpu.memory_space<semaphore_mem>>) {add = true}
      %add3A_1363 = arith.constant 0 : i32
      %add3A_1364 = arith.addi %mul3A_1298, %add3A_1363 : i32
      %dma_wait3A_1365 = arith.constant 0 : i32
      %dma_wait3A_1366 = tpu.memref_slice %arg11[%add3A_1364, %dma_wait3A_1365] : memref<16x80xi32, #tpu.memory_space<vmem>> -> memref<1x80xi32, #tpu.memory_space<vmem>>
      %dma_wait3A_1367 = tpu.memref_squeeze %dma_wait3A_1366 : memref<1x80xi32, #tpu.memory_space<vmem>> -> memref<80xi32, #tpu.memory_space<vmem>>
      %dma_wait3A_1368 = arith.constant 0 : i32
      %dma_wait3A_1369 = arith.constant 0 : i32
      %dma_wait3A_1370 = tpu.memref_slice %arg7[%dma_wait3A_1368, %dma_wait3A_1369] : memref<10112x128xf32, #tpu.memory_space<vmem_shared>> -> memref<10112x128xf32, #tpu.memory_space<vmem_shared>>
      tpu.wait_indirect_dma semaphore(%arg20 : memref<!tpu.dma_semaphore, #tpu.memory_space<semaphore_mem>>) src(%arg12 : memref<80x128xf32, #tpu.memory_space<vmem>>) dst(%dma_wait3A_1370 : memref<10112x128xf32, #tpu.memory_space<vmem_shared>>)
      %add3A_1371 = arith.constant 4 : i32
      %add3A_1372 = arith.addi %mul3A_1298, %add3A_1371 : i32
      %add3A_1373 = arith.constant 0 : i32
      %add3A_1374 = arith.addi %add3A_1372, %add3A_1373 : i32
      %dma_start3A_1375 = arith.constant 0 : i32
      %dma_start3A_1376 = tpu.memref_slice %arg10[%add3A_1374, %dma_start3A_1375] : memref<16x80xi32, #tpu.memory_space<vmem>> -> memref<1x80xi32, #tpu.memory_space<vmem>>
      %dma_start3A_1377 = tpu.memref_squeeze %dma_start3A_1376 : memref<1x80xi32, #tpu.memory_space<vmem>> -> memref<80xi32, #tpu.memory_space<vmem>>
      %dma_start3A_1378 = arith.constant 0 : i32
      %dma_start3A_1379 = arith.constant 0 : i32
      %dma_start3A_1380 = tpu.memref_slice %arg4[%dma_start3A_1378, %dma_start3A_1379] : memref<20000x128xf32, #tpu.memory_space<hbm>> -> memref<20000x128xf32, #tpu.memory_space<hbm>>
      tpu.enqueue_indirect_dma source(%dma_start3A_1380 : memref<20000x128xf32, #tpu.memory_space<hbm>>) target(%arg12 : memref<80x128xf32, #tpu.memory_space<vmem>>) offsets(%dma_start3A_1377 : memref<80xi32, #tpu.memory_space<vmem>>) semaphore(%arg16 : memref<!tpu.dma_semaphore, #tpu.memory_space<semaphore_mem>>)
      %add3A_1381 = arith.constant 1 : i32
      %add3A_1382 = arith.addi %mul3A_1298, %add3A_1381 : i32
      %dma_wait3A_1383 = arith.constant 0 : i32
      %dma_wait3A_1384 = tpu.memref_slice %arg11[%add3A_1382, %dma_wait3A_1383] : memref<16x80xi32, #tpu.memory_space<vmem>> -> memref<1x80xi32, #tpu.memory_space<vmem>>
      %dma_wait3A_1385 = tpu.memref_squeeze %dma_wait3A_1384 : memref<1x80xi32, #tpu.memory_space<vmem>> -> memref<80xi32, #tpu.memory_space<vmem>>
      %dma_wait3A_1386 = arith.constant 0 : i32
      %dma_wait3A_1387 = arith.constant 0 : i32
      %dma_wait3A_1388 = tpu.memref_slice %arg7[%dma_wait3A_1386, %dma_wait3A_1387] : memref<10112x128xf32, #tpu.memory_space<vmem_shared>> -> memref<10112x128xf32, #tpu.memory_space<vmem_shared>>
      tpu.wait_indirect_dma semaphore(%arg21 : memref<!tpu.dma_semaphore, #tpu.memory_space<semaphore_mem>>) src(%arg13 : memref<80x128xf32, #tpu.memory_space<vmem>>) dst(%dma_wait3A_1388 : memref<10112x128xf32, #tpu.memory_space<vmem_shared>>)
      %add3A_1389 = arith.constant 4 : i32
      %add3A_1390 = arith.addi %mul3A_1298, %add3A_1389 : i32
      %add3A_1391 = arith.constant 1 : i32
      %add3A_1392 = arith.addi %add3A_1390, %add3A_1391 : i32
      %dma_start3A_1393 = arith.constant 0 : i32
      %dma_start3A_1394 = tpu.memref_slice %arg10[%add3A_1392, %dma_start3A_1393] : memref<16x80xi32, #tpu.memory_space<vmem>> -> memref<1x80xi32, #tpu.memory_space<vmem>>
      %dma_start3A_1395 = tpu.memref_squeeze %dma_start3A_1394 : memref<1x80xi32, #tpu.memory_space<vmem>> -> memref<80xi32, #tpu.memory_space<vmem>>
      %dma_start3A_1396 = arith.constant 0 : i32
      %dma_start3A_1397 = arith.constant 0 : i32
      %dma_start3A_1398 = tpu.memref_slice %arg4[%dma_start3A_1396, %dma_start3A_1397] : memref<20000x128xf32, #tpu.memory_space<hbm>> -> memref<20000x128xf32, #tpu.memory_space<hbm>>
      tpu.enqueue_indirect_dma source(%dma_start3A_1398 : memref<20000x128xf32, #tpu.memory_space<hbm>>) target(%arg13 : memref<80x128xf32, #tpu.memory_space<vmem>>) offsets(%dma_start3A_1395 : memref<80xi32, #tpu.memory_space<vmem>>) semaphore(%arg17 : memref<!tpu.dma_semaphore, #tpu.memory_space<semaphore_mem>>)
      %add3A_1399 = arith.constant 2 : i32
      %add3A_1400 = arith.addi %mul3A_1298, %add3A_1399 : i32
      %dma_wait3A_1401 = arith.constant 0 : i32
      %dma_wait3A_1402 = tpu.memref_slice %arg11[%add3A_1400, %dma_wait3A_1401] : memref<16x80xi32, #tpu.memory_space<vmem>> -> memref<1x80xi32, #tpu.memory_space<vmem>>
      %dma_wait3A_1403 = tpu.memref_squeeze %dma_wait3A_1402 : memref<1x80xi32, #tpu.memory_space<vmem>> -> memref<80xi32, #tpu.memory_space<vmem>>
      %dma_wait3A_1404 = arith.constant 0 : i32
      %dma_wait3A_1405 = arith.constant 0 : i32
      %dma_wait3A_1406 = tpu.memref_slice %arg7[%dma_wait3A_1404, %dma_wait3A_1405] : memref<10112x128xf32, #tpu.memory_space<vmem_shared>> -> memref<10112x128xf32, #tpu.memory_space<vmem_shared>>
      tpu.wait_indirect_dma semaphore(%arg22 : memref<!tpu.dma_semaphore, #tpu.memory_space<semaphore_mem>>) src(%arg14 : memref<80x128xf32, #tpu.memory_space<vmem>>) dst(%dma_wait3A_1406 : memref<10112x128xf32, #tpu.memory_space<vmem_shared>>)
      %add3A_1407 = arith.constant 4 : i32
      %add3A_1408 = arith.addi %mul3A_1298, %add3A_1407 : i32
      %add3A_1409 = arith.constant 2 : i32
      %add3A_1410 = arith.addi %add3A_1408, %add3A_1409 : i32
      %dma_start3A_1411 = arith.constant 0 : i32
      %dma_start3A_1412 = tpu.memref_slice %arg10[%add3A_1410, %dma_start3A_1411] : memref<16x80xi32, #tpu.memory_space<vmem>> -> memref<1x80xi32, #tpu.memory_space<vmem>>
      %dma_start3A_1413 = tpu.memref_squeeze %dma_start3A_1412 : memref<1x80xi32, #tpu.memory_space<vmem>> -> memref<80xi32, #tpu.memory_space<vmem>>
      %dma_start3A_1414 = arith.constant 0 : i32
      %dma_start3A_1415 = arith.constant 0 : i32
      %dma_start3A_1416 = tpu.memref_slice %arg4[%dma_start3A_1414, %dma_start3A_1415] : memref<20000x128xf32, #tpu.memory_space<hbm>> -> memref<20000x128xf32, #tpu.memory_space<hbm>>
      tpu.enqueue_indirect_dma source(%dma_start3A_1416 : memref<20000x128xf32, #tpu.memory_space<hbm>>) target(%arg14 : memref<80x128xf32, #tpu.memory_space<vmem>>) offsets(%dma_start3A_1413 : memref<80xi32, #tpu.memory_space<vmem>>) semaphore(%arg18 : memref<!tpu.dma_semaphore, #tpu.memory_space<semaphore_mem>>)
      %add3A_1417 = arith.constant 3 : i32
      %add3A_1418 = arith.addi %mul3A_1298, %add3A_1417 : i32
      %dma_wait3A_1419 = arith.constant 0 : i32
      %dma_wait3A_1420 = tpu.memref_slice %arg11[%add3A_1418, %dma_wait3A_1419] : memref<16x80xi32, #tpu.memory_space<vmem>> -> memref<1x80xi32, #tpu.memory_space<vmem>>
      %dma_wait3A_1421 = tpu.memref_squeeze %dma_wait3A_1420 : memref<1x80xi32, #tpu.memory_space<vmem>> -> memref<80xi32, #tpu.memory_space<vmem>>
      %dma_wait3A_1422 = arith.constant 0 : i32
      %dma_wait3A_1423 = arith.constant 0 : i32
      %dma_wait3A_1424 = tpu.memref_slice %arg7[%dma_wait3A_1422, %dma_wait3A_1423] : memref<10112x128xf32, #tpu.memory_space<vmem_shared>> -> memref<10112x128xf32, #tpu.memory_space<vmem_shared>>
      tpu.wait_indirect_dma semaphore(%arg23 : memref<!tpu.dma_semaphore, #tpu.memory_space<semaphore_mem>>) src(%arg15 : memref<80x128xf32, #tpu.memory_space<vmem>>) dst(%dma_wait3A_1424 : memref<10112x128xf32, #tpu.memory_space<vmem_shared>>)
      %add3A_1425 = arith.constant 4 : i32
      %add3A_1426 = arith.addi %mul3A_1298, %add3A_1425 : i32
      %add3A_1427 = arith.constant 3 : i32
      %add3A_1428 = arith.addi %add3A_1426, %add3A_1427 : i32
      %dma_start3A_1429 = arith.constant 0 : i32
      %dma_start3A_1430 = tpu.memref_slice %arg10[%add3A_1428, %dma_start3A_1429] : memref<16x80xi32, #tpu.memory_space<vmem>> -> memref<1x80xi32, #tpu.memory_space<vmem>>
      %dma_start3A_1431 = tpu.memref_squeeze %dma_start3A_1430 : memref<1x80xi32, #tpu.memory_space<vmem>> -> memref<80xi32, #tpu.memory_space<vmem>>
      %dma_start3A_1432 = arith.constant 0 : i32
      %dma_start3A_1433 = arith.constant 0 : i32
      %dma_start3A_1434 = tpu.memref_slice %arg4[%dma_start3A_1432, %dma_start3A_1433] : memref<20000x128xf32, #tpu.memory_space<hbm>> -> memref<20000x128xf32, #tpu.memory_space<hbm>>
      tpu.enqueue_indirect_dma source(%dma_start3A_1434 : memref<20000x128xf32, #tpu.memory_space<hbm>>) target(%arg15 : memref<80x128xf32, #tpu.memory_space<vmem>>) offsets(%dma_start3A_1431 : memref<80xi32, #tpu.memory_space<vmem>>) semaphore(%arg19 : memref<!tpu.dma_semaphore, #tpu.memory_space<semaphore_mem>>)
      %scan3A_1435 = arith.constant 0 : i32
      scf.yield %scan3A_1435 : i32
    }
    %scan3A_899 = arith.constant 3 : i32
    %dma_wait3A_900 = arith.constant 12 : i32
    %dma_wait3A_901 = arith.constant 0 : i32
    %dma_wait3A_902 = tpu.memref_slice %arg10[%dma_wait3A_900, %dma_wait3A_901] : memref<16x80xi32, #tpu.memory_space<vmem>> -> memref<1x80xi32, #tpu.memory_space<vmem>>
    %dma_wait3A_903 = tpu.memref_squeeze %dma_wait3A_902 : memref<1x80xi32, #tpu.memory_space<vmem>> -> memref<80xi32, #tpu.memory_space<vmem>>
    %dma_wait3A_904 = arith.constant 0 : i32
    %dma_wait3A_905 = arith.constant 0 : i32
    %dma_wait3A_906 = tpu.memref_slice %arg4[%dma_wait3A_904, %dma_wait3A_905] : memref<20000x128xf32, #tpu.memory_space<hbm>> -> memref<20000x128xf32, #tpu.memory_space<hbm>>
    tpu.wait_indirect_dma semaphore(%arg16 : memref<!tpu.dma_semaphore, #tpu.memory_space<semaphore_mem>>) src(%dma_wait3A_906 : memref<20000x128xf32, #tpu.memory_space<hbm>>) dst(%arg12 : memref<80x128xf32, #tpu.memory_space<vmem>>)
    %dma_start3A_907 = arith.constant 12 : i32
    %dma_start3A_908 = arith.constant 0 : i32
    %dma_start3A_909 = tpu.memref_slice %arg11[%dma_start3A_907, %dma_start3A_908] : memref<16x80xi32, #tpu.memory_space<vmem>> -> memref<1x80xi32, #tpu.memory_space<vmem>>
    %dma_start3A_910 = tpu.memref_squeeze %dma_start3A_909 : memref<1x80xi32, #tpu.memory_space<vmem>> -> memref<80xi32, #tpu.memory_space<vmem>>
    %dma_start3A_911 = arith.constant 0 : i32
    %dma_start3A_912 = arith.constant 0 : i32
    %dma_start3A_913 = tpu.memref_slice %arg7[%dma_start3A_911, %dma_start3A_912] : memref<10112x128xf32, #tpu.memory_space<vmem_shared>> -> memref<10112x128xf32, #tpu.memory_space<vmem_shared>>
    tpu.enqueue_indirect_dma source(%arg12 : memref<80x128xf32, #tpu.memory_space<vmem>>) target(%dma_start3A_913 : memref<10112x128xf32, #tpu.memory_space<vmem_shared>>) offsets(%dma_start3A_910 : memref<80xi32, #tpu.memory_space<vmem>>) semaphore(%arg20 : memref<!tpu.dma_semaphore, #tpu.memory_space<semaphore_mem>>) {add = true}
    %dma_wait3A_914 = arith.constant 13 : i32
    %dma_wait3A_915 = arith.constant 0 : i32
    %dma_wait3A_916 = tpu.memref_slice %arg10[%dma_wait3A_914, %dma_wait3A_915] : memref<16x80xi32, #tpu.memory_space<vmem>> -> memref<1x80xi32, #tpu.memory_space<vmem>>
    %dma_wait3A_917 = tpu.memref_squeeze %dma_wait3A_916 : memref<1x80xi32, #tpu.memory_space<vmem>> -> memref<80xi32, #tpu.memory_space<vmem>>
    %dma_wait3A_918 = arith.constant 0 : i32
    %dma_wait3A_919 = arith.constant 0 : i32
    %dma_wait3A_920 = tpu.memref_slice %arg4[%dma_wait3A_918, %dma_wait3A_919] : memref<20000x128xf32, #tpu.memory_space<hbm>> -> memref<20000x128xf32, #tpu.memory_space<hbm>>
    tpu.wait_indirect_dma semaphore(%arg17 : memref<!tpu.dma_semaphore, #tpu.memory_space<semaphore_mem>>) src(%dma_wait3A_920 : memref<20000x128xf32, #tpu.memory_space<hbm>>) dst(%arg13 : memref<80x128xf32, #tpu.memory_space<vmem>>)
    %dma_start3A_921 = arith.constant 13 : i32
    %dma_start3A_922 = arith.constant 0 : i32
    %dma_start3A_923 = tpu.memref_slice %arg11[%dma_start3A_921, %dma_start3A_922] : memref<16x80xi32, #tpu.memory_space<vmem>> -> memref<1x80xi32, #tpu.memory_space<vmem>>
    %dma_start3A_924 = tpu.memref_squeeze %dma_start3A_923 : memref<1x80xi32, #tpu.memory_space<vmem>> -> memref<80xi32, #tpu.memory_space<vmem>>
    %dma_start3A_925 = arith.constant 0 : i32
    %dma_start3A_926 = arith.constant 0 : i32
    %dma_start3A_927 = tpu.memref_slice %arg7[%dma_start3A_925, %dma_start3A_926] : memref<10112x128xf32, #tpu.memory_space<vmem_shared>> -> memref<10112x128xf32, #tpu.memory_space<vmem_shared>>
    tpu.enqueue_indirect_dma source(%arg13 : memref<80x128xf32, #tpu.memory_space<vmem>>) target(%dma_start3A_927 : memref<10112x128xf32, #tpu.memory_space<vmem_shared>>) offsets(%dma_start3A_924 : memref<80xi32, #tpu.memory_space<vmem>>) semaphore(%arg21 : memref<!tpu.dma_semaphore, #tpu.memory_space<semaphore_mem>>) {add = true}
    %dma_wait3A_928 = arith.constant 14 : i32
    %dma_wait3A_929 = arith.constant 0 : i32
    %dma_wait3A_930 = tpu.memref_slice %arg10[%dma_wait3A_928, %dma_wait3A_929] : memref<16x80xi32, #tpu.memory_space<vmem>> -> memref<1x80xi32, #tpu.memory_space<vmem>>
    %dma_wait3A_931 = tpu.memref_squeeze %dma_wait3A_930 : memref<1x80xi32, #tpu.memory_space<vmem>> -> memref<80xi32, #tpu.memory_space<vmem>>
    %dma_wait3A_932 = arith.constant 0 : i32
    %dma_wait3A_933 = arith.constant 0 : i32
    %dma_wait3A_934 = tpu.memref_slice %arg4[%dma_wait3A_932, %dma_wait3A_933] : memref<20000x128xf32, #tpu.memory_space<hbm>> -> memref<20000x128xf32, #tpu.memory_space<hbm>>
    tpu.wait_indirect_dma semaphore(%arg18 : memref<!tpu.dma_semaphore, #tpu.memory_space<semaphore_mem>>) src(%dma_wait3A_934 : memref<20000x128xf32, #tpu.memory_space<hbm>>) dst(%arg14 : memref<80x128xf32, #tpu.memory_space<vmem>>)
    %dma_start3A_935 = arith.constant 14 : i32
    %dma_start3A_936 = arith.constant 0 : i32
    %dma_start3A_937 = tpu.memref_slice %arg11[%dma_start3A_935, %dma_start3A_936] : memref<16x80xi32, #tpu.memory_space<vmem>> -> memref<1x80xi32, #tpu.memory_space<vmem>>
    %dma_start3A_938 = tpu.memref_squeeze %dma_start3A_937 : memref<1x80xi32, #tpu.memory_space<vmem>> -> memref<80xi32, #tpu.memory_space<vmem>>
    %dma_start3A_939 = arith.constant 0 : i32
    %dma_start3A_940 = arith.constant 0 : i32
    %dma_start3A_941 = tpu.memref_slice %arg7[%dma_start3A_939, %dma_start3A_940] : memref<10112x128xf32, #tpu.memory_space<vmem_shared>> -> memref<10112x128xf32, #tpu.memory_space<vmem_shared>>
    tpu.enqueue_indirect_dma source(%arg14 : memref<80x128xf32, #tpu.memory_space<vmem>>) target(%dma_start3A_941 : memref<10112x128xf32, #tpu.memory_space<vmem_shared>>) offsets(%dma_start3A_938 : memref<80xi32, #tpu.memory_space<vmem>>) semaphore(%arg22 : memref<!tpu.dma_semaphore, #tpu.memory_space<semaphore_mem>>) {add = true}
    %dma_wait3A_942 = arith.constant 15 : i32
    %dma_wait3A_943 = arith.constant 0 : i32
    %dma_wait3A_944 = tpu.memref_slice %arg10[%dma_wait3A_942, %dma_wait3A_943] : memref<16x80xi32, #tpu.memory_space<vmem>> -> memref<1x80xi32, #tpu.memory_space<vmem>>
    %dma_wait3A_945 = tpu.memref_squeeze %dma_wait3A_944 : memref<1x80xi32, #tpu.memory_space<vmem>> -> memref<80xi32, #tpu.memory_space<vmem>>
    %dma_wait3A_946 = arith.constant 0 : i32
    %dma_wait3A_947 = arith.constant 0 : i32
    %dma_wait3A_948 = tpu.memref_slice %arg4[%dma_wait3A_946, %dma_wait3A_947] : memref<20000x128xf32, #tpu.memory_space<hbm>> -> memref<20000x128xf32, #tpu.memory_space<hbm>>
    tpu.wait_indirect_dma semaphore(%arg19 : memref<!tpu.dma_semaphore, #tpu.memory_space<semaphore_mem>>) src(%dma_wait3A_948 : memref<20000x128xf32, #tpu.memory_space<hbm>>) dst(%arg15 : memref<80x128xf32, #tpu.memory_space<vmem>>)
    %dma_start3A_949 = arith.constant 15 : i32
    %dma_start3A_950 = arith.constant 0 : i32
    %dma_start3A_951 = tpu.memref_slice %arg11[%dma_start3A_949, %dma_start3A_950] : memref<16x80xi32, #tpu.memory_space<vmem>> -> memref<1x80xi32, #tpu.memory_space<vmem>>
    %dma_start3A_952 = tpu.memref_squeeze %dma_start3A_951 : memref<1x80xi32, #tpu.memory_space<vmem>> -> memref<80xi32, #tpu.memory_space<vmem>>
    %dma_start3A_953 = arith.constant 0 : i32
    %dma_start3A_954 = arith.constant 0 : i32
    %dma_start3A_955 = tpu.memref_slice %arg7[%dma_start3A_953, %dma_start3A_954] : memref<10112x128xf32, #tpu.memory_space<vmem_shared>> -> memref<10112x128xf32, #tpu.memory_space<vmem_shared>>
    tpu.enqueue_indirect_dma source(%arg15 : memref<80x128xf32, #tpu.memory_space<vmem>>) target(%dma_start3A_955 : memref<10112x128xf32, #tpu.memory_space<vmem_shared>>) offsets(%dma_start3A_952 : memref<80xi32, #tpu.memory_space<vmem>>) semaphore(%arg23 : memref<!tpu.dma_semaphore, #tpu.memory_space<semaphore_mem>>) {add = true}
    %dma_wait3A_956 = arith.constant 12 : i32
    %dma_wait3A_957 = arith.constant 0 : i32
    %dma_wait3A_958 = tpu.memref_slice %arg11[%dma_wait3A_956, %dma_wait3A_957] : memref<16x80xi32, #tpu.memory_space<vmem>> -> memref<1x80xi32, #tpu.memory_space<vmem>>
    %dma_wait3A_959 = tpu.memref_squeeze %dma_wait3A_958 : memref<1x80xi32, #tpu.memory_space<vmem>> -> memref<80xi32, #tpu.memory_space<vmem>>
    %dma_wait3A_960 = arith.constant 0 : i32
    %dma_wait3A_961 = arith.constant 0 : i32
    %dma_wait3A_962 = tpu.memref_slice %arg7[%dma_wait3A_960, %dma_wait3A_961] : memref<10112x128xf32, #tpu.memory_space<vmem_shared>> -> memref<10112x128xf32, #tpu.memory_space<vmem_shared>>
    tpu.wait_indirect_dma semaphore(%arg20 : memref<!tpu.dma_semaphore, #tpu.memory_space<semaphore_mem>>) src(%arg12 : memref<80x128xf32, #tpu.memory_space<vmem>>) dst(%dma_wait3A_962 : memref<10112x128xf32, #tpu.memory_space<vmem_shared>>)
    %dma_wait3A_963 = arith.constant 13 : i32
    %dma_wait3A_964 = arith.constant 0 : i32
    %dma_wait3A_965 = tpu.memref_slice %arg11[%dma_wait3A_963, %dma_wait3A_964] : memref<16x80xi32, #tpu.memory_space<vmem>> -> memref<1x80xi32, #tpu.memory_space<vmem>>
    %dma_wait3A_966 = tpu.memref_squeeze %dma_wait3A_965 : memref<1x80xi32, #tpu.memory_space<vmem>> -> memref<80xi32, #tpu.memory_space<vmem>>
    %dma_wait3A_967 = arith.constant 0 : i32
    %dma_wait3A_968 = arith.constant 0 : i32
    %dma_wait3A_969 = tpu.memref_slice %arg7[%dma_wait3A_967, %dma_wait3A_968] : memref<10112x128xf32, #tpu.memory_space<vmem_shared>> -> memref<10112x128xf32, #tpu.memory_space<vmem_shared>>
    tpu.wait_indirect_dma semaphore(%arg21 : memref<!tpu.dma_semaphore, #tpu.memory_space<semaphore_mem>>) src(%arg13 : memref<80x128xf32, #tpu.memory_space<vmem>>) dst(%dma_wait3A_969 : memref<10112x128xf32, #tpu.memory_space<vmem_shared>>)
    %dma_wait3A_970 = arith.constant 14 : i32
    %dma_wait3A_971 = arith.constant 0 : i32
    %dma_wait3A_972 = tpu.memref_slice %arg11[%dma_wait3A_970, %dma_wait3A_971] : memref<16x80xi32, #tpu.memory_space<vmem>> -> memref<1x80xi32, #tpu.memory_space<vmem>>
    %dma_wait3A_973 = tpu.memref_squeeze %dma_wait3A_972 : memref<1x80xi32, #tpu.memory_space<vmem>> -> memref<80xi32, #tpu.memory_space<vmem>>
    %dma_wait3A_974 = arith.constant 0 : i32
    %dma_wait3A_975 = arith.constant 0 : i32
    %dma_wait3A_976 = tpu.memref_slice %arg7[%dma_wait3A_974, %dma_wait3A_975] : memref<10112x128xf32, #tpu.memory_space<vmem_shared>> -> memref<10112x128xf32, #tpu.memory_space<vmem_shared>>
    tpu.wait_indirect_dma semaphore(%arg22 : memref<!tpu.dma_semaphore, #tpu.memory_space<semaphore_mem>>) src(%arg14 : memref<80x128xf32, #tpu.memory_space<vmem>>) dst(%dma_wait3A_976 : memref<10112x128xf32, #tpu.memory_space<vmem_shared>>)
    %dma_wait3A_977 = arith.constant 15 : i32
    %dma_wait3A_978 = arith.constant 0 : i32
    %dma_wait3A_979 = tpu.memref_slice %arg11[%dma_wait3A_977, %dma_wait3A_978] : memref<16x80xi32, #tpu.memory_space<vmem>> -> memref<1x80xi32, #tpu.memory_space<vmem>>
    %dma_wait3A_980 = tpu.memref_squeeze %dma_wait3A_979 : memref<1x80xi32, #tpu.memory_space<vmem>> -> memref<80xi32, #tpu.memory_space<vmem>>
    %dma_wait3A_981 = arith.constant 0 : i32
    %dma_wait3A_982 = arith.constant 0 : i32
    %dma_wait3A_983 = tpu.memref_slice %arg7[%dma_wait3A_981, %dma_wait3A_982] : memref<10112x128xf32, #tpu.memory_space<vmem_shared>> -> memref<10112x128xf32, #tpu.memory_space<vmem_shared>>
    tpu.wait_indirect_dma semaphore(%arg23 : memref<!tpu.dma_semaphore, #tpu.memory_space<semaphore_mem>>) src(%arg15 : memref<80x128xf32, #tpu.memory_space<vmem>>) dst(%dma_wait3A_983 : memref<10112x128xf32, #tpu.memory_space<vmem_shared>>)
    %mul3A_984 = arith.constant 2048 : i32
    %mul3A_985 = arith.muli %arg0, %mul3A_984 : i32
    %mul3A_986 = arith.constant 128 : i32
    %mul3A_987 = arith.muli %arg1, %mul3A_986 : i32
    %add3A_988 = arith.addi %mul3A_985, %mul3A_987 : i32
    %add3A_989 = arith.constant 96 : i32
    %add3A_990 = arith.addi %add3A_988, %add3A_989 : i32
    %multiple_of3A_991 = tpu.assume_multiple %add3A_990, 8 : i32
    %dma_wait3A_992 = arith.constant 0 : i32
    %dma_wait3A_993 = tpu.memref_slice %arg2[%multiple_of3A_991, %dma_wait3A_992] : memref<4096x80xi32, #tpu.memory_space<hbm>> -> memref<16x80xi32, #tpu.memory_space<hbm>>
    %dma_wait3A_994 = arith.constant 0 : i32
    %dma_wait3A_995 = tpu.memref_slice %arg2[%multiple_of3A_991, %dma_wait3A_994] : memref<4096x80xi32, #tpu.memory_space<hbm>> -> memref<16x80xi32, #tpu.memory_space<hbm>>
    tpu.wait_dma2 semaphore(%arg24 : memref<!tpu.dma_semaphore, #tpu.memory_space<semaphore_mem>>) src(%dma_wait3A_995 : memref<16x80xi32, #tpu.memory_space<hbm>>) dst(%arg8 : memref<16x80xi32, #tpu.memory_space<vmem>>)
    %mul3A_996 = arith.constant 128 : i32
    %mul3A_997 = arith.muli %arg1, %mul3A_996 : i32
    %add3A_998 = arith.constant 96 : i32
    %add3A_999 = arith.addi %mul3A_997, %add3A_998 : i32
    %multiple_of3A_1000 = tpu.assume_multiple %add3A_999, 8 : i32
    %dma_wait3A_1001 = arith.constant 0 : i32
    %dma_wait3A_1002 = tpu.memref_slice %arg3[%multiple_of3A_1000, %dma_wait3A_1001] : memref<2048x80xi32, #tpu.memory_space<hbm>> -> memref<16x80xi32, #tpu.memory_space<hbm>>
    %dma_wait3A_1003 = arith.constant 0 : i32
    %dma_wait3A_1004 = tpu.memref_slice %arg3[%multiple_of3A_1000, %dma_wait3A_1003] : memref<2048x80xi32, #tpu.memory_space<hbm>> -> memref<16x80xi32, #tpu.memory_space<hbm>>
    tpu.wait_dma2 semaphore(%arg24 : memref<!tpu.dma_semaphore, #tpu.memory_space<semaphore_mem>>) src(%dma_wait3A_1004 : memref<16x80xi32, #tpu.memory_space<hbm>>) dst(%arg9 : memref<16x80xi32, #tpu.memory_space<vmem>>)
    %mul3A_1005 = arith.constant 2048 : i32
    %mul3A_1006 = arith.muli %arg0, %mul3A_1005 : i32
    %mul3A_1007 = arith.constant 128 : i32
    %mul3A_1008 = arith.muli %arg1, %mul3A_1007 : i32
    %add3A_1009 = arith.addi %mul3A_1006, %mul3A_1008 : i32
    %add3A_1010 = arith.constant 112 : i32
    %add3A_1011 = arith.addi %add3A_1009, %add3A_1010 : i32
    %multiple_of3A_1012 = tpu.assume_multiple %add3A_1011, 8 : i32
    %dma_start3A_1013 = arith.constant 0 : i32
    %dma_start3A_1014 = tpu.memref_slice %arg2[%multiple_of3A_1012, %dma_start3A_1013] : memref<4096x80xi32, #tpu.memory_space<hbm>> -> memref<16x80xi32, #tpu.memory_space<hbm>>
    %dma_start3A_1015 = arith.constant 0 : i32
    %dma_start3A_1016 = tpu.memref_slice %arg2[%multiple_of3A_1012, %dma_start3A_1015] : memref<4096x80xi32, #tpu.memory_space<hbm>> -> memref<16x80xi32, #tpu.memory_space<hbm>>
    tpu.enqueue_dma source(%dma_start3A_1016 : memref<16x80xi32, #tpu.memory_space<hbm>>) target(%arg10 : memref<16x80xi32, #tpu.memory_space<vmem>>) target_semaphore(%arg25 : memref<!tpu.dma_semaphore, #tpu.memory_space<semaphore_mem>>)
    %mul3A_1017 = arith.constant 128 : i32
    %mul3A_1018 = arith.muli %arg1, %mul3A_1017 : i32
    %add3A_1019 = arith.constant 112 : i32
    %add3A_1020 = arith.addi %mul3A_1018, %add3A_1019 : i32
    %multiple_of3A_1021 = tpu.assume_multiple %add3A_1020, 8 : i32
    %dma_start3A_1022 = arith.constant 0 : i32
    %dma_start3A_1023 = tpu.memref_slice %arg3[%multiple_of3A_1021, %dma_start3A_1022] : memref<2048x80xi32, #tpu.memory_space<hbm>> -> memref<16x80xi32, #tpu.memory_space<hbm>>
    %dma_start3A_1024 = arith.constant 0 : i32
    %dma_start3A_1025 = tpu.memref_slice %arg3[%multiple_of3A_1021, %dma_start3A_1024] : memref<2048x80xi32, #tpu.memory_space<hbm>> -> memref<16x80xi32, #tpu.memory_space<hbm>>
    tpu.enqueue_dma source(%dma_start3A_1025 : memref<16x80xi32, #tpu.memory_space<hbm>>) target(%arg11 : memref<16x80xi32, #tpu.memory_space<vmem>>) target_semaphore(%arg25 : memref<!tpu.dma_semaphore, #tpu.memory_space<semaphore_mem>>)
    %dma_start3A_1026 = arith.constant 0 : i32
    %dma_start3A_1027 = arith.constant 0 : i32
    %dma_start3A_1028 = tpu.memref_slice %arg8[%dma_start3A_1026, %dma_start3A_1027] : memref<16x80xi32, #tpu.memory_space<vmem>> -> memref<1x80xi32, #tpu.memory_space<vmem>>
    %dma_start3A_1029 = tpu.memref_squeeze %dma_start3A_1028 : memref<1x80xi32, #tpu.memory_space<vmem>> -> memref<80xi32, #tpu.memory_space<vmem>>
    %dma_start3A_1030 = arith.constant 0 : i32
    %dma_start3A_1031 = arith.constant 0 : i32
    %dma_start3A_1032 = tpu.memref_slice %arg4[%dma_start3A_1030, %dma_start3A_1031] : memref<20000x128xf32, #tpu.memory_space<hbm>> -> memref<20000x128xf32, #tpu.memory_space<hbm>>
    tpu.enqueue_indirect_dma source(%dma_start3A_1032 : memref<20000x128xf32, #tpu.memory_space<hbm>>) target(%arg12 : memref<80x128xf32, #tpu.memory_space<vmem>>) offsets(%dma_start3A_1029 : memref<80xi32, #tpu.memory_space<vmem>>) semaphore(%arg16 : memref<!tpu.dma_semaphore, #tpu.memory_space<semaphore_mem>>)
    %dma_start3A_1033 = arith.constant 1 : i32
    %dma_start3A_1034 = arith.constant 0 : i32
    %dma_start3A_1035 = tpu.memref_slice %arg8[%dma_start3A_1033, %dma_start3A_1034] : memref<16x80xi32, #tpu.memory_space<vmem>> -> memref<1x80xi32, #tpu.memory_space<vmem>>
    %dma_start3A_1036 = tpu.memref_squeeze %dma_start3A_1035 : memref<1x80xi32, #tpu.memory_space<vmem>> -> memref<80xi32, #tpu.memory_space<vmem>>
    %dma_start3A_1037 = arith.constant 0 : i32
    %dma_start3A_1038 = arith.constant 0 : i32
    %dma_start3A_1039 = tpu.memref_slice %arg4[%dma_start3A_1037, %dma_start3A_1038] : memref<20000x128xf32, #tpu.memory_space<hbm>> -> memref<20000x128xf32, #tpu.memory_space<hbm>>
    tpu.enqueue_indirect_dma source(%dma_start3A_1039 : memref<20000x128xf32, #tpu.memory_space<hbm>>) target(%arg13 : memref<80x128xf32, #tpu.memory_space<vmem>>) offsets(%dma_start3A_1036 : memref<80xi32, #tpu.memory_space<vmem>>) semaphore(%arg17 : memref<!tpu.dma_semaphore, #tpu.memory_space<semaphore_mem>>)
    %dma_start3A_1040 = arith.constant 2 : i32
    %dma_start3A_1041 = arith.constant 0 : i32
    %dma_start3A_1042 = tpu.memref_slice %arg8[%dma_start3A_1040, %dma_start3A_1041] : memref<16x80xi32, #tpu.memory_space<vmem>> -> memref<1x80xi32, #tpu.memory_space<vmem>>
    %dma_start3A_1043 = tpu.memref_squeeze %dma_start3A_1042 : memref<1x80xi32, #tpu.memory_space<vmem>> -> memref<80xi32, #tpu.memory_space<vmem>>
    %dma_start3A_1044 = arith.constant 0 : i32
    %dma_start3A_1045 = arith.constant 0 : i32
    %dma_start3A_1046 = tpu.memref_slice %arg4[%dma_start3A_1044, %dma_start3A_1045] : memref<20000x128xf32, #tpu.memory_space<hbm>> -> memref<20000x128xf32, #tpu.memory_space<hbm>>
    tpu.enqueue_indirect_dma source(%dma_start3A_1046 : memref<20000x128xf32, #tpu.memory_space<hbm>>) target(%arg14 : memref<80x128xf32, #tpu.memory_space<vmem>>) offsets(%dma_start3A_1043 : memref<80xi32, #tpu.memory_space<vmem>>) semaphore(%arg18 : memref<!tpu.dma_semaphore, #tpu.memory_space<semaphore_mem>>)
    %dma_start3A_1047 = arith.constant 3 : i32
    %dma_start3A_1048 = arith.constant 0 : i32
    %dma_start3A_1049 = tpu.memref_slice %arg8[%dma_start3A_1047, %dma_start3A_1048] : memref<16x80xi32, #tpu.memory_space<vmem>> -> memref<1x80xi32, #tpu.memory_space<vmem>>
    %dma_start3A_1050 = tpu.memref_squeeze %dma_start3A_1049 : memref<1x80xi32, #tpu.memory_space<vmem>> -> memref<80xi32, #tpu.memory_space<vmem>>
    %dma_start3A_1051 = arith.constant 0 : i32
    %dma_start3A_1052 = arith.constant 0 : i32
    %dma_start3A_1053 = tpu.memref_slice %arg4[%dma_start3A_1051, %dma_start3A_1052] : memref<20000x128xf32, #tpu.memory_space<hbm>> -> memref<20000x128xf32, #tpu.memory_space<hbm>>
    tpu.enqueue_indirect_dma source(%dma_start3A_1053 : memref<20000x128xf32, #tpu.memory_space<hbm>>) target(%arg15 : memref<80x128xf32, #tpu.memory_space<vmem>>) offsets(%dma_start3A_1050 : memref<80xi32, #tpu.memory_space<vmem>>) semaphore(%arg19 : memref<!tpu.dma_semaphore, #tpu.memory_space<semaphore_mem>>)
    %scan3A_1054 = arith.constant 0 : i32
    %scan3A_1055 = arith.constant 0 : i32
    %scan3A_1056 = arith.constant 3 : i32
    %scan3A_1057 = arith.addi %scan3A_1055, %scan3A_1056 : i32
    %scan3A_1058 = arith.constant 1 : i32
    %scan3A_1059 = scf.for %scan3A_1295 = %scan3A_1055 to %scan3A_1057 step %scan3A_1058 iter_args(%scan3A_1296 = %scan3A_1054) -> (i32)  : i32 {
      %mul3A_1297 = arith.constant 4 : i32
      %mul3A_1298 = arith.muli %scan3A_1295, %mul3A_1297 : i32
      %add3A_1299 = arith.constant 0 : i32
      %add3A_1300 = arith.addi %mul3A_1298, %add3A_1299 : i32
      %dma_wait3A_1301 = arith.constant 0 : i32
      %dma_wait3A_1302 = tpu.memref_slice %arg8[%add3A_1300, %dma_wait3A_1301] : memref<16x80xi32, #tpu.memory_space<vmem>> -> memref<1x80xi32, #tpu.memory_space<vmem>>
      %dma_wait3A_1303 = tpu.memref_squeeze %dma_wait3A_1302 : memref<1x80xi32, #tpu.memory_space<vmem>> -> memref<80xi32, #tpu.memory_space<vmem>>
      %dma_wait3A_1304 = arith.constant 0 : i32
      %dma_wait3A_1305 = arith.constant 0 : i32
      %dma_wait3A_1306 = tpu.memref_slice %arg4[%dma_wait3A_1304, %dma_wait3A_1305] : memref<20000x128xf32, #tpu.memory_space<hbm>> -> memref<20000x128xf32, #tpu.memory_space<hbm>>
      tpu.wait_indirect_dma semaphore(%arg16 : memref<!tpu.dma_semaphore, #tpu.memory_space<semaphore_mem>>) src(%dma_wait3A_1306 : memref<20000x128xf32, #tpu.memory_space<hbm>>) dst(%arg12 : memref<80x128xf32, #tpu.memory_space<vmem>>)
      %add3A_1307 = arith.constant 0 : i32
      %add3A_1308 = arith.addi %mul3A_1298, %add3A_1307 : i32
      %dma_start3A_1309 = arith.constant 0 : i32
      %dma_start3A_1310 = tpu.memref_slice %arg9[%add3A_1308, %dma_start3A_1309] : memref<16x80xi32, #tpu.memory_space<vmem>> -> memref<1x80xi32, #tpu.memory_space<vmem>>
      %dma_start3A_1311 = tpu.memref_squeeze %dma_start3A_1310 : memref<1x80xi32, #tpu.memory_space<vmem>> -> memref<80xi32, #tpu.memory_space<vmem>>
      %dma_start3A_1312 = arith.constant 0 : i32
      %dma_start3A_1313 = arith.constant 0 : i32
      %dma_start3A_1314 = tpu.memref_slice %arg7[%dma_start3A_1312, %dma_start3A_1313] : memref<10112x128xf32, #tpu.memory_space<vmem_shared>> -> memref<10112x128xf32, #tpu.memory_space<vmem_shared>>
      tpu.enqueue_indirect_dma source(%arg12 : memref<80x128xf32, #tpu.memory_space<vmem>>) target(%dma_start3A_1314 : memref<10112x128xf32, #tpu.memory_space<vmem_shared>>) offsets(%dma_start3A_1311 : memref<80xi32, #tpu.memory_space<vmem>>) semaphore(%arg20 : memref<!tpu.dma_semaphore, #tpu.memory_space<semaphore_mem>>) {add = true}
      %add3A_1315 = arith.constant 1 : i32
      %add3A_1316 = arith.addi %mul3A_1298, %add3A_1315 : i32
      %dma_wait3A_1317 = arith.constant 0 : i32
      %dma_wait3A_1318 = tpu.memref_slice %arg8[%add3A_1316, %dma_wait3A_1317] : memref<16x80xi32, #tpu.memory_space<vmem>> -> memref<1x80xi32, #tpu.memory_space<vmem>>
      %dma_wait3A_1319 = tpu.memref_squeeze %dma_wait3A_1318 : memref<1x80xi32, #tpu.memory_space<vmem>> -> memref<80xi32, #tpu.memory_space<vmem>>
      %dma_wait3A_1320 = arith.constant 0 : i32
      %dma_wait3A_1321 = arith.constant 0 : i32
      %dma_wait3A_1322 = tpu.memref_slice %arg4[%dma_wait3A_1320, %dma_wait3A_1321] : memref<20000x128xf32, #tpu.memory_space<hbm>> -> memref<20000x128xf32, #tpu.memory_space<hbm>>
      tpu.wait_indirect_dma semaphore(%arg17 : memref<!tpu.dma_semaphore, #tpu.memory_space<semaphore_mem>>) src(%dma_wait3A_1322 : memref<20000x128xf32, #tpu.memory_space<hbm>>) dst(%arg13 : memref<80x128xf32, #tpu.memory_space<vmem>>)
      %add3A_1323 = arith.constant 1 : i32
      %add3A_1324 = arith.addi %mul3A_1298, %add3A_1323 : i32
      %dma_start3A_1325 = arith.constant 0 : i32
      %dma_start3A_1326 = tpu.memref_slice %arg9[%add3A_1324, %dma_start3A_1325] : memref<16x80xi32, #tpu.memory_space<vmem>> -> memref<1x80xi32, #tpu.memory_space<vmem>>
      %dma_start3A_1327 = tpu.memref_squeeze %dma_start3A_1326 : memref<1x80xi32, #tpu.memory_space<vmem>> -> memref<80xi32, #tpu.memory_space<vmem>>
      %dma_start3A_1328 = arith.constant 0 : i32
      %dma_start3A_1329 = arith.constant 0 : i32
      %dma_start3A_1330 = tpu.memref_slice %arg7[%dma_start3A_1328, %dma_start3A_1329] : memref<10112x128xf32, #tpu.memory_space<vmem_shared>> -> memref<10112x128xf32, #tpu.memory_space<vmem_shared>>
      tpu.enqueue_indirect_dma source(%arg13 : memref<80x128xf32, #tpu.memory_space<vmem>>) target(%dma_start3A_1330 : memref<10112x128xf32, #tpu.memory_space<vmem_shared>>) offsets(%dma_start3A_1327 : memref<80xi32, #tpu.memory_space<vmem>>) semaphore(%arg21 : memref<!tpu.dma_semaphore, #tpu.memory_space<semaphore_mem>>) {add = true}
      %add3A_1331 = arith.constant 2 : i32
      %add3A_1332 = arith.addi %mul3A_1298, %add3A_1331 : i32
      %dma_wait3A_1333 = arith.constant 0 : i32
      %dma_wait3A_1334 = tpu.memref_slice %arg8[%add3A_1332, %dma_wait3A_1333] : memref<16x80xi32, #tpu.memory_space<vmem>> -> memref<1x80xi32, #tpu.memory_space<vmem>>
      %dma_wait3A_1335 = tpu.memref_squeeze %dma_wait3A_1334 : memref<1x80xi32, #tpu.memory_space<vmem>> -> memref<80xi32, #tpu.memory_space<vmem>>
      %dma_wait3A_1336 = arith.constant 0 : i32
      %dma_wait3A_1337 = arith.constant 0 : i32
      %dma_wait3A_1338 = tpu.memref_slice %arg4[%dma_wait3A_1336, %dma_wait3A_1337] : memref<20000x128xf32, #tpu.memory_space<hbm>> -> memref<20000x128xf32, #tpu.memory_space<hbm>>
      tpu.wait_indirect_dma semaphore(%arg18 : memref<!tpu.dma_semaphore, #tpu.memory_space<semaphore_mem>>) src(%dma_wait3A_1338 : memref<20000x128xf32, #tpu.memory_space<hbm>>) dst(%arg14 : memref<80x128xf32, #tpu.memory_space<vmem>>)
      %add3A_1339 = arith.constant 2 : i32
      %add3A_1340 = arith.addi %mul3A_1298, %add3A_1339 : i32
      %dma_start3A_1341 = arith.constant 0 : i32
      %dma_start3A_1342 = tpu.memref_slice %arg9[%add3A_1340, %dma_start3A_1341] : memref<16x80xi32, #tpu.memory_space<vmem>> -> memref<1x80xi32, #tpu.memory_space<vmem>>
      %dma_start3A_1343 = tpu.memref_squeeze %dma_start3A_1342 : memref<1x80xi32, #tpu.memory_space<vmem>> -> memref<80xi32, #tpu.memory_space<vmem>>
      %dma_start3A_1344 = arith.constant 0 : i32
      %dma_start3A_1345 = arith.constant 0 : i32
      %dma_start3A_1346 = tpu.memref_slice %arg7[%dma_start3A_1344, %dma_start3A_1345] : memref<10112x128xf32, #tpu.memory_space<vmem_shared>> -> memref<10112x128xf32, #tpu.memory_space<vmem_shared>>
      tpu.enqueue_indirect_dma source(%arg14 : memref<80x128xf32, #tpu.memory_space<vmem>>) target(%dma_start3A_1346 : memref<10112x128xf32, #tpu.memory_space<vmem_shared>>) offsets(%dma_start3A_1343 : memref<80xi32, #tpu.memory_space<vmem>>) semaphore(%arg22 : memref<!tpu.dma_semaphore, #tpu.memory_space<semaphore_mem>>) {add = true}
      %add3A_1347 = arith.constant 3 : i32
      %add3A_1348 = arith.addi %mul3A_1298, %add3A_1347 : i32
      %dma_wait3A_1349 = arith.constant 0 : i32
      %dma_wait3A_1350 = tpu.memref_slice %arg8[%add3A_1348, %dma_wait3A_1349] : memref<16x80xi32, #tpu.memory_space<vmem>> -> memref<1x80xi32, #tpu.memory_space<vmem>>
      %dma_wait3A_1351 = tpu.memref_squeeze %dma_wait3A_1350 : memref<1x80xi32, #tpu.memory_space<vmem>> -> memref<80xi32, #tpu.memory_space<vmem>>
      %dma_wait3A_1352 = arith.constant 0 : i32
      %dma_wait3A_1353 = arith.constant 0 : i32
      %dma_wait3A_1354 = tpu.memref_slice %arg4[%dma_wait3A_1352, %dma_wait3A_1353] : memref<20000x128xf32, #tpu.memory_space<hbm>> -> memref<20000x128xf32, #tpu.memory_space<hbm>>
      tpu.wait_indirect_dma semaphore(%arg19 : memref<!tpu.dma_semaphore, #tpu.memory_space<semaphore_mem>>) src(%dma_wait3A_1354 : memref<20000x128xf32, #tpu.memory_space<hbm>>) dst(%arg15 : memref<80x128xf32, #tpu.memory_space<vmem>>)
      %add3A_1355 = arith.constant 3 : i32
      %add3A_1356 = arith.addi %mul3A_1298, %add3A_1355 : i32
      %dma_start3A_1357 = arith.constant 0 : i32
      %dma_start3A_1358 = tpu.memref_slice %arg9[%add3A_1356, %dma_start3A_1357] : memref<16x80xi32, #tpu.memory_space<vmem>> -> memref<1x80xi32, #tpu.memory_space<vmem>>
      %dma_start3A_1359 = tpu.memref_squeeze %dma_start3A_1358 : memref<1x80xi32, #tpu.memory_space<vmem>> -> memref<80xi32, #tpu.memory_space<vmem>>
      %dma_start3A_1360 = arith.constant 0 : i32
      %dma_start3A_1361 = arith.constant 0 : i32
      %dma_start3A_1362 = tpu.memref_slice %arg7[%dma_start3A_1360, %dma_start3A_1361] : memref<10112x128xf32, #tpu.memory_space<vmem_shared>> -> memref<10112x128xf32, #tpu.memory_space<vmem_shared>>
      tpu.enqueue_indirect_dma source(%arg15 : memref<80x128xf32, #tpu.memory_space<vmem>>) target(%dma_start3A_1362 : memref<10112x128xf32, #tpu.memory_space<vmem_shared>>) offsets(%dma_start3A_1359 : memref<80xi32, #tpu.memory_space<vmem>>) semaphore(%arg23 : memref<!tpu.dma_semaphore, #tpu.memory_space<semaphore_mem>>) {add = true}
      %add3A_1363 = arith.constant 0 : i32
      %add3A_1364 = arith.addi %mul3A_1298, %add3A_1363 : i32
      %dma_wait3A_1365 = arith.constant 0 : i32
      %dma_wait3A_1366 = tpu.memref_slice %arg9[%add3A_1364, %dma_wait3A_1365] : memref<16x80xi32, #tpu.memory_space<vmem>> -> memref<1x80xi32, #tpu.memory_space<vmem>>
      %dma_wait3A_1367 = tpu.memref_squeeze %dma_wait3A_1366 : memref<1x80xi32, #tpu.memory_space<vmem>> -> memref<80xi32, #tpu.memory_space<vmem>>
      %dma_wait3A_1368 = arith.constant 0 : i32
      %dma_wait3A_1369 = arith.constant 0 : i32
      %dma_wait3A_1370 = tpu.memref_slice %arg7[%dma_wait3A_1368, %dma_wait3A_1369] : memref<10112x128xf32, #tpu.memory_space<vmem_shared>> -> memref<10112x128xf32, #tpu.memory_space<vmem_shared>>
      tpu.wait_indirect_dma semaphore(%arg20 : memref<!tpu.dma_semaphore, #tpu.memory_space<semaphore_mem>>) src(%arg12 : memref<80x128xf32, #tpu.memory_space<vmem>>) dst(%dma_wait3A_1370 : memref<10112x128xf32, #tpu.memory_space<vmem_shared>>)
      %add3A_1371 = arith.constant 4 : i32
      %add3A_1372 = arith.addi %mul3A_1298, %add3A_1371 : i32
      %add3A_1373 = arith.constant 0 : i32
      %add3A_1374 = arith.addi %add3A_1372, %add3A_1373 : i32
      %dma_start3A_1375 = arith.constant 0 : i32
      %dma_start3A_1376 = tpu.memref_slice %arg8[%add3A_1374, %dma_start3A_1375] : memref<16x80xi32, #tpu.memory_space<vmem>> -> memref<1x80xi32, #tpu.memory_space<vmem>>
      %dma_start3A_1377 = tpu.memref_squeeze %dma_start3A_1376 : memref<1x80xi32, #tpu.memory_space<vmem>> -> memref<80xi32, #tpu.memory_space<vmem>>
      %dma_start3A_1378 = arith.constant 0 : i32
      %dma_start3A_1379 = arith.constant 0 : i32
      %dma_start3A_1380 = tpu.memref_slice %arg4[%dma_start3A_1378, %dma_start3A_1379] : memref<20000x128xf32, #tpu.memory_space<hbm>> -> memref<20000x128xf32, #tpu.memory_space<hbm>>
      tpu.enqueue_indirect_dma source(%dma_start3A_1380 : memref<20000x128xf32, #tpu.memory_space<hbm>>) target(%arg12 : memref<80x128xf32, #tpu.memory_space<vmem>>) offsets(%dma_start3A_1377 : memref<80xi32, #tpu.memory_space<vmem>>) semaphore(%arg16 : memref<!tpu.dma_semaphore, #tpu.memory_space<semaphore_mem>>)
      %add3A_1381 = arith.constant 1 : i32
      %add3A_1382 = arith.addi %mul3A_1298, %add3A_1381 : i32
      %dma_wait3A_1383 = arith.constant 0 : i32
      %dma_wait3A_1384 = tpu.memref_slice %arg9[%add3A_1382, %dma_wait3A_1383] : memref<16x80xi32, #tpu.memory_space<vmem>> -> memref<1x80xi32, #tpu.memory_space<vmem>>
      %dma_wait3A_1385 = tpu.memref_squeeze %dma_wait3A_1384 : memref<1x80xi32, #tpu.memory_space<vmem>> -> memref<80xi32, #tpu.memory_space<vmem>>
      %dma_wait3A_1386 = arith.constant 0 : i32
      %dma_wait3A_1387 = arith.constant 0 : i32
      %dma_wait3A_1388 = tpu.memref_slice %arg7[%dma_wait3A_1386, %dma_wait3A_1387] : memref<10112x128xf32, #tpu.memory_space<vmem_shared>> -> memref<10112x128xf32, #tpu.memory_space<vmem_shared>>
      tpu.wait_indirect_dma semaphore(%arg21 : memref<!tpu.dma_semaphore, #tpu.memory_space<semaphore_mem>>) src(%arg13 : memref<80x128xf32, #tpu.memory_space<vmem>>) dst(%dma_wait3A_1388 : memref<10112x128xf32, #tpu.memory_space<vmem_shared>>)
      %add3A_1389 = arith.constant 4 : i32
      %add3A_1390 = arith.addi %mul3A_1298, %add3A_1389 : i32
      %add3A_1391 = arith.constant 1 : i32
      %add3A_1392 = arith.addi %add3A_1390, %add3A_1391 : i32
      %dma_start3A_1393 = arith.constant 0 : i32
      %dma_start3A_1394 = tpu.memref_slice %arg8[%add3A_1392, %dma_start3A_1393] : memref<16x80xi32, #tpu.memory_space<vmem>> -> memref<1x80xi32, #tpu.memory_space<vmem>>
      %dma_start3A_1395 = tpu.memref_squeeze %dma_start3A_1394 : memref<1x80xi32, #tpu.memory_space<vmem>> -> memref<80xi32, #tpu.memory_space<vmem>>
      %dma_start3A_1396 = arith.constant 0 : i32
      %dma_start3A_1397 = arith.constant 0 : i32
      %dma_start3A_1398 = tpu.memref_slice %arg4[%dma_start3A_1396, %dma_start3A_1397] : memref<20000x128xf32, #tpu.memory_space<hbm>> -> memref<20000x128xf32, #tpu.memory_space<hbm>>
      tpu.enqueue_indirect_dma source(%dma_start3A_1398 : memref<20000x128xf32, #tpu.memory_space<hbm>>) target(%arg13 : memref<80x128xf32, #tpu.memory_space<vmem>>) offsets(%dma_start3A_1395 : memref<80xi32, #tpu.memory_space<vmem>>) semaphore(%arg17 : memref<!tpu.dma_semaphore, #tpu.memory_space<semaphore_mem>>)
      %add3A_1399 = arith.constant 2 : i32
      %add3A_1400 = arith.addi %mul3A_1298, %add3A_1399 : i32
      %dma_wait3A_1401 = arith.constant 0 : i32
      %dma_wait3A_1402 = tpu.memref_slice %arg9[%add3A_1400, %dma_wait3A_1401] : memref<16x80xi32, #tpu.memory_space<vmem>> -> memref<1x80xi32, #tpu.memory_space<vmem>>
      %dma_wait3A_1403 = tpu.memref_squeeze %dma_wait3A_1402 : memref<1x80xi32, #tpu.memory_space<vmem>> -> memref<80xi32, #tpu.memory_space<vmem>>
      %dma_wait3A_1404 = arith.constant 0 : i32
      %dma_wait3A_1405 = arith.constant 0 : i32
      %dma_wait3A_1406 = tpu.memref_slice %arg7[%dma_wait3A_1404, %dma_wait3A_1405] : memref<10112x128xf32, #tpu.memory_space<vmem_shared>> -> memref<10112x128xf32, #tpu.memory_space<vmem_shared>>
      tpu.wait_indirect_dma semaphore(%arg22 : memref<!tpu.dma_semaphore, #tpu.memory_space<semaphore_mem>>) src(%arg14 : memref<80x128xf32, #tpu.memory_space<vmem>>) dst(%dma_wait3A_1406 : memref<10112x128xf32, #tpu.memory_space<vmem_shared>>)
      %add3A_1407 = arith.constant 4 : i32
      %add3A_1408 = arith.addi %mul3A_1298, %add3A_1407 : i32
      %add3A_1409 = arith.constant 2 : i32
      %add3A_1410 = arith.addi %add3A_1408, %add3A_1409 : i32
      %dma_start3A_1411 = arith.constant 0 : i32
      %dma_start3A_1412 = tpu.memref_slice %arg8[%add3A_1410, %dma_start3A_1411] : memref<16x80xi32, #tpu.memory_space<vmem>> -> memref<1x80xi32, #tpu.memory_space<vmem>>
      %dma_start3A_1413 = tpu.memref_squeeze %dma_start3A_1412 : memref<1x80xi32, #tpu.memory_space<vmem>> -> memref<80xi32, #tpu.memory_space<vmem>>
      %dma_start3A_1414 = arith.constant 0 : i32
      %dma_start3A_1415 = arith.constant 0 : i32
      %dma_start3A_1416 = tpu.memref_slice %arg4[%dma_start3A_1414, %dma_start3A_1415] : memref<20000x128xf32, #tpu.memory_space<hbm>> -> memref<20000x128xf32, #tpu.memory_space<hbm>>
      tpu.enqueue_indirect_dma source(%dma_start3A_1416 : memref<20000x128xf32, #tpu.memory_space<hbm>>) target(%arg14 : memref<80x128xf32, #tpu.memory_space<vmem>>) offsets(%dma_start3A_1413 : memref<80xi32, #tpu.memory_space<vmem>>) semaphore(%arg18 : memref<!tpu.dma_semaphore, #tpu.memory_space<semaphore_mem>>)
      %add3A_1417 = arith.constant 3 : i32
      %add3A_1418 = arith.addi %mul3A_1298, %add3A_1417 : i32
      %dma_wait3A_1419 = arith.constant 0 : i32
      %dma_wait3A_1420 = tpu.memref_slice %arg9[%add3A_1418, %dma_wait3A_1419] : memref<16x80xi32, #tpu.memory_space<vmem>> -> memref<1x80xi32, #tpu.memory_space<vmem>>
      %dma_wait3A_1421 = tpu.memref_squeeze %dma_wait3A_1420 : memref<1x80xi32, #tpu.memory_space<vmem>> -> memref<80xi32, #tpu.memory_space<vmem>>
      %dma_wait3A_1422 = arith.constant 0 : i32
      %dma_wait3A_1423 = arith.constant 0 : i32
      %dma_wait3A_1424 = tpu.memref_slice %arg7[%dma_wait3A_1422, %dma_wait3A_1423] : memref<10112x128xf32, #tpu.memory_space<vmem_shared>> -> memref<10112x128xf32, #tpu.memory_space<vmem_shared>>
      tpu.wait_indirect_dma semaphore(%arg23 : memref<!tpu.dma_semaphore, #tpu.memory_space<semaphore_mem>>) src(%arg15 : memref<80x128xf32, #tpu.memory_space<vmem>>) dst(%dma_wait3A_1424 : memref<10112x128xf32, #tpu.memory_space<vmem_shared>>)
      %add3A_1425 = arith.constant 4 : i32
      %add3A_1426 = arith.addi %mul3A_1298, %add3A_1425 : i32
      %add3A_1427 = arith.constant 3 : i32
      %add3A_1428 = arith.addi %add3A_1426, %add3A_1427 : i32
      %dma_start3A_1429 = arith.constant 0 : i32
      %dma_start3A_1430 = tpu.memref_slice %arg8[%add3A_1428, %dma_start3A_1429] : memref<16x80xi32, #tpu.memory_space<vmem>> -> memref<1x80xi32, #tpu.memory_space<vmem>>
      %dma_start3A_1431 = tpu.memref_squeeze %dma_start3A_1430 : memref<1x80xi32, #tpu.memory_space<vmem>> -> memref<80xi32, #tpu.memory_space<vmem>>
      %dma_start3A_1432 = arith.constant 0 : i32
      %dma_start3A_1433 = arith.constant 0 : i32
      %dma_start3A_1434 = tpu.memref_slice %arg4[%dma_start3A_1432, %dma_start3A_1433] : memref<20000x128xf32, #tpu.memory_space<hbm>> -> memref<20000x128xf32, #tpu.memory_space<hbm>>
      tpu.enqueue_indirect_dma source(%dma_start3A_1434 : memref<20000x128xf32, #tpu.memory_space<hbm>>) target(%arg15 : memref<80x128xf32, #tpu.memory_space<vmem>>) offsets(%dma_start3A_1431 : memref<80xi32, #tpu.memory_space<vmem>>) semaphore(%arg19 : memref<!tpu.dma_semaphore, #tpu.memory_space<semaphore_mem>>)
      %scan3A_1435 = arith.constant 0 : i32
      scf.yield %scan3A_1435 : i32
    }
    %scan3A_1060 = arith.constant 3 : i32
    %dma_wait3A_1061 = arith.constant 12 : i32
    %dma_wait3A_1062 = arith.constant 0 : i32
    %dma_wait3A_1063 = tpu.memref_slice %arg8[%dma_wait3A_1061, %dma_wait3A_1062] : memref<16x80xi32, #tpu.memory_space<vmem>> -> memref<1x80xi32, #tpu.memory_space<vmem>>
    %dma_wait3A_1064 = tpu.memref_squeeze %dma_wait3A_1063 : memref<1x80xi32, #tpu.memory_space<vmem>> -> memref<80xi32, #tpu.memory_space<vmem>>
    %dma_wait3A_1065 = arith.constant 0 : i32
    %dma_wait3A_1066 = arith.constant 0 : i32
    %dma_wait3A_1067 = tpu.memref_slice %arg4[%dma_wait3A_1065, %dma_wait3A_1066] : memref<20000x128xf32, #tpu.memory_space<hbm>> -> memref<20000x128xf32, #tpu.memory_space<hbm>>
    tpu.wait_indirect_dma semaphore(%arg16 : memref<!tpu.dma_semaphore, #tpu.memory_space<semaphore_mem>>) src(%dma_wait3A_1067 : memref<20000x128xf32, #tpu.memory_space<hbm>>) dst(%arg12 : memref<80x128xf32, #tpu.memory_space<vmem>>)
    %dma_start3A_1068 = arith.constant 12 : i32
    %dma_start3A_1069 = arith.constant 0 : i32
    %dma_start3A_1070 = tpu.memref_slice %arg9[%dma_start3A_1068, %dma_start3A_1069] : memref<16x80xi32, #tpu.memory_space<vmem>> -> memref<1x80xi32, #tpu.memory_space<vmem>>
    %dma_start3A_1071 = tpu.memref_squeeze %dma_start3A_1070 : memref<1x80xi32, #tpu.memory_space<vmem>> -> memref<80xi32, #tpu.memory_space<vmem>>
    %dma_start3A_1072 = arith.constant 0 : i32
    %dma_start3A_1073 = arith.constant 0 : i32
    %dma_start3A_1074 = tpu.memref_slice %arg7[%dma_start3A_1072, %dma_start3A_1073] : memref<10112x128xf32, #tpu.memory_space<vmem_shared>> -> memref<10112x128xf32, #tpu.memory_space<vmem_shared>>
    tpu.enqueue_indirect_dma source(%arg12 : memref<80x128xf32, #tpu.memory_space<vmem>>) target(%dma_start3A_1074 : memref<10112x128xf32, #tpu.memory_space<vmem_shared>>) offsets(%dma_start3A_1071 : memref<80xi32, #tpu.memory_space<vmem>>) semaphore(%arg20 : memref<!tpu.dma_semaphore, #tpu.memory_space<semaphore_mem>>) {add = true}
    %dma_wait3A_1075 = arith.constant 13 : i32
    %dma_wait3A_1076 = arith.constant 0 : i32
    %dma_wait3A_1077 = tpu.memref_slice %arg8[%dma_wait3A_1075, %dma_wait3A_1076] : memref<16x80xi32, #tpu.memory_space<vmem>> -> memref<1x80xi32, #tpu.memory_space<vmem>>
    %dma_wait3A_1078 = tpu.memref_squeeze %dma_wait3A_1077 : memref<1x80xi32, #tpu.memory_space<vmem>> -> memref<80xi32, #tpu.memory_space<vmem>>
    %dma_wait3A_1079 = arith.constant 0 : i32
    %dma_wait3A_1080 = arith.constant 0 : i32
    %dma_wait3A_1081 = tpu.memref_slice %arg4[%dma_wait3A_1079, %dma_wait3A_1080] : memref<20000x128xf32, #tpu.memory_space<hbm>> -> memref<20000x128xf32, #tpu.memory_space<hbm>>
    tpu.wait_indirect_dma semaphore(%arg17 : memref<!tpu.dma_semaphore, #tpu.memory_space<semaphore_mem>>) src(%dma_wait3A_1081 : memref<20000x128xf32, #tpu.memory_space<hbm>>) dst(%arg13 : memref<80x128xf32, #tpu.memory_space<vmem>>)
    %dma_start3A_1082 = arith.constant 13 : i32
    %dma_start3A_1083 = arith.constant 0 : i32
    %dma_start3A_1084 = tpu.memref_slice %arg9[%dma_start3A_1082, %dma_start3A_1083] : memref<16x80xi32, #tpu.memory_space<vmem>> -> memref<1x80xi32, #tpu.memory_space<vmem>>
    %dma_start3A_1085 = tpu.memref_squeeze %dma_start3A_1084 : memref<1x80xi32, #tpu.memory_space<vmem>> -> memref<80xi32, #tpu.memory_space<vmem>>
    %dma_start3A_1086 = arith.constant 0 : i32
    %dma_start3A_1087 = arith.constant 0 : i32
    %dma_start3A_1088 = tpu.memref_slice %arg7[%dma_start3A_1086, %dma_start3A_1087] : memref<10112x128xf32, #tpu.memory_space<vmem_shared>> -> memref<10112x128xf32, #tpu.memory_space<vmem_shared>>
    tpu.enqueue_indirect_dma source(%arg13 : memref<80x128xf32, #tpu.memory_space<vmem>>) target(%dma_start3A_1088 : memref<10112x128xf32, #tpu.memory_space<vmem_shared>>) offsets(%dma_start3A_1085 : memref<80xi32, #tpu.memory_space<vmem>>) semaphore(%arg21 : memref<!tpu.dma_semaphore, #tpu.memory_space<semaphore_mem>>) {add = true}
    %dma_wait3A_1089 = arith.constant 14 : i32
    %dma_wait3A_1090 = arith.constant 0 : i32
    %dma_wait3A_1091 = tpu.memref_slice %arg8[%dma_wait3A_1089, %dma_wait3A_1090] : memref<16x80xi32, #tpu.memory_space<vmem>> -> memref<1x80xi32, #tpu.memory_space<vmem>>
    %dma_wait3A_1092 = tpu.memref_squeeze %dma_wait3A_1091 : memref<1x80xi32, #tpu.memory_space<vmem>> -> memref<80xi32, #tpu.memory_space<vmem>>
    %dma_wait3A_1093 = arith.constant 0 : i32
    %dma_wait3A_1094 = arith.constant 0 : i32
    %dma_wait3A_1095 = tpu.memref_slice %arg4[%dma_wait3A_1093, %dma_wait3A_1094] : memref<20000x128xf32, #tpu.memory_space<hbm>> -> memref<20000x128xf32, #tpu.memory_space<hbm>>
    tpu.wait_indirect_dma semaphore(%arg18 : memref<!tpu.dma_semaphore, #tpu.memory_space<semaphore_mem>>) src(%dma_wait3A_1095 : memref<20000x128xf32, #tpu.memory_space<hbm>>) dst(%arg14 : memref<80x128xf32, #tpu.memory_space<vmem>>)
    %dma_start3A_1096 = arith.constant 14 : i32
    %dma_start3A_1097 = arith.constant 0 : i32
    %dma_start3A_1098 = tpu.memref_slice %arg9[%dma_start3A_1096, %dma_start3A_1097] : memref<16x80xi32, #tpu.memory_space<vmem>> -> memref<1x80xi32, #tpu.memory_space<vmem>>
    %dma_start3A_1099 = tpu.memref_squeeze %dma_start3A_1098 : memref<1x80xi32, #tpu.memory_space<vmem>> -> memref<80xi32, #tpu.memory_space<vmem>>
    %dma_start3A_1100 = arith.constant 0 : i32
    %dma_start3A_1101 = arith.constant 0 : i32
    %dma_start3A_1102 = tpu.memref_slice %arg7[%dma_start3A_1100, %dma_start3A_1101] : memref<10112x128xf32, #tpu.memory_space<vmem_shared>> -> memref<10112x128xf32, #tpu.memory_space<vmem_shared>>
    tpu.enqueue_indirect_dma source(%arg14 : memref<80x128xf32, #tpu.memory_space<vmem>>) target(%dma_start3A_1102 : memref<10112x128xf32, #tpu.memory_space<vmem_shared>>) offsets(%dma_start3A_1099 : memref<80xi32, #tpu.memory_space<vmem>>) semaphore(%arg22 : memref<!tpu.dma_semaphore, #tpu.memory_space<semaphore_mem>>) {add = true}
    %dma_wait3A_1103 = arith.constant 15 : i32
    %dma_wait3A_1104 = arith.constant 0 : i32
    %dma_wait3A_1105 = tpu.memref_slice %arg8[%dma_wait3A_1103, %dma_wait3A_1104] : memref<16x80xi32, #tpu.memory_space<vmem>> -> memref<1x80xi32, #tpu.memory_space<vmem>>
    %dma_wait3A_1106 = tpu.memref_squeeze %dma_wait3A_1105 : memref<1x80xi32, #tpu.memory_space<vmem>> -> memref<80xi32, #tpu.memory_space<vmem>>
    %dma_wait3A_1107 = arith.constant 0 : i32
    %dma_wait3A_1108 = arith.constant 0 : i32
    %dma_wait3A_1109 = tpu.memref_slice %arg4[%dma_wait3A_1107, %dma_wait3A_1108] : memref<20000x128xf32, #tpu.memory_space<hbm>> -> memref<20000x128xf32, #tpu.memory_space<hbm>>
    tpu.wait_indirect_dma semaphore(%arg19 : memref<!tpu.dma_semaphore, #tpu.memory_space<semaphore_mem>>) src(%dma_wait3A_1109 : memref<20000x128xf32, #tpu.memory_space<hbm>>) dst(%arg15 : memref<80x128xf32, #tpu.memory_space<vmem>>)
    %dma_start3A_1110 = arith.constant 15 : i32
    %dma_start3A_1111 = arith.constant 0 : i32
    %dma_start3A_1112 = tpu.memref_slice %arg9[%dma_start3A_1110, %dma_start3A_1111] : memref<16x80xi32, #tpu.memory_space<vmem>> -> memref<1x80xi32, #tpu.memory_space<vmem>>
    %dma_start3A_1113 = tpu.memref_squeeze %dma_start3A_1112 : memref<1x80xi32, #tpu.memory_space<vmem>> -> memref<80xi32, #tpu.memory_space<vmem>>
    %dma_start3A_1114 = arith.constant 0 : i32
    %dma_start3A_1115 = arith.constant 0 : i32
    %dma_start3A_1116 = tpu.memref_slice %arg7[%dma_start3A_1114, %dma_start3A_1115] : memref<10112x128xf32, #tpu.memory_space<vmem_shared>> -> memref<10112x128xf32, #tpu.memory_space<vmem_shared>>
    tpu.enqueue_indirect_dma source(%arg15 : memref<80x128xf32, #tpu.memory_space<vmem>>) target(%dma_start3A_1116 : memref<10112x128xf32, #tpu.memory_space<vmem_shared>>) offsets(%dma_start3A_1113 : memref<80xi32, #tpu.memory_space<vmem>>) semaphore(%arg23 : memref<!tpu.dma_semaphore, #tpu.memory_space<semaphore_mem>>) {add = true}
    %dma_wait3A_1117 = arith.constant 12 : i32
    %dma_wait3A_1118 = arith.constant 0 : i32
    %dma_wait3A_1119 = tpu.memref_slice %arg9[%dma_wait3A_1117, %dma_wait3A_1118] : memref<16x80xi32, #tpu.memory_space<vmem>> -> memref<1x80xi32, #tpu.memory_space<vmem>>
    %dma_wait3A_1120 = tpu.memref_squeeze %dma_wait3A_1119 : memref<1x80xi32, #tpu.memory_space<vmem>> -> memref<80xi32, #tpu.memory_space<vmem>>
    %dma_wait3A_1121 = arith.constant 0 : i32
    %dma_wait3A_1122 = arith.constant 0 : i32
    %dma_wait3A_1123 = tpu.memref_slice %arg7[%dma_wait3A_1121, %dma_wait3A_1122] : memref<10112x128xf32, #tpu.memory_space<vmem_shared>> -> memref<10112x128xf32, #tpu.memory_space<vmem_shared>>
    tpu.wait_indirect_dma semaphore(%arg20 : memref<!tpu.dma_semaphore, #tpu.memory_space<semaphore_mem>>) src(%arg12 : memref<80x128xf32, #tpu.memory_space<vmem>>) dst(%dma_wait3A_1123 : memref<10112x128xf32, #tpu.memory_space<vmem_shared>>)
    %dma_wait3A_1124 = arith.constant 13 : i32
    %dma_wait3A_1125 = arith.constant 0 : i32
    %dma_wait3A_1126 = tpu.memref_slice %arg9[%dma_wait3A_1124, %dma_wait3A_1125] : memref<16x80xi32, #tpu.memory_space<vmem>> -> memref<1x80xi32, #tpu.memory_space<vmem>>
    %dma_wait3A_1127 = tpu.memref_squeeze %dma_wait3A_1126 : memref<1x80xi32, #tpu.memory_space<vmem>> -> memref<80xi32, #tpu.memory_space<vmem>>
    %dma_wait3A_1128 = arith.constant 0 : i32
    %dma_wait3A_1129 = arith.constant 0 : i32
    %dma_wait3A_1130 = tpu.memref_slice %arg7[%dma_wait3A_1128, %dma_wait3A_1129] : memref<10112x128xf32, #tpu.memory_space<vmem_shared>> -> memref<10112x128xf32, #tpu.memory_space<vmem_shared>>
    tpu.wait_indirect_dma semaphore(%arg21 : memref<!tpu.dma_semaphore, #tpu.memory_space<semaphore_mem>>) src(%arg13 : memref<80x128xf32, #tpu.memory_space<vmem>>) dst(%dma_wait3A_1130 : memref<10112x128xf32, #tpu.memory_space<vmem_shared>>)
    %dma_wait3A_1131 = arith.constant 14 : i32
    %dma_wait3A_1132 = arith.constant 0 : i32
    %dma_wait3A_1133 = tpu.memref_slice %arg9[%dma_wait3A_1131, %dma_wait3A_1132] : memref<16x80xi32, #tpu.memory_space<vmem>> -> memref<1x80xi32, #tpu.memory_space<vmem>>
    %dma_wait3A_1134 = tpu.memref_squeeze %dma_wait3A_1133 : memref<1x80xi32, #tpu.memory_space<vmem>> -> memref<80xi32, #tpu.memory_space<vmem>>
    %dma_wait3A_1135 = arith.constant 0 : i32
    %dma_wait3A_1136 = arith.constant 0 : i32
    %dma_wait3A_1137 = tpu.memref_slice %arg7[%dma_wait3A_1135, %dma_wait3A_1136] : memref<10112x128xf32, #tpu.memory_space<vmem_shared>> -> memref<10112x128xf32, #tpu.memory_space<vmem_shared>>
    tpu.wait_indirect_dma semaphore(%arg22 : memref<!tpu.dma_semaphore, #tpu.memory_space<semaphore_mem>>) src(%arg14 : memref<80x128xf32, #tpu.memory_space<vmem>>) dst(%dma_wait3A_1137 : memref<10112x128xf32, #tpu.memory_space<vmem_shared>>)
    %dma_wait3A_1138 = arith.constant 15 : i32
    %dma_wait3A_1139 = arith.constant 0 : i32
    %dma_wait3A_1140 = tpu.memref_slice %arg9[%dma_wait3A_1138, %dma_wait3A_1139] : memref<16x80xi32, #tpu.memory_space<vmem>> -> memref<1x80xi32, #tpu.memory_space<vmem>>
    %dma_wait3A_1141 = tpu.memref_squeeze %dma_wait3A_1140 : memref<1x80xi32, #tpu.memory_space<vmem>> -> memref<80xi32, #tpu.memory_space<vmem>>
    %dma_wait3A_1142 = arith.constant 0 : i32
    %dma_wait3A_1143 = arith.constant 0 : i32
    %dma_wait3A_1144 = tpu.memref_slice %arg7[%dma_wait3A_1142, %dma_wait3A_1143] : memref<10112x128xf32, #tpu.memory_space<vmem_shared>> -> memref<10112x128xf32, #tpu.memory_space<vmem_shared>>
    tpu.wait_indirect_dma semaphore(%arg23 : memref<!tpu.dma_semaphore, #tpu.memory_space<semaphore_mem>>) src(%arg15 : memref<80x128xf32, #tpu.memory_space<vmem>>) dst(%dma_wait3A_1144 : memref<10112x128xf32, #tpu.memory_space<vmem_shared>>)
    %mul3A_1145 = arith.constant 2048 : i32
    %mul3A_1146 = arith.muli %arg0, %mul3A_1145 : i32
    %mul3A_1147 = arith.constant 128 : i32
    %mul3A_1148 = arith.muli %arg1, %mul3A_1147 : i32
    %add3A_1149 = arith.addi %mul3A_1146, %mul3A_1148 : i32
    %add3A_1150 = arith.constant 112 : i32
    %add3A_1151 = arith.addi %add3A_1149, %add3A_1150 : i32
    %multiple_of3A_1152 = tpu.assume_multiple %add3A_1151, 8 : i32
    %dma_wait3A_1153 = arith.constant 0 : i32
    %dma_wait3A_1154 = tpu.memref_slice %arg2[%multiple_of3A_1152, %dma_wait3A_1153] : memref<4096x80xi32, #tpu.memory_space<hbm>> -> memref<16x80xi32, #tpu.memory_space<hbm>>
    %dma_wait3A_1155 = arith.constant 0 : i32
    %dma_wait3A_1156 = tpu.memref_slice %arg2[%multiple_of3A_1152, %dma_wait3A_1155] : memref<4096x80xi32, #tpu.memory_space<hbm>> -> memref<16x80xi32, #tpu.memory_space<hbm>>
    tpu.wait_dma2 semaphore(%arg25 : memref<!tpu.dma_semaphore, #tpu.memory_space<semaphore_mem>>) src(%dma_wait3A_1156 : memref<16x80xi32, #tpu.memory_space<hbm>>) dst(%arg10 : memref<16x80xi32, #tpu.memory_space<vmem>>)
    %mul3A_1157 = arith.constant 128 : i32
    %mul3A_1158 = arith.muli %arg1, %mul3A_1157 : i32
    %add3A_1159 = arith.constant 112 : i32
    %add3A_1160 = arith.addi %mul3A_1158, %add3A_1159 : i32
    %multiple_of3A_1161 = tpu.assume_multiple %add3A_1160, 8 : i32
    %dma_wait3A_1162 = arith.constant 0 : i32
    %dma_wait3A_1163 = tpu.memref_slice %arg3[%multiple_of3A_1161, %dma_wait3A_1162] : memref<2048x80xi32, #tpu.memory_space<hbm>> -> memref<16x80xi32, #tpu.memory_space<hbm>>
    %dma_wait3A_1164 = arith.constant 0 : i32
    %dma_wait3A_1165 = tpu.memref_slice %arg3[%multiple_of3A_1161, %dma_wait3A_1164] : memref<2048x80xi32, #tpu.memory_space<hbm>> -> memref<16x80xi32, #tpu.memory_space<hbm>>
    tpu.wait_dma2 semaphore(%arg25 : memref<!tpu.dma_semaphore, #tpu.memory_space<semaphore_mem>>) src(%dma_wait3A_1165 : memref<16x80xi32, #tpu.memory_space<hbm>>) dst(%arg11 : memref<16x80xi32, #tpu.memory_space<vmem>>)
    %dma_start3A_1166 = arith.constant 0 : i32
    %dma_start3A_1167 = arith.constant 0 : i32
    %dma_start3A_1168 = tpu.memref_slice %arg10[%dma_start3A_1166, %dma_start3A_1167] : memref<16x80xi32, #tpu.memory_space<vmem>> -> memref<1x80xi32, #tpu.memory_space<vmem>>
    %dma_start3A_1169 = tpu.memref_squeeze %dma_start3A_1168 : memref<1x80xi32, #tpu.memory_space<vmem>> -> memref<80xi32, #tpu.memory_space<vmem>>
    %dma_start3A_1170 = arith.constant 0 : i32
    %dma_start3A_1171 = arith.constant 0 : i32
    %dma_start3A_1172 = tpu.memref_slice %arg4[%dma_start3A_1170, %dma_start3A_1171] : memref<20000x128xf32, #tpu.memory_space<hbm>> -> memref<20000x128xf32, #tpu.memory_space<hbm>>
    tpu.enqueue_indirect_dma source(%dma_start3A_1172 : memref<20000x128xf32, #tpu.memory_space<hbm>>) target(%arg12 : memref<80x128xf32, #tpu.memory_space<vmem>>) offsets(%dma_start3A_1169 : memref<80xi32, #tpu.memory_space<vmem>>) semaphore(%arg16 : memref<!tpu.dma_semaphore, #tpu.memory_space<semaphore_mem>>)
    %dma_start3A_1173 = arith.constant 1 : i32
    %dma_start3A_1174 = arith.constant 0 : i32
    %dma_start3A_1175 = tpu.memref_slice %arg10[%dma_start3A_1173, %dma_start3A_1174] : memref<16x80xi32, #tpu.memory_space<vmem>> -> memref<1x80xi32, #tpu.memory_space<vmem>>
    %dma_start3A_1176 = tpu.memref_squeeze %dma_start3A_1175 : memref<1x80xi32, #tpu.memory_space<vmem>> -> memref<80xi32, #tpu.memory_space<vmem>>
    %dma_start3A_1177 = arith.constant 0 : i32
    %dma_start3A_1178 = arith.constant 0 : i32
    %dma_start3A_1179 = tpu.memref_slice %arg4[%dma_start3A_1177, %dma_start3A_1178] : memref<20000x128xf32, #tpu.memory_space<hbm>> -> memref<20000x128xf32, #tpu.memory_space<hbm>>
    tpu.enqueue_indirect_dma source(%dma_start3A_1179 : memref<20000x128xf32, #tpu.memory_space<hbm>>) target(%arg13 : memref<80x128xf32, #tpu.memory_space<vmem>>) offsets(%dma_start3A_1176 : memref<80xi32, #tpu.memory_space<vmem>>) semaphore(%arg17 : memref<!tpu.dma_semaphore, #tpu.memory_space<semaphore_mem>>)
    %dma_start3A_1180 = arith.constant 2 : i32
    %dma_start3A_1181 = arith.constant 0 : i32
    %dma_start3A_1182 = tpu.memref_slice %arg10[%dma_start3A_1180, %dma_start3A_1181] : memref<16x80xi32, #tpu.memory_space<vmem>> -> memref<1x80xi32, #tpu.memory_space<vmem>>
    %dma_start3A_1183 = tpu.memref_squeeze %dma_start3A_1182 : memref<1x80xi32, #tpu.memory_space<vmem>> -> memref<80xi32, #tpu.memory_space<vmem>>
    %dma_start3A_1184 = arith.constant 0 : i32
    %dma_start3A_1185 = arith.constant 0 : i32
    %dma_start3A_1186 = tpu.memref_slice %arg4[%dma_start3A_1184, %dma_start3A_1185] : memref<20000x128xf32, #tpu.memory_space<hbm>> -> memref<20000x128xf32, #tpu.memory_space<hbm>>
    tpu.enqueue_indirect_dma source(%dma_start3A_1186 : memref<20000x128xf32, #tpu.memory_space<hbm>>) target(%arg14 : memref<80x128xf32, #tpu.memory_space<vmem>>) offsets(%dma_start3A_1183 : memref<80xi32, #tpu.memory_space<vmem>>) semaphore(%arg18 : memref<!tpu.dma_semaphore, #tpu.memory_space<semaphore_mem>>)
    %dma_start3A_1187 = arith.constant 3 : i32
    %dma_start3A_1188 = arith.constant 0 : i32
    %dma_start3A_1189 = tpu.memref_slice %arg10[%dma_start3A_1187, %dma_start3A_1188] : memref<16x80xi32, #tpu.memory_space<vmem>> -> memref<1x80xi32, #tpu.memory_space<vmem>>
    %dma_start3A_1190 = tpu.memref_squeeze %dma_start3A_1189 : memref<1x80xi32, #tpu.memory_space<vmem>> -> memref<80xi32, #tpu.memory_space<vmem>>
    %dma_start3A_1191 = arith.constant 0 : i32
    %dma_start3A_1192 = arith.constant 0 : i32
    %dma_start3A_1193 = tpu.memref_slice %arg4[%dma_start3A_1191, %dma_start3A_1192] : memref<20000x128xf32, #tpu.memory_space<hbm>> -> memref<20000x128xf32, #tpu.memory_space<hbm>>
    tpu.enqueue_indirect_dma source(%dma_start3A_1193 : memref<20000x128xf32, #tpu.memory_space<hbm>>) target(%arg15 : memref<80x128xf32, #tpu.memory_space<vmem>>) offsets(%dma_start3A_1190 : memref<80xi32, #tpu.memory_space<vmem>>) semaphore(%arg19 : memref<!tpu.dma_semaphore, #tpu.memory_space<semaphore_mem>>)
    %scan3A_1194 = arith.constant 0 : i32
    %scan3A_1195 = arith.constant 0 : i32
    %scan3A_1196 = arith.constant 3 : i32
    %scan3A_1197 = arith.addi %scan3A_1195, %scan3A_1196 : i32
    %scan3A_1198 = arith.constant 1 : i32
    %scan3A_1199 = scf.for %scan3A_1295 = %scan3A_1195 to %scan3A_1197 step %scan3A_1198 iter_args(%scan3A_1296 = %scan3A_1194) -> (i32)  : i32 {
      %mul3A_1297 = arith.constant 4 : i32
      %mul3A_1298 = arith.muli %scan3A_1295, %mul3A_1297 : i32
      %add3A_1299 = arith.constant 0 : i32
      %add3A_1300 = arith.addi %mul3A_1298, %add3A_1299 : i32
      %dma_wait3A_1301 = arith.constant 0 : i32
      %dma_wait3A_1302 = tpu.memref_slice %arg10[%add3A_1300, %dma_wait3A_1301] : memref<16x80xi32, #tpu.memory_space<vmem>> -> memref<1x80xi32, #tpu.memory_space<vmem>>
      %dma_wait3A_1303 = tpu.memref_squeeze %dma_wait3A_1302 : memref<1x80xi32, #tpu.memory_space<vmem>> -> memref<80xi32, #tpu.memory_space<vmem>>
      %dma_wait3A_1304 = arith.constant 0 : i32
      %dma_wait3A_1305 = arith.constant 0 : i32
      %dma_wait3A_1306 = tpu.memref_slice %arg4[%dma_wait3A_1304, %dma_wait3A_1305] : memref<20000x128xf32, #tpu.memory_space<hbm>> -> memref<20000x128xf32, #tpu.memory_space<hbm>>
      tpu.wait_indirect_dma semaphore(%arg16 : memref<!tpu.dma_semaphore, #tpu.memory_space<semaphore_mem>>) src(%dma_wait3A_1306 : memref<20000x128xf32, #tpu.memory_space<hbm>>) dst(%arg12 : memref<80x128xf32, #tpu.memory_space<vmem>>)
      %add3A_1307 = arith.constant 0 : i32
      %add3A_1308 = arith.addi %mul3A_1298, %add3A_1307 : i32
      %dma_start3A_1309 = arith.constant 0 : i32
      %dma_start3A_1310 = tpu.memref_slice %arg11[%add3A_1308, %dma_start3A_1309] : memref<16x80xi32, #tpu.memory_space<vmem>> -> memref<1x80xi32, #tpu.memory_space<vmem>>
      %dma_start3A_1311 = tpu.memref_squeeze %dma_start3A_1310 : memref<1x80xi32, #tpu.memory_space<vmem>> -> memref<80xi32, #tpu.memory_space<vmem>>
      %dma_start3A_1312 = arith.constant 0 : i32
      %dma_start3A_1313 = arith.constant 0 : i32
      %dma_start3A_1314 = tpu.memref_slice %arg7[%dma_start3A_1312, %dma_start3A_1313] : memref<10112x128xf32, #tpu.memory_space<vmem_shared>> -> memref<10112x128xf32, #tpu.memory_space<vmem_shared>>
      tpu.enqueue_indirect_dma source(%arg12 : memref<80x128xf32, #tpu.memory_space<vmem>>) target(%dma_start3A_1314 : memref<10112x128xf32, #tpu.memory_space<vmem_shared>>) offsets(%dma_start3A_1311 : memref<80xi32, #tpu.memory_space<vmem>>) semaphore(%arg20 : memref<!tpu.dma_semaphore, #tpu.memory_space<semaphore_mem>>) {add = true}
      %add3A_1315 = arith.constant 1 : i32
      %add3A_1316 = arith.addi %mul3A_1298, %add3A_1315 : i32
      %dma_wait3A_1317 = arith.constant 0 : i32
      %dma_wait3A_1318 = tpu.memref_slice %arg10[%add3A_1316, %dma_wait3A_1317] : memref<16x80xi32, #tpu.memory_space<vmem>> -> memref<1x80xi32, #tpu.memory_space<vmem>>
      %dma_wait3A_1319 = tpu.memref_squeeze %dma_wait3A_1318 : memref<1x80xi32, #tpu.memory_space<vmem>> -> memref<80xi32, #tpu.memory_space<vmem>>
      %dma_wait3A_1320 = arith.constant 0 : i32
      %dma_wait3A_1321 = arith.constant 0 : i32
      %dma_wait3A_1322 = tpu.memref_slice %arg4[%dma_wait3A_1320, %dma_wait3A_1321] : memref<20000x128xf32, #tpu.memory_space<hbm>> -> memref<20000x128xf32, #tpu.memory_space<hbm>>
      tpu.wait_indirect_dma semaphore(%arg17 : memref<!tpu.dma_semaphore, #tpu.memory_space<semaphore_mem>>) src(%dma_wait3A_1322 : memref<20000x128xf32, #tpu.memory_space<hbm>>) dst(%arg13 : memref<80x128xf32, #tpu.memory_space<vmem>>)
      %add3A_1323 = arith.constant 1 : i32
      %add3A_1324 = arith.addi %mul3A_1298, %add3A_1323 : i32
      %dma_start3A_1325 = arith.constant 0 : i32
      %dma_start3A_1326 = tpu.memref_slice %arg11[%add3A_1324, %dma_start3A_1325] : memref<16x80xi32, #tpu.memory_space<vmem>> -> memref<1x80xi32, #tpu.memory_space<vmem>>
      %dma_start3A_1327 = tpu.memref_squeeze %dma_start3A_1326 : memref<1x80xi32, #tpu.memory_space<vmem>> -> memref<80xi32, #tpu.memory_space<vmem>>
      %dma_start3A_1328 = arith.constant 0 : i32
      %dma_start3A_1329 = arith.constant 0 : i32
      %dma_start3A_1330 = tpu.memref_slice %arg7[%dma_start3A_1328, %dma_start3A_1329] : memref<10112x128xf32, #tpu.memory_space<vmem_shared>> -> memref<10112x128xf32, #tpu.memory_space<vmem_shared>>
      tpu.enqueue_indirect_dma source(%arg13 : memref<80x128xf32, #tpu.memory_space<vmem>>) target(%dma_start3A_1330 : memref<10112x128xf32, #tpu.memory_space<vmem_shared>>) offsets(%dma_start3A_1327 : memref<80xi32, #tpu.memory_space<vmem>>) semaphore(%arg21 : memref<!tpu.dma_semaphore, #tpu.memory_space<semaphore_mem>>) {add = true}
      %add3A_1331 = arith.constant 2 : i32
      %add3A_1332 = arith.addi %mul3A_1298, %add3A_1331 : i32
      %dma_wait3A_1333 = arith.constant 0 : i32
      %dma_wait3A_1334 = tpu.memref_slice %arg10[%add3A_1332, %dma_wait3A_1333] : memref<16x80xi32, #tpu.memory_space<vmem>> -> memref<1x80xi32, #tpu.memory_space<vmem>>
      %dma_wait3A_1335 = tpu.memref_squeeze %dma_wait3A_1334 : memref<1x80xi32, #tpu.memory_space<vmem>> -> memref<80xi32, #tpu.memory_space<vmem>>
      %dma_wait3A_1336 = arith.constant 0 : i32
      %dma_wait3A_1337 = arith.constant 0 : i32
      %dma_wait3A_1338 = tpu.memref_slice %arg4[%dma_wait3A_1336, %dma_wait3A_1337] : memref<20000x128xf32, #tpu.memory_space<hbm>> -> memref<20000x128xf32, #tpu.memory_space<hbm>>
      tpu.wait_indirect_dma semaphore(%arg18 : memref<!tpu.dma_semaphore, #tpu.memory_space<semaphore_mem>>) src(%dma_wait3A_1338 : memref<20000x128xf32, #tpu.memory_space<hbm>>) dst(%arg14 : memref<80x128xf32, #tpu.memory_space<vmem>>)
      %add3A_1339 = arith.constant 2 : i32
      %add3A_1340 = arith.addi %mul3A_1298, %add3A_1339 : i32
      %dma_start3A_1341 = arith.constant 0 : i32
      %dma_start3A_1342 = tpu.memref_slice %arg11[%add3A_1340, %dma_start3A_1341] : memref<16x80xi32, #tpu.memory_space<vmem>> -> memref<1x80xi32, #tpu.memory_space<vmem>>
      %dma_start3A_1343 = tpu.memref_squeeze %dma_start3A_1342 : memref<1x80xi32, #tpu.memory_space<vmem>> -> memref<80xi32, #tpu.memory_space<vmem>>
      %dma_start3A_1344 = arith.constant 0 : i32
      %dma_start3A_1345 = arith.constant 0 : i32
      %dma_start3A_1346 = tpu.memref_slice %arg7[%dma_start3A_1344, %dma_start3A_1345] : memref<10112x128xf32, #tpu.memory_space<vmem_shared>> -> memref<10112x128xf32, #tpu.memory_space<vmem_shared>>
      tpu.enqueue_indirect_dma source(%arg14 : memref<80x128xf32, #tpu.memory_space<vmem>>) target(%dma_start3A_1346 : memref<10112x128xf32, #tpu.memory_space<vmem_shared>>) offsets(%dma_start3A_1343 : memref<80xi32, #tpu.memory_space<vmem>>) semaphore(%arg22 : memref<!tpu.dma_semaphore, #tpu.memory_space<semaphore_mem>>) {add = true}
      %add3A_1347 = arith.constant 3 : i32
      %add3A_1348 = arith.addi %mul3A_1298, %add3A_1347 : i32
      %dma_wait3A_1349 = arith.constant 0 : i32
      %dma_wait3A_1350 = tpu.memref_slice %arg10[%add3A_1348, %dma_wait3A_1349] : memref<16x80xi32, #tpu.memory_space<vmem>> -> memref<1x80xi32, #tpu.memory_space<vmem>>
      %dma_wait3A_1351 = tpu.memref_squeeze %dma_wait3A_1350 : memref<1x80xi32, #tpu.memory_space<vmem>> -> memref<80xi32, #tpu.memory_space<vmem>>
      %dma_wait3A_1352 = arith.constant 0 : i32
      %dma_wait3A_1353 = arith.constant 0 : i32
      %dma_wait3A_1354 = tpu.memref_slice %arg4[%dma_wait3A_1352, %dma_wait3A_1353] : memref<20000x128xf32, #tpu.memory_space<hbm>> -> memref<20000x128xf32, #tpu.memory_space<hbm>>
      tpu.wait_indirect_dma semaphore(%arg19 : memref<!tpu.dma_semaphore, #tpu.memory_space<semaphore_mem>>) src(%dma_wait3A_1354 : memref<20000x128xf32, #tpu.memory_space<hbm>>) dst(%arg15 : memref<80x128xf32, #tpu.memory_space<vmem>>)
      %add3A_1355 = arith.constant 3 : i32
      %add3A_1356 = arith.addi %mul3A_1298, %add3A_1355 : i32
      %dma_start3A_1357 = arith.constant 0 : i32
      %dma_start3A_1358 = tpu.memref_slice %arg11[%add3A_1356, %dma_start3A_1357] : memref<16x80xi32, #tpu.memory_space<vmem>> -> memref<1x80xi32, #tpu.memory_space<vmem>>
      %dma_start3A_1359 = tpu.memref_squeeze %dma_start3A_1358 : memref<1x80xi32, #tpu.memory_space<vmem>> -> memref<80xi32, #tpu.memory_space<vmem>>
      %dma_start3A_1360 = arith.constant 0 : i32
      %dma_start3A_1361 = arith.constant 0 : i32
      %dma_start3A_1362 = tpu.memref_slice %arg7[%dma_start3A_1360, %dma_start3A_1361] : memref<10112x128xf32, #tpu.memory_space<vmem_shared>> -> memref<10112x128xf32, #tpu.memory_space<vmem_shared>>
      tpu.enqueue_indirect_dma source(%arg15 : memref<80x128xf32, #tpu.memory_space<vmem>>) target(%dma_start3A_1362 : memref<10112x128xf32, #tpu.memory_space<vmem_shared>>) offsets(%dma_start3A_1359 : memref<80xi32, #tpu.memory_space<vmem>>) semaphore(%arg23 : memref<!tpu.dma_semaphore, #tpu.memory_space<semaphore_mem>>) {add = true}
      %add3A_1363 = arith.constant 0 : i32
      %add3A_1364 = arith.addi %mul3A_1298, %add3A_1363 : i32
      %dma_wait3A_1365 = arith.constant 0 : i32
      %dma_wait3A_1366 = tpu.memref_slice %arg11[%add3A_1364, %dma_wait3A_1365] : memref<16x80xi32, #tpu.memory_space<vmem>> -> memref<1x80xi32, #tpu.memory_space<vmem>>
      %dma_wait3A_1367 = tpu.memref_squeeze %dma_wait3A_1366 : memref<1x80xi32, #tpu.memory_space<vmem>> -> memref<80xi32, #tpu.memory_space<vmem>>
      %dma_wait3A_1368 = arith.constant 0 : i32
      %dma_wait3A_1369 = arith.constant 0 : i32
      %dma_wait3A_1370 = tpu.memref_slice %arg7[%dma_wait3A_1368, %dma_wait3A_1369] : memref<10112x128xf32, #tpu.memory_space<vmem_shared>> -> memref<10112x128xf32, #tpu.memory_space<vmem_shared>>
      tpu.wait_indirect_dma semaphore(%arg20 : memref<!tpu.dma_semaphore, #tpu.memory_space<semaphore_mem>>) src(%arg12 : memref<80x128xf32, #tpu.memory_space<vmem>>) dst(%dma_wait3A_1370 : memref<10112x128xf32, #tpu.memory_space<vmem_shared>>)
      %add3A_1371 = arith.constant 4 : i32
      %add3A_1372 = arith.addi %mul3A_1298, %add3A_1371 : i32
      %add3A_1373 = arith.constant 0 : i32
      %add3A_1374 = arith.addi %add3A_1372, %add3A_1373 : i32
      %dma_start3A_1375 = arith.constant 0 : i32
      %dma_start3A_1376 = tpu.memref_slice %arg10[%add3A_1374, %dma_start3A_1375] : memref<16x80xi32, #tpu.memory_space<vmem>> -> memref<1x80xi32, #tpu.memory_space<vmem>>
      %dma_start3A_1377 = tpu.memref_squeeze %dma_start3A_1376 : memref<1x80xi32, #tpu.memory_space<vmem>> -> memref<80xi32, #tpu.memory_space<vmem>>
      %dma_start3A_1378 = arith.constant 0 : i32
      %dma_start3A_1379 = arith.constant 0 : i32
      %dma_start3A_1380 = tpu.memref_slice %arg4[%dma_start3A_1378, %dma_start3A_1379] : memref<20000x128xf32, #tpu.memory_space<hbm>> -> memref<20000x128xf32, #tpu.memory_space<hbm>>
      tpu.enqueue_indirect_dma source(%dma_start3A_1380 : memref<20000x128xf32, #tpu.memory_space<hbm>>) target(%arg12 : memref<80x128xf32, #tpu.memory_space<vmem>>) offsets(%dma_start3A_1377 : memref<80xi32, #tpu.memory_space<vmem>>) semaphore(%arg16 : memref<!tpu.dma_semaphore, #tpu.memory_space<semaphore_mem>>)
      %add3A_1381 = arith.constant 1 : i32
      %add3A_1382 = arith.addi %mul3A_1298, %add3A_1381 : i32
      %dma_wait3A_1383 = arith.constant 0 : i32
      %dma_wait3A_1384 = tpu.memref_slice %arg11[%add3A_1382, %dma_wait3A_1383] : memref<16x80xi32, #tpu.memory_space<vmem>> -> memref<1x80xi32, #tpu.memory_space<vmem>>
      %dma_wait3A_1385 = tpu.memref_squeeze %dma_wait3A_1384 : memref<1x80xi32, #tpu.memory_space<vmem>> -> memref<80xi32, #tpu.memory_space<vmem>>
      %dma_wait3A_1386 = arith.constant 0 : i32
      %dma_wait3A_1387 = arith.constant 0 : i32
      %dma_wait3A_1388 = tpu.memref_slice %arg7[%dma_wait3A_1386, %dma_wait3A_1387] : memref<10112x128xf32, #tpu.memory_space<vmem_shared>> -> memref<10112x128xf32, #tpu.memory_space<vmem_shared>>
      tpu.wait_indirect_dma semaphore(%arg21 : memref<!tpu.dma_semaphore, #tpu.memory_space<semaphore_mem>>) src(%arg13 : memref<80x128xf32, #tpu.memory_space<vmem>>) dst(%dma_wait3A_1388 : memref<10112x128xf32, #tpu.memory_space<vmem_shared>>)
      %add3A_1389 = arith.constant 4 : i32
      %add3A_1390 = arith.addi %mul3A_1298, %add3A_1389 : i32
      %add3A_1391 = arith.constant 1 : i32
      %add3A_1392 = arith.addi %add3A_1390, %add3A_1391 : i32
      %dma_start3A_1393 = arith.constant 0 : i32
      %dma_start3A_1394 = tpu.memref_slice %arg10[%add3A_1392, %dma_start3A_1393] : memref<16x80xi32, #tpu.memory_space<vmem>> -> memref<1x80xi32, #tpu.memory_space<vmem>>
      %dma_start3A_1395 = tpu.memref_squeeze %dma_start3A_1394 : memref<1x80xi32, #tpu.memory_space<vmem>> -> memref<80xi32, #tpu.memory_space<vmem>>
      %dma_start3A_1396 = arith.constant 0 : i32
      %dma_start3A_1397 = arith.constant 0 : i32
      %dma_start3A_1398 = tpu.memref_slice %arg4[%dma_start3A_1396, %dma_start3A_1397] : memref<20000x128xf32, #tpu.memory_space<hbm>> -> memref<20000x128xf32, #tpu.memory_space<hbm>>
      tpu.enqueue_indirect_dma source(%dma_start3A_1398 : memref<20000x128xf32, #tpu.memory_space<hbm>>) target(%arg13 : memref<80x128xf32, #tpu.memory_space<vmem>>) offsets(%dma_start3A_1395 : memref<80xi32, #tpu.memory_space<vmem>>) semaphore(%arg17 : memref<!tpu.dma_semaphore, #tpu.memory_space<semaphore_mem>>)
      %add3A_1399 = arith.constant 2 : i32
      %add3A_1400 = arith.addi %mul3A_1298, %add3A_1399 : i32
      %dma_wait3A_1401 = arith.constant 0 : i32
      %dma_wait3A_1402 = tpu.memref_slice %arg11[%add3A_1400, %dma_wait3A_1401] : memref<16x80xi32, #tpu.memory_space<vmem>> -> memref<1x80xi32, #tpu.memory_space<vmem>>
      %dma_wait3A_1403 = tpu.memref_squeeze %dma_wait3A_1402 : memref<1x80xi32, #tpu.memory_space<vmem>> -> memref<80xi32, #tpu.memory_space<vmem>>
      %dma_wait3A_1404 = arith.constant 0 : i32
      %dma_wait3A_1405 = arith.constant 0 : i32
      %dma_wait3A_1406 = tpu.memref_slice %arg7[%dma_wait3A_1404, %dma_wait3A_1405] : memref<10112x128xf32, #tpu.memory_space<vmem_shared>> -> memref<10112x128xf32, #tpu.memory_space<vmem_shared>>
      tpu.wait_indirect_dma semaphore(%arg22 : memref<!tpu.dma_semaphore, #tpu.memory_space<semaphore_mem>>) src(%arg14 : memref<80x128xf32, #tpu.memory_space<vmem>>) dst(%dma_wait3A_1406 : memref<10112x128xf32, #tpu.memory_space<vmem_shared>>)
      %add3A_1407 = arith.constant 4 : i32
      %add3A_1408 = arith.addi %mul3A_1298, %add3A_1407 : i32
      %add3A_1409 = arith.constant 2 : i32
      %add3A_1410 = arith.addi %add3A_1408, %add3A_1409 : i32
      %dma_start3A_1411 = arith.constant 0 : i32
      %dma_start3A_1412 = tpu.memref_slice %arg10[%add3A_1410, %dma_start3A_1411] : memref<16x80xi32, #tpu.memory_space<vmem>> -> memref<1x80xi32, #tpu.memory_space<vmem>>
      %dma_start3A_1413 = tpu.memref_squeeze %dma_start3A_1412 : memref<1x80xi32, #tpu.memory_space<vmem>> -> memref<80xi32, #tpu.memory_space<vmem>>
      %dma_start3A_1414 = arith.constant 0 : i32
      %dma_start3A_1415 = arith.constant 0 : i32
      %dma_start3A_1416 = tpu.memref_slice %arg4[%dma_start3A_1414, %dma_start3A_1415] : memref<20000x128xf32, #tpu.memory_space<hbm>> -> memref<20000x128xf32, #tpu.memory_space<hbm>>
      tpu.enqueue_indirect_dma source(%dma_start3A_1416 : memref<20000x128xf32, #tpu.memory_space<hbm>>) target(%arg14 : memref<80x128xf32, #tpu.memory_space<vmem>>) offsets(%dma_start3A_1413 : memref<80xi32, #tpu.memory_space<vmem>>) semaphore(%arg18 : memref<!tpu.dma_semaphore, #tpu.memory_space<semaphore_mem>>)
      %add3A_1417 = arith.constant 3 : i32
      %add3A_1418 = arith.addi %mul3A_1298, %add3A_1417 : i32
      %dma_wait3A_1419 = arith.constant 0 : i32
      %dma_wait3A_1420 = tpu.memref_slice %arg11[%add3A_1418, %dma_wait3A_1419] : memref<16x80xi32, #tpu.memory_space<vmem>> -> memref<1x80xi32, #tpu.memory_space<vmem>>
      %dma_wait3A_1421 = tpu.memref_squeeze %dma_wait3A_1420 : memref<1x80xi32, #tpu.memory_space<vmem>> -> memref<80xi32, #tpu.memory_space<vmem>>
      %dma_wait3A_1422 = arith.constant 0 : i32
      %dma_wait3A_1423 = arith.constant 0 : i32
      %dma_wait3A_1424 = tpu.memref_slice %arg7[%dma_wait3A_1422, %dma_wait3A_1423] : memref<10112x128xf32, #tpu.memory_space<vmem_shared>> -> memref<10112x128xf32, #tpu.memory_space<vmem_shared>>
      tpu.wait_indirect_dma semaphore(%arg23 : memref<!tpu.dma_semaphore, #tpu.memory_space<semaphore_mem>>) src(%arg15 : memref<80x128xf32, #tpu.memory_space<vmem>>) dst(%dma_wait3A_1424 : memref<10112x128xf32, #tpu.memory_space<vmem_shared>>)
      %add3A_1425 = arith.constant 4 : i32
      %add3A_1426 = arith.addi %mul3A_1298, %add3A_1425 : i32
      %add3A_1427 = arith.constant 3 : i32
      %add3A_1428 = arith.addi %add3A_1426, %add3A_1427 : i32
      %dma_start3A_1429 = arith.constant 0 : i32
      %dma_start3A_1430 = tpu.memref_slice %arg10[%add3A_1428, %dma_start3A_1429] : memref<16x80xi32, #tpu.memory_space<vmem>> -> memref<1x80xi32, #tpu.memory_space<vmem>>
      %dma_start3A_1431 = tpu.memref_squeeze %dma_start3A_1430 : memref<1x80xi32, #tpu.memory_space<vmem>> -> memref<80xi32, #tpu.memory_space<vmem>>
      %dma_start3A_1432 = arith.constant 0 : i32
      %dma_start3A_1433 = arith.constant 0 : i32
      %dma_start3A_1434 = tpu.memref_slice %arg4[%dma_start3A_1432, %dma_start3A_1433] : memref<20000x128xf32, #tpu.memory_space<hbm>> -> memref<20000x128xf32, #tpu.memory_space<hbm>>
      tpu.enqueue_indirect_dma source(%dma_start3A_1434 : memref<20000x128xf32, #tpu.memory_space<hbm>>) target(%arg15 : memref<80x128xf32, #tpu.memory_space<vmem>>) offsets(%dma_start3A_1431 : memref<80xi32, #tpu.memory_space<vmem>>) semaphore(%arg19 : memref<!tpu.dma_semaphore, #tpu.memory_space<semaphore_mem>>)
      %scan3A_1435 = arith.constant 0 : i32
      scf.yield %scan3A_1435 : i32
    }
    %scan3A_1200 = arith.constant 3 : i32
    %dma_wait3A_1201 = arith.constant 12 : i32
    %dma_wait3A_1202 = arith.constant 0 : i32
    %dma_wait3A_1203 = tpu.memref_slice %arg10[%dma_wait3A_1201, %dma_wait3A_1202] : memref<16x80xi32, #tpu.memory_space<vmem>> -> memref<1x80xi32, #tpu.memory_space<vmem>>
    %dma_wait3A_1204 = tpu.memref_squeeze %dma_wait3A_1203 : memref<1x80xi32, #tpu.memory_space<vmem>> -> memref<80xi32, #tpu.memory_space<vmem>>
    %dma_wait3A_1205 = arith.constant 0 : i32
    %dma_wait3A_1206 = arith.constant 0 : i32
    %dma_wait3A_1207 = tpu.memref_slice %arg4[%dma_wait3A_1205, %dma_wait3A_1206] : memref<20000x128xf32, #tpu.memory_space<hbm>> -> memref<20000x128xf32, #tpu.memory_space<hbm>>
    tpu.wait_indirect_dma semaphore(%arg16 : memref<!tpu.dma_semaphore, #tpu.memory_space<semaphore_mem>>) src(%dma_wait3A_1207 : memref<20000x128xf32, #tpu.memory_space<hbm>>) dst(%arg12 : memref<80x128xf32, #tpu.memory_space<vmem>>)
    %dma_start3A_1208 = arith.constant 12 : i32
    %dma_start3A_1209 = arith.constant 0 : i32
    %dma_start3A_1210 = tpu.memref_slice %arg11[%dma_start3A_1208, %dma_start3A_1209] : memref<16x80xi32, #tpu.memory_space<vmem>> -> memref<1x80xi32, #tpu.memory_space<vmem>>
    %dma_start3A_1211 = tpu.memref_squeeze %dma_start3A_1210 : memref<1x80xi32, #tpu.memory_space<vmem>> -> memref<80xi32, #tpu.memory_space<vmem>>
    %dma_start3A_1212 = arith.constant 0 : i32
    %dma_start3A_1213 = arith.constant 0 : i32
    %dma_start3A_1214 = tpu.memref_slice %arg7[%dma_start3A_1212, %dma_start3A_1213] : memref<10112x128xf32, #tpu.memory_space<vmem_shared>> -> memref<10112x128xf32, #tpu.memory_space<vmem_shared>>
    tpu.enqueue_indirect_dma source(%arg12 : memref<80x128xf32, #tpu.memory_space<vmem>>) target(%dma_start3A_1214 : memref<10112x128xf32, #tpu.memory_space<vmem_shared>>) offsets(%dma_start3A_1211 : memref<80xi32, #tpu.memory_space<vmem>>) semaphore(%arg20 : memref<!tpu.dma_semaphore, #tpu.memory_space<semaphore_mem>>) {add = true}
    %dma_wait3A_1215 = arith.constant 13 : i32
    %dma_wait3A_1216 = arith.constant 0 : i32
    %dma_wait3A_1217 = tpu.memref_slice %arg10[%dma_wait3A_1215, %dma_wait3A_1216] : memref<16x80xi32, #tpu.memory_space<vmem>> -> memref<1x80xi32, #tpu.memory_space<vmem>>
    %dma_wait3A_1218 = tpu.memref_squeeze %dma_wait3A_1217 : memref<1x80xi32, #tpu.memory_space<vmem>> -> memref<80xi32, #tpu.memory_space<vmem>>
    %dma_wait3A_1219 = arith.constant 0 : i32
    %dma_wait3A_1220 = arith.constant 0 : i32
    %dma_wait3A_1221 = tpu.memref_slice %arg4[%dma_wait3A_1219, %dma_wait3A_1220] : memref<20000x128xf32, #tpu.memory_space<hbm>> -> memref<20000x128xf32, #tpu.memory_space<hbm>>
    tpu.wait_indirect_dma semaphore(%arg17 : memref<!tpu.dma_semaphore, #tpu.memory_space<semaphore_mem>>) src(%dma_wait3A_1221 : memref<20000x128xf32, #tpu.memory_space<hbm>>) dst(%arg13 : memref<80x128xf32, #tpu.memory_space<vmem>>)
    %dma_start3A_1222 = arith.constant 13 : i32
    %dma_start3A_1223 = arith.constant 0 : i32
    %dma_start3A_1224 = tpu.memref_slice %arg11[%dma_start3A_1222, %dma_start3A_1223] : memref<16x80xi32, #tpu.memory_space<vmem>> -> memref<1x80xi32, #tpu.memory_space<vmem>>
    %dma_start3A_1225 = tpu.memref_squeeze %dma_start3A_1224 : memref<1x80xi32, #tpu.memory_space<vmem>> -> memref<80xi32, #tpu.memory_space<vmem>>
    %dma_start3A_1226 = arith.constant 0 : i32
    %dma_start3A_1227 = arith.constant 0 : i32
    %dma_start3A_1228 = tpu.memref_slice %arg7[%dma_start3A_1226, %dma_start3A_1227] : memref<10112x128xf32, #tpu.memory_space<vmem_shared>> -> memref<10112x128xf32, #tpu.memory_space<vmem_shared>>
    tpu.enqueue_indirect_dma source(%arg13 : memref<80x128xf32, #tpu.memory_space<vmem>>) target(%dma_start3A_1228 : memref<10112x128xf32, #tpu.memory_space<vmem_shared>>) offsets(%dma_start3A_1225 : memref<80xi32, #tpu.memory_space<vmem>>) semaphore(%arg21 : memref<!tpu.dma_semaphore, #tpu.memory_space<semaphore_mem>>) {add = true}
    %dma_wait3A_1229 = arith.constant 14 : i32
    %dma_wait3A_1230 = arith.constant 0 : i32
    %dma_wait3A_1231 = tpu.memref_slice %arg10[%dma_wait3A_1229, %dma_wait3A_1230] : memref<16x80xi32, #tpu.memory_space<vmem>> -> memref<1x80xi32, #tpu.memory_space<vmem>>
    %dma_wait3A_1232 = tpu.memref_squeeze %dma_wait3A_1231 : memref<1x80xi32, #tpu.memory_space<vmem>> -> memref<80xi32, #tpu.memory_space<vmem>>
    %dma_wait3A_1233 = arith.constant 0 : i32
    %dma_wait3A_1234 = arith.constant 0 : i32
    %dma_wait3A_1235 = tpu.memref_slice %arg4[%dma_wait3A_1233, %dma_wait3A_1234] : memref<20000x128xf32, #tpu.memory_space<hbm>> -> memref<20000x128xf32, #tpu.memory_space<hbm>>
    tpu.wait_indirect_dma semaphore(%arg18 : memref<!tpu.dma_semaphore, #tpu.memory_space<semaphore_mem>>) src(%dma_wait3A_1235 : memref<20000x128xf32, #tpu.memory_space<hbm>>) dst(%arg14 : memref<80x128xf32, #tpu.memory_space<vmem>>)
    %dma_start3A_1236 = arith.constant 14 : i32
    %dma_start3A_1237 = arith.constant 0 : i32
    %dma_start3A_1238 = tpu.memref_slice %arg11[%dma_start3A_1236, %dma_start3A_1237] : memref<16x80xi32, #tpu.memory_space<vmem>> -> memref<1x80xi32, #tpu.memory_space<vmem>>
    %dma_start3A_1239 = tpu.memref_squeeze %dma_start3A_1238 : memref<1x80xi32, #tpu.memory_space<vmem>> -> memref<80xi32, #tpu.memory_space<vmem>>
    %dma_start3A_1240 = arith.constant 0 : i32
    %dma_start3A_1241 = arith.constant 0 : i32
    %dma_start3A_1242 = tpu.memref_slice %arg7[%dma_start3A_1240, %dma_start3A_1241] : memref<10112x128xf32, #tpu.memory_space<vmem_shared>> -> memref<10112x128xf32, #tpu.memory_space<vmem_shared>>
    tpu.enqueue_indirect_dma source(%arg14 : memref<80x128xf32, #tpu.memory_space<vmem>>) target(%dma_start3A_1242 : memref<10112x128xf32, #tpu.memory_space<vmem_shared>>) offsets(%dma_start3A_1239 : memref<80xi32, #tpu.memory_space<vmem>>) semaphore(%arg22 : memref<!tpu.dma_semaphore, #tpu.memory_space<semaphore_mem>>) {add = true}
    %dma_wait3A_1243 = arith.constant 15 : i32
    %dma_wait3A_1244 = arith.constant 0 : i32
    %dma_wait3A_1245 = tpu.memref_slice %arg10[%dma_wait3A_1243, %dma_wait3A_1244] : memref<16x80xi32, #tpu.memory_space<vmem>> -> memref<1x80xi32, #tpu.memory_space<vmem>>
    %dma_wait3A_1246 = tpu.memref_squeeze %dma_wait3A_1245 : memref<1x80xi32, #tpu.memory_space<vmem>> -> memref<80xi32, #tpu.memory_space<vmem>>
    %dma_wait3A_1247 = arith.constant 0 : i32
    %dma_wait3A_1248 = arith.constant 0 : i32
    %dma_wait3A_1249 = tpu.memref_slice %arg4[%dma_wait3A_1247, %dma_wait3A_1248] : memref<20000x128xf32, #tpu.memory_space<hbm>> -> memref<20000x128xf32, #tpu.memory_space<hbm>>
    tpu.wait_indirect_dma semaphore(%arg19 : memref<!tpu.dma_semaphore, #tpu.memory_space<semaphore_mem>>) src(%dma_wait3A_1249 : memref<20000x128xf32, #tpu.memory_space<hbm>>) dst(%arg15 : memref<80x128xf32, #tpu.memory_space<vmem>>)
    %dma_start3A_1250 = arith.constant 15 : i32
    %dma_start3A_1251 = arith.constant 0 : i32
    %dma_start3A_1252 = tpu.memref_slice %arg11[%dma_start3A_1250, %dma_start3A_1251] : memref<16x80xi32, #tpu.memory_space<vmem>> -> memref<1x80xi32, #tpu.memory_space<vmem>>
    %dma_start3A_1253 = tpu.memref_squeeze %dma_start3A_1252 : memref<1x80xi32, #tpu.memory_space<vmem>> -> memref<80xi32, #tpu.memory_space<vmem>>
    %dma_start3A_1254 = arith.constant 0 : i32
    %dma_start3A_1255 = arith.constant 0 : i32
    %dma_start3A_1256 = tpu.memref_slice %arg7[%dma_start3A_1254, %dma_start3A_1255] : memref<10112x128xf32, #tpu.memory_space<vmem_shared>> -> memref<10112x128xf32, #tpu.memory_space<vmem_shared>>
    tpu.enqueue_indirect_dma source(%arg15 : memref<80x128xf32, #tpu.memory_space<vmem>>) target(%dma_start3A_1256 : memref<10112x128xf32, #tpu.memory_space<vmem_shared>>) offsets(%dma_start3A_1253 : memref<80xi32, #tpu.memory_space<vmem>>) semaphore(%arg23 : memref<!tpu.dma_semaphore, #tpu.memory_space<semaphore_mem>>) {add = true}
    %dma_wait3A_1257 = arith.constant 12 : i32
    %dma_wait3A_1258 = arith.constant 0 : i32
    %dma_wait3A_1259 = tpu.memref_slice %arg11[%dma_wait3A_1257, %dma_wait3A_1258] : memref<16x80xi32, #tpu.memory_space<vmem>> -> memref<1x80xi32, #tpu.memory_space<vmem>>
    %dma_wait3A_1260 = tpu.memref_squeeze %dma_wait3A_1259 : memref<1x80xi32, #tpu.memory_space<vmem>> -> memref<80xi32, #tpu.memory_space<vmem>>
    %dma_wait3A_1261 = arith.constant 0 : i32
    %dma_wait3A_1262 = arith.constant 0 : i32
    %dma_wait3A_1263 = tpu.memref_slice %arg7[%dma_wait3A_1261, %dma_wait3A_1262] : memref<10112x128xf32, #tpu.memory_space<vmem_shared>> -> memref<10112x128xf32, #tpu.memory_space<vmem_shared>>
    tpu.wait_indirect_dma semaphore(%arg20 : memref<!tpu.dma_semaphore, #tpu.memory_space<semaphore_mem>>) src(%arg12 : memref<80x128xf32, #tpu.memory_space<vmem>>) dst(%dma_wait3A_1263 : memref<10112x128xf32, #tpu.memory_space<vmem_shared>>)
    %dma_wait3A_1264 = arith.constant 13 : i32
    %dma_wait3A_1265 = arith.constant 0 : i32
    %dma_wait3A_1266 = tpu.memref_slice %arg11[%dma_wait3A_1264, %dma_wait3A_1265] : memref<16x80xi32, #tpu.memory_space<vmem>> -> memref<1x80xi32, #tpu.memory_space<vmem>>
    %dma_wait3A_1267 = tpu.memref_squeeze %dma_wait3A_1266 : memref<1x80xi32, #tpu.memory_space<vmem>> -> memref<80xi32, #tpu.memory_space<vmem>>
    %dma_wait3A_1268 = arith.constant 0 : i32
    %dma_wait3A_1269 = arith.constant 0 : i32
    %dma_wait3A_1270 = tpu.memref_slice %arg7[%dma_wait3A_1268, %dma_wait3A_1269] : memref<10112x128xf32, #tpu.memory_space<vmem_shared>> -> memref<10112x128xf32, #tpu.memory_space<vmem_shared>>
    tpu.wait_indirect_dma semaphore(%arg21 : memref<!tpu.dma_semaphore, #tpu.memory_space<semaphore_mem>>) src(%arg13 : memref<80x128xf32, #tpu.memory_space<vmem>>) dst(%dma_wait3A_1270 : memref<10112x128xf32, #tpu.memory_space<vmem_shared>>)
    %dma_wait3A_1271 = arith.constant 14 : i32
    %dma_wait3A_1272 = arith.constant 0 : i32
    %dma_wait3A_1273 = tpu.memref_slice %arg11[%dma_wait3A_1271, %dma_wait3A_1272] : memref<16x80xi32, #tpu.memory_space<vmem>> -> memref<1x80xi32, #tpu.memory_space<vmem>>
    %dma_wait3A_1274 = tpu.memref_squeeze %dma_wait3A_1273 : memref<1x80xi32, #tpu.memory_space<vmem>> -> memref<80xi32, #tpu.memory_space<vmem>>
    %dma_wait3A_1275 = arith.constant 0 : i32
    %dma_wait3A_1276 = arith.constant 0 : i32
    %dma_wait3A_1277 = tpu.memref_slice %arg7[%dma_wait3A_1275, %dma_wait3A_1276] : memref<10112x128xf32, #tpu.memory_space<vmem_shared>> -> memref<10112x128xf32, #tpu.memory_space<vmem_shared>>
    tpu.wait_indirect_dma semaphore(%arg22 : memref<!tpu.dma_semaphore, #tpu.memory_space<semaphore_mem>>) src(%arg14 : memref<80x128xf32, #tpu.memory_space<vmem>>) dst(%dma_wait3A_1277 : memref<10112x128xf32, #tpu.memory_space<vmem_shared>>)
    %dma_wait3A_1278 = arith.constant 15 : i32
    %dma_wait3A_1279 = arith.constant 0 : i32
    %dma_wait3A_1280 = tpu.memref_slice %arg11[%dma_wait3A_1278, %dma_wait3A_1279] : memref<16x80xi32, #tpu.memory_space<vmem>> -> memref<1x80xi32, #tpu.memory_space<vmem>>
    %dma_wait3A_1281 = tpu.memref_squeeze %dma_wait3A_1280 : memref<1x80xi32, #tpu.memory_space<vmem>> -> memref<80xi32, #tpu.memory_space<vmem>>
    %dma_wait3A_1282 = arith.constant 0 : i32
    %dma_wait3A_1283 = arith.constant 0 : i32
    %dma_wait3A_1284 = tpu.memref_slice %arg7[%dma_wait3A_1282, %dma_wait3A_1283] : memref<10112x128xf32, #tpu.memory_space<vmem_shared>> -> memref<10112x128xf32, #tpu.memory_space<vmem_shared>>
    tpu.wait_indirect_dma semaphore(%arg23 : memref<!tpu.dma_semaphore, #tpu.memory_space<semaphore_mem>>) src(%arg15 : memref<80x128xf32, #tpu.memory_space<vmem>>) dst(%dma_wait3A_1284 : memref<10112x128xf32, #tpu.memory_space<vmem_shared>>)
    %barrier3A_1285 = arith.constant 0 : index
    tpu.barrier barrier_id(%barrier3A_1285)
    %mul3A_1286 = arith.constant 632 : i32
    %mul3A_1287 = arith.muli %arg1, %mul3A_1286 : i32
    %multiple_of3A_1288 = tpu.assume_multiple %mul3A_1287, 8 : i32
    %mul3A_1289 = arith.constant 632 : i32
    %mul3A_1290 = arith.muli %arg1, %mul3A_1289 : i32
    %multiple_of3A_1291 = tpu.assume_multiple %mul3A_1290, 8 : i32
    %mul3A_1292 = arith.constant 128 : i32
    %mul3A_1293 = arith.muli %arg0, %mul3A_1292 : i32
    %multiple_of3A_1294 = tpu.assume_multiple %mul3A_1293, 128 : i32
    "tpu.region"() ({
      %run_scoped3A = tpu.sem_alloc : memref<!tpu.dma_semaphore, #tpu.memory_space<semaphore_mem>>
      %dma_start3A_1295 = tpu.memref_slice %arg6[%multiple_of3A_1291, %multiple_of3A_1294] : memref<10112x256xf32, #tpu.memory_space<hbm>> -> memref<632x128xf32, #tpu.memory_space<hbm>>
      %dma_start3A_1296 = arith.constant 0 : i32
      %dma_start3A_1297 = tpu.memref_slice %arg7[%multiple_of3A_1288, %dma_start3A_1296] : memref<10112x128xf32, #tpu.memory_space<vmem_shared>> -> memref<632x128xf32, #tpu.memory_space<vmem_shared>>
      tpu.enqueue_dma source(%dma_start3A_1297 : memref<632x128xf32, #tpu.memory_space<vmem_shared>>) target(%dma_start3A_1295 : memref<632x128xf32, #tpu.memory_space<hbm>>) target_semaphore(%run_scoped3A : memref<!tpu.dma_semaphore, #tpu.memory_space<semaphore_mem>>)
      %dma_wait3A_1298 = tpu.memref_slice %arg6[%multiple_of3A_1291, %multiple_of3A_1294] : memref<10112x256xf32, #tpu.memory_space<hbm>> -> memref<632x128xf32, #tpu.memory_space<hbm>>
      %dma_wait3A_1299 = arith.constant 0 : i32
      %dma_wait3A_1300 = tpu.memref_slice %arg7[%multiple_of3A_1288, %dma_wait3A_1299] : memref<10112x128xf32, #tpu.memory_space<vmem_shared>> -> memref<632x128xf32, #tpu.memory_space<vmem_shared>>
      tpu.wait_dma2 semaphore(%run_scoped3A : memref<!tpu.dma_semaphore, #tpu.memory_space<semaphore_mem>>) src(%dma_wait3A_1300 : memref<632x128xf32, #tpu.memory_space<vmem_shared>>) dst(%dma_wait3A_1298 : memref<632x128xf32, #tpu.memory_space<hbm>>)
      tpu.yield
    }) : () -> ()
    return
  }
}

module attributes {stable_mosaic.version = 14 : i64} {
  func.func @_matmul_body(%arg0: i32, %arg1: memref<1000x256xf32, #tpu.memory_space<vmem>>, %arg2: memref<256x256xf32, #tpu.memory_space<vmem>>, %arg3: memref<1000x256xf32, #tpu.memory_space<vmem>>) attributes {dimension_semantics = [#tpu.dimension_semantics<arbitrary>], iteration_bounds = array<i64: 10>, scalar_prefetch = 0 : i64, scratch_operands = 0 : i64, tpu.core_type = #tpu.core_type<tc>, window_params = [{transform_indices = @transform_0, window_bounds = array<i64: 1000, 256>}, {pipeline_mode = #tpu.pipeline_mode<synchronous>, transform_indices = @transform_1, window_bounds = array<i64: 256, 256>}, {transform_indices = @transform_2, window_bounds = array<i64: 1000, 256>}]} {
    %get3A = arith.constant 0 : index
    %get3A_0 = arith.constant 0 : index
    %get3A_1 = vector.load %arg1[%get3A, %get3A_0] : memref<1000x256xf32, #tpu.memory_space<vmem>>, vector<1000x256xf32>
    %get3A_2 = arith.constant 0 : index
    %get3A_3 = arith.constant 0 : index
    %get3A_4 = vector.load %arg2[%get3A_2, %get3A_3] : memref<256x256xf32, #tpu.memory_space<vmem>>, vector<256x256xf32>
    %dot_general3A = arith.constant dense<0.000000e+00> : vector<1000x256xf32>
    %dot_general3A_5 = tpu.matmul %get3A_1, %get3A_4, %dot_general3A {dimension_numbers = #tpu.dot_dimension_numbers<[1], [0], [0], [1], [0, 0, 1, 1], [], []>, transpose_lhs_hint = false} : vector<1000x256xf32>, vector<256x256xf32>, vector<1000x256xf32> -> vector<1000x256xf32>
    %swap3A = arith.constant 0 : index
    %swap3A_6 = arith.constant 0 : index
    %swap3A_7 = vector.load %arg3[%swap3A, %swap3A_6] : memref<1000x256xf32, #tpu.memory_space<vmem>>, vector<1000x256xf32>
    tpu.vector_store %arg3[%swap3A, %swap3A_6], %dot_general3A_5 {strides = array<i32>} : memref<1000x256xf32, #tpu.memory_space<vmem>>, vector<1000x256xf32>,
    return
  }
  func.func @transform_0(%arg0: i32) -> (i32, i32) {
    %c0_i32 = arith.constant 0 : i32
    %c0_i32_0 = arith.constant 0 : i32
    return %arg0, %c0_i32 : i32, i32
  }
  func.func @transform_1(%arg0: i32) -> (i32, i32) {
    %c0_i32 = arith.constant 0 : i32
    %c0_i32_0 = arith.constant 0 : i32
    %c0_i32_1 = arith.constant 0 : i32
    return %c0_i32, %c0_i32_0 : i32, i32
  }
  func.func @transform_2(%arg0: i32) -> (i32, i32) {
    %c0_i32 = arith.constant 0 : i32
    %c0_i32_0 = arith.constant 0 : i32
    return %arg0, %c0_i32 : i32, i32
  }
}

module attributes {stable_mosaic.version = 14 : i64} {
  func.func @_post_body(%arg0: i32, %arg1: memref<1000x256xf32, #tpu.memory_space<vmem>>, %arg2: memref<128x10112xf32, #tpu.memory_space<vmem>>, %arg3: memref<128x1xf32, #tpu.memory_space<vmem>>, %arg4: memref<2x1000x128xf32, #tpu.memory_space<vmem>>, %arg5: memref<1000x1xf32, #tpu.memory_space<vmem>>, %arg6: memref<10112x1xf32, #tpu.memory_space<vmem>>) attributes {dimension_semantics = [#tpu.dimension_semantics<arbitrary>], iteration_bounds = array<i64: 10>, scalar_prefetch = 0 : i64, scratch_operands = 1 : i64, tpu.core_type = #tpu.core_type<tc>, window_params = [{transform_indices = @transform_0, window_bounds = array<i64: 1000, 256>}, {pipeline_mode = #tpu.pipeline_mode<synchronous>, transform_indices = @transform_1, window_bounds = array<i64: 128, 10112>}, {pipeline_mode = #tpu.pipeline_mode<synchronous>, transform_indices = @transform_2, window_bounds = array<i64: 128, 1>}, {transform_indices = @transform_3, window_bounds = array<i64: 2, 1000, 128>}, {transform_indices = @transform_4, window_bounds = array<i64: 1000, 1>}]} {
    %eq3A = arith.constant 0 : i32
    %eq3A_0 = arith.cmpi eq, %arg0, %eq3A : i32
    %convert_element_type3A = arith.extui %eq3A_0 : i1 to i32
    %cond3A = arith.constant 0 : i32
    %cond3A_1 = arith.cmpi ne, %convert_element_type3A, %cond3A : i32
    scf.if %cond3A_1 {
      %get3A_25 = arith.constant 0 : index
      %get3A_26 = arith.constant 0 : index
      %get3A_27 = vector.load %arg2[%get3A_25, %get3A_26] : memref<128x10112xf32, #tpu.memory_space<vmem>>, vector<128x10112xf32>
      %get3A_28 = arith.constant 0 : index
      %get3A_29 = arith.constant 0 : index
      %get3A_30 = vector.load %arg3[%get3A_28, %get3A_29] : memref<128x1xf32, #tpu.memory_space<vmem>>, vector<128x1xf32>
      %dot_general3A = arith.constant dense<0.000000e+00> : vector<10112x1xf32>
      %dot_general3A_31 = tpu.matmul %get3A_27, %get3A_30, %dot_general3A {dimension_numbers = #tpu.dot_dimension_numbers<[0], [0], [1], [1], [0, 1, 1, 1], [], []>, precision = #tpu.contract_precision<fp32>, transpose_lhs_hint = false} : vector<128x10112xf32>, vector<128x1xf32>, vector<10112x1xf32> -> vector<10112x1xf32>
      %add3A = arith.constant 1.000000e+00 : f32
      %add3A_32 = vector.broadcast %add3A : f32 to vector<10112x1xf32>
      %add3A_33 = arith.addf %dot_general3A_31, %add3A_32 : vector<10112x1xf32>
      %swap3A_34 = arith.constant 0 : index
      %swap3A_35 = arith.constant 0 : index
      %swap3A_36 = vector.load %arg6[%swap3A_34, %swap3A_35] : memref<10112x1xf32, #tpu.memory_space<vmem>>, vector<10112x1xf32>
      tpu.vector_store %arg6[%swap3A_34, %swap3A_35], %add3A_33 {strides = array<i32>} : memref<10112x1xf32, #tpu.memory_space<vmem>>, vector<10112x1xf32>,
    } else {
    }
    %mul3A = arith.constant 1000 : i32
    %mul3A_2 = arith.muli %arg0, %mul3A : i32
    %multiple_of3A = tpu.assume_multiple %mul3A_2, 8 : i32
    %get3A = arith.index_cast %multiple_of3A : i32 to index
    %get3A_3 = arith.constant 0 : index
    %get3A_4 = vector.load %arg6[%get3A, %get3A_3] : memref<10112x1xf32, #tpu.memory_space<vmem>>, vector<1000x1xf32>
    %rsqrt3A = math.rsqrt %get3A_4 : vector<1000x1xf32>
    %get3A_5 = arith.constant 0 : index
    %get3A_6 = arith.constant 0 : index
    %get3A_7 = vector.load %arg1[%get3A_5, %get3A_6] : memref<1000x256xf32, #tpu.memory_space<vmem>>, vector<1000x256xf32>
    %mul3A_8 = vector.broadcast %rsqrt3A : vector<1000x1xf32> to vector<1000x256xf32>
    %mul3A_9 = arith.mulf %get3A_7, %mul3A_8 : vector<1000x256xf32>
    %slice3A = vector.extract_strided_slice %mul3A_9 {offsets = [0, 0], sizes = [1000, 128], strides = [1, 1]} : vector<1000x256xf32> to vector<1000x128xf32>
    %swap3A = arith.constant 0 : index
    %swap3A_10 = arith.constant 0 : index
    %swap3A_11 = arith.constant 0 : index
    %swap3A_12 = vector.load %arg4[%swap3A, %swap3A_10, %swap3A_11] : memref<2x1000x128xf32, #tpu.memory_space<vmem>>, vector<1x1000x128xf32>
    %swap3A_13 = vector.shape_cast %swap3A_12 : vector<1x1000x128xf32> to vector<1000x128xf32>
    %swap3A_14 = vector.shape_cast %slice3A : vector<1000x128xf32> to vector<1x1000x128xf32>
    tpu.vector_store %arg4[%swap3A, %swap3A_10, %swap3A_11], %swap3A_14 {strides = array<i32>} : memref<2x1000x128xf32, #tpu.memory_space<vmem>>, vector<1x1000x128xf32>,
    %slice3A_15 = vector.extract_strided_slice %mul3A_9 {offsets = [0, 128], sizes = [1000, 128], strides = [1, 1]} : vector<1000x256xf32> to vector<1000x128xf32>
    %swap3A_16 = arith.constant 1 : index
    %swap3A_17 = arith.constant 0 : index
    %swap3A_18 = arith.constant 0 : index
    %swap3A_19 = vector.load %arg4[%swap3A_16, %swap3A_17, %swap3A_18] : memref<2x1000x128xf32, #tpu.memory_space<vmem>>, vector<1x1000x128xf32>
    %swap3A_20 = vector.shape_cast %swap3A_19 : vector<1x1000x128xf32> to vector<1000x128xf32>
    %swap3A_21 = vector.shape_cast %slice3A_15 : vector<1000x128xf32> to vector<1x1000x128xf32>
    tpu.vector_store %arg4[%swap3A_16, %swap3A_17, %swap3A_18], %swap3A_21 {strides = array<i32>} : memref<2x1000x128xf32, #tpu.memory_space<vmem>>, vector<1x1000x128xf32>,
    %swap3A_22 = arith.constant 0 : index
    %swap3A_23 = arith.constant 0 : index
    %swap3A_24 = vector.load %arg5[%swap3A_22, %swap3A_23] : memref<1000x1xf32, #tpu.memory_space<vmem>>, vector<1000x1xf32>
    tpu.vector_store %arg5[%swap3A_22, %swap3A_23], %rsqrt3A {strides = array<i32>} : memref<1000x1xf32, #tpu.memory_space<vmem>>, vector<1000x1xf32>,
    return
  }
  func.func @transform_0(%arg0: i32) -> (i32, i32) {
    %c0_i32 = arith.constant 0 : i32
    %c0_i32_0 = arith.constant 0 : i32
    return %arg0, %c0_i32 : i32, i32
  }
  func.func @transform_1(%arg0: i32) -> (i32, i32) {
    %c0_i32 = arith.constant 0 : i32
    %c0_i32_0 = arith.constant 0 : i32
    %c0_i32_1 = arith.constant 0 : i32
    return %c0_i32, %c0_i32_0 : i32, i32
  }
  func.func @transform_2(%arg0: i32) -> (i32, i32) {
    %c0_i32 = arith.constant 0 : i32
    %c0_i32_0 = arith.constant 0 : i32
    %c0_i32_1 = arith.constant 0 : i32
    return %c0_i32, %c0_i32_0 : i32, i32
  }
  func.func @transform_3(%arg0: i32) -> (i32, i32, i32) {
    %c0_i32 = arith.constant 0 : i32
    %c0_i32_0 = arith.constant 0 : i32
    %c0_i32_1 = arith.constant 0 : i32
    return %c0_i32, %arg0, %c0_i32_0 : i32, i32, i32
  }
  func.func @transform_4(%arg0: i32) -> (i32, i32) {
    %c0_i32 = arith.constant 0 : i32
    %c0_i32_0 = arith.constant 0 : i32
    return %arg0, %c0_i32 : i32, i32
  }
}

module attributes {stable_mosaic.version = 14 : i64} {
  func.func @_finish_body(%arg0: i32, %arg1: memref<1000x256xf32, #tpu.memory_space<vmem>>, %arg2: memref<1x1000x128xf32, #tpu.memory_space<vmem>>, %arg3: memref<1x1000x128xf32, #tpu.memory_space<vmem>>, %arg4: memref<1000x1xf32, #tpu.memory_space<vmem>>, %arg5: memref<1x256xf32, #tpu.memory_space<vmem>>, %arg6: memref<1000x256xf32, #tpu.memory_space<vmem>>) attributes {dimension_semantics = [#tpu.dimension_semantics<arbitrary>], iteration_bounds = array<i64: 10>, scalar_prefetch = 0 : i64, scratch_operands = 0 : i64, tpu.core_type = #tpu.core_type<tc>, window_params = [{transform_indices = @transform_0, window_bounds = array<i64: 1000, 256>}, {transform_indices = @transform_1, window_bounds = array<i64: 1, 1000, 128>}, {transform_indices = @transform_2, window_bounds = array<i64: 1, 1000, 128>}, {transform_indices = @transform_3, window_bounds = array<i64: 1000, 1>}, {pipeline_mode = #tpu.pipeline_mode<synchronous>, transform_indices = @transform_4, window_bounds = array<i64: 1, 256>}, {transform_indices = @transform_5, window_bounds = array<i64: 1000, 256>}]} {
    %get3A = arith.constant 0 : index
    %get3A_0 = arith.constant 0 : index
    %get3A_1 = arith.constant 0 : index
    %get3A_2 = vector.load %arg2[%get3A, %get3A_0, %get3A_1] : memref<1x1000x128xf32, #tpu.memory_space<vmem>>, vector<1x1000x128xf32>
    %get3A_3 = vector.shape_cast %get3A_2 : vector<1x1000x128xf32> to vector<1000x128xf32>
    %get3A_4 = arith.constant 0 : index
    %get3A_5 = arith.constant 0 : index
    %get3A_6 = arith.constant 0 : index
    %get3A_7 = vector.load %arg3[%get3A_4, %get3A_5, %get3A_6] : memref<1x1000x128xf32, #tpu.memory_space<vmem>>, vector<1x1000x128xf32>
    %get3A_8 = vector.shape_cast %get3A_7 : vector<1x1000x128xf32> to vector<1000x128xf32>
    %concatenate3A = tpu.concatenate %get3A_3, %get3A_8 in 1 : vector<1000x128xf32>, vector<1000x128xf32> -> vector<1000x256xf32>
    %get3A_9 = arith.constant 0 : index
    %get3A_10 = arith.constant 0 : index
    %get3A_11 = vector.load %arg1[%get3A_9, %get3A_10] : memref<1000x256xf32, #tpu.memory_space<vmem>>, vector<1000x256xf32>
    %add3A = arith.addf %get3A_11, %concatenate3A : vector<1000x256xf32>
    %get3A_12 = arith.constant 0 : index
    %get3A_13 = arith.constant 0 : index
    %get3A_14 = vector.load %arg4[%get3A_12, %get3A_13] : memref<1000x1xf32, #tpu.memory_space<vmem>>, vector<1000x1xf32>
    %mul3A = vector.broadcast %get3A_14 : vector<1000x1xf32> to vector<1000x256xf32>
    %mul3A_15 = arith.mulf %add3A, %mul3A : vector<1000x256xf32>
    %get3A_16 = arith.constant 0 : index
    %get3A_17 = arith.constant 0 : index
    %get3A_18 = vector.load %arg5[%get3A_16, %get3A_17] : memref<1x256xf32, #tpu.memory_space<vmem>>, vector<1x256xf32>
    %add3A_19 = vector.broadcast %get3A_18 : vector<1x256xf32> to vector<1000x256xf32>
    %add3A_20 = arith.addf %mul3A_15, %add3A_19 : vector<1000x256xf32>
    %swap3A = arith.constant 0 : index
    %swap3A_21 = arith.constant 0 : index
    %swap3A_22 = vector.load %arg6[%swap3A, %swap3A_21] : memref<1000x256xf32, #tpu.memory_space<vmem>>, vector<1000x256xf32>
    tpu.vector_store %arg6[%swap3A, %swap3A_21], %add3A_20 {strides = array<i32>} : memref<1000x256xf32, #tpu.memory_space<vmem>>, vector<1000x256xf32>,
    return
  }
  func.func @transform_0(%arg0: i32) -> (i32, i32) {
    %c0_i32 = arith.constant 0 : i32
    %c0_i32_0 = arith.constant 0 : i32
    return %arg0, %c0_i32 : i32, i32
  }
  func.func @transform_1(%arg0: i32) -> (i32, i32, i32) {
    %c0_i32 = arith.constant 0 : i32
    %c0_i32_0 = arith.constant 0 : i32
    %c0_i32_1 = arith.constant 0 : i32
    return %c0_i32, %arg0, %c0_i32_0 : i32, i32, i32
  }
  func.func @transform_2(%arg0: i32) -> (i32, i32, i32) {
    %c1_i32 = arith.constant 1 : i32
    %c0_i32 = arith.constant 0 : i32
    %c0_i32_0 = arith.constant 0 : i32
    return %c1_i32, %arg0, %c0_i32 : i32, i32, i32
  }
  func.func @transform_3(%arg0: i32) -> (i32, i32) {
    %c0_i32 = arith.constant 0 : i32
    %c0_i32_0 = arith.constant 0 : i32
    return %arg0, %c0_i32 : i32, i32
  }
  func.func @transform_4(%arg0: i32) -> (i32, i32) {
    %c0_i32 = arith.constant 0 : i32
    %c0_i32_0 = arith.constant 0 : i32
    %c0_i32_1 = arith.constant 0 : i32
    return %c0_i32, %c0_i32_0 : i32, i32
  }
  func.func @transform_5(%arg0: i32) -> (i32, i32) {
    %c0_i32 = arith.constant 0 : i32
    %c0_i32_0 = arith.constant 0 : i32
    return %arg0, %c0_i32 : i32, i32
  }
}

</mosaic_0001>

<sc_bundles>
// kernel: kernel.10.cloned.1.call-start
scs
__scs_entry_jumppad:
0x0: {  	(pc) =	sbr.rel $0x88, $3  }
0x1: {  	(tag) =	ssettag $0x0;
	lr =	simm.s32 $0x1  }
0x2: {  	[smem:$0x3F9D] =	sst lr;
	_ =	strace $0xD0000000  }
0x3: {  	_ = 	snop  }
0x4: {  	_ = 	snop  }
0x5: {  	_ = 	snop  }
0x6: {  	_ = 	snop  }
0x7: {  	_ = 	snop  }
__scs_overlays_trampoline_lowered:
0x8: {  	[smem:$0x3FAC] =	sst s0  }
0x9: {  	[smem:$0x3FAD] =	sst s1  }
0xa: {  	[smem:$0x3FAE] =	sst s2  }
0xb: {  	[smem:$0x3FAF] =	sst s3  }
0xc: {  	[smem:$0x3FB0] =	sst s4  }
0xd: {  	[smem:$0x3FB1] =	sst s5  }
0xe: {  	[smem:$0x3FB2] =	sst s6  }
0xf: {  	[smem:$0x3FB3] =	sst s7  }
0x10: {  	[smem:$0x3FB4] =	sst s8  }
0x11: {  	[smem:$0x3FB5] =	sst s9;
	s0 =	simm.s32 @!p0 $0x0  }
0x12: {  	s1 =	sld [smem:$0x3F9B];
	s0 =	simm.s32 @p0 $0x1  }
0x13: {  	[smem:$0x3FB6] =	sst s0;
	s0 =	simm.s32 @!p1 $0x0  }
0x14: {  	s2 =	sld [smem:$0x3F9A];
	s0 =	simm.s32 @p1 $0x1  }
0x15: {  	[smem:$0x3FB7] =	sst s0;
	s0 =	simm.s32 @!p2 $0x0  }
0x16: {  	s3 =	sld [smem:$0x3FDB];
	s0 =	simm.s32 @p2 $0x1  }
0x17: {  	s4 =	simm.s32 $0x1BF5;
	[smem:$0x3FB9] =	sst s0  }
0x18: {  	s0 =	sld [smem:$0x3F9C];
	_ =	swait.ge [sflag:s4], $0x0  }
0x19: {  	s7 =	sld [smem:$0x3F9D]  }
0x1a: {  	s8 =	sadd.s32 $0xFFFFE003, lr  }
0x1b: {  	s9 =	sadd.s32 $0xFFFFFEF7, lr;
	s5 =	simm.s32 $0xFFFFFFFF;
	p2 =	slt.u32 s8, $0xFFFFF086  }
0x1c: {  	p1 =	slt.u32 s9, $0xF7A;
	s5 =	simm.s32 @!p2 $0x0  }
0x1d: {  	s5 =	simm.s32 @p1 $0x1;
	p0 =	seq.s32 s7, s2  }
0x1e: {  	s7 =	smul.u32 @!p0 $0xF7A, s2;
	p2 =	seq.s32 @!p0 s5, $0x0  }
0x1f: {  	s9 =	smul.u32 $0xF7A, s1;
	s8 =	simm.s32 @!p0 $0x1BF5;
	p2 =	por !p2, p0  }
0x20: {  	[sflag:s8] =	ssyncset.s32 @!p0 $0xFFFFF086;
	s6 =	sadd.s32 @!p0 s3, s7;
	s7 =	simm.s32 @!p0 $0x108  }
0x21: {  	s3 =	sadd.s32 s3, s9;
	s6 =	sadd.s32 @!p0 $0x88, s6;
	s7 =	simm.s32 @p2 $0x1082  }
0x22: {  	[simem:s7], [sflag:s8] =	dma.local @!p0 [hbm:s6], $0xF7A  }
0x23: {  	s9 =	sor.u32 $0xD0000000, s2;
	s6 =	simm.s32 $0x108;
	_ =	swait.ge @!p0 [sflag:s8], $0x0  }
0x24: {  	s3 =	sadd.s32 $0x88, s3;
	s6 =	simm.s32 @!p1 $0x1082;
	[sflag:s4] =	ssyncset.s32 $0xFFFFF086  }
0x25: {  	[simem:s6], [sflag:s4] =	dma.local [hbm:s3], $0xF7A  }
0x26: {  	[smem:$0x3F9D] =	sst s1;
	(tag) =	ssettag s2;
	_ =	strace s9  }
0x27: {  	s1 =	sld [smem:$0x3FAD]  }
0x28: {  	s2 =	sld [smem:$0x3FAE]  }
0x29: {  	s4 =	sld [smem:$0x3FB0]  }
0x2a: {  	p0 =	seq.s32 s5, $0x0;
	s5 =	sld [smem:$0x3FB1]  }
0x2b: {  	s6 =	sld [smem:$0x3FB2]  }
0x2c: {  	s7 =	sld [smem:$0x3FB3]  }
0x2d: {  	s3 =	simm.s32 $0x108;
	s8 =	sld [smem:$0x3FB4]  }
0x2e: {  	s3 =	simm.s32 @!p0 $0x1082;
	s9 =	sld [smem:$0x3FB5]  }
0x2f: {  	lr =	sadd.s32 s0, s3;
	s0 =	sld [smem:$0x3FAC]  }
0x30: {  	s3 =	sld [smem:$0x3FAF]  }
0x31: {  	[smem:$0x3FB8] =	sst s10  }
0x32: {  	s10 =	sld [smem:$0x3FB6];
	_ =	sdelay $0x3  }
0x33: {  	p0 =	seq.s32 s10, $0x1;
	s10 =	sld [smem:$0x3FB8];
	_ =	sdelay $0x3  }
0x34: {  	[smem:$0x3FB8] =	sst s10  }
0x35: {  	s10 =	sld [smem:$0x3FB7];
	_ =	sdelay $0x3  }
0x36: {  	p1 =	seq.s32 s10, $0x1;
	s10 =	sld [smem:$0x3FB8];
	_ =	sdelay $0x3  }
0x37: {  	[smem:$0x3FB8] =	sst s10  }
0x38: {  	s10 =	sld [smem:$0x3FB9]  }
0x39: {  	_ = 	snop;
	(pc) =	sbr.ind lr, $3  }
0x3a: {  	_ = 	snop  }
0x3b: {  	_ = 	snop  }
0x3c: {  	p2 =	seq.s32 s10, $0x1;
	s10 =	sld [smem:$0x3FB8]  }
0x3d: {  	_ =	shalt  }
0x3e: {  	_ =	shalt  }
0x3f: {  	_ =	shalt  }
0x40: {  	_ =	shalt  }
0x41: {  	_ =	shalt  }
0x42: {  	_ =	shalt  }
0x43: {  	_ =	shalt  }
0x44: {  	_ =	shalt  }
0x45: {  	_ =	shalt  }
0x46: {  	_ =	shalt  }
0x47: {  	_ =	shalt  }
0x48: {  	_ =	shalt  }
0x49: {  	_ =	shalt  }
0x4a: {  	_ =	shalt  }
0x4b: {  	_ =	shalt  }
0x4c: {  	_ =	shalt  }
0x4d: {  	_ =	shalt  }
0x4e: {  	_ =	shalt  }
0x4f: {  	_ =	shalt  }
0x50: {  	_ =	shalt  }
0x51: {  	_ =	shalt  }
0x52: {  	_ =	shalt  }
0x53: {  	_ =	shalt  }
0x54: {  	_ =	shalt  }
0x55: {  	_ =	shalt  }
0x56: {  	_ =	shalt  }
0x57: {  	_ =	shalt  }
0x58: {  	_ =	shalt  }
0x59: {  	_ =	shalt  }
0x5a: {  	_ =	shalt  }
0x5b: {  	_ =	shalt  }
0x5c: {  	_ =	shalt  }
0x5d: {  	_ =	shalt  }
0x5e: {  	_ =	shalt  }
0x5f: {  	_ =	shalt  }
0x60: {  	_ =	shalt  }
0x61: {  	_ =	shalt  }
0x62: {  	_ =	shalt  }
0x63: {  	_ =	shalt  }
0x64: {  	_ =	shalt  }
0x65: {  	_ =	shalt  }
0x66: {  	_ =	shalt  }
0x67: {  	_ =	shalt  }
0x68: {  	_ =	shalt  }
0x69: {  	_ =	shalt  }
0x6a: {  	_ =	shalt  }
0x6b: {  	_ =	shalt  }
0x6c: {  	_ =	shalt  }
0x6d: {  	_ =	shalt  }
0x6e: {  	_ =	shalt  }
0x6f: {  	_ =	shalt  }
0x70: {  	_ =	shalt  }
0x71: {  	_ =	shalt  }
0x72: {  	_ =	shalt  }
0x73: {  	_ =	shalt  }
0x74: {  	_ =	shalt  }
0x75: {  	_ =	shalt  }
0x76: {  	_ =	shalt  }
0x77: {  	_ =	shalt  }
0x78: {  	_ =	shalt  }
0x79: {  	_ =	shalt  }
0x7a: {  	_ =	shalt  }
0x7b: {  	_ =	shalt  }
0x7c: {  	_ =	shalt  }
0x7d: {  	_ =	shalt  }
0x7e: {  	_ =	shalt  }
0x7f: {  	_ =	shalt  }
0x80: {  	_ =	shalt  }
0x81: {  	_ =	shalt  }
0x82: {  	_ =	shalt  }
0x83: {  	_ =	shalt  }
0x84: {  	_ =	shalt  }
0x85: {  	_ =	shalt  }
0x86: {  	_ =	shalt  }
0x87: {  	_ =	shalt  }
.Lfunc_end0:
.L_simem_size_0:
called_computation.1_lowered:
.L_overlay_start_0:
0x88: {  	s2 =	sld [smem:$0x3FD9]  }
0x89: {  	s3 =	sld [smem:$0x3FFE];
	_ =	sdelay $0x1  }
0x8a: {  	s1 =	srdreg.scid  }
0x8b: {  	s0 =	sand.u32 $0x1, s1  }
0x8c: {  	s17 =	sshll.u32 s0, $0xA;
	s2 =	sadd.s32 s3, s2  }
0x8d: {  	s2 =	sadd.s32 s2, s17  }
0x8e: {  	[smem:$0x3FC4] =	sst s2  }
0x8f: {  	_ = 	snop  }
0x90: {  	s2 =	sld [smem:$0x3FD0];
	(tm) =	ssettm $0x1  }
0x91: {  	s18 =	sld [smem:$0x3FFB];
	_ =	sdelay $0x3  }
0x92: {  	_ =	strace s18  }
0x93: {  	s3 =	sld [smem:$0x3FFC];
	_ =	sdelay $0x3  }
0x94: {  	_ =	strace s3  }
0x95: {  	s3 =	sld [smem:$0x3FFD];
	_ =	sdelay $0x3  }
0x96: {  	_ =	strace s3  }
0x97: {  	_ =	strace $0x8FFFFFFF  }
0x98: {  	s19 =	sld [smem:$0x3FDB];
	_ =	sdelay $0x1  }
0x99: {  	s4 =	simm.s32 $_scs_section_size  }
0x9a: {  	s5 =	simm.s32 $_size__tile_overlayer_lowered;
	s6 =	simm.s32 $_tile_overlayer_lowered  }
0x9b: {  	s22 =	simm.s32 $0x1BFF;
	s21 =	sshll.u32 s6, $0x1;
	s3 =	sadd.s32 s4, s19  }
0x9c: {  	s7 =	simm.s32 $0x0;
	s20 =	sshll.u32 s5, $0x1;
	s5 =	sadd.s32 s21, s3  }
0x9d: {  	[timem:s7], [sflag:s22] =	dma.local [hbm:s5], s20  }
0x9e: {  	_ =	swait.ge [sflag:s22], s20  }
0x9f: {  	s4 =	ssub.s32 $0x0, s20;
	[sflag:s22] =	ssyncset.done $0x0  }
0xa0: {  	[sflag:s22] =	ssyncadd.s32 s4;
	_ =	sdelay $0x1  }
0xa1: {  	s23 =	simm.s32 $0x1B8B  }
0xa2: {  	_ =	swait.ge [sflag:s23], $0x1  }
0xa3: {  	[sflag:s23] =	ssyncset.done $0x0  }
0xa4: {  	s25 =	simm.s32 $0x1B8E;
	s24 =	sld [smem:$0x3FFE];
	[sflag:s23] =	ssyncadd.s32 $0xFFFFFFFF  }
0xa5: {  	s26 =	simm.s32 $execute0_lowered;
	[smem:$0x3FD2] =	sst s25  }
0xa6: {  	s5 =	sshll.u32 s26, $0x1;
	_ =	strace $0x80000049;
	[dreg:$0x1] =	wrdreg $0xFFFFFFFF  }
0xa7: {  	s28 =	simm.s32 $_size_execute0_lowered;
	s3 =	sadd.s32 s3, s5;
	[dreg:$0x0] =	wrdreg $0x0  }
0xa8: {  	s5 =	sshll.u32 s28, $0x1;
	[dreg:$0x2] =	wrdreg s3  }
0xa9: {  	[dreg:$0x3] =	wrdreg s5  }
0xaa: {  	[dreg:$0x4] =	wrdreg $0xC0  }
0xab: {  	_ =	task [dreg:s7], $0x5FFFF  }
0xac: {  	[dreg:$0x1] =	wrdreg $0xFFFFFFFF  }
0xad: {  	[dreg:$0x0] =	wrdreg $0x60  }
0xae: {  	[dreg:$0x2] =	wrdreg s24  }
0xaf: {  	[dreg:$0x3] =	wrdreg s2  }
0xb0: {  	[dreg:$0x4] =	wrdreg $0x0  }
0xb1: {  	[dreg:$0x5] =	wrdreg $0x9  }
0xb2: {  	_ =	task.clear_ibuf [dreg:s7], $0x6FFFF;
	_ =	strace $0x90000049  }
0xb3: {  	s29 =	simm.s32 $0x9;
	_ =	strace $0x8000004B  }
0xb4: {  	_ =	swait.ge [sflag:s29], $0x1  }
0xb5: {  	[sflag:s29] =	ssyncadd.s32 $0xFFFFFFFF  }
0xb6: {  	_ =	strace $0x9000004B  }
0xb7: {  	_ =	sfence  }
0xb8: {  	s30 =	sld [smem:$0x0];
	_ =	sdelay $0x2  }
0xb9: {  	s31 =	sshll.u32 s1, $0xD;
	s1 =	sshrl.u32 s1, $0x2  }
0xba: {  	s3 =	sand.u32 $0x4000, s31;
	s1 =	sadd.s32 s1, s30  }
0xbb: {  	s0 =	sor.u32 s3, s0;
	s1 =	sshll.u32 s1, $0x11  }
0xbc: {  	s0 =	sor.u32 s1, s0  }
0xbd: {  	s0 =	sadd.s32 $0x8F2B, s0  }
0xbe: {  	[sflag:s0] =	ssyncadd.remote.s32 $0x1  }
0xbf: {  	_ =	sfence.sel $0xFFFF  }
0xc0: {  	[dreg:$0x0] =	wrdreg $0xFFFFFFFF;
	(pc) =	sbr.abs _section_cstart, $3  }
0xc1: {  	[dreg:$0x1] =	wrdreg $0xFFFFFFFF  }
0xc2: {  	_ =	task.clear_ibuf [dreg:s7], $0x2FFFF;
	_ =	strace $0x9FFFFFFF  }
0xc3: {  	(tm) =	ssettm $0x7FFFFFFF  }
tec
execute0_lowered:
.L_overlay_start_1:
0x0: {  	(tag) =	ssettag $0x1  }
0x1: {  	s0 =	rddreg [dreg:$0x0]  }
0x2: {  	s2 =	rddreg [dreg:$0x1]  }
0x3: {  	s3 =	rddreg [dreg:$0x2];
	s1 =	srdreg.scid  }
0x4: {  	s10 =	stileid.u32;
	s4 =	simm.s32 $0x0;
	s28 =	simm.s32 $0x4  }
0x5: {  	s30 =	simm.s32 $0x5;
	s31 =	simm.s32 $0xA;
	s1 =	sand.u32 $0x1, s1  }
0x6: {  	s6 =	sshll.u32 s10, $0xB;
	[smem:$0x7FF] =	sst s4;
	s8 =	smul.u32 $0x27800, s10  }
0x7: {  	s7 =	sadd.s32 $0x2400, s0;
	s17 =	smul.u32 $0x4F000, s10;
	s5 =	sshll.u32 s1, $0xF  }
0x8: {  	_ =	strace $0x8000004A;
	[dreg:$0x4] =	wrdreg s7;
	s9 =	sshll.u32 s1, $0xA  }
0x9: {  	s1 =	ssub.s32 $0x2, s1;
	s5 =	sor.u32 s6, s5;
	s6 =	sadd.s32 s6, s0  }
0xa: {  	s8 =	sor.u32 s9, s8;
	s15 =	sshrl.u32 s1, $0x1;
	s23 =	sadd.s32 $0x30000, s6  }
0xb: {  	s20 =	sshrl.u32 s17, $0x2;
	s25 =	sadd.s32 $0x30100, s6;
	[dreg:$0x6] =	wrdreg s23  }
0xc: {  	s17 =	simm.s32 $0x18400;
	s29 =	sadd.s32 $0x30200, s6;
	[dreg:$0x8] =	wrdreg s25  }
0xd: {  	s5 =	sadd.s32 s5, s0;
	s12 =	sadd.s32 $0x30300, s6;
	[dreg:$0xa] =	wrdreg s29  }
0xe: {  	s8 =	sshrl.u32 s8, $0x3;
	s14 =	sadd.s32 $0x30400, s6;
	[dreg:$0xc] =	wrdreg s12  }
0xf: {  	s18 =	sadd.s32 $0x30500, s6;
	s1 =	ssub.s32 s1, s15;
	[dreg:$0xe] =	wrdreg s14  }
0x10: {  	s21 =	sadd.s32 $0x30600, s6;
	s9 =	sadd.s32 s20, s3;
	[dreg:$0x10] =	wrdreg s18  }
0x11: {  	s15 =	simm.s32 $0x15C00;
	s22 =	sadd.s32 $0x38000, s5;
	[dreg:$0x12] =	wrdreg s21  }
0x12: {  	s24 =	sadd.s32 $0x38100, s5;
	s26 =	sadd.s32 $0x38200, s5;
	[dreg:$0x5] =	wrdreg s22  }
0x13: {  	s11 =	sadd.s32 $0x38300, s5;
	s0 =	sadd.s32 s8, s0;
	[dreg:$0x7] =	wrdreg s24  }
0x14: {  	s13 =	sadd.s32 $0x38400, s5;
	s16 =	sadd.s32 $0x38500, s5;
	[dreg:$0x9] =	wrdreg s26  }
0x15: {  	s19 =	sadd.s32 $0x38600, s5;
	s5 =	sadd.s32 $0x38700, s5;
	[dreg:$0xb] =	wrdreg s11  }
0x16: {  	s23 =	sadd.s32 $0x30700, s6;
	s6 =	smax.u32 s1, $0x1;
	[dreg:$0xd] =	wrdreg s13  }
0x17: {  	s25 =	sshrl.u32 s9, $0x3;
	s14 =	simm.s32 $0x50;
	[dreg:$0xf] =	wrdreg s16  }
0x18: {  	s21 =	simm.s32 $0x1D400;
	s29 =	simm.s32 $0x80;
	[dreg:$0x11] =	wrdreg s19  }
0x19: {  	s18 =	simm.s32 $0x8;
	s12 =	simm.s32 $0x14400;
	[dreg:$0x13] =	wrdreg s5  }
0x1a: {  	s22 =	sshll.u32 s10, $0x6;
	[dreg:$0x14] =	wrdreg s23;
	s0 =	sadd.s32 $0x48000, s0  }
0x1b: {  	[dreg:$0x19] =	wrdreg s25;
	s11 =	simm.s32 $0x9;
	s19 =	simm.s32 $0x1AC00  }
0x1c: {  	s26 =	simm.s32 $0x100;
	s23 =	simm.s32 $0x2;
	[dreg:$0x17] =	wrdreg s29  }
0x1d: {  	s25 =	simm.s32 $0x3;
	s5 =	simm.s32 $0x7;
	[dreg:$0x15] =	wrdreg s0  }
0x1e: {  	s13 =	simm.s32 $0x14C00;
	s24 =	sor.u32 $0x1C0B, s22;
	[dreg:$0x16] =	wrdreg s26  }
0x1f: {  	s22 =	simm.s32 $0x1;
	s0 =	simm.s32 $0x6;
	[dreg:$0x18] =	wrdreg s24  }
.LBB2_1:
0x20: {  	s9 =	rddreg [dreg:$0x5]  }
0x21: {  	s1 =	rddreg [dreg:$0x6]  }
0x22: {  	s8 =	simm.s32 $0x13C00;
	s20 =	rddreg [dreg:$0x4]  }
0x23: {  	[tilespmem:s8], [sflag:$0x9] =	stream.linear.gather [hbm4b:s9+s4], $0x800, $0x38;
	[tilespmem:$0x1FC00] =	vst v63  }
0x24: {  	s7 =	rddreg [dreg:$0x19]  }
0x25: {  	[tilespmem:s12], [sflag:$0x9] =	stream.linear.gather [hbm4b:s1+s4], $0x800, $0x38;
	[tilespmem:$0x1FC00] =	vst v63  }
0x26: {  	s9 =	simm.s32 $0xB;
	s1 =	rddreg [dreg:$0x18]  }
0x27: {  	[spmem:s7], [sflag:s1] =	dma.local [hbm:s20], $0x2780  }
0x28: {  	_ =	swait.ge [sflag:s9], $0x2780  }
0x29: {  	[sflag:s9] =	ssyncset.done $0x0  }
0x2a: {  	[sflag:s9] =	ssyncadd.s32 $0xFFFFD880  }
0x2b: {  	[bflag:$0x0] =	sbarrier.arrive $0xFFFF  }
0x2c: {  	_ =	swait.ge [sflag:s11], $0x800  }
0x2d: {  	[sflag:s11] =	ssyncset.done $0x0  }
0x2e: {  	[sflag:s11] =	ssyncadd.s32 $0xFFFFF800  }
0x2f: {  	_ =	swait.ge [sflag:s11], $0x800  }
0x30: {  	[sflag:s11] =	ssyncset.done $0x0  }
0x31: {  	s10 =	rddreg [dreg:$0x7];
	[sflag:s11] =	ssyncadd.s32 $0xFFFFF800  }
0x32: {  	[tilespmem:s13], [sflag:$0xA] =	stream.linear.gather [hbm4b:s10+s4], $0x800, $0x38;
	[tilespmem:$0x1FC00] =	vst v63  }
0x33: {  	s1 =	simm.s32 $0x15400;
	s16 =	rddreg [dreg:$0x8]  }
0x34: {  	[tilespmem:s1], [sflag:$0xA] =	stream.linear.gather [hbm4b:s16+s4], $0x800, $0x38;
	[tilespmem:$0x1FC00] =	vst v63  }
0x35: {  	_ = 	snop  }
0x36: {  	[tilespmem:s15], [sflag:$0x1] =	stream.indirect.gather [hbm4b:s2+s14], $0x80, s8, s14, $0xb8;
	[tilespmem:$0x1FC00] =	vst v63  }
0x37: {  	s24 =	simm.s32 $0x13C80  }
0x38: {  	[tilespmem:s17], [sflag:$0x2] =	stream.indirect.gather [hbm4b:s2+s14], $0x80, s24, s14, $0xb8;
	[tilespmem:$0x1FC00] =	vst v63  }
0x39: {  	s26 =	simm.s32 $0x13D00  }
0x3a: {  	[tilespmem:s19], [sflag:$0x3] =	stream.indirect.gather [hbm4b:s2+s14], $0x80, s26, s14, $0xb8;
	[tilespmem:$0x1FC00] =	vst v63  }
0x3b: {  	s29 =	simm.s32 $0x13D80  }
0x3c: {  	[tilespmem:s21], [sflag:$0x4] =	stream.indirect.gather [hbm4b:s2+s14], $0x80, s29, s14, $0xb8;
	[tilespmem:$0x1FC00] =	vst v63  }
0x3d: {  	_ =	swait.ge [sflag:s22], $0x2800  }
0x3e: {  	[sflag:s22] =	ssyncset.done $0x0  }
0x3f: {  	[sflag:s22] =	ssyncadd.s32 $0xFFFFD800  }
0x40: {  	[spmem:s3] =	stream.indirect.scatter.add.f32 [tilespmem:s15], [sflag:$0x5], $0x80, s12, s14, $0xb8;
	[tilespmem:$0x1FC00] =	vst v63  }
0x41: {  	_ =	swait.ge [sflag:s23], $0x2800  }
0x42: {  	[sflag:s23] =	ssyncset.done $0x0  }
0x43: {  	s7 =	simm.s32 $0x14480;
	[sflag:s23] =	ssyncadd.s32 $0xFFFFD800  }
0x44: {  	[spmem:s3] =	stream.indirect.scatter.add.f32 [tilespmem:s17], [sflag:$0x6], $0x80, s7, s14, $0xb8;
	[tilespmem:$0x1FC00] =	vst v63  }
0x45: {  	_ =	swait.ge [sflag:s25], $0x2800  }
0x46: {  	[sflag:s25] =	ssyncset.done $0x0  }
0x47: {  	s10 =	simm.s32 $0x14500;
	[sflag:s25] =	ssyncadd.s32 $0xFFFFD800  }
0x48: {  	[spmem:s3] =	stream.indirect.scatter.add.f32 [tilespmem:s19], [sflag:$0x7], $0x80, s10, s14, $0xb8;
	[tilespmem:$0x1FC00] =	vst v63  }
0x49: {  	_ =	swait.ge [sflag:s28], $0x2800  }
0x4a: {  	[sflag:s28] =	ssyncset.done $0x0  }
0x4b: {  	s16 =	simm.s32 $0x14580;
	[sflag:s28] =	ssyncadd.s32 $0xFFFFD800  }
0x4c: {  	[spmem:s3] =	stream.indirect.scatter.add.f32 [tilespmem:s21], [sflag:$0x8], $0x80, s16, s14, $0xb8;
	[tilespmem:$0x1FC00] =	vst v63  }
0x4d: {  	_ =	swait.ge [sflag:s30], $0x2800  }
0x4e: {  	[sflag:s30] =	ssyncset.done $0x0  }
0x4f: {  	s20 =	simm.s32 $0x13E00;
	[sflag:s30] =	ssyncadd.s32 $0xFFFFD800  }
0x50: {  	[tilespmem:s15], [sflag:$0x1] =	stream.indirect.gather [hbm4b:s2+s14], $0x80, s20, s14, $0xb8;
	[tilespmem:$0x1FC00] =	vst v63  }
0x51: {  	_ =	swait.ge [sflag:s0], $0x2800  }
0x52: {  	[sflag:s0] =	ssyncset.done $0x0  }
0x53: {  	s24 =	simm.s32 $0x13E80;
	[sflag:s0] =	ssyncadd.s32 $0xFFFFD800  }
0x54: {  	[tilespmem:s17], [sflag:$0x2] =	stream.indirect.gather [hbm4b:s2+s14], $0x80, s24, s14, $0xb8;
	[tilespmem:$0x1FC00] =	vst v63  }
0x55: {  	_ =	swait.ge [sflag:s5], $0x2800  }
0x56: {  	[sflag:s5] =	ssyncset.done $0x0  }
0x57: {  	s20 =	simm.s32 $0x13F00;
	[sflag:s5] =	ssyncadd.s32 $0xFFFFD800  }
0x58: {  	[tilespmem:s19], [sflag:$0x3] =	stream.indirect.gather [hbm4b:s2+s14], $0x80, s20, s14, $0xb8;
	[tilespmem:$0x1FC00] =	vst v63  }
0x59: {  	_ =	swait.ge [sflag:s18], $0x2800  }
0x5a: {  	[sflag:s18] =	ssyncset.done $0x0  }
0x5b: {  	s20 =	simm.s32 $0x13F80;
	[sflag:s18] =	ssyncadd.s32 $0xFFFFD800  }
0x5c: {  	[tilespmem:s21], [sflag:$0x4] =	stream.indirect.gather [hbm4b:s2+s14], $0x80, s20, s14, $0xb8;
	[tilespmem:$0x1FC00] =	vst v63  }
0x5d: {  	_ =	swait.ge [sflag:s22], $0x2800  }
0x5e: {  	[sflag:s22] =	ssyncset.done $0x0  }
0x5f: {  	s20 =	simm.s32 $0x14600;
	[sflag:s22] =	ssyncadd.s32 $0xFFFFD800  }
0x60: {  	[spmem:s3] =	stream.indirect.scatter.add.f32 [tilespmem:s15], [sflag:$0x5], $0x80, s20, s14, $0xb8;
	[tilespmem:$0x1FC00] =	vst v63  }
0x61: {  	_ =	swait.ge [sflag:s23], $0x2800  }
0x62: {  	[sflag:s23] =	ssyncset.done $0x0  }
0x63: {  	s20 =	simm.s32 $0x14680;
	[sflag:s23] =	ssyncadd.s32 $0xFFFFD800  }
0x64: {  	[spmem:s3] =	stream.indirect.scatter.add.f32 [tilespmem:s17], [sflag:$0x6], $0x80, s20, s14, $0xb8;
	[tilespmem:$0x1FC00] =	vst v63  }
0x65: {  	_ =	swait.ge [sflag:s25], $0x2800  }
0x66: {  	[sflag:s25] =	ssyncset.done $0x0  }
0x67: {  	s20 =	simm.s32 $0x14700;
	[sflag:s25] =	ssyncadd.s32 $0xFFFFD800  }
0x68: {  	[spmem:s3] =	stream.indirect.scatter.add.f32 [tilespmem:s19], [sflag:$0x7], $0x80, s20, s14, $0xb8;
	[tilespmem:$0x1FC00] =	vst v63  }
0x69: {  	_ =	swait.ge [sflag:s28], $0x2800  }
0x6a: {  	[sflag:s28] =	ssyncset.done $0x0  }
0x6b: {  	s20 =	simm.s32 $0x14780;
	[sflag:s28] =	ssyncadd.s32 $0xFFFFD800  }
0x6c: {  	[spmem:s3] =	stream.indirect.scatter.add.f32 [tilespmem:s21], [sflag:$0x8], $0x80, s20, s14, $0xb8;
	[tilespmem:$0x1FC00] =	vst v63  }
0x6d: {  	_ =	swait.ge [sflag:s30], $0x2800  }
0x6e: {  	[sflag:s30] =	ssyncset.done $0x0  }
0x6f: {  	s20 =	simm.s32 $0x14000;
	[sflag:s30] =	ssyncadd.s32 $0xFFFFD800  }
0x70: {  	[tilespmem:s15], [sflag:$0x1] =	stream.indirect.gather [hbm4b:s2+s14], $0x80, s20, s14, $0xb8;
	[tilespmem:$0x1FC00] =	vst v63  }
0x71: {  	_ =	swait.ge [sflag:s0], $0x2800  }
0x72: {  	[sflag:s0] =	ssyncset.done $0x0  }
0x73: {  	s20 =	simm.s32 $0x14080;
	[sflag:s0] =	ssyncadd.s32 $0xFFFFD800  }
0x74: {  	[tilespmem:s17], [sflag:$0x2] =	stream.indirect.gather [hbm4b:s2+s14], $0x80, s20, s14, $0xb8;
	[tilespmem:$0x1FC00] =	vst v63  }
0x75: {  	_ =	swait.ge [sflag:s5], $0x2800  }
0x76: {  	[sflag:s5] =	ssyncset.done $0x0  }
0x77: {  	s20 =	simm.s32 $0x14100;
	[sflag:s5] =	ssyncadd.s32 $0xFFFFD800  }
0x78: {  	[tilespmem:s19], [sflag:$0x3] =	stream.indirect.gather [hbm4b:s2+s14], $0x80, s20, s14, $0xb8;
	[tilespmem:$0x1FC00] =	vst v63  }
0x79: {  	_ =	swait.ge [sflag:s18], $0x2800  }
0x7a: {  	[sflag:s18] =	ssyncset.done $0x0  }
0x7b: {  	s20 =	simm.s32 $0x14180;
	[sflag:s18] =	ssyncadd.s32 $0xFFFFD800  }
0x7c: {  	[tilespmem:s21], [sflag:$0x4] =	stream.indirect.gather [hbm4b:s2+s14], $0x80, s20, s14, $0xb8;
	[tilespmem:$0x1FC00] =	vst v63  }
0x7d: {  	_ =	swait.ge [sflag:s22], $0x2800  }
0x7e: {  	[sflag:s22] =	ssyncset.done $0x0  }
0x7f: {  	s20 =	simm.s32 $0x14800;
	[sflag:s22] =	ssyncadd.s32 $0xFFFFD800  }
0x80: {  	[spmem:s3] =	stream.indirect.scatter.add.f32 [tilespmem:s15], [sflag:$0x5], $0x80, s20, s14, $0xb8;
	[tilespmem:$0x1FC00] =	vst v63  }
0x81: {  	_ =	swait.ge [sflag:s23], $0x2800  }
0x82: {  	[sflag:s23] =	ssyncset.done $0x0  }
0x83: {  	s20 =	simm.s32 $0x14880;
	[sflag:s23] =	ssyncadd.s32 $0xFFFFD800  }
0x84: {  	[spmem:s3] =	stream.indirect.scatter.add.f32 [tilespmem:s17], [sflag:$0x6], $0x80, s20, s14, $0xb8;
	[tilespmem:$0x1FC00] =	vst v63  }
0x85: {  	_ =	swait.ge [sflag:s25], $0x2800  }
0x86: {  	[sflag:s25] =	ssyncset.done $0x0  }
0x87: {  	s20 =	simm.s32 $0x14900;
	[sflag:s25] =	ssyncadd.s32 $0xFFFFD800  }
0x88: {  	[spmem:s3] =	stream.indirect.scatter.add.f32 [tilespmem:s19], [sflag:$0x7], $0x80, s20, s14, $0xb8;
	[tilespmem:$0x1FC00] =	vst v63  }
0x89: {  	_ =	swait.ge [sflag:s28], $0x2800  }
0x8a: {  	[sflag:s28] =	ssyncset.done $0x0  }
0x8b: {  	s20 =	simm.s32 $0x14980;
	[sflag:s28] =	ssyncadd.s32 $0xFFFFD800  }
0x8c: {  	[spmem:s3] =	stream.indirect.scatter.add.f32 [tilespmem:s21], [sflag:$0x8], $0x80, s20, s14, $0xb8;
	[tilespmem:$0x1FC00] =	vst v63  }
0x8d: {  	_ =	swait.ge [sflag:s30], $0x2800  }
0x8e: {  	[sflag:s30] =	ssyncset.done $0x0  }
0x8f: {  	s20 =	simm.s32 $0x14200;
	[sflag:s30] =	ssyncadd.s32 $0xFFFFD800  }
0x90: {  	[tilespmem:s15], [sflag:$0x1] =	stream.indirect.gather [hbm4b:s2+s14], $0x80, s20, s14, $0xb8;
	[tilespmem:$0x1FC00] =	vst v63  }
0x91: {  	_ =	swait.ge [sflag:s0], $0x2800  }
0x92: {  	[sflag:s0] =	ssyncset.done $0x0  }
0x93: {  	s20 =	simm.s32 $0x14280;
	[sflag:s0] =	ssyncadd.s32 $0xFFFFD800  }
0x94: {  	[tilespmem:s17], [sflag:$0x2] =	stream.indirect.gather [hbm4b:s2+s14], $0x80, s20, s14, $0xb8;
	[tilespmem:$0x1FC00] =	vst v63  }
0x95: {  	_ =	swait.ge [sflag:s5], $0x2800  }
0x96: {  	[sflag:s5] =	ssyncset.done $0x0  }
0x97: {  	s20 =	simm.s32 $0x14300;
	[sflag:s5] =	ssyncadd.s32 $0xFFFFD800  }
0x98: {  	[tilespmem:s19], [sflag:$0x3] =	stream.indirect.gather [hbm4b:s2+s14], $0x80, s20, s14, $0xb8;
	[tilespmem:$0x1FC00] =	vst v63  }
0x99: {  	_ =	swait.ge [sflag:s18], $0x2800  }
0x9a: {  	[sflag:s18] =	ssyncset.done $0x0  }
0x9b: {  	s20 =	simm.s32 $0x14380;
	[sflag:s18] =	ssyncadd.s32 $0xFFFFD800  }
0x9c: {  	[tilespmem:s21], [sflag:$0x4] =	stream.indirect.gather [hbm4b:s2+s14], $0x80, s20, s14, $0xb8;
	[tilespmem:$0x1FC00] =	vst v63  }
0x9d: {  	_ =	swait.ge [sflag:s22], $0x2800  }
0x9e: {  	[sflag:s22] =	ssyncset.done $0x0  }
0x9f: {  	s20 =	simm.s32 $0x14A00;
	[sflag:s22] =	ssyncadd.s32 $0xFFFFD800  }
0xa0: {  	[spmem:s3] =	stream.indirect.scatter.add.f32 [tilespmem:s15], [sflag:$0x5], $0x80, s20, s14, $0xb8;
	[tilespmem:$0x1FC00] =	vst v63  }
0xa1: {  	_ =	swait.ge [sflag:s23], $0x2800  }
0xa2: {  	[sflag:s23] =	ssyncset.done $0x0  }
0xa3: {  	s20 =	simm.s32 $0x14A80;
	[sflag:s23] =	ssyncadd.s32 $0xFFFFD800  }
0xa4: {  	[spmem:s3] =	stream.indirect.scatter.add.f32 [tilespmem:s17], [sflag:$0x6], $0x80, s20, s14, $0xb8;
	[tilespmem:$0x1FC00] =	vst v63  }
0xa5: {  	_ =	swait.ge [sflag:s25], $0x2800  }
0xa6: {  	[sflag:s25] =	ssyncset.done $0x0  }
0xa7: {  	s20 =	simm.s32 $0x14B00;
	[sflag:s25] =	ssyncadd.s32 $0xFFFFD800  }
0xa8: {  	[spmem:s3] =	stream.indirect.scatter.add.f32 [tilespmem:s19], [sflag:$0x7], $0x80, s20, s14, $0xb8;
	[tilespmem:$0x1FC00] =	vst v63  }
0xa9: {  	_ =	swait.ge [sflag:s28], $0x2800  }
0xaa: {  	[sflag:s28] =	ssyncset.done $0x0  }
0xab: {  	s20 =	simm.s32 $0x14B80;
	[sflag:s28] =	ssyncadd.s32 $0xFFFFD800  }
0xac: {  	[spmem:s3] =	stream.indirect.scatter.add.f32 [tilespmem:s21], [sflag:$0x8], $0x80, s20, s14, $0xb8;
	[tilespmem:$0x1FC00] =	vst v63  }
0xad: {  	_ =	swait.ge [sflag:s30], $0x2800  }
0xae: {  	[sflag:s30] =	ssyncset.done $0x0  }
0xaf: {  	[sflag:s30] =	ssyncadd.s32 $0xFFFFD800  }
0xb0: {  	_ =	swait.ge [sflag:s0], $0x2800  }
0xb1: {  	[sflag:s0] =	ssyncset.done $0x0  }
0xb2: {  	[sflag:s0] =	ssyncadd.s32 $0xFFFFD800  }
0xb3: {  	_ =	swait.ge [sflag:s5], $0x2800  }
0xb4: {  	[sflag:s5] =	ssyncset.done $0x0  }
0xb5: {  	[sflag:s5] =	ssyncadd.s32 $0xFFFFD800  }
0xb6: {  	_ =	swait.ge [sflag:s18], $0x2800  }
0xb7: {  	[sflag:s18] =	ssyncset.done $0x0  }
0xb8: {  	[sflag:s18] =	ssyncadd.s32 $0xFFFFD800  }
0xb9: {  	_ =	swait.ge [sflag:s31], $0x800  }
0xba: {  	[sflag:s31] =	ssyncset.done $0x0  }
0xbb: {  	[sflag:s31] =	ssyncadd.s32 $0xFFFFF800  }
0xbc: {  	_ =	swait.ge [sflag:s31], $0x800  }
0xbd: {  	[sflag:s31] =	ssyncset.done $0x0  }
0xbe: {  	s9 =	rddreg [dreg:$0x9];
	[sflag:s31] =	ssyncadd.s32 $0xFFFFF800  }
0xbf: {  	[tilespmem:s8], [sflag:$0x9] =	stream.linear.gather [hbm4b:s9+s4], $0x800, $0x38;
	[tilespmem:$0x1FC00] =	vst v63  }
0xc0: {  	s20 =	rddreg [dreg:$0xa]  }
0xc1: {  	[tilespmem:s12], [sflag:$0x9] =	stream.linear.gather [hbm4b:s20+s4], $0x800, $0x38;
	[tilespmem:$0x1FC00] =	vst v63  }
0xc2: {  	_ = 	snop  }
0xc3: {  	[tilespmem:s15], [sflag:$0x1] =	stream.indirect.gather [hbm4b:s2+s14], $0x80, s13, s14, $0xb8;
	[tilespmem:$0x1FC00] =	vst v63  }
0xc4: {  	s20 =	simm.s32 $0x14C80  }
0xc5: {  	[tilespmem:s17], [sflag:$0x2] =	stream.indirect.gather [hbm4b:s2+s14], $0x80, s20, s14, $0xb8;
	[tilespmem:$0x1FC00] =	vst v63  }
0xc6: {  	s20 =	simm.s32 $0x14D00  }
0xc7: {  	[tilespmem:s19], [sflag:$0x3] =	stream.indirect.gather [hbm4b:s2+s14], $0x80, s20, s14, $0xb8;
	[tilespmem:$0x1FC00] =	vst v63  }
0xc8: {  	s20 =	simm.s32 $0x14D80  }
0xc9: {  	[tilespmem:s21], [sflag:$0x4] =	stream.indirect.gather [hbm4b:s2+s14], $0x80, s20, s14, $0xb8;
	[tilespmem:$0x1FC00] =	vst v63  }
0xca: {  	_ =	swait.ge [sflag:s22], $0x2800  }
0xcb: {  	[sflag:s22] =	ssyncset.done $0x0  }
0xcc: {  	[sflag:s22] =	ssyncadd.s32 $0xFFFFD800  }
0xcd: {  	[spmem:s3] =	stream.indirect.scatter.add.f32 [tilespmem:s15], [sflag:$0x5], $0x80, s1, s14, $0xb8;
	[tilespmem:$0x1FC00] =	vst v63  }
0xce: {  	_ =	swait.ge [sflag:s23], $0x2800  }
0xcf: {  	[sflag:s23] =	ssyncset.done $0x0  }
0xd0: {  	s20 =	simm.s32 $0x15480;
	[sflag:s23] =	ssyncadd.s32 $0xFFFFD800  }
0xd1: {  	[spmem:s3] =	stream.indirect.scatter.add.f32 [tilespmem:s17], [sflag:$0x6], $0x80, s20, s14, $0xb8;
	[tilespmem:$0x1FC00] =	vst v63  }
0xd2: {  	_ =	swait.ge [sflag:s25], $0x2800  }
0xd3: {  	[sflag:s25] =	ssyncset.done $0x0  }
0xd4: {  	s20 =	simm.s32 $0x15500;
	[sflag:s25] =	ssyncadd.s32 $0xFFFFD800  }
0xd5: {  	[spmem:s3] =	stream.indirect.scatter.add.f32 [tilespmem:s19], [sflag:$0x7], $0x80, s20, s14, $0xb8;
	[tilespmem:$0x1FC00] =	vst v63  }
0xd6: {  	_ =	swait.ge [sflag:s28], $0x2800  }
0xd7: {  	[sflag:s28] =	ssyncset.done $0x0  }
0xd8: {  	s20 =	simm.s32 $0x15580;
	[sflag:s28] =	ssyncadd.s32 $0xFFFFD800  }
0xd9: {  	[spmem:s3] =	stream.indirect.scatter.add.f32 [tilespmem:s21], [sflag:$0x8], $0x80, s20, s14, $0xb8;
	[tilespmem:$0x1FC00] =	vst v63  }
0xda: {  	_ =	swait.ge [sflag:s30], $0x2800  }
0xdb: {  	[sflag:s30] =	ssyncset.done $0x0  }
0xdc: {  	s20 =	simm.s32 $0x14E00;
	[sflag:s30] =	ssyncadd.s32 $0xFFFFD800  }
0xdd: {  	[tilespmem:s15], [sflag:$0x1] =	stream.indirect.gather [hbm4b:s2+s14], $0x80, s20, s14, $0xb8;
	[tilespmem:$0x1FC00] =	vst v63  }
0xde: {  	_ =	swait.ge [sflag:s0], $0x2800  }
0xdf: {  	[sflag:s0] =	ssyncset.done $0x0  }
0xe0: {  	s20 =	simm.s32 $0x14E80;
	[sflag:s0] =	ssyncadd.s32 $0xFFFFD800  }
0xe1: {  	[tilespmem:s17], [sflag:$0x2] =	stream.indirect.gather [hbm4b:s2+s14], $0x80, s20, s14, $0xb8;
	[tilespmem:$0x1FC00] =	vst v63  }
0xe2: {  	_ =	swait.ge [sflag:s5], $0x2800  }
0xe3: {  	[sflag:s5] =	ssyncset.done $0x0  }
0xe4: {  	s20 =	simm.s32 $0x14F00;
	[sflag:s5] =	ssyncadd.s32 $0xFFFFD800  }
0xe5: {  	[tilespmem:s19], [sflag:$0x3] =	stream.indirect.gather [hbm4b:s2+s14], $0x80, s20, s14, $0xb8;
	[tilespmem:$0x1FC00] =	vst v63  }
0xe6: {  	_ =	swait.ge [sflag:s18], $0x2800  }
0xe7: {  	[sflag:s18] =	ssyncset.done $0x0  }
0xe8: {  	s20 =	simm.s32 $0x14F80;
	[sflag:s18] =	ssyncadd.s32 $0xFFFFD800  }
0xe9: {  	[tilespmem:s21], [sflag:$0x4] =	stream.indirect.gather [hbm4b:s2+s14], $0x80, s20, s14, $0xb8;
	[tilespmem:$0x1FC00] =	vst v63  }
0xea: {  	_ =	swait.ge [sflag:s22], $0x2800  }
0xeb: {  	[sflag:s22] =	ssyncset.done $0x0  }
0xec: {  	s20 =	simm.s32 $0x15600;
	[sflag:s22] =	ssyncadd.s32 $0xFFFFD800  }
0xed: {  	[spmem:s3] =	stream.indirect.scatter.add.f32 [tilespmem:s15], [sflag:$0x5], $0x80, s20, s14, $0xb8;
	[tilespmem:$0x1FC00] =	vst v63  }
0xee: {  	_ =	swait.ge [sflag:s23], $0x2800  }
0xef: {  	[sflag:s23] =	ssyncset.done $0x0  }
0xf0: {  	s20 =	simm.s32 $0x15680;
	[sflag:s23] =	ssyncadd.s32 $0xFFFFD800  }
0xf1: {  	[spmem:s3] =	stream.indirect.scatter.add.f32 [tilespmem:s17], [sflag:$0x6], $0x80, s20, s14, $0xb8;
	[tilespmem:$0x1FC00] =	vst v63  }
0xf2: {  	_ =	swait.ge [sflag:s25], $0x2800  }
0xf3: {  	[sflag:s25] =	ssyncset.done $0x0  }
0xf4: {  	s20 =	simm.s32 $0x15700;
	[sflag:s25] =	ssyncadd.s32 $0xFFFFD800  }
0xf5: {  	[spmem:s3] =	stream.indirect.scatter.add.f32 [tilespmem:s19], [sflag:$0x7], $0x80, s20, s14, $0xb8;
	[tilespmem:$0x1FC00] =	vst v63  }
0xf6: {  	_ =	swait.ge [sflag:s28], $0x2800  }
0xf7: {  	[sflag:s28] =	ssyncset.done $0x0  }
0xf8: {  	s20 =	simm.s32 $0x15780;
	[sflag:s28] =	ssyncadd.s32 $0xFFFFD800  }
0xf9: {  	[spmem:s3] =	stream.indirect.scatter.add.f32 [tilespmem:s21], [sflag:$0x8], $0x80, s20, s14, $0xb8;
	[tilespmem:$0x1FC00] =	vst v63  }
0xfa: {  	_ =	swait.ge [sflag:s30], $0x2800  }
0xfb: {  	[sflag:s30] =	ssyncset.done $0x0  }
0xfc: {  	s20 =	simm.s32 $0x15000;
	[sflag:s30] =	ssyncadd.s32 $0xFFFFD800  }
0xfd: {  	[tilespmem:s15], [sflag:$0x1] =	stream.indirect.gather [hbm4b:s2+s14], $0x80, s20, s14, $0xb8;
	[tilespmem:$0x1FC00] =	vst v63  }
0xfe: {  	_ =	swait.ge [sflag:s0], $0x2800  }
0xff: {  	[sflag:s0] =	ssyncset.done $0x0  }
0x100: {  	s20 =	simm.s32 $0x15080;
	[sflag:s0] =	ssyncadd.s32 $0xFFFFD800  }
0x101: {  	[tilespmem:s17], [sflag:$0x2] =	stream.indirect.gather [hbm4b:s2+s14], $0x80, s20, s14, $0xb8;
	[tilespmem:$0x1FC00] =	vst v63  }
0x102: {  	_ =	swait.ge [sflag:s5], $0x2800  }
0x103: {  	[sflag:s5] =	ssyncset.done $0x0  }
0x104: {  	s20 =	simm.s32 $0x15100;
	[sflag:s5] =	ssyncadd.s32 $0xFFFFD800  }
0x105: {  	[tilespmem:s19], [sflag:$0x3] =	stream.indirect.gather [hbm4b:s2+s14], $0x80, s20, s14, $0xb8;
	[tilespmem:$0x1FC00] =	vst v63  }
0x106: {  	_ =	swait.ge [sflag:s18], $0x2800  }
0x107: {  	[sflag:s18] =	ssyncset.done $0x0  }
0x108: {  	s20 =	simm.s32 $0x15180;
	[sflag:s18] =	ssyncadd.s32 $0xFFFFD800  }
0x109: {  	[tilespmem:s21], [sflag:$0x4] =	stream.indirect.gather [hbm4b:s2+s14], $0x80, s20, s14, $0xb8;
	[tilespmem:$0x1FC00] =	vst v63  }
0x10a: {  	_ =	swait.ge [sflag:s22], $0x2800  }
0x10b: {  	[sflag:s22] =	ssyncset.done $0x0  }
0x10c: {  	s20 =	simm.s32 $0x15800;
	[sflag:s22] =	ssyncadd.s32 $0xFFFFD800  }
0x10d: {  	[spmem:s3] =	stream.indirect.scatter.add.f32 [tilespmem:s15], [sflag:$0x5], $0x80, s20, s14, $0xb8;
	[tilespmem:$0x1FC00] =	vst v63  }
0x10e: {  	_ =	swait.ge [sflag:s23], $0x2800  }
0x10f: {  	[sflag:s23] =	ssyncset.done $0x0  }
0x110: {  	s20 =	simm.s32 $0x15880;
	[sflag:s23] =	ssyncadd.s32 $0xFFFFD800  }
0x111: {  	[spmem:s3] =	stream.indirect.scatter.add.f32 [tilespmem:s17], [sflag:$0x6], $0x80, s20, s14, $0xb8;
	[tilespmem:$0x1FC00] =	vst v63  }
0x112: {  	_ =	swait.ge [sflag:s25], $0x2800  }
0x113: {  	[sflag:s25] =	ssyncset.done $0x0  }
0x114: {  	s20 =	simm.s32 $0x15900;
	[sflag:s25] =	ssyncadd.s32 $0xFFFFD800  }
0x115: {  	[spmem:s3] =	stream.indirect.scatter.add.f32 [tilespmem:s19], [sflag:$0x7], $0x80, s20, s14, $0xb8;
	[tilespmem:$0x1FC00] =	vst v63  }
0x116: {  	_ =	swait.ge [sflag:s28], $0x2800  }
0x117: {  	[sflag:s28] =	ssyncset.done $0x0  }
0x118: {  	s20 =	simm.s32 $0x15980;
	[sflag:s28] =	ssyncadd.s32 $0xFFFFD800  }
0x119: {  	[spmem:s3] =	stream.indirect.scatter.add.f32 [tilespmem:s21], [sflag:$0x8], $0x80, s20, s14, $0xb8;
	[tilespmem:$0x1FC00] =	vst v63  }
0x11a: {  	_ =	swait.ge [sflag:s30], $0x2800  }
0x11b: {  	[sflag:s30] =	ssyncset.done $0x0  }
0x11c: {  	s20 =	simm.s32 $0x15200;
	[sflag:s30] =	ssyncadd.s32 $0xFFFFD800  }
0x11d: {  	[tilespmem:s15], [sflag:$0x1] =	stream.indirect.gather [hbm4b:s2+s14], $0x80, s20, s14, $0xb8;
	[tilespmem:$0x1FC00] =	vst v63  }
0x11e: {  	_ =	swait.ge [sflag:s0], $0x2800  }
0x11f: {  	[sflag:s0] =	ssyncset.done $0x0  }
0x120: {  	s20 =	simm.s32 $0x15280;
	[sflag:s0] =	ssyncadd.s32 $0xFFFFD800  }
0x121: {  	[tilespmem:s17], [sflag:$0x2] =	stream.indirect.gather [hbm4b:s2+s14], $0x80, s20, s14, $0xb8;
	[tilespmem:$0x1FC00] =	vst v63  }
0x122: {  	_ =	swait.ge [sflag:s5], $0x2800  }
0x123: {  	[sflag:s5] =	ssyncset.done $0x0  }
0x124: {  	s20 =	simm.s32 $0x15300;
	[sflag:s5] =	ssyncadd.s32 $0xFFFFD800  }
0x125: {  	[tilespmem:s19], [sflag:$0x3] =	stream.indirect.gather [hbm4b:s2+s14], $0x80, s20, s14, $0xb8;
	[tilespmem:$0x1FC00] =	vst v63  }
0x126: {  	_ =	swait.ge [sflag:s18], $0x2800  }
0x127: {  	[sflag:s18] =	ssyncset.done $0x0  }
0x128: {  	s20 =	simm.s32 $0x15380;
	[sflag:s18] =	ssyncadd.s32 $0xFFFFD800  }
0x129: {  	[tilespmem:s21], [sflag:$0x4] =	stream.indirect.gather [hbm4b:s2+s14], $0x80, s20, s14, $0xb8;
	[tilespmem:$0x1FC00] =	vst v63  }
0x12a: {  	_ =	swait.ge [sflag:s22], $0x2800  }
0x12b: {  	[sflag:s22] =	ssyncset.done $0x0  }
0x12c: {  	s20 =	simm.s32 $0x15A00;
	[sflag:s22] =	ssyncadd.s32 $0xFFFFD800  }
0x12d: {  	[spmem:s3] =	stream.indirect.scatter.add.f32 [tilespmem:s15], [sflag:$0x5], $0x80, s20, s14, $0xb8;
	[tilespmem:$0x1FC00] =	vst v63  }
0x12e: {  	_ =	swait.ge [sflag:s23], $0x2800  }
0x12f: {  	[sflag:s23] =	ssyncset.done $0x0  }
0x130: {  	s20 =	simm.s32 $0x15A80;
	[sflag:s23] =	ssyncadd.s32 $0xFFFFD800  }
0x131: {  	[spmem:s3] =	stream.indirect.scatter.add.f32 [tilespmem:s17], [sflag:$0x6], $0x80, s20, s14, $0xb8;
	[tilespmem:$0x1FC00] =	vst v63  }
0x132: {  	_ =	swait.ge [sflag:s25], $0x2800  }
0x133: {  	[sflag:s25] =	ssyncset.done $0x0  }
0x134: {  	s20 =	simm.s32 $0x15B00;
	[sflag:s25] =	ssyncadd.s32 $0xFFFFD800  }
0x135: {  	[spmem:s3] =	stream.indirect.scatter.add.f32 [tilespmem:s19], [sflag:$0x7], $0x80, s20, s14, $0xb8;
	[tilespmem:$0x1FC00] =	vst v63  }
0x136: {  	_ =	swait.ge [sflag:s28], $0x2800  }
0x137: {  	[sflag:s28] =	ssyncset.done $0x0  }
0x138: {  	s20 =	simm.s32 $0x15B80;
	[sflag:s28] =	ssyncadd.s32 $0xFFFFD800  }
0x139: {  	[spmem:s3] =	stream.indirect.scatter.add.f32 [tilespmem:s21], [sflag:$0x8], $0x80, s20, s14, $0xb8;
	[tilespmem:$0x1FC00] =	vst v63  }
0x13a: {  	_ =	swait.ge [sflag:s30], $0x2800  }
0x13b: {  	[sflag:s30] =	ssyncset.done $0x0  }
0x13c: {  	[sflag:s30] =	ssyncadd.s32 $0xFFFFD800  }
0x13d: {  	_ =	swait.ge [sflag:s0], $0x2800  }
0x13e: {  	[sflag:s0] =	ssyncset.done $0x0  }
0x13f: {  	[sflag:s0] =	ssyncadd.s32 $0xFFFFD800  }
0x140: {  	_ =	swait.ge [sflag:s5], $0x2800  }
0x141: {  	[sflag:s5] =	ssyncset.done $0x0  }
0x142: {  	[sflag:s5] =	ssyncadd.s32 $0xFFFFD800  }
0x143: {  	_ =	swait.ge [sflag:s18], $0x2800  }
0x144: {  	[sflag:s18] =	ssyncset.done $0x0  }
0x145: {  	[sflag:s18] =	ssyncadd.s32 $0xFFFFD800  }
0x146: {  	_ =	swait.ge [sflag:s11], $0x800  }
0x147: {  	[sflag:s11] =	ssyncset.done $0x0  }
0x148: {  	[sflag:s11] =	ssyncadd.s32 $0xFFFFF800  }
0x149: {  	_ =	swait.ge [sflag:s11], $0x800  }
0x14a: {  	[sflag:s11] =	ssyncset.done $0x0  }
0x14b: {  	s9 =	rddreg [dreg:$0xb];
	[sflag:s11] =	ssyncadd.s32 $0xFFFFF800  }
0x14c: {  	[tilespmem:s13], [sflag:$0xA] =	stream.linear.gather [hbm4b:s9+s4], $0x800, $0x38;
	[tilespmem:$0x1FC00] =	vst v63  }
0x14d: {  	s20 =	rddreg [dreg:$0xc]  }
0x14e: {  	[tilespmem:s1], [sflag:$0xA] =	stream.linear.gather [hbm4b:s20+s4], $0x800, $0x38;
	[tilespmem:$0x1FC00] =	vst v63  }
0x14f: {  	_ = 	snop  }
0x150: {  	[tilespmem:s15], [sflag:$0x1] =	stream.indirect.gather [hbm4b:s2+s14], $0x80, s8, s14, $0xb8;
	[tilespmem:$0x1FC00] =	vst v63  }
0x151: {  	s20 =	simm.s32 $0x13C80  }
0x152: {  	[tilespmem:s17], [sflag:$0x2] =	stream.indirect.gather [hbm4b:s2+s14], $0x80, s20, s14, $0xb8;
	[tilespmem:$0x1FC00] =	vst v63  }
0x153: {  	s20 =	simm.s32 $0x13D00  }
0x154: {  	[tilespmem:s19], [sflag:$0x3] =	stream.indirect.gather [hbm4b:s2+s14], $0x80, s20, s14, $0xb8;
	[tilespmem:$0x1FC00] =	vst v63  }
0x155: {  	s29 =	simm.s32 $0x13D80  }
0x156: {  	[tilespmem:s21], [sflag:$0x4] =	stream.indirect.gather [hbm4b:s2+s14], $0x80, s29, s14, $0xb8;
	[tilespmem:$0x1FC00] =	vst v63  }
0x157: {  	_ =	swait.ge [sflag:s22], $0x2800  }
0x158: {  	[sflag:s22] =	ssyncset.done $0x0  }
0x159: {  	[sflag:s22] =	ssyncadd.s32 $0xFFFFD800  }
0x15a: {  	[spmem:s3] =	stream.indirect.scatter.add.f32 [tilespmem:s15], [sflag:$0x5], $0x80, s12, s14, $0xb8;
	[tilespmem:$0x1FC00] =	vst v63  }
0x15b: {  	_ =	swait.ge [sflag:s23], $0x2800  }
0x15c: {  	[sflag:s23] =	ssyncset.done $0x0  }
0x15d: {  	s26 =	simm.s32 $0x14480;
	[sflag:s23] =	ssyncadd.s32 $0xFFFFD800  }
0x15e: {  	[spmem:s3] =	stream.indirect.scatter.add.f32 [tilespmem:s17], [sflag:$0x6], $0x80, s26, s14, $0xb8;
	[tilespmem:$0x1FC00] =	vst v63  }
0x15f: {  	_ =	swait.ge [sflag:s25], $0x2800  }
0x160: {  	[sflag:s25] =	ssyncset.done $0x0  }
0x161: {  	s7 =	simm.s32 $0x14500;
	[sflag:s25] =	ssyncadd.s32 $0xFFFFD800  }
0x162: {  	[spmem:s3] =	stream.indirect.scatter.add.f32 [tilespmem:s19], [sflag:$0x7], $0x80, s7, s14, $0xb8;
	[tilespmem:$0x1FC00] =	vst v63  }
0x163: {  	_ =	swait.ge [sflag:s28], $0x2800  }
0x164: {  	[sflag:s28] =	ssyncset.done $0x0  }
0x165: {  	s10 =	simm.s32 $0x14580;
	[sflag:s28] =	ssyncadd.s32 $0xFFFFD800  }
0x166: {  	[spmem:s3] =	stream.indirect.scatter.add.f32 [tilespmem:s21], [sflag:$0x8], $0x80, s10, s14, $0xb8;
	[tilespmem:$0x1FC00] =	vst v63  }
0x167: {  	_ =	swait.ge [sflag:s30], $0x2800  }
0x168: {  	[sflag:s30] =	ssyncset.done $0x0  }
0x169: {  	s16 =	simm.s32 $0x13E00;
	[sflag:s30] =	ssyncadd.s32 $0xFFFFD800  }
0x16a: {  	[tilespmem:s15], [sflag:$0x1] =	stream.indirect.gather [hbm4b:s2+s14], $0x80, s16, s14, $0xb8;
	[tilespmem:$0x1FC00] =	vst v63  }
0x16b: {  	_ =	swait.ge [sflag:s0], $0x2800  }
0x16c: {  	[sflag:s0] =	ssyncset.done $0x0  }
0x16d: {  	s24 =	simm.s32 $0x13E80;
	[sflag:s0] =	ssyncadd.s32 $0xFFFFD800  }
0x16e: {  	[tilespmem:s17], [sflag:$0x2] =	stream.indirect.gather [hbm4b:s2+s14], $0x80, s24, s14, $0xb8;
	[tilespmem:$0x1FC00] =	vst v63  }
0x16f: {  	_ =	swait.ge [sflag:s5], $0x2800  }
0x170: {  	[sflag:s5] =	ssyncset.done $0x0  }
0x171: {  	s16 =	simm.s32 $0x13F00;
	[sflag:s5] =	ssyncadd.s32 $0xFFFFD800  }
0x172: {  	[tilespmem:s19], [sflag:$0x3] =	stream.indirect.gather [hbm4b:s2+s14], $0x80, s16, s14, $0xb8;
	[tilespmem:$0x1FC00] =	vst v63  }
0x173: {  	_ =	swait.ge [sflag:s18], $0x2800  }
0x174: {  	[sflag:s18] =	ssyncset.done $0x0  }
0x175: {  	s20 =	simm.s32 $0x13F80;
	[sflag:s18] =	ssyncadd.s32 $0xFFFFD800  }
0x176: {  	[tilespmem:s21], [sflag:$0x4] =	stream.indirect.gather [hbm4b:s2+s14], $0x80, s20, s14, $0xb8;
	[tilespmem:$0x1FC00] =	vst v63  }
0x177: {  	_ =	swait.ge [sflag:s22], $0x2800  }
0x178: {  	[sflag:s22] =	ssyncset.done $0x0  }
0x179: {  	s24 =	simm.s32 $0x14600;
	[sflag:s22] =	ssyncadd.s32 $0xFFFFD800  }
0x17a: {  	[spmem:s3] =	stream.indirect.scatter.add.f32 [tilespmem:s15], [sflag:$0x5], $0x80, s24, s14, $0xb8;
	[tilespmem:$0x1FC00] =	vst v63  }
0x17b: {  	_ =	swait.ge [sflag:s23], $0x2800  }
0x17c: {  	[sflag:s23] =	ssyncset.done $0x0  }
0x17d: {  	s9 =	simm.s32 $0x14680;
	[sflag:s23] =	ssyncadd.s32 $0xFFFFD800  }
0x17e: {  	[spmem:s3] =	stream.indirect.scatter.add.f32 [tilespmem:s17], [sflag:$0x6], $0x80, s9, s14, $0xb8;
	[tilespmem:$0x1FC00] =	vst v63  }
0x17f: {  	_ =	swait.ge [sflag:s25], $0x2800  }
0x180: {  	[sflag:s25] =	ssyncset.done $0x0  }
0x181: {  	s10 =	simm.s32 $0x14700;
	[sflag:s25] =	ssyncadd.s32 $0xFFFFD800  }
0x182: {  	[spmem:s3] =	stream.indirect.scatter.add.f32 [tilespmem:s19], [sflag:$0x7], $0x80, s10, s14, $0xb8;
	[tilespmem:$0x1FC00] =	vst v63  }
0x183: {  	_ =	swait.ge [sflag:s28], $0x2800  }
0x184: {  	[sflag:s28] =	ssyncset.done $0x0  }
0x185: {  	s16 =	simm.s32 $0x14780;
	[sflag:s28] =	ssyncadd.s32 $0xFFFFD800  }
0x186: {  	[spmem:s3] =	stream.indirect.scatter.add.f32 [tilespmem:s21], [sflag:$0x8], $0x80, s16, s14, $0xb8;
	[tilespmem:$0x1FC00] =	vst v63  }
0x187: {  	_ =	swait.ge [sflag:s30], $0x2800  }
0x188: {  	[sflag:s30] =	ssyncset.done $0x0  }
0x189: {  	s20 =	simm.s32 $0x14000;
	[sflag:s30] =	ssyncadd.s32 $0xFFFFD800  }
0x18a: {  	[tilespmem:s15], [sflag:$0x1] =	stream.indirect.gather [hbm4b:s2+s14], $0x80, s20, s14, $0xb8;
	[tilespmem:$0x1FC00] =	vst v63  }
0x18b: {  	_ =	swait.ge [sflag:s0], $0x2800  }
0x18c: {  	[sflag:s0] =	ssyncset.done $0x0  }
0x18d: {  	s24 =	simm.s32 $0x14080;
	[sflag:s0] =	ssyncadd.s32 $0xFFFFD800  }
0x18e: {  	[tilespmem:s17], [sflag:$0x2] =	stream.indirect.gather [hbm4b:s2+s14], $0x80, s24, s14, $0xb8;
	[tilespmem:$0x1FC00] =	vst v63  }
0x18f: {  	_ =	swait.ge [sflag:s5], $0x2800  }
0x190: {  	[sflag:s5] =	ssyncset.done $0x0  }
0x191: {  	s9 =	simm.s32 $0x14100;
	[sflag:s5] =	ssyncadd.s32 $0xFFFFD800  }
0x192: {  	[tilespmem:s19], [sflag:$0x3] =	stream.indirect.gather [hbm4b:s2+s14], $0x80, s9, s14, $0xb8;
	[tilespmem:$0x1FC00] =	vst v63  }
0x193: {  	_ =	swait.ge [sflag:s18], $0x2800  }
0x194: {  	[sflag:s18] =	ssyncset.done $0x0  }
0x195: {  	s10 =	simm.s32 $0x14180;
	[sflag:s18] =	ssyncadd.s32 $0xFFFFD800  }
0x196: {  	[tilespmem:s21], [sflag:$0x4] =	stream.indirect.gather [hbm4b:s2+s14], $0x80, s10, s14, $0xb8;
	[tilespmem:$0x1FC00] =	vst v63  }
0x197: {  	_ =	swait.ge [sflag:s22], $0x2800  }
0x198: {  	[sflag:s22] =	ssyncset.done $0x0  }
0x199: {  	s16 =	simm.s32 $0x14800;
	[sflag:s22] =	ssyncadd.s32 $0xFFFFD800  }
0x19a: {  	[spmem:s3] =	stream.indirect.scatter.add.f32 [tilespmem:s15], [sflag:$0x5], $0x80, s16, s14, $0xb8;
	[tilespmem:$0x1FC00] =	vst v63  }
0x19b: {  	_ =	swait.ge [sflag:s23], $0x2800  }
0x19c: {  	[sflag:s23] =	ssyncset.done $0x0  }
0x19d: {  	s20 =	simm.s32 $0x14880;
	[sflag:s23] =	ssyncadd.s32 $0xFFFFD800  }
0x19e: {  	[spmem:s3] =	stream.indirect.scatter.add.f32 [tilespmem:s17], [sflag:$0x6], $0x80, s20, s14, $0xb8;
	[tilespmem:$0x1FC00] =	vst v63  }
0x19f: {  	_ =	swait.ge [sflag:s25], $0x2800  }
0x1a0: {  	[sflag:s25] =	ssyncset.done $0x0  }
0x1a1: {  	s24 =	simm.s32 $0x14900;
	[sflag:s25] =	ssyncadd.s32 $0xFFFFD800  }
0x1a2: {  	[spmem:s3] =	stream.indirect.scatter.add.f32 [tilespmem:s19], [sflag:$0x7], $0x80, s24, s14, $0xb8;
	[tilespmem:$0x1FC00] =	vst v63  }
0x1a3: {  	_ =	swait.ge [sflag:s28], $0x2800  }
0x1a4: {  	[sflag:s28] =	ssyncset.done $0x0  }
0x1a5: {  	s9 =	simm.s32 $0x14980;
	[sflag:s28] =	ssyncadd.s32 $0xFFFFD800  }
0x1a6: {  	[spmem:s3] =	stream.indirect.scatter.add.f32 [tilespmem:s21], [sflag:$0x8], $0x80, s9, s14, $0xb8;
	[tilespmem:$0x1FC00] =	vst v63  }
0x1a7: {  	_ =	swait.ge [sflag:s30], $0x2800  }
0x1a8: {  	[sflag:s30] =	ssyncset.done $0x0  }
0x1a9: {  	s10 =	simm.s32 $0x14200;
	[sflag:s30] =	ssyncadd.s32 $0xFFFFD800  }
0x1aa: {  	[tilespmem:s15], [sflag:$0x1] =	stream.indirect.gather [hbm4b:s2+s14], $0x80, s10, s14, $0xb8;
	[tilespmem:$0x1FC00] =	vst v63  }
0x1ab: {  	_ =	swait.ge [sflag:s0], $0x2800  }
0x1ac: {  	[sflag:s0] =	ssyncset.done $0x0  }
0x1ad: {  	s16 =	simm.s32 $0x14280;
	[sflag:s0] =	ssyncadd.s32 $0xFFFFD800  }
0x1ae: {  	[tilespmem:s17], [sflag:$0x2] =	stream.indirect.gather [hbm4b:s2+s14], $0x80, s16, s14, $0xb8;
	[tilespmem:$0x1FC00] =	vst v63  }
0x1af: {  	_ =	swait.ge [sflag:s5], $0x2800  }
0x1b0: {  	[sflag:s5] =	ssyncset.done $0x0  }
0x1b1: {  	s20 =	simm.s32 $0x14300;
	[sflag:s5] =	ssyncadd.s32 $0xFFFFD800  }
0x1b2: {  	[tilespmem:s19], [sflag:$0x3] =	stream.indirect.gather [hbm4b:s2+s14], $0x80, s20, s14, $0xb8;
	[tilespmem:$0x1FC00] =	vst v63  }
0x1b3: {  	_ =	swait.ge [sflag:s18], $0x2800  }
0x1b4: {  	[sflag:s18] =	ssyncset.done $0x0  }
0x1b5: {  	s24 =	simm.s32 $0x14380;
	[sflag:s18] =	ssyncadd.s32 $0xFFFFD800  }
0x1b6: {  	[tilespmem:s21], [sflag:$0x4] =	stream.indirect.gather [hbm4b:s2+s14], $0x80, s24, s14, $0xb8;
	[tilespmem:$0x1FC00] =	vst v63  }
0x1b7: {  	_ =	swait.ge [sflag:s22], $0x2800  }
0x1b8: {  	[sflag:s22] =	ssyncset.done $0x0  }
0x1b9: {  	s9 =	simm.s32 $0x14A00;
	[sflag:s22] =	ssyncadd.s32 $0xFFFFD800  }
0x1ba: {  	[spmem:s3] =	stream.indirect.scatter.add.f32 [tilespmem:s15], [sflag:$0x5], $0x80, s9, s14, $0xb8;
	[tilespmem:$0x1FC00] =	vst v63  }
0x1bb: {  	_ =	swait.ge [sflag:s23], $0x2800  }
0x1bc: {  	[sflag:s23] =	ssyncset.done $0x0  }
0x1bd: {  	s10 =	simm.s32 $0x14A80;
	[sflag:s23] =	ssyncadd.s32 $0xFFFFD800  }
0x1be: {  	[spmem:s3] =	stream.indirect.scatter.add.f32 [tilespmem:s17], [sflag:$0x6], $0x80, s10, s14, $0xb8;
	[tilespmem:$0x1FC00] =	vst v63  }
0x1bf: {  	_ =	swait.ge [sflag:s25], $0x2800  }
0x1c0: {  	[sflag:s25] =	ssyncset.done $0x0  }
0x1c1: {  	s16 =	simm.s32 $0x14B00;
	[sflag:s25] =	ssyncadd.s32 $0xFFFFD800  }
0x1c2: {  	[spmem:s3] =	stream.indirect.scatter.add.f32 [tilespmem:s19], [sflag:$0x7], $0x80, s16, s14, $0xb8;
	[tilespmem:$0x1FC00] =	vst v63  }
0x1c3: {  	_ =	swait.ge [sflag:s28], $0x2800  }
0x1c4: {  	[sflag:s28] =	ssyncset.done $0x0  }
0x1c5: {  	s20 =	simm.s32 $0x14B80;
	[sflag:s28] =	ssyncadd.s32 $0xFFFFD800  }
0x1c6: {  	[spmem:s3] =	stream.indirect.scatter.add.f32 [tilespmem:s21], [sflag:$0x8], $0x80, s20, s14, $0xb8;
	[tilespmem:$0x1FC00] =	vst v63  }
0x1c7: {  	_ =	swait.ge [sflag:s30], $0x2800  }
0x1c8: {  	[sflag:s30] =	ssyncset.done $0x0  }
0x1c9: {  	[sflag:s30] =	ssyncadd.s32 $0xFFFFD800  }
0x1ca: {  	_ =	swait.ge [sflag:s0], $0x2800  }
0x1cb: {  	[sflag:s0] =	ssyncset.done $0x0  }
0x1cc: {  	[sflag:s0] =	ssyncadd.s32 $0xFFFFD800  }
0x1cd: {  	_ =	swait.ge [sflag:s5], $0x2800  }
0x1ce: {  	[sflag:s5] =	ssyncset.done $0x0  }
0x1cf: {  	[sflag:s5] =	ssyncadd.s32 $0xFFFFD800  }
0x1d0: {  	_ =	swait.ge [sflag:s18], $0x2800  }
0x1d1: {  	[sflag:s18] =	ssyncset.done $0x0  }
0x1d2: {  	[sflag:s18] =	ssyncadd.s32 $0xFFFFD800  }
0x1d3: {  	_ =	swait.ge [sflag:s31], $0x800  }
0x1d4: {  	[sflag:s31] =	ssyncset.done $0x0  }
0x1d5: {  	[sflag:s31] =	ssyncadd.s32 $0xFFFFF800  }
0x1d6: {  	_ =	swait.ge [sflag:s31], $0x800  }
0x1d7: {  	[sflag:s31] =	ssyncset.done $0x0  }
0x1d8: {  	s24 =	rddreg [dreg:$0xd];
	[sflag:s31] =	ssyncadd.s32 $0xFFFFF800  }
0x1d9: {  	[tilespmem:s8], [sflag:$0x9] =	stream.linear.gather [hbm4b:s24+s4], $0x800, $0x38;
	[tilespmem:$0x1FC00] =	vst v63  }
0x1da: {  	s7 =	rddreg [dreg:$0xe]  }
0x1db: {  	[tilespmem:s12], [sflag:$0x9] =	stream.linear.gather [hbm4b:s7+s4], $0x800, $0x38;
	[tilespmem:$0x1FC00] =	vst v63  }
0x1dc: {  	_ = 	snop  }
0x1dd: {  	[tilespmem:s15], [sflag:$0x1] =	stream.indirect.gather [hbm4b:s2+s14], $0x80, s13, s14, $0xb8;
	[tilespmem:$0x1FC00] =	vst v63  }
0x1de: {  	s10 =	simm.s32 $0x14C80  }
0x1df: {  	[tilespmem:s17], [sflag:$0x2] =	stream.indirect.gather [hbm4b:s2+s14], $0x80, s10, s14, $0xb8;
	[tilespmem:$0x1FC00] =	vst v63  }
0x1e0: {  	s16 =	simm.s32 $0x14D00  }
0x1e1: {  	[tilespmem:s19], [sflag:$0x3] =	stream.indirect.gather [hbm4b:s2+s14], $0x80, s16, s14, $0xb8;
	[tilespmem:$0x1FC00] =	vst v63  }
0x1e2: {  	s20 =	simm.s32 $0x14D80  }
0x1e3: {  	[tilespmem:s21], [sflag:$0x4] =	stream.indirect.gather [hbm4b:s2+s14], $0x80, s20, s14, $0xb8;
	[tilespmem:$0x1FC00] =	vst v63  }
0x1e4: {  	_ =	swait.ge [sflag:s22], $0x2800  }
0x1e5: {  	[sflag:s22] =	ssyncset.done $0x0  }
0x1e6: {  	[sflag:s22] =	ssyncadd.s32 $0xFFFFD800  }
0x1e7: {  	[spmem:s3] =	stream.indirect.scatter.add.f32 [tilespmem:s15], [sflag:$0x5], $0x80, s1, s14, $0xb8;
	[tilespmem:$0x1FC00] =	vst v63  }
0x1e8: {  	_ =	swait.ge [sflag:s23], $0x2800  }
0x1e9: {  	[sflag:s23] =	ssyncset.done $0x0  }
0x1ea: {  	s24 =	simm.s32 $0x15480;
	[sflag:s23] =	ssyncadd.s32 $0xFFFFD800  }
0x1eb: {  	[spmem:s3] =	stream.indirect.scatter.add.f32 [tilespmem:s17], [sflag:$0x6], $0x80, s24, s14, $0xb8;
	[tilespmem:$0x1FC00] =	vst v63  }
0x1ec: {  	_ =	swait.ge [sflag:s25], $0x2800  }
0x1ed: {  	[sflag:s25] =	ssyncset.done $0x0  }
0x1ee: {  	s9 =	simm.s32 $0x15500;
	[sflag:s25] =	ssyncadd.s32 $0xFFFFD800  }
0x1ef: {  	[spmem:s3] =	stream.indirect.scatter.add.f32 [tilespmem:s19], [sflag:$0x7], $0x80, s9, s14, $0xb8;
	[tilespmem:$0x1FC00] =	vst v63  }
0x1f0: {  	_ =	swait.ge [sflag:s28], $0x2800  }
0x1f1: {  	[sflag:s28] =	ssyncset.done $0x0  }
0x1f2: {  	s10 =	simm.s32 $0x15580;
	[sflag:s28] =	ssyncadd.s32 $0xFFFFD800  }
0x1f3: {  	[spmem:s3] =	stream.indirect.scatter.add.f32 [tilespmem:s21], [sflag:$0x8], $0x80, s10, s14, $0xb8;
	[tilespmem:$0x1FC00] =	vst v63  }
0x1f4: {  	_ =	swait.ge [sflag:s30], $0x2800  }
0x1f5: {  	[sflag:s30] =	ssyncset.done $0x0  }
0x1f6: {  	s16 =	simm.s32 $0x14E00;
	[sflag:s30] =	ssyncadd.s32 $0xFFFFD800  }
0x1f7: {  	[tilespmem:s15], [sflag:$0x1] =	stream.indirect.gather [hbm4b:s2+s14], $0x80, s16, s14, $0xb8;
	[tilespmem:$0x1FC00] =	vst v63  }
0x1f8: {  	_ =	swait.ge [sflag:s0], $0x2800  }
0x1f9: {  	[sflag:s0] =	ssyncset.done $0x0  }
0x1fa: {  	s20 =	simm.s32 $0x14E80;
	[sflag:s0] =	ssyncadd.s32 $0xFFFFD800  }
0x1fb: {  	[tilespmem:s17], [sflag:$0x2] =	stream.indirect.gather [hbm4b:s2+s14], $0x80, s20, s14, $0xb8;
	[tilespmem:$0x1FC00] =	vst v63  }
0x1fc: {  	_ =	swait.ge [sflag:s5], $0x2800  }
0x1fd: {  	[sflag:s5] =	ssyncset.done $0x0  }
0x1fe: {  	s24 =	simm.s32 $0x14F00;
	[sflag:s5] =	ssyncadd.s32 $0xFFFFD800  }
0x1ff: {  	[tilespmem:s19], [sflag:$0x3] =	stream.indirect.gather [hbm4b:s2+s14], $0x80, s24, s14, $0xb8;
	[tilespmem:$0x1FC00] =	vst v63  }
0x200: {  	_ =	swait.ge [sflag:s18], $0x2800  }
0x201: {  	[sflag:s18] =	ssyncset.done $0x0  }
0x202: {  	s9 =	simm.s32 $0x14F80;
	[sflag:s18] =	ssyncadd.s32 $0xFFFFD800  }
0x203: {  	[tilespmem:s21], [sflag:$0x4] =	stream.indirect.gather [hbm4b:s2+s14], $0x80, s9, s14, $0xb8;
	[tilespmem:$0x1FC00] =	vst v63  }
0x204: {  	_ =	swait.ge [sflag:s22], $0x2800  }
0x205: {  	[sflag:s22] =	ssyncset.done $0x0  }
0x206: {  	s10 =	simm.s32 $0x15600;
	[sflag:s22] =	ssyncadd.s32 $0xFFFFD800  }
0x207: {  	[spmem:s3] =	stream.indirect.scatter.add.f32 [tilespmem:s15], [sflag:$0x5], $0x80, s10, s14, $0xb8;
	[tilespmem:$0x1FC00] =	vst v63  }
0x208: {  	_ =	swait.ge [sflag:s23], $0x2800  }
0x209: {  	[sflag:s23] =	ssyncset.done $0x0  }
0x20a: {  	s16 =	simm.s32 $0x15680;
	[sflag:s23] =	ssyncadd.s32 $0xFFFFD800  }
0x20b: {  	[spmem:s3] =	stream.indirect.scatter.add.f32 [tilespmem:s17], [sflag:$0x6], $0x80, s16, s14, $0xb8;
	[tilespmem:$0x1FC00] =	vst v63  }
0x20c: {  	_ =	swait.ge [sflag:s25], $0x2800  }
0x20d: {  	[sflag:s25] =	ssyncset.done $0x0  }
0x20e: {  	s20 =	simm.s32 $0x15700;
	[sflag:s25] =	ssyncadd.s32 $0xFFFFD800  }
0x20f: {  	[spmem:s3] =	stream.indirect.scatter.add.f32 [tilespmem:s19], [sflag:$0x7], $0x80, s20, s14, $0xb8;
	[tilespmem:$0x1FC00] =	vst v63  }
0x210: {  	_ =	swait.ge [sflag:s28], $0x2800  }
0x211: {  	[sflag:s28] =	ssyncset.done $0x0  }
0x212: {  	s24 =	simm.s32 $0x15780;
	[sflag:s28] =	ssyncadd.s32 $0xFFFFD800  }
0x213: {  	[spmem:s3] =	stream.indirect.scatter.add.f32 [tilespmem:s21], [sflag:$0x8], $0x80, s24, s14, $0xb8;
	[tilespmem:$0x1FC00] =	vst v63  }
0x214: {  	_ =	swait.ge [sflag:s30], $0x2800  }
0x215: {  	[sflag:s30] =	ssyncset.done $0x0  }
0x216: {  	s9 =	simm.s32 $0x15000;
	[sflag:s30] =	ssyncadd.s32 $0xFFFFD800  }
0x217: {  	[tilespmem:s15], [sflag:$0x1] =	stream.indirect.gather [hbm4b:s2+s14], $0x80, s9, s14, $0xb8;
	[tilespmem:$0x1FC00] =	vst v63  }
0x218: {  	_ =	swait.ge [sflag:s0], $0x2800  }
0x219: {  	[sflag:s0] =	ssyncset.done $0x0  }
0x21a: {  	s10 =	simm.s32 $0x15080;
	[sflag:s0] =	ssyncadd.s32 $0xFFFFD800  }
0x21b: {  	[tilespmem:s17], [sflag:$0x2] =	stream.indirect.gather [hbm4b:s2+s14], $0x80, s10, s14, $0xb8;
	[tilespmem:$0x1FC00] =	vst v63  }
0x21c: {  	_ =	swait.ge [sflag:s5], $0x2800  }
0x21d: {  	[sflag:s5] =	ssyncset.done $0x0  }
0x21e: {  	s16 =	simm.s32 $0x15100;
	[sflag:s5] =	ssyncadd.s32 $0xFFFFD800  }
0x21f: {  	[tilespmem:s19], [sflag:$0x3] =	stream.indirect.gather [hbm4b:s2+s14], $0x80, s16, s14, $0xb8;
	[tilespmem:$0x1FC00] =	vst v63  }
0x220: {  	_ =	swait.ge [sflag:s18], $0x2800  }
0x221: {  	[sflag:s18] =	ssyncset.done $0x0  }
0x222: {  	s20 =	simm.s32 $0x15180;
	[sflag:s18] =	ssyncadd.s32 $0xFFFFD800  }
0x223: {  	[tilespmem:s21], [sflag:$0x4] =	stream.indirect.gather [hbm4b:s2+s14], $0x80, s20, s14, $0xb8;
	[tilespmem:$0x1FC00] =	vst v63  }
0x224: {  	_ =	swait.ge [sflag:s22], $0x2800  }
0x225: {  	[sflag:s22] =	ssyncset.done $0x0  }
0x226: {  	s24 =	simm.s32 $0x15800;
	[sflag:s22] =	ssyncadd.s32 $0xFFFFD800  }
0x227: {  	[spmem:s3] =	stream.indirect.scatter.add.f32 [tilespmem:s15], [sflag:$0x5], $0x80, s24, s14, $0xb8;
	[tilespmem:$0x1FC00] =	vst v63  }
0x228: {  	_ =	swait.ge [sflag:s23], $0x2800  }
0x229: {  	[sflag:s23] =	ssyncset.done $0x0  }
0x22a: {  	s9 =	simm.s32 $0x15880;
	[sflag:s23] =	ssyncadd.s32 $0xFFFFD800  }
0x22b: {  	[spmem:s3] =	stream.indirect.scatter.add.f32 [tilespmem:s17], [sflag:$0x6], $0x80, s9, s14, $0xb8;
	[tilespmem:$0x1FC00] =	vst v63  }
0x22c: {  	_ =	swait.ge [sflag:s25], $0x2800  }
0x22d: {  	[sflag:s25] =	ssyncset.done $0x0  }
0x22e: {  	s10 =	simm.s32 $0x15900;
	[sflag:s25] =	ssyncadd.s32 $0xFFFFD800  }
0x22f: {  	[spmem:s3] =	stream.indirect.scatter.add.f32 [tilespmem:s19], [sflag:$0x7], $0x80, s10, s14, $0xb8;
	[tilespmem:$0x1FC00] =	vst v63  }
0x230: {  	_ =	swait.ge [sflag:s28], $0x2800  }
0x231: {  	[sflag:s28] =	ssyncset.done $0x0  }
0x232: {  	s16 =	simm.s32 $0x15980;
	[sflag:s28] =	ssyncadd.s32 $0xFFFFD800  }
0x233: {  	[spmem:s3] =	stream.indirect.scatter.add.f32 [tilespmem:s21], [sflag:$0x8], $0x80, s16, s14, $0xb8;
	[tilespmem:$0x1FC00] =	vst v63  }
0x234: {  	_ =	swait.ge [sflag:s30], $0x2800  }
0x235: {  	[sflag:s30] =	ssyncset.done $0x0  }
0x236: {  	s20 =	simm.s32 $0x15200;
	[sflag:s30] =	ssyncadd.s32 $0xFFFFD800  }
0x237: {  	[tilespmem:s15], [sflag:$0x1] =	stream.indirect.gather [hbm4b:s2+s14], $0x80, s20, s14, $0xb8;
	[tilespmem:$0x1FC00] =	vst v63  }
0x238: {  	_ =	swait.ge [sflag:s0], $0x2800  }
0x239: {  	[sflag:s0] =	ssyncset.done $0x0  }
0x23a: {  	s24 =	simm.s32 $0x15280;
	[sflag:s0] =	ssyncadd.s32 $0xFFFFD800  }
0x23b: {  	[tilespmem:s17], [sflag:$0x2] =	stream.indirect.gather [hbm4b:s2+s14], $0x80, s24, s14, $0xb8;
	[tilespmem:$0x1FC00] =	vst v63  }
0x23c: {  	_ =	swait.ge [sflag:s5], $0x2800  }
0x23d: {  	[sflag:s5] =	ssyncset.done $0x0  }
0x23e: {  	s9 =	simm.s32 $0x15300;
	[sflag:s5] =	ssyncadd.s32 $0xFFFFD800  }
0x23f: {  	[tilespmem:s19], [sflag:$0x3] =	stream.indirect.gather [hbm4b:s2+s14], $0x80, s9, s14, $0xb8;
	[tilespmem:$0x1FC00] =	vst v63  }
0x240: {  	_ =	swait.ge [sflag:s18], $0x2800  }
0x241: {  	[sflag:s18] =	ssyncset.done $0x0  }
0x242: {  	s10 =	simm.s32 $0x15380;
	[sflag:s18] =	ssyncadd.s32 $0xFFFFD800  }
0x243: {  	[tilespmem:s21], [sflag:$0x4] =	stream.indirect.gather [hbm4b:s2+s14], $0x80, s10, s14, $0xb8;
	[tilespmem:$0x1FC00] =	vst v63  }
0x244: {  	_ =	swait.ge [sflag:s22], $0x2800  }
0x245: {  	[sflag:s22] =	ssyncset.done $0x0  }
0x246: {  	s16 =	simm.s32 $0x15A00;
	[sflag:s22] =	ssyncadd.s32 $0xFFFFD800  }
0x247: {  	[spmem:s3] =	stream.indirect.scatter.add.f32 [tilespmem:s15], [sflag:$0x5], $0x80, s16, s14, $0xb8;
	[tilespmem:$0x1FC00] =	vst v63  }
0x248: {  	_ =	swait.ge [sflag:s23], $0x2800  }
0x249: {  	[sflag:s23] =	ssyncset.done $0x0  }
0x24a: {  	s20 =	simm.s32 $0x15A80;
	[sflag:s23] =	ssyncadd.s32 $0xFFFFD800  }
0x24b: {  	[spmem:s3] =	stream.indirect.scatter.add.f32 [tilespmem:s17], [sflag:$0x6], $0x80, s20, s14, $0xb8;
	[tilespmem:$0x1FC00] =	vst v63  }
0x24c: {  	_ =	swait.ge [sflag:s25], $0x2800  }
0x24d: {  	[sflag:s25] =	ssyncset.done $0x0  }
0x24e: {  	s24 =	simm.s32 $0x15B00;
	[sflag:s25] =	ssyncadd.s32 $0xFFFFD800  }
0x24f: {  	[spmem:s3] =	stream.indirect.scatter.add.f32 [tilespmem:s19], [sflag:$0x7], $0x80, s24, s14, $0xb8;
	[tilespmem:$0x1FC00] =	vst v63  }
0x250: {  	_ =	swait.ge [sflag:s28], $0x2800  }
0x251: {  	[sflag:s28] =	ssyncset.done $0x0  }
0x252: {  	s9 =	simm.s32 $0x15B80;
	[sflag:s28] =	ssyncadd.s32 $0xFFFFD800  }
0x253: {  	[spmem:s3] =	stream.indirect.scatter.add.f32 [tilespmem:s21], [sflag:$0x8], $0x80, s9, s14, $0xb8;
	[tilespmem:$0x1FC00] =	vst v63  }
0x254: {  	_ =	swait.ge [sflag:s30], $0x2800  }
0x255: {  	[sflag:s30] =	ssyncset.done $0x0  }
0x256: {  	[sflag:s30] =	ssyncadd.s32 $0xFFFFD800  }
0x257: {  	_ =	swait.ge [sflag:s0], $0x2800  }
0x258: {  	[sflag:s0] =	ssyncset.done $0x0  }
0x259: {  	[sflag:s0] =	ssyncadd.s32 $0xFFFFD800  }
0x25a: {  	_ =	swait.ge [sflag:s5], $0x2800  }
0x25b: {  	[sflag:s5] =	ssyncset.done $0x0  }
0x25c: {  	[sflag:s5] =	ssyncadd.s32 $0xFFFFD800  }
0x25d: {  	_ =	swait.ge [sflag:s18], $0x2800  }
0x25e: {  	[sflag:s18] =	ssyncset.done $0x0  }
0x25f: {  	[sflag:s18] =	ssyncadd.s32 $0xFFFFD800  }
0x260: {  	_ =	swait.ge [sflag:s11], $0x800  }
0x261: {  	[sflag:s11] =	ssyncset.done $0x0  }
0x262: {  	[sflag:s11] =	ssyncadd.s32 $0xFFFFF800  }
0x263: {  	_ =	swait.ge [sflag:s11], $0x800  }
0x264: {  	[sflag:s11] =	ssyncset.done $0x0  }
0x265: {  	s10 =	rddreg [dreg:$0xf];
	[sflag:s11] =	ssyncadd.s32 $0xFFFFF800  }
0x266: {  	[tilespmem:s13], [sflag:$0xA] =	stream.linear.gather [hbm4b:s10+s4], $0x800, $0x38;
	[tilespmem:$0x1FC00] =	vst v63  }
0x267: {  	s16 =	rddreg [dreg:$0x10]  }
0x268: {  	[tilespmem:s1], [sflag:$0xA] =	stream.linear.gather [hbm4b:s16+s4], $0x800, $0x38;
	[tilespmem:$0x1FC00] =	vst v63  }
0x269: {  	_ = 	snop  }
0x26a: {  	[tilespmem:s15], [sflag:$0x1] =	stream.indirect.gather [hbm4b:s2+s14], $0x80, s8, s14, $0xb8;
	[tilespmem:$0x1FC00] =	vst v63  }
0x26b: {  	s24 =	simm.s32 $0x13C80  }
0x26c: {  	[tilespmem:s17], [sflag:$0x2] =	stream.indirect.gather [hbm4b:s2+s14], $0x80, s24, s14, $0xb8;
	[tilespmem:$0x1FC00] =	vst v63  }
0x26d: {  	s7 =	simm.s32 $0x13D00  }
0x26e: {  	[tilespmem:s19], [sflag:$0x3] =	stream.indirect.gather [hbm4b:s2+s14], $0x80, s7, s14, $0xb8;
	[tilespmem:$0x1FC00] =	vst v63  }
0x26f: {  	s29 =	simm.s32 $0x13D80  }
0x270: {  	[tilespmem:s21], [sflag:$0x4] =	stream.indirect.gather [hbm4b:s2+s14], $0x80, s29, s14, $0xb8;
	[tilespmem:$0x1FC00] =	vst v63  }
0x271: {  	_ =	swait.ge [sflag:s22], $0x2800  }
0x272: {  	[sflag:s22] =	ssyncset.done $0x0  }
0x273: {  	[sflag:s22] =	ssyncadd.s32 $0xFFFFD800  }
0x274: {  	[spmem:s3] =	stream.indirect.scatter.add.f32 [tilespmem:s15], [sflag:$0x5], $0x80, s12, s14, $0xb8;
	[tilespmem:$0x1FC00] =	vst v63  }
0x275: {  	_ =	swait.ge [sflag:s23], $0x2800  }
0x276: {  	[sflag:s23] =	ssyncset.done $0x0  }
0x277: {  	s26 =	simm.s32 $0x14480;
	[sflag:s23] =	ssyncadd.s32 $0xFFFFD800  }
0x278: {  	[spmem:s3] =	stream.indirect.scatter.add.f32 [tilespmem:s17], [sflag:$0x6], $0x80, s26, s14, $0xb8;
	[tilespmem:$0x1FC00] =	vst v63  }
0x279: {  	_ =	swait.ge [sflag:s25], $0x2800  }
0x27a: {  	[sflag:s25] =	ssyncset.done $0x0  }
0x27b: {  	s10 =	simm.s32 $0x14500;
	[sflag:s25] =	ssyncadd.s32 $0xFFFFD800  }
0x27c: {  	[spmem:s3] =	stream.indirect.scatter.add.f32 [tilespmem:s19], [sflag:$0x7], $0x80, s10, s14, $0xb8;
	[tilespmem:$0x1FC00] =	vst v63  }
0x27d: {  	_ =	swait.ge [sflag:s28], $0x2800  }
0x27e: {  	[sflag:s28] =	ssyncset.done $0x0  }
0x27f: {  	s16 =	simm.s32 $0x14580;
	[sflag:s28] =	ssyncadd.s32 $0xFFFFD800  }
0x280: {  	[spmem:s3] =	stream.indirect.scatter.add.f32 [tilespmem:s21], [sflag:$0x8], $0x80, s16, s14, $0xb8;
	[tilespmem:$0x1FC00] =	vst v63  }
0x281: {  	_ =	swait.ge [sflag:s30], $0x2800  }
0x282: {  	[sflag:s30] =	ssyncset.done $0x0  }
0x283: {  	s20 =	simm.s32 $0x13E00;
	[sflag:s30] =	ssyncadd.s32 $0xFFFFD800  }
0x284: {  	[tilespmem:s15], [sflag:$0x1] =	stream.indirect.gather [hbm4b:s2+s14], $0x80, s20, s14, $0xb8;
	[tilespmem:$0x1FC00] =	vst v63  }
0x285: {  	_ =	swait.ge [sflag:s0], $0x2800  }
0x286: {  	[sflag:s0] =	ssyncset.done $0x0  }
0x287: {  	s24 =	simm.s32 $0x13E80;
	[sflag:s0] =	ssyncadd.s32 $0xFFFFD800  }
0x288: {  	[tilespmem:s17], [sflag:$0x2] =	stream.indirect.gather [hbm4b:s2+s14], $0x80, s24, s14, $0xb8;
	[tilespmem:$0x1FC00] =	vst v63  }
0x289: {  	_ =	swait.ge [sflag:s5], $0x2800  }
0x28a: {  	[sflag:s5] =	ssyncset.done $0x0  }
0x28b: {  	s26 =	simm.s32 $0x13F00;
	[sflag:s5] =	ssyncadd.s32 $0xFFFFD800  }
0x28c: {  	[tilespmem:s19], [sflag:$0x3] =	stream.indirect.gather [hbm4b:s2+s14], $0x80, s26, s14, $0xb8;
	[tilespmem:$0x1FC00] =	vst v63  }
0x28d: {  	_ =	swait.ge [sflag:s18], $0x2800  }
0x28e: {  	[sflag:s18] =	ssyncset.done $0x0  }
0x28f: {  	s29 =	simm.s32 $0x13F80;
	[sflag:s18] =	ssyncadd.s32 $0xFFFFD800  }
0x290: {  	[tilespmem:s21], [sflag:$0x4] =	stream.indirect.gather [hbm4b:s2+s14], $0x80, s29, s14, $0xb8;
	[tilespmem:$0x1FC00] =	vst v63  }
0x291: {  	_ =	swait.ge [sflag:s22], $0x2800  }
0x292: {  	[sflag:s22] =	ssyncset.done $0x0  }
0x293: {  	s7 =	simm.s32 $0x14600;
	[sflag:s22] =	ssyncadd.s32 $0xFFFFD800  }
0x294: {  	[spmem:s3] =	stream.indirect.scatter.add.f32 [tilespmem:s15], [sflag:$0x5], $0x80, s7, s14, $0xb8;
	[tilespmem:$0x1FC00] =	vst v63  }
0x295: {  	_ =	swait.ge [sflag:s23], $0x2800  }
0x296: {  	[sflag:s23] =	ssyncset.done $0x0  }
0x297: {  	s10 =	simm.s32 $0x14680;
	[sflag:s23] =	ssyncadd.s32 $0xFFFFD800  }
0x298: {  	[spmem:s3] =	stream.indirect.scatter.add.f32 [tilespmem:s17], [sflag:$0x6], $0x80, s10, s14, $0xb8;
	[tilespmem:$0x1FC00] =	vst v63  }
0x299: {  	_ =	swait.ge [sflag:s25], $0x2800  }
0x29a: {  	[sflag:s25] =	ssyncset.done $0x0  }
0x29b: {  	s16 =	simm.s32 $0x14700;
	[sflag:s25] =	ssyncadd.s32 $0xFFFFD800  }
0x29c: {  	[spmem:s3] =	stream.indirect.scatter.add.f32 [tilespmem:s19], [sflag:$0x7], $0x80, s16, s14, $0xb8;
	[tilespmem:$0x1FC00] =	vst v63  }
0x29d: {  	_ =	swait.ge [sflag:s28], $0x2800  }
0x29e: {  	[sflag:s28] =	ssyncset.done $0x0  }
0x29f: {  	s20 =	simm.s32 $0x14780;
	[sflag:s28] =	ssyncadd.s32 $0xFFFFD800  }
0x2a0: {  	[spmem:s3] =	stream.indirect.scatter.add.f32 [tilespmem:s21], [sflag:$0x8], $0x80, s20, s14, $0xb8;
	[tilespmem:$0x1FC00] =	vst v63  }
0x2a1: {  	_ =	swait.ge [sflag:s30], $0x2800  }
0x2a2: {  	[sflag:s30] =	ssyncset.done $0x0  }
0x2a3: {  	s24 =	simm.s32 $0x14000;
	[sflag:s30] =	ssyncadd.s32 $0xFFFFD800  }
0x2a4: {  	[tilespmem:s15], [sflag:$0x1] =	stream.indirect.gather [hbm4b:s2+s14], $0x80, s24, s14, $0xb8;
	[tilespmem:$0x1FC00] =	vst v63  }
0x2a5: {  	_ =	swait.ge [sflag:s0], $0x2800  }
0x2a6: {  	[sflag:s0] =	ssyncset.done $0x0  }
0x2a7: {  	s26 =	simm.s32 $0x14080;
	[sflag:s0] =	ssyncadd.s32 $0xFFFFD800  }
0x2a8: {  	[tilespmem:s17], [sflag:$0x2] =	stream.indirect.gather [hbm4b:s2+s14], $0x80, s26, s14, $0xb8;
	[tilespmem:$0x1FC00] =	vst v63  }
0x2a9: {  	_ =	swait.ge [sflag:s5], $0x2800  }
0x2aa: {  	[sflag:s5] =	ssyncset.done $0x0  }
0x2ab: {  	s29 =	simm.s32 $0x14100;
	[sflag:s5] =	ssyncadd.s32 $0xFFFFD800  }
0x2ac: {  	[tilespmem:s19], [sflag:$0x3] =	stream.indirect.gather [hbm4b:s2+s14], $0x80, s29, s14, $0xb8;
	[tilespmem:$0x1FC00] =	vst v63  }
0x2ad: {  	_ =	swait.ge [sflag:s18], $0x2800  }
0x2ae: {  	[sflag:s18] =	ssyncset.done $0x0  }
0x2af: {  	s7 =	simm.s32 $0x14180;
	[sflag:s18] =	ssyncadd.s32 $0xFFFFD800  }
0x2b0: {  	[tilespmem:s21], [sflag:$0x4] =	stream.indirect.gather [hbm4b:s2+s14], $0x80, s7, s14, $0xb8;
	[tilespmem:$0x1FC00] =	vst v63  }
0x2b1: {  	_ =	swait.ge [sflag:s22], $0x2800  }
0x2b2: {  	[sflag:s22] =	ssyncset.done $0x0  }
0x2b3: {  	s10 =	simm.s32 $0x14800;
	[sflag:s22] =	ssyncadd.s32 $0xFFFFD800  }
0x2b4: {  	[spmem:s3] =	stream.indirect.scatter.add.f32 [tilespmem:s15], [sflag:$0x5], $0x80, s10, s14, $0xb8;
	[tilespmem:$0x1FC00] =	vst v63  }
0x2b5: {  	_ =	swait.ge [sflag:s23], $0x2800  }
0x2b6: {  	[sflag:s23] =	ssyncset.done $0x0  }
0x2b7: {  	s16 =	simm.s32 $0x14880;
	[sflag:s23] =	ssyncadd.s32 $0xFFFFD800  }
0x2b8: {  	[spmem:s3] =	stream.indirect.scatter.add.f32 [tilespmem:s17], [sflag:$0x6], $0x80, s16, s14, $0xb8;
	[tilespmem:$0x1FC00] =	vst v63  }
0x2b9: {  	_ =	swait.ge [sflag:s25], $0x2800  }
0x2ba: {  	[sflag:s25] =	ssyncset.done $0x0  }
0x2bb: {  	s20 =	simm.s32 $0x14900;
	[sflag:s25] =	ssyncadd.s32 $0xFFFFD800  }
0x2bc: {  	[spmem:s3] =	stream.indirect.scatter.add.f32 [tilespmem:s19], [sflag:$0x7], $0x80, s20, s14, $0xb8;
	[tilespmem:$0x1FC00] =	vst v63  }
0x2bd: {  	_ =	swait.ge [sflag:s28], $0x2800  }
0x2be: {  	[sflag:s28] =	ssyncset.done $0x0  }
0x2bf: {  	s24 =	simm.s32 $0x14980;
	[sflag:s28] =	ssyncadd.s32 $0xFFFFD800  }
0x2c0: {  	[spmem:s3] =	stream.indirect.scatter.add.f32 [tilespmem:s21], [sflag:$0x8], $0x80, s24, s14, $0xb8;
	[tilespmem:$0x1FC00] =	vst v63  }
0x2c1: {  	_ =	swait.ge [sflag:s30], $0x2800  }
0x2c2: {  	[sflag:s30] =	ssyncset.done $0x0  }
0x2c3: {  	s26 =	simm.s32 $0x14200;
	[sflag:s30] =	ssyncadd.s32 $0xFFFFD800  }
0x2c4: {  	[tilespmem:s15], [sflag:$0x1] =	stream.indirect.gather [hbm4b:s2+s14], $0x80, s26, s14, $0xb8;
	[tilespmem:$0x1FC00] =	vst v63  }
0x2c5: {  	_ =	swait.ge [sflag:s0], $0x2800  }
0x2c6: {  	[sflag:s0] =	ssyncset.done $0x0  }
0x2c7: {  	s29 =	simm.s32 $0x14280;
	[sflag:s0] =	ssyncadd.s32 $0xFFFFD800  }
0x2c8: {  	[tilespmem:s17], [sflag:$0x2] =	stream.indirect.gather [hbm4b:s2+s14], $0x80, s29, s14, $0xb8;
	[tilespmem:$0x1FC00] =	vst v63  }
0x2c9: {  	_ =	swait.ge [sflag:s5], $0x2800  }
0x2ca: {  	[sflag:s5] =	ssyncset.done $0x0  }
0x2cb: {  	s7 =	simm.s32 $0x14300;
	[sflag:s5] =	ssyncadd.s32 $0xFFFFD800  }
0x2cc: {  	[tilespmem:s19], [sflag:$0x3] =	stream.indirect.gather [hbm4b:s2+s14], $0x80, s7, s14, $0xb8;
	[tilespmem:$0x1FC00] =	vst v63  }
0x2cd: {  	_ =	swait.ge [sflag:s18], $0x2800  }
0x2ce: {  	[sflag:s18] =	ssyncset.done $0x0  }
0x2cf: {  	s10 =	simm.s32 $0x14380;
	[sflag:s18] =	ssyncadd.s32 $0xFFFFD800  }
0x2d0: {  	[tilespmem:s21], [sflag:$0x4] =	stream.indirect.gather [hbm4b:s2+s14], $0x80, s10, s14, $0xb8;
	[tilespmem:$0x1FC00] =	vst v63  }
0x2d1: {  	_ =	swait.ge [sflag:s22], $0x2800  }
0x2d2: {  	[sflag:s22] =	ssyncset.done $0x0  }
0x2d3: {  	s16 =	simm.s32 $0x14A00;
	[sflag:s22] =	ssyncadd.s32 $0xFFFFD800  }
0x2d4: {  	[spmem:s3] =	stream.indirect.scatter.add.f32 [tilespmem:s15], [sflag:$0x5], $0x80, s16, s14, $0xb8;
	[tilespmem:$0x1FC00] =	vst v63  }
0x2d5: {  	_ =	swait.ge [sflag:s23], $0x2800  }
0x2d6: {  	[sflag:s23] =	ssyncset.done $0x0  }
0x2d7: {  	s20 =	simm.s32 $0x14A80;
	[sflag:s23] =	ssyncadd.s32 $0xFFFFD800  }
0x2d8: {  	[spmem:s3] =	stream.indirect.scatter.add.f32 [tilespmem:s17], [sflag:$0x6], $0x80, s20, s14, $0xb8;
	[tilespmem:$0x1FC00] =	vst v63  }
0x2d9: {  	_ =	swait.ge [sflag:s25], $0x2800  }
0x2da: {  	[sflag:s25] =	ssyncset.done $0x0  }
0x2db: {  	s24 =	simm.s32 $0x14B00;
	[sflag:s25] =	ssyncadd.s32 $0xFFFFD800  }
0x2dc: {  	[spmem:s3] =	stream.indirect.scatter.add.f32 [tilespmem:s19], [sflag:$0x7], $0x80, s24, s14, $0xb8;
	[tilespmem:$0x1FC00] =	vst v63  }
0x2dd: {  	_ =	swait.ge [sflag:s28], $0x2800  }
0x2de: {  	[sflag:s28] =	ssyncset.done $0x0  }
0x2df: {  	s26 =	simm.s32 $0x14B80;
	[sflag:s28] =	ssyncadd.s32 $0xFFFFD800  }
0x2e0: {  	[spmem:s3] =	stream.indirect.scatter.add.f32 [tilespmem:s21], [sflag:$0x8], $0x80, s26, s14, $0xb8;
	[tilespmem:$0x1FC00] =	vst v63  }
0x2e1: {  	_ =	swait.ge [sflag:s30], $0x2800  }
0x2e2: {  	[sflag:s30] =	ssyncset.done $0x0  }
0x2e3: {  	[sflag:s30] =	ssyncadd.s32 $0xFFFFD800  }
0x2e4: {  	_ =	swait.ge [sflag:s0], $0x2800  }
0x2e5: {  	[sflag:s0] =	ssyncset.done $0x0  }
0x2e6: {  	[sflag:s0] =	ssyncadd.s32 $0xFFFFD800  }
0x2e7: {  	_ =	swait.ge [sflag:s5], $0x2800  }
0x2e8: {  	[sflag:s5] =	ssyncset.done $0x0  }
0x2e9: {  	[sflag:s5] =	ssyncadd.s32 $0xFFFFD800  }
0x2ea: {  	_ =	swait.ge [sflag:s18], $0x2800  }
0x2eb: {  	[sflag:s18] =	ssyncset.done $0x0  }
0x2ec: {  	[sflag:s18] =	ssyncadd.s32 $0xFFFFD800  }
0x2ed: {  	_ =	swait.ge [sflag:s31], $0x800  }
0x2ee: {  	[sflag:s31] =	ssyncset.done $0x0  }
0x2ef: {  	[sflag:s31] =	ssyncadd.s32 $0xFFFFF800  }
0x2f0: {  	_ =	swait.ge [sflag:s31], $0x800  }
0x2f1: {  	[sflag:s31] =	ssyncset.done $0x0  }
0x2f2: {  	s29 =	rddreg [dreg:$0x11];
	[sflag:s31] =	ssyncadd.s32 $0xFFFFF800  }
0x2f3: {  	[tilespmem:s8], [sflag:$0x9] =	stream.linear.gather [hbm4b:s29+s4], $0x800, $0x38;
	[tilespmem:$0x1FC00] =	vst v63  }
0x2f4: {  	s7 =	rddreg [dreg:$0x12]  }
0x2f5: {  	[tilespmem:s12], [sflag:$0x9] =	stream.linear.gather [hbm4b:s7+s4], $0x800, $0x38;
	[tilespmem:$0x1FC00] =	vst v63  }
0x2f6: {  	_ = 	snop  }
0x2f7: {  	[tilespmem:s15], [sflag:$0x1] =	stream.indirect.gather [hbm4b:s2+s14], $0x80, s13, s14, $0xb8;
	[tilespmem:$0x1FC00] =	vst v63  }
0x2f8: {  	s10 =	simm.s32 $0x14C80  }
0x2f9: {  	[tilespmem:s17], [sflag:$0x2] =	stream.indirect.gather [hbm4b:s2+s14], $0x80, s10, s14, $0xb8;
	[tilespmem:$0x1FC00] =	vst v63  }
0x2fa: {  	s16 =	simm.s32 $0x14D00  }
0x2fb: {  	[tilespmem:s19], [sflag:$0x3] =	stream.indirect.gather [hbm4b:s2+s14], $0x80, s16, s14, $0xb8;
	[tilespmem:$0x1FC00] =	vst v63  }
0x2fc: {  	s20 =	simm.s32 $0x14D80  }
0x2fd: {  	[tilespmem:s21], [sflag:$0x4] =	stream.indirect.gather [hbm4b:s2+s14], $0x80, s20, s14, $0xb8;
	[tilespmem:$0x1FC00] =	vst v63  }
0x2fe: {  	_ =	swait.ge [sflag:s22], $0x2800  }
0x2ff: {  	[sflag:s22] =	ssyncset.done $0x0  }
0x300: {  	[sflag:s22] =	ssyncadd.s32 $0xFFFFD800  }
0x301: {  	[spmem:s3] =	stream.indirect.scatter.add.f32 [tilespmem:s15], [sflag:$0x5], $0x80, s1, s14, $0xb8;
	[tilespmem:$0x1FC00] =	vst v63  }
0x302: {  	_ =	swait.ge [sflag:s23], $0x2800  }
0x303: {  	[sflag:s23] =	ssyncset.done $0x0  }
0x304: {  	s24 =	simm.s32 $0x15480;
	[sflag:s23] =	ssyncadd.s32 $0xFFFFD800  }
0x305: {  	[spmem:s3] =	stream.indirect.scatter.add.f32 [tilespmem:s17], [sflag:$0x6], $0x80, s24, s14, $0xb8;
	[tilespmem:$0x1FC00] =	vst v63  }
0x306: {  	_ =	swait.ge [sflag:s25], $0x2800  }
0x307: {  	[sflag:s25] =	ssyncset.done $0x0  }
0x308: {  	s26 =	simm.s32 $0x15500;
	[sflag:s25] =	ssyncadd.s32 $0xFFFFD800  }
0x309: {  	[spmem:s3] =	stream.indirect.scatter.add.f32 [tilespmem:s19], [sflag:$0x7], $0x80, s26, s14, $0xb8;
	[tilespmem:$0x1FC00] =	vst v63  }
0x30a: {  	_ =	swait.ge [sflag:s28], $0x2800  }
0x30b: {  	[sflag:s28] =	ssyncset.done $0x0  }
0x30c: {  	s29 =	simm.s32 $0x15580;
	[sflag:s28] =	ssyncadd.s32 $0xFFFFD800  }
0x30d: {  	[spmem:s3] =	stream.indirect.scatter.add.f32 [tilespmem:s21], [sflag:$0x8], $0x80, s29, s14, $0xb8;
	[tilespmem:$0x1FC00] =	vst v63  }
0x30e: {  	_ =	swait.ge [sflag:s30], $0x2800  }
0x30f: {  	[sflag:s30] =	ssyncset.done $0x0  }
0x310: {  	s20 =	simm.s32 $0x14E00;
	[sflag:s30] =	ssyncadd.s32 $0xFFFFD800  }
0x311: {  	[tilespmem:s15], [sflag:$0x1] =	stream.indirect.gather [hbm4b:s2+s14], $0x80, s20, s14, $0xb8;
	[tilespmem:$0x1FC00] =	vst v63  }
0x312: {  	_ =	swait.ge [sflag:s0], $0x2800  }
0x313: {  	[sflag:s0] =	ssyncset.done $0x0  }
0x314: {  	s20 =	simm.s32 $0x14E80;
	[sflag:s0] =	ssyncadd.s32 $0xFFFFD800  }
0x315: {  	[tilespmem:s17], [sflag:$0x2] =	stream.indirect.gather [hbm4b:s2+s14], $0x80, s20, s14, $0xb8;
	[tilespmem:$0x1FC00] =	vst v63  }
0x316: {  	_ =	swait.ge [sflag:s5], $0x2800  }
0x317: {  	[sflag:s5] =	ssyncset.done $0x0  }
0x318: {  	s20 =	simm.s32 $0x14F00;
	[sflag:s5] =	ssyncadd.s32 $0xFFFFD800  }
0x319: {  	[tilespmem:s19], [sflag:$0x3] =	stream.indirect.gather [hbm4b:s2+s14], $0x80, s20, s14, $0xb8;
	[tilespmem:$0x1FC00] =	vst v63  }
0x31a: {  	_ =	swait.ge [sflag:s18], $0x2800  }
0x31b: {  	[sflag:s18] =	ssyncset.done $0x0  }
0x31c: {  	s20 =	simm.s32 $0x14F80;
	[sflag:s18] =	ssyncadd.s32 $0xFFFFD800  }
0x31d: {  	[tilespmem:s21], [sflag:$0x4] =	stream.indirect.gather [hbm4b:s2+s14], $0x80, s20, s14, $0xb8;
	[tilespmem:$0x1FC00] =	vst v63  }
0x31e: {  	_ =	swait.ge [sflag:s22], $0x2800  }
0x31f: {  	[sflag:s22] =	ssyncset.done $0x0  }
0x320: {  	s20 =	simm.s32 $0x15600;
	[sflag:s22] =	ssyncadd.s32 $0xFFFFD800  }
0x321: {  	[spmem:s3] =	stream.indirect.scatter.add.f32 [tilespmem:s15], [sflag:$0x5], $0x80, s20, s14, $0xb8;
	[tilespmem:$0x1FC00] =	vst v63  }
0x322: {  	_ =	swait.ge [sflag:s23], $0x2800  }
0x323: {  	[sflag:s23] =	ssyncset.done $0x0  }
0x324: {  	s20 =	simm.s32 $0x15680;
	[sflag:s23] =	ssyncadd.s32 $0xFFFFD800  }
0x325: {  	[spmem:s3] =	stream.indirect.scatter.add.f32 [tilespmem:s17], [sflag:$0x6], $0x80, s20, s14, $0xb8;
	[tilespmem:$0x1FC00] =	vst v63  }
0x326: {  	_ =	swait.ge [sflag:s25], $0x2800  }
0x327: {  	[sflag:s25] =	ssyncset.done $0x0  }
0x328: {  	s20 =	simm.s32 $0x15700;
	[sflag:s25] =	ssyncadd.s32 $0xFFFFD800  }
0x329: {  	[spmem:s3] =	stream.indirect.scatter.add.f32 [tilespmem:s19], [sflag:$0x7], $0x80, s20, s14, $0xb8;
	[tilespmem:$0x1FC00] =	vst v63  }
0x32a: {  	_ =	swait.ge [sflag:s28], $0x2800  }
0x32b: {  	[sflag:s28] =	ssyncset.done $0x0  }
0x32c: {  	s20 =	simm.s32 $0x15780;
	[sflag:s28] =	ssyncadd.s32 $0xFFFFD800  }
0x32d: {  	[spmem:s3] =	stream.indirect.scatter.add.f32 [tilespmem:s21], [sflag:$0x8], $0x80, s20, s14, $0xb8;
	[tilespmem:$0x1FC00] =	vst v63  }
0x32e: {  	_ =	swait.ge [sflag:s30], $0x2800  }
0x32f: {  	[sflag:s30] =	ssyncset.done $0x0  }
0x330: {  	s20 =	simm.s32 $0x15000;
	[sflag:s30] =	ssyncadd.s32 $0xFFFFD800  }
0x331: {  	[tilespmem:s15], [sflag:$0x1] =	stream.indirect.gather [hbm4b:s2+s14], $0x80, s20, s14, $0xb8;
	[tilespmem:$0x1FC00] =	vst v63  }
0x332: {  	_ =	swait.ge [sflag:s0], $0x2800  }
0x333: {  	[sflag:s0] =	ssyncset.done $0x0  }
0x334: {  	s20 =	simm.s32 $0x15080;
	[sflag:s0] =	ssyncadd.s32 $0xFFFFD800  }
0x335: {  	[tilespmem:s17], [sflag:$0x2] =	stream.indirect.gather [hbm4b:s2+s14], $0x80, s20, s14, $0xb8;
	[tilespmem:$0x1FC00] =	vst v63  }
0x336: {  	_ =	swait.ge [sflag:s5], $0x2800  }
0x337: {  	[sflag:s5] =	ssyncset.done $0x0  }
0x338: {  	s20 =	simm.s32 $0x15100;
	[sflag:s5] =	ssyncadd.s32 $0xFFFFD800  }
0x339: {  	[tilespmem:s19], [sflag:$0x3] =	stream.indirect.gather [hbm4b:s2+s14], $0x80, s20, s14, $0xb8;
	[tilespmem:$0x1FC00] =	vst v63  }
0x33a: {  	_ =	swait.ge [sflag:s18], $0x2800  }
0x33b: {  	[sflag:s18] =	ssyncset.done $0x0  }
0x33c: {  	s20 =	simm.s32 $0x15180;
	[sflag:s18] =	ssyncadd.s32 $0xFFFFD800  }
0x33d: {  	[tilespmem:s21], [sflag:$0x4] =	stream.indirect.gather [hbm4b:s2+s14], $0x80, s20, s14, $0xb8;
	[tilespmem:$0x1FC00] =	vst v63  }
0x33e: {  	_ =	swait.ge [sflag:s22], $0x2800  }
0x33f: {  	[sflag:s22] =	ssyncset.done $0x0  }
0x340: {  	s20 =	simm.s32 $0x15800;
	[sflag:s22] =	ssyncadd.s32 $0xFFFFD800  }
0x341: {  	[spmem:s3] =	stream.indirect.scatter.add.f32 [tilespmem:s15], [sflag:$0x5], $0x80, s20, s14, $0xb8;
	[tilespmem:$0x1FC00] =	vst v63  }
0x342: {  	_ =	swait.ge [sflag:s23], $0x2800  }
0x343: {  	[sflag:s23] =	ssyncset.done $0x0  }
0x344: {  	s20 =	simm.s32 $0x15880;
	[sflag:s23] =	ssyncadd.s32 $0xFFFFD800  }
0x345: {  	[spmem:s3] =	stream.indirect.scatter.add.f32 [tilespmem:s17], [sflag:$0x6], $0x80, s20, s14, $0xb8;
	[tilespmem:$0x1FC00] =	vst v63  }
0x346: {  	_ =	swait.ge [sflag:s25], $0x2800  }
0x347: {  	[sflag:s25] =	ssyncset.done $0x0  }
0x348: {  	s20 =	simm.s32 $0x15900;
	[sflag:s25] =	ssyncadd.s32 $0xFFFFD800  }
0x349: {  	[spmem:s3] =	stream.indirect.scatter.add.f32 [tilespmem:s19], [sflag:$0x7], $0x80, s20, s14, $0xb8;
	[tilespmem:$0x1FC00] =	vst v63  }
0x34a: {  	_ =	swait.ge [sflag:s28], $0x2800  }
0x34b: {  	[sflag:s28] =	ssyncset.done $0x0  }
0x34c: {  	s20 =	simm.s32 $0x15980;
	[sflag:s28] =	ssyncadd.s32 $0xFFFFD800  }
0x34d: {  	[spmem:s3] =	stream.indirect.scatter.add.f32 [tilespmem:s21], [sflag:$0x8], $0x80, s20, s14, $0xb8;
	[tilespmem:$0x1FC00] =	vst v63  }
0x34e: {  	_ =	swait.ge [sflag:s30], $0x2800  }
0x34f: {  	[sflag:s30] =	ssyncset.done $0x0  }
0x350: {  	s20 =	simm.s32 $0x15200;
	[sflag:s30] =	ssyncadd.s32 $0xFFFFD800  }
0x351: {  	[tilespmem:s15], [sflag:$0x1] =	stream.indirect.gather [hbm4b:s2+s14], $0x80, s20, s14, $0xb8;
	[tilespmem:$0x1FC00] =	vst v63  }
0x352: {  	_ =	swait.ge [sflag:s0], $0x2800  }
0x353: {  	[sflag:s0] =	ssyncset.done $0x0  }
0x354: {  	s20 =	simm.s32 $0x15280;
	[sflag:s0] =	ssyncadd.s32 $0xFFFFD800  }
0x355: {  	[tilespmem:s17], [sflag:$0x2] =	stream.indirect.gather [hbm4b:s2+s14], $0x80, s20, s14, $0xb8;
	[tilespmem:$0x1FC00] =	vst v63  }
0x356: {  	_ =	swait.ge [sflag:s5], $0x2800  }
0x357: {  	[sflag:s5] =	ssyncset.done $0x0  }
0x358: {  	s20 =	simm.s32 $0x15300;
	[sflag:s5] =	ssyncadd.s32 $0xFFFFD800  }
0x359: {  	[tilespmem:s19], [sflag:$0x3] =	stream.indirect.gather [hbm4b:s2+s14], $0x80, s20, s14, $0xb8;
	[tilespmem:$0x1FC00] =	vst v63  }
0x35a: {  	_ =	swait.ge [sflag:s18], $0x2800  }
0x35b: {  	[sflag:s18] =	ssyncset.done $0x0  }
0x35c: {  	s20 =	simm.s32 $0x15380;
	[sflag:s18] =	ssyncadd.s32 $0xFFFFD800  }
0x35d: {  	[tilespmem:s21], [sflag:$0x4] =	stream.indirect.gather [hbm4b:s2+s14], $0x80, s20, s14, $0xb8;
	[tilespmem:$0x1FC00] =	vst v63  }
0x35e: {  	_ =	swait.ge [sflag:s22], $0x2800  }
0x35f: {  	[sflag:s22] =	ssyncset.done $0x0  }
0x360: {  	s20 =	simm.s32 $0x15A00;
	[sflag:s22] =	ssyncadd.s32 $0xFFFFD800  }
0x361: {  	[spmem:s3] =	stream.indirect.scatter.add.f32 [tilespmem:s15], [sflag:$0x5], $0x80, s20, s14, $0xb8;
	[tilespmem:$0x1FC00] =	vst v63  }
0x362: {  	_ =	swait.ge [sflag:s23], $0x2800  }
0x363: {  	[sflag:s23] =	ssyncset.done $0x0  }
0x364: {  	s20 =	simm.s32 $0x15A80;
	[sflag:s23] =	ssyncadd.s32 $0xFFFFD800  }
0x365: {  	[spmem:s3] =	stream.indirect.scatter.add.f32 [tilespmem:s17], [sflag:$0x6], $0x80, s20, s14, $0xb8;
	[tilespmem:$0x1FC00] =	vst v63  }
0x366: {  	_ =	swait.ge [sflag:s25], $0x2800  }
0x367: {  	[sflag:s25] =	ssyncset.done $0x0  }
0x368: {  	s20 =	simm.s32 $0x15B00;
	[sflag:s25] =	ssyncadd.s32 $0xFFFFD800  }
0x369: {  	[spmem:s3] =	stream.indirect.scatter.add.f32 [tilespmem:s19], [sflag:$0x7], $0x80, s20, s14, $0xb8;
	[tilespmem:$0x1FC00] =	vst v63  }
0x36a: {  	_ =	swait.ge [sflag:s28], $0x2800  }
0x36b: {  	[sflag:s28] =	ssyncset.done $0x0  }
0x36c: {  	s20 =	simm.s32 $0x15B80;
	[sflag:s28] =	ssyncadd.s32 $0xFFFFD800  }
0x36d: {  	[spmem:s3] =	stream.indirect.scatter.add.f32 [tilespmem:s21], [sflag:$0x8], $0x80, s20, s14, $0xb8;
	[tilespmem:$0x1FC00] =	vst v63  }
0x36e: {  	_ =	swait.ge [sflag:s30], $0x2800  }
0x36f: {  	[sflag:s30] =	ssyncset.done $0x0  }
0x370: {  	[sflag:s30] =	ssyncadd.s32 $0xFFFFD800  }
0x371: {  	_ =	swait.ge [sflag:s0], $0x2800  }
0x372: {  	[sflag:s0] =	ssyncset.done $0x0  }
0x373: {  	[sflag:s0] =	ssyncadd.s32 $0xFFFFD800  }
0x374: {  	_ =	swait.ge [sflag:s5], $0x2800  }
0x375: {  	[sflag:s5] =	ssyncset.done $0x0  }
0x376: {  	[sflag:s5] =	ssyncadd.s32 $0xFFFFD800  }
0x377: {  	_ =	swait.ge [sflag:s18], $0x2800  }
0x378: {  	[sflag:s18] =	ssyncset.done $0x0  }
0x379: {  	[sflag:s18] =	ssyncadd.s32 $0xFFFFD800  }
0x37a: {  	_ =	swait.ge [sflag:s11], $0x800  }
0x37b: {  	[sflag:s11] =	ssyncset.done $0x0  }
0x37c: {  	[sflag:s11] =	ssyncadd.s32 $0xFFFFF800  }
0x37d: {  	_ =	swait.ge [sflag:s11], $0x800  }
0x37e: {  	[sflag:s11] =	ssyncset.done $0x0  }
0x37f: {  	s9 =	rddreg [dreg:$0x13];
	[sflag:s11] =	ssyncadd.s32 $0xFFFFF800  }
0x380: {  	[tilespmem:s13], [sflag:$0xA] =	stream.linear.gather [hbm4b:s9+s4], $0x800, $0x38;
	[tilespmem:$0x1FC00] =	vst v63  }
0x381: {  	s20 =	rddreg [dreg:$0x14]  }
0x382: {  	[tilespmem:s1], [sflag:$0xA] =	stream.linear.gather [hbm4b:s20+s4], $0x800, $0x38;
	[tilespmem:$0x1FC00] =	vst v63  }
0x383: {  	_ = 	snop  }
0x384: {  	[tilespmem:s15], [sflag:$0x1] =	stream.indirect.gather [hbm4b:s2+s14], $0x80, s8, s14, $0xb8;
	[tilespmem:$0x1FC00] =	vst v63  }
0x385: {  	s9 =	simm.s32 $0x13C80  }
0x386: {  	[tilespmem:s17], [sflag:$0x2] =	stream.indirect.gather [hbm4b:s2+s14], $0x80, s9, s14, $0xb8;
	[tilespmem:$0x1FC00] =	vst v63  }
0x387: {  	s20 =	simm.s32 $0x13D00  }
0x388: {  	[tilespmem:s19], [sflag:$0x3] =	stream.indirect.gather [hbm4b:s2+s14], $0x80, s20, s14, $0xb8;
	[tilespmem:$0x1FC00] =	vst v63  }
0x389: {  	s9 =	simm.s32 $0x13D80  }
0x38a: {  	[tilespmem:s21], [sflag:$0x4] =	stream.indirect.gather [hbm4b:s2+s14], $0x80, s9, s14, $0xb8;
	[tilespmem:$0x1FC00] =	vst v63  }
0x38b: {  	_ =	swait.ge [sflag:s22], $0x2800  }
0x38c: {  	[sflag:s22] =	ssyncset.done $0x0  }
0x38d: {  	[sflag:s22] =	ssyncadd.s32 $0xFFFFD800  }
0x38e: {  	[spmem:s3] =	stream.indirect.scatter.add.f32 [tilespmem:s15], [sflag:$0x5], $0x80, s12, s14, $0xb8;
	[tilespmem:$0x1FC00] =	vst v63  }
0x38f: {  	_ =	swait.ge [sflag:s23], $0x2800  }
0x390: {  	[sflag:s23] =	ssyncset.done $0x0  }
0x391: {  	s20 =	simm.s32 $0x14480;
	[sflag:s23] =	ssyncadd.s32 $0xFFFFD800  }
0x392: {  	[spmem:s3] =	stream.indirect.scatter.add.f32 [tilespmem:s17], [sflag:$0x6], $0x80, s20, s14, $0xb8;
	[tilespmem:$0x1FC00] =	vst v63  }
0x393: {  	_ =	swait.ge [sflag:s25], $0x2800  }
0x394: {  	[sflag:s25] =	ssyncset.done $0x0  }
0x395: {  	s9 =	simm.s32 $0x14500;
	[sflag:s25] =	ssyncadd.s32 $0xFFFFD800  }
0x396: {  	[spmem:s3] =	stream.indirect.scatter.add.f32 [tilespmem:s19], [sflag:$0x7], $0x80, s9, s14, $0xb8;
	[tilespmem:$0x1FC00] =	vst v63  }
0x397: {  	_ =	swait.ge [sflag:s28], $0x2800  }
0x398: {  	[sflag:s28] =	ssyncset.done $0x0  }
0x399: {  	s20 =	simm.s32 $0x14580;
	[sflag:s28] =	ssyncadd.s32 $0xFFFFD800  }
0x39a: {  	[spmem:s3] =	stream.indirect.scatter.add.f32 [tilespmem:s21], [sflag:$0x8], $0x80, s20, s14, $0xb8;
	[tilespmem:$0x1FC00] =	vst v63  }
0x39b: {  	_ =	swait.ge [sflag:s30], $0x2800  }
0x39c: {  	[sflag:s30] =	ssyncset.done $0x0  }
0x39d: {  	s9 =	simm.s32 $0x13E00;
	[sflag:s30] =	ssyncadd.s32 $0xFFFFD800  }
0x39e: {  	[tilespmem:s15], [sflag:$0x1] =	stream.indirect.gather [hbm4b:s2+s14], $0x80, s9, s14, $0xb8;
	[tilespmem:$0x1FC00] =	vst v63  }
0x39f: {  	_ =	swait.ge [sflag:s0], $0x2800  }
0x3a0: {  	[sflag:s0] =	ssyncset.done $0x0  }
0x3a1: {  	s20 =	simm.s32 $0x13E80;
	[sflag:s0] =	ssyncadd.s32 $0xFFFFD800  }
0x3a2: {  	[tilespmem:s17], [sflag:$0x2] =	stream.indirect.gather [hbm4b:s2+s14], $0x80, s20, s14, $0xb8;
	[tilespmem:$0x1FC00] =	vst v63  }
0x3a3: {  	_ =	swait.ge [sflag:s5], $0x2800  }
0x3a4: {  	[sflag:s5] =	ssyncset.done $0x0  }
0x3a5: {  	s9 =	simm.s32 $0x13F00;
	[sflag:s5] =	ssyncadd.s32 $0xFFFFD800  }
0x3a6: {  	[tilespmem:s19], [sflag:$0x3] =	stream.indirect.gather [hbm4b:s2+s14], $0x80, s9, s14, $0xb8;
	[tilespmem:$0x1FC00] =	vst v63  }
0x3a7: {  	_ =	swait.ge [sflag:s18], $0x2800  }
0x3a8: {  	[sflag:s18] =	ssyncset.done $0x0  }
0x3a9: {  	s20 =	simm.s32 $0x13F80;
	[sflag:s18] =	ssyncadd.s32 $0xFFFFD800  }
0x3aa: {  	[tilespmem:s21], [sflag:$0x4] =	stream.indirect.gather [hbm4b:s2+s14], $0x80, s20, s14, $0xb8;
	[tilespmem:$0x1FC00] =	vst v63  }
0x3ab: {  	_ =	swait.ge [sflag:s22], $0x2800  }
0x3ac: {  	[sflag:s22] =	ssyncset.done $0x0  }
0x3ad: {  	s9 =	simm.s32 $0x14600;
	[sflag:s22] =	ssyncadd.s32 $0xFFFFD800  }
0x3ae: {  	[spmem:s3] =	stream.indirect.scatter.add.f32 [tilespmem:s15], [sflag:$0x5], $0x80, s9, s14, $0xb8;
	[tilespmem:$0x1FC00] =	vst v63  }
0x3af: {  	_ =	swait.ge [sflag:s23], $0x2800  }
0x3b0: {  	[sflag:s23] =	ssyncset.done $0x0  }
0x3b1: {  	s20 =	simm.s32 $0x14680;
	[sflag:s23] =	ssyncadd.s32 $0xFFFFD800  }
0x3b2: {  	[spmem:s3] =	stream.indirect.scatter.add.f32 [tilespmem:s17], [sflag:$0x6], $0x80, s20, s14, $0xb8;
	[tilespmem:$0x1FC00] =	vst v63  }
0x3b3: {  	_ =	swait.ge [sflag:s25], $0x2800  }
0x3b4: {  	[sflag:s25] =	ssyncset.done $0x0  }
0x3b5: {  	s9 =	simm.s32 $0x14700;
	[sflag:s25] =	ssyncadd.s32 $0xFFFFD800  }
0x3b6: {  	[spmem:s3] =	stream.indirect.scatter.add.f32 [tilespmem:s19], [sflag:$0x7], $0x80, s9, s14, $0xb8;
	[tilespmem:$0x1FC00] =	vst v63  }
0x3b7: {  	_ =	swait.ge [sflag:s28], $0x2800  }
0x3b8: {  	[sflag:s28] =	ssyncset.done $0x0  }
0x3b9: {  	s20 =	simm.s32 $0x14780;
	[sflag:s28] =	ssyncadd.s32 $0xFFFFD800  }
0x3ba: {  	[spmem:s3] =	stream.indirect.scatter.add.f32 [tilespmem:s21], [sflag:$0x8], $0x80, s20, s14, $0xb8;
	[tilespmem:$0x1FC00] =	vst v63  }
0x3bb: {  	_ =	swait.ge [sflag:s30], $0x2800  }
0x3bc: {  	[sflag:s30] =	ssyncset.done $0x0  }
0x3bd: {  	s9 =	simm.s32 $0x14000;
	[sflag:s30] =	ssyncadd.s32 $0xFFFFD800  }
0x3be: {  	[tilespmem:s15], [sflag:$0x1] =	stream.indirect.gather [hbm4b:s2+s14], $0x80, s9, s14, $0xb8;
	[tilespmem:$0x1FC00] =	vst v63  }
0x3bf: {  	_ =	swait.ge [sflag:s0], $0x2800  }
0x3c0: {  	[sflag:s0] =	ssyncset.done $0x0  }
0x3c1: {  	s20 =	simm.s32 $0x14080;
	[sflag:s0] =	ssyncadd.s32 $0xFFFFD800  }
0x3c2: {  	[tilespmem:s17], [sflag:$0x2] =	stream.indirect.gather [hbm4b:s2+s14], $0x80, s20, s14, $0xb8;
	[tilespmem:$0x1FC00] =	vst v63  }
0x3c3: {  	_ =	swait.ge [sflag:s5], $0x2800  }
0x3c4: {  	[sflag:s5] =	ssyncset.done $0x0  }
0x3c5: {  	s9 =	simm.s32 $0x14100;
	[sflag:s5] =	ssyncadd.s32 $0xFFFFD800  }
0x3c6: {  	[tilespmem:s19], [sflag:$0x3] =	stream.indirect.gather [hbm4b:s2+s14], $0x80, s9, s14, $0xb8;
	[tilespmem:$0x1FC00] =	vst v63  }
0x3c7: {  	_ =	swait.ge [sflag:s18], $0x2800  }
0x3c8: {  	[sflag:s18] =	ssyncset.done $0x0  }
0x3c9: {  	s20 =	simm.s32 $0x14180;
	[sflag:s18] =	ssyncadd.s32 $0xFFFFD800  }
0x3ca: {  	[tilespmem:s21], [sflag:$0x4] =	stream.indirect.gather [hbm4b:s2+s14], $0x80, s20, s14, $0xb8;
	[tilespmem:$0x1FC00] =	vst v63  }
0x3cb: {  	_ =	swait.ge [sflag:s22], $0x2800  }
0x3cc: {  	[sflag:s22] =	ssyncset.done $0x0  }
0x3cd: {  	s9 =	simm.s32 $0x14800;
	[sflag:s22] =	ssyncadd.s32 $0xFFFFD800  }
0x3ce: {  	[spmem:s3] =	stream.indirect.scatter.add.f32 [tilespmem:s15], [sflag:$0x5], $0x80, s9, s14, $0xb8;
	[tilespmem:$0x1FC00] =	vst v63  }
0x3cf: {  	_ =	swait.ge [sflag:s23], $0x2800  }
0x3d0: {  	[sflag:s23] =	ssyncset.done $0x0  }
0x3d1: {  	s20 =	simm.s32 $0x14880;
	[sflag:s23] =	ssyncadd.s32 $0xFFFFD800  }
0x3d2: {  	[spmem:s3] =	stream.indirect.scatter.add.f32 [tilespmem:s17], [sflag:$0x6], $0x80, s20, s14, $0xb8;
	[tilespmem:$0x1FC00] =	vst v63  }
0x3d3: {  	_ =	swait.ge [sflag:s25], $0x2800  }
0x3d4: {  	[sflag:s25] =	ssyncset.done $0x0  }
0x3d5: {  	s9 =	simm.s32 $0x14900;
	[sflag:s25] =	ssyncadd.s32 $0xFFFFD800  }
0x3d6: {  	[spmem:s3] =	stream.indirect.scatter.add.f32 [tilespmem:s19], [sflag:$0x7], $0x80, s9, s14, $0xb8;
	[tilespmem:$0x1FC00] =	vst v63  }
0x3d7: {  	_ =	swait.ge [sflag:s28], $0x2800  }
0x3d8: {  	[sflag:s28] =	ssyncset.done $0x0  }
0x3d9: {  	s20 =	simm.s32 $0x14980;
	[sflag:s28] =	ssyncadd.s32 $0xFFFFD800  }
0x3da: {  	[spmem:s3] =	stream.indirect.scatter.add.f32 [tilespmem:s21], [sflag:$0x8], $0x80, s20, s14, $0xb8;
	[tilespmem:$0x1FC00] =	vst v63  }
0x3db: {  	_ =	swait.ge [sflag:s30], $0x2800  }
0x3dc: {  	[sflag:s30] =	ssyncset.done $0x0  }
0x3dd: {  	s9 =	simm.s32 $0x14200;
	[sflag:s30] =	ssyncadd.s32 $0xFFFFD800  }
0x3de: {  	[tilespmem:s15], [sflag:$0x1] =	stream.indirect.gather [hbm4b:s2+s14], $0x80, s9, s14, $0xb8;
	[tilespmem:$0x1FC00] =	vst v63  }
0x3df: {  	_ =	swait.ge [sflag:s0], $0x2800  }
0x3e0: {  	[sflag:s0] =	ssyncset.done $0x0  }
0x3e1: {  	s20 =	simm.s32 $0x14280;
	[sflag:s0] =	ssyncadd.s32 $0xFFFFD800  }
0x3e2: {  	[tilespmem:s17], [sflag:$0x2] =	stream.indirect.gather [hbm4b:s2+s14], $0x80, s20, s14, $0xb8;
	[tilespmem:$0x1FC00] =	vst v63  }
0x3e3: {  	_ =	swait.ge [sflag:s5], $0x2800  }
0x3e4: {  	[sflag:s5] =	ssyncset.done $0x0  }
0x3e5: {  	s9 =	simm.s32 $0x14300;
	[sflag:s5] =	ssyncadd.s32 $0xFFFFD800  }
0x3e6: {  	[tilespmem:s19], [sflag:$0x3] =	stream.indirect.gather [hbm4b:s2+s14], $0x80, s9, s14, $0xb8;
	[tilespmem:$0x1FC00] =	vst v63  }
0x3e7: {  	_ =	swait.ge [sflag:s18], $0x2800  }
0x3e8: {  	[sflag:s18] =	ssyncset.done $0x0  }
0x3e9: {  	s20 =	simm.s32 $0x14380;
	[sflag:s18] =	ssyncadd.s32 $0xFFFFD800  }
0x3ea: {  	[tilespmem:s21], [sflag:$0x4] =	stream.indirect.gather [hbm4b:s2+s14], $0x80, s20, s14, $0xb8;
	[tilespmem:$0x1FC00] =	vst v63  }
0x3eb: {  	_ =	swait.ge [sflag:s22], $0x2800  }
0x3ec: {  	[sflag:s22] =	ssyncset.done $0x0  }
0x3ed: {  	s9 =	simm.s32 $0x14A00;
	[sflag:s22] =	ssyncadd.s32 $0xFFFFD800  }
0x3ee: {  	[spmem:s3] =	stream.indirect.scatter.add.f32 [tilespmem:s15], [sflag:$0x5], $0x80, s9, s14, $0xb8;
	[tilespmem:$0x1FC00] =	vst v63  }
0x3ef: {  	_ =	swait.ge [sflag:s23], $0x2800  }
0x3f0: {  	[sflag:s23] =	ssyncset.done $0x0  }
0x3f1: {  	s20 =	simm.s32 $0x14A80;
	[sflag:s23] =	ssyncadd.s32 $0xFFFFD800  }
0x3f2: {  	[spmem:s3] =	stream.indirect.scatter.add.f32 [tilespmem:s17], [sflag:$0x6], $0x80, s20, s14, $0xb8;
	[tilespmem:$0x1FC00] =	vst v63  }
0x3f3: {  	_ =	swait.ge [sflag:s25], $0x2800  }
0x3f4: {  	[sflag:s25] =	ssyncset.done $0x0  }
0x3f5: {  	s9 =	simm.s32 $0x14B00;
	[sflag:s25] =	ssyncadd.s32 $0xFFFFD800  }
0x3f6: {  	[spmem:s3] =	stream.indirect.scatter.add.f32 [tilespmem:s19], [sflag:$0x7], $0x80, s9, s14, $0xb8;
	[tilespmem:$0x1FC00] =	vst v63  }
0x3f7: {  	_ =	swait.ge [sflag:s28], $0x2800  }
0x3f8: {  	[sflag:s28] =	ssyncset.done $0x0  }
0x3f9: {  	s20 =	simm.s32 $0x14B80;
	[sflag:s28] =	ssyncadd.s32 $0xFFFFD800  }
0x3fa: {  	[spmem:s3] =	stream.indirect.scatter.add.f32 [tilespmem:s21], [sflag:$0x8], $0x80, s20, s14, $0xb8;
	[tilespmem:$0x1FC00] =	vst v63  }
0x3fb: {  	_ =	swait.ge [sflag:s30], $0x2800  }
0x3fc: {  	[sflag:s30] =	ssyncset.done $0x0  }
0x3fd: {  	[sflag:s30] =	ssyncadd.s32 $0xFFFFD800  }
0x3fe: {  	_ =	swait.ge [sflag:s0], $0x2800  }
0x3ff: {  	[sflag:s0] =	ssyncset.done $0x0  }
0x400: {  	[sflag:s0] =	ssyncadd.s32 $0xFFFFD800  }
0x401: {  	_ =	swait.ge [sflag:s5], $0x2800  }
0x402: {  	[sflag:s5] =	ssyncset.done $0x0  }
0x403: {  	[sflag:s5] =	ssyncadd.s32 $0xFFFFD800  }
0x404: {  	_ =	swait.ge [sflag:s18], $0x2800  }
0x405: {  	[sflag:s18] =	ssyncset.done $0x0  }
0x406: {  	[sflag:s18] =	ssyncadd.s32 $0xFFFFD800  }
0x407: {  	_ =	swait.ge [sflag:s31], $0x800  }
0x408: {  	[sflag:s31] =	ssyncset.done $0x0  }
0x409: {  	[sflag:s31] =	ssyncadd.s32 $0xFFFFF800  }
0x40a: {  	_ =	swait.ge [sflag:s31], $0x800  }
0x40b: {  	[sflag:s31] =	ssyncset.done $0x0  }
0x40c: {  	[sflag:s31] =	ssyncadd.s32 $0xFFFFF800  }
0x40d: {  	[tilespmem:s15], [sflag:$0x1] =	stream.indirect.gather [hbm4b:s2+s14], $0x80, s13, s14, $0xb8;
	[tilespmem:$0x1FC00] =	vst v63  }
0x40e: {  	s7 =	simm.s32 $0x14C80  }
0x40f: {  	[tilespmem:s17], [sflag:$0x2] =	stream.indirect.gather [hbm4b:s2+s14], $0x80, s7, s14, $0xb8;
	[tilespmem:$0x1FC00] =	vst v63  }
0x410: {  	s10 =	simm.s32 $0x14D00  }
0x411: {  	[tilespmem:s19], [sflag:$0x3] =	stream.indirect.gather [hbm4b:s2+s14], $0x80, s10, s14, $0xb8;
	[tilespmem:$0x1FC00] =	vst v63  }
0x412: {  	s16 =	simm.s32 $0x14D80  }
0x413: {  	[tilespmem:s21], [sflag:$0x4] =	stream.indirect.gather [hbm4b:s2+s14], $0x80, s16, s14, $0xb8;
	[tilespmem:$0x1FC00] =	vst v63  }
0x414: {  	_ =	swait.ge [sflag:s22], $0x2800  }
0x415: {  	[sflag:s22] =	ssyncset.done $0x0  }
0x416: {  	[sflag:s22] =	ssyncadd.s32 $0xFFFFD800  }
0x417: {  	[spmem:s3] =	stream.indirect.scatter.add.f32 [tilespmem:s15], [sflag:$0x5], $0x80, s1, s14, $0xb8;
	[tilespmem:$0x1FC00] =	vst v63  }
0x418: {  	_ =	swait.ge [sflag:s23], $0x2800  }
0x419: {  	[sflag:s23] =	ssyncset.done $0x0  }
0x41a: {  	s24 =	simm.s32 $0x15480;
	[sflag:s23] =	ssyncadd.s32 $0xFFFFD800  }
0x41b: {  	[spmem:s3] =	stream.indirect.scatter.add.f32 [tilespmem:s17], [sflag:$0x6], $0x80, s24, s14, $0xb8;
	[tilespmem:$0x1FC00] =	vst v63  }
0x41c: {  	_ =	swait.ge [sflag:s25], $0x2800  }
0x41d: {  	[sflag:s25] =	ssyncset.done $0x0  }
0x41e: {  	s26 =	simm.s32 $0x15500;
	[sflag:s25] =	ssyncadd.s32 $0xFFFFD800  }
0x41f: {  	[spmem:s3] =	stream.indirect.scatter.add.f32 [tilespmem:s19], [sflag:$0x7], $0x80, s26, s14, $0xb8;
	[tilespmem:$0x1FC00] =	vst v63  }
0x420: {  	_ =	swait.ge [sflag:s28], $0x2800  }
0x421: {  	[sflag:s28] =	ssyncset.done $0x0  }
0x422: {  	s29 =	simm.s32 $0x15580;
	[sflag:s28] =	ssyncadd.s32 $0xFFFFD800  }
0x423: {  	[spmem:s3] =	stream.indirect.scatter.add.f32 [tilespmem:s21], [sflag:$0x8], $0x80, s29, s14, $0xb8;
	[tilespmem:$0x1FC00] =	vst v63  }
0x424: {  	_ =	swait.ge [sflag:s30], $0x2800  }
0x425: {  	[sflag:s30] =	ssyncset.done $0x0  }
0x426: {  	s8 =	simm.s32 $0x14E00;
	[sflag:s30] =	ssyncadd.s32 $0xFFFFD800  }
0x427: {  	[tilespmem:s15], [sflag:$0x1] =	stream.indirect.gather [hbm4b:s2+s14], $0x80, s8, s14, $0xb8;
	[tilespmem:$0x1FC00] =	vst v63  }
0x428: {  	_ =	swait.ge [sflag:s0], $0x2800  }
0x429: {  	[sflag:s0] =	ssyncset.done $0x0  }
0x42a: {  	s9 =	simm.s32 $0x14E80;
	[sflag:s0] =	ssyncadd.s32 $0xFFFFD800  }
0x42b: {  	[tilespmem:s17], [sflag:$0x2] =	stream.indirect.gather [hbm4b:s2+s14], $0x80, s9, s14, $0xb8;
	[tilespmem:$0x1FC00] =	vst v63  }
0x42c: {  	_ =	swait.ge [sflag:s5], $0x2800  }
0x42d: {  	[sflag:s5] =	ssyncset.done $0x0  }
0x42e: {  	s10 =	simm.s32 $0x14F00;
	[sflag:s5] =	ssyncadd.s32 $0xFFFFD800  }
0x42f: {  	[tilespmem:s19], [sflag:$0x3] =	stream.indirect.gather [hbm4b:s2+s14], $0x80, s10, s14, $0xb8;
	[tilespmem:$0x1FC00] =	vst v63  }
0x430: {  	_ =	swait.ge [sflag:s18], $0x2800  }
0x431: {  	[sflag:s18] =	ssyncset.done $0x0  }
0x432: {  	s16 =	simm.s32 $0x14F80;
	[sflag:s18] =	ssyncadd.s32 $0xFFFFD800  }
0x433: {  	[tilespmem:s21], [sflag:$0x4] =	stream.indirect.gather [hbm4b:s2+s14], $0x80, s16, s14, $0xb8;
	[tilespmem:$0x1FC00] =	vst v63  }
0x434: {  	_ =	swait.ge [sflag:s22], $0x2800  }
0x435: {  	[sflag:s22] =	ssyncset.done $0x0  }
0x436: {  	s20 =	simm.s32 $0x15600;
	[sflag:s22] =	ssyncadd.s32 $0xFFFFD800  }
0x437: {  	[spmem:s3] =	stream.indirect.scatter.add.f32 [tilespmem:s15], [sflag:$0x5], $0x80, s20, s14, $0xb8;
	[tilespmem:$0x1FC00] =	vst v63  }
0x438: {  	_ =	swait.ge [sflag:s23], $0x2800  }
0x439: {  	[sflag:s23] =	ssyncset.done $0x0  }
0x43a: {  	s24 =	simm.s32 $0x15680;
	[sflag:s23] =	ssyncadd.s32 $0xFFFFD800  }
0x43b: {  	[spmem:s3] =	stream.indirect.scatter.add.f32 [tilespmem:s17], [sflag:$0x6], $0x80, s24, s14, $0xb8;
	[tilespmem:$0x1FC00] =	vst v63  }
0x43c: {  	_ =	swait.ge [sflag:s25], $0x2800  }
0x43d: {  	[sflag:s25] =	ssyncset.done $0x0  }
0x43e: {  	s26 =	simm.s32 $0x15700;
	[sflag:s25] =	ssyncadd.s32 $0xFFFFD800  }
0x43f: {  	[spmem:s3] =	stream.indirect.scatter.add.f32 [tilespmem:s19], [sflag:$0x7], $0x80, s26, s14, $0xb8;
	[tilespmem:$0x1FC00] =	vst v63  }
0x440: {  	_ =	swait.ge [sflag:s28], $0x2800  }
0x441: {  	[sflag:s28] =	ssyncset.done $0x0  }
0x442: {  	s29 =	simm.s32 $0x15780;
	[sflag:s28] =	ssyncadd.s32 $0xFFFFD800  }
0x443: {  	[spmem:s3] =	stream.indirect.scatter.add.f32 [tilespmem:s21], [sflag:$0x8], $0x80, s29, s14, $0xb8;
	[tilespmem:$0x1FC00] =	vst v63  }
0x444: {  	_ =	swait.ge [sflag:s30], $0x2800  }
0x445: {  	[sflag:s30] =	ssyncset.done $0x0  }
0x446: {  	s7 =	simm.s32 $0x15000;
	[sflag:s30] =	ssyncadd.s32 $0xFFFFD800  }
0x447: {  	[tilespmem:s15], [sflag:$0x1] =	stream.indirect.gather [hbm4b:s2+s14], $0x80, s7, s14, $0xb8;
	[tilespmem:$0x1FC00] =	vst v63  }
0x448: {  	_ =	swait.ge [sflag:s0], $0x2800  }
0x449: {  	[sflag:s0] =	ssyncset.done $0x0  }
0x44a: {  	s8 =	simm.s32 $0x15080;
	[sflag:s0] =	ssyncadd.s32 $0xFFFFD800  }
0x44b: {  	[tilespmem:s17], [sflag:$0x2] =	stream.indirect.gather [hbm4b:s2+s14], $0x80, s8, s14, $0xb8;
	[tilespmem:$0x1FC00] =	vst v63  }
0x44c: {  	_ =	swait.ge [sflag:s5], $0x2800  }
0x44d: {  	[sflag:s5] =	ssyncset.done $0x0  }
0x44e: {  	s9 =	simm.s32 $0x15100;
	[sflag:s5] =	ssyncadd.s32 $0xFFFFD800  }
0x44f: {  	[tilespmem:s19], [sflag:$0x3] =	stream.indirect.gather [hbm4b:s2+s14], $0x80, s9, s14, $0xb8;
	[tilespmem:$0x1FC00] =	vst v63  }
0x450: {  	_ =	swait.ge [sflag:s18], $0x2800  }
0x451: {  	[sflag:s18] =	ssyncset.done $0x0  }
0x452: {  	s10 =	simm.s32 $0x15180;
	[sflag:s18] =	ssyncadd.s32 $0xFFFFD800  }
0x453: {  	[tilespmem:s21], [sflag:$0x4] =	stream.indirect.gather [hbm4b:s2+s14], $0x80, s10, s14, $0xb8;
	[tilespmem:$0x1FC00] =	vst v63  }
0x454: {  	_ =	swait.ge [sflag:s22], $0x2800  }
0x455: {  	[sflag:s22] =	ssyncset.done $0x0  }
0x456: {  	s16 =	simm.s32 $0x15800;
	[sflag:s22] =	ssyncadd.s32 $0xFFFFD800  }
0x457: {  	[spmem:s3] =	stream.indirect.scatter.add.f32 [tilespmem:s15], [sflag:$0x5], $0x80, s16, s14, $0xb8;
	[tilespmem:$0x1FC00] =	vst v63  }
0x458: {  	_ =	swait.ge [sflag:s23], $0x2800  }
0x459: {  	[sflag:s23] =	ssyncset.done $0x0  }
0x45a: {  	s20 =	simm.s32 $0x15880;
	[sflag:s23] =	ssyncadd.s32 $0xFFFFD800  }
0x45b: {  	[spmem:s3] =	stream.indirect.scatter.add.f32 [tilespmem:s17], [sflag:$0x6], $0x80, s20, s14, $0xb8;
	[tilespmem:$0x1FC00] =	vst v63  }
0x45c: {  	_ =	swait.ge [sflag:s25], $0x2800  }
0x45d: {  	[sflag:s25] =	ssyncset.done $0x0  }
0x45e: {  	s24 =	simm.s32 $0x15900;
	[sflag:s25] =	ssyncadd.s32 $0xFFFFD800  }
0x45f: {  	[spmem:s3] =	stream.indirect.scatter.add.f32 [tilespmem:s19], [sflag:$0x7], $0x80, s24, s14, $0xb8;
	[tilespmem:$0x1FC00] =	vst v63  }
0x460: {  	_ =	swait.ge [sflag:s28], $0x2800  }
0x461: {  	[sflag:s28] =	ssyncset.done $0x0  }
0x462: {  	s26 =	simm.s32 $0x15980;
	[sflag:s28] =	ssyncadd.s32 $0xFFFFD800  }
0x463: {  	[spmem:s3] =	stream.indirect.scatter.add.f32 [tilespmem:s21], [sflag:$0x8], $0x80, s26, s14, $0xb8;
	[tilespmem:$0x1FC00] =	vst v63  }
0x464: {  	_ =	swait.ge [sflag:s30], $0x2800  }
0x465: {  	[sflag:s30] =	ssyncset.done $0x0  }
0x466: {  	s29 =	simm.s32 $0x15200;
	[sflag:s30] =	ssyncadd.s32 $0xFFFFD800  }
0x467: {  	[tilespmem:s15], [sflag:$0x1] =	stream.indirect.gather [hbm4b:s2+s14], $0x80, s29, s14, $0xb8;
	[tilespmem:$0x1FC00] =	vst v63  }
0x468: {  	_ =	swait.ge [sflag:s0], $0x2800  }
0x469: {  	[sflag:s0] =	ssyncset.done $0x0  }
0x46a: {  	s7 =	simm.s32 $0x15280;
	[sflag:s0] =	ssyncadd.s32 $0xFFFFD800  }
0x46b: {  	[tilespmem:s17], [sflag:$0x2] =	stream.indirect.gather [hbm4b:s2+s14], $0x80, s7, s14, $0xb8;
	[tilespmem:$0x1FC00] =	vst v63  }
0x46c: {  	_ =	swait.ge [sflag:s5], $0x2800  }
0x46d: {  	[sflag:s5] =	ssyncset.done $0x0  }
0x46e: {  	s8 =	simm.s32 $0x15300;
	[sflag:s5] =	ssyncadd.s32 $0xFFFFD800  }
0x46f: {  	[tilespmem:s19], [sflag:$0x3] =	stream.indirect.gather [hbm4b:s2+s14], $0x80, s8, s14, $0xb8;
	[tilespmem:$0x1FC00] =	vst v63  }
0x470: {  	_ =	swait.ge [sflag:s18], $0x2800  }
0x471: {  	[sflag:s18] =	ssyncset.done $0x0  }
0x472: {  	s9 =	simm.s32 $0x15380;
	[sflag:s18] =	ssyncadd.s32 $0xFFFFD800  }
0x473: {  	[tilespmem:s21], [sflag:$0x4] =	stream.indirect.gather [hbm4b:s2+s14], $0x80, s9, s14, $0xb8;
	[tilespmem:$0x1FC00] =	vst v63  }
0x474: {  	_ =	swait.ge [sflag:s22], $0x2800  }
0x475: {  	[sflag:s22] =	ssyncset.done $0x0  }
0x476: {  	s10 =	simm.s32 $0x15A00;
	[sflag:s22] =	ssyncadd.s32 $0xFFFFD800  }
0x477: {  	[spmem:s3] =	stream.indirect.scatter.add.f32 [tilespmem:s15], [sflag:$0x5], $0x80, s10, s14, $0xb8;
	[tilespmem:$0x1FC00] =	vst v63  }
0x478: {  	_ =	swait.ge [sflag:s23], $0x2800  }
0x479: {  	[sflag:s23] =	ssyncset.done $0x0  }
0x47a: {  	s16 =	simm.s32 $0x15A80;
	[sflag:s23] =	ssyncadd.s32 $0xFFFFD800  }
0x47b: {  	[spmem:s3] =	stream.indirect.scatter.add.f32 [tilespmem:s17], [sflag:$0x6], $0x80, s16, s14, $0xb8;
	[tilespmem:$0x1FC00] =	vst v63  }
0x47c: {  	_ =	swait.ge [sflag:s25], $0x2800  }
0x47d: {  	[sflag:s25] =	ssyncset.done $0x0  }
0x47e: {  	s20 =	simm.s32 $0x15B00;
	[sflag:s25] =	ssyncadd.s32 $0xFFFFD800  }
0x47f: {  	[spmem:s3] =	stream.indirect.scatter.add.f32 [tilespmem:s19], [sflag:$0x7], $0x80, s20, s14, $0xb8;
	[tilespmem:$0x1FC00] =	vst v63  }
0x480: {  	_ =	swait.ge [sflag:s28], $0x2800  }
0x481: {  	[sflag:s28] =	ssyncset.done $0x0  }
0x482: {  	s24 =	simm.s32 $0x15B80;
	[sflag:s28] =	ssyncadd.s32 $0xFFFFD800  }
0x483: {  	[spmem:s3] =	stream.indirect.scatter.add.f32 [tilespmem:s21], [sflag:$0x8], $0x80, s24, s14, $0xb8;
	[tilespmem:$0x1FC00] =	vst v63  }
0x484: {  	_ =	swait.ge [sflag:s30], $0x2800  }
0x485: {  	[sflag:s30] =	ssyncset.done $0x0  }
0x486: {  	[sflag:s30] =	ssyncadd.s32 $0xFFFFD800  }
0x487: {  	_ =	swait.ge [sflag:s0], $0x2800  }
0x488: {  	[sflag:s0] =	ssyncset.done $0x0  }
0x489: {  	[sflag:s0] =	ssyncadd.s32 $0xFFFFD800  }
0x48a: {  	_ =	swait.ge [sflag:s5], $0x2800  }
0x48b: {  	[sflag:s5] =	ssyncset.done $0x0  }
0x48c: {  	[sflag:s5] =	ssyncadd.s32 $0xFFFFD800  }
0x48d: {  	_ =	swait.ge [sflag:s18], $0x2800  }
0x48e: {  	[sflag:s18] =	ssyncset.done $0x0  }
0x48f: {  	[sflag:s18] =	ssyncadd.s32 $0xFFFFD800  }
0x490: {  	[bflag:$0x0] =	sbarrier.arrive $0xFFFF  }
0x491: {  	s26 =	rddreg [dreg:$0x15]  }
0x492: {  	s29 =	rddreg [dreg:$0x16]  }
0x493: {  	s1 =	rddreg [dreg:$0x17]  }
0x494: {  	s7 =	rddreg [dreg:$0x18]  }
0x495: {  	p0 =	sne.s32 s6, $0x1;
	s8 =	rddreg [dreg:$0x19]  }
0x496: {  	[hbm:s26@s29], [sflag:s7] =	dma.strided [spmem:s8@s1], $0x2780, s18, $0x10   }
.Ltmp0:
0x497: {  	_ = 	snop;
	(pc) =	sbr.rel @p0 .LBB2_1-.Ltmp0, $4  }
0x498: {  	s26 =	simm.s32 $0xB  }
0x499: {  	_ =	swait.ge [sflag:s26], $0x2780  }
0x49a: {  	s29 =	simm.s32 $0xB;
	[sflag:s26] =	ssyncset.done $0x0  }
0x49b: {  	s6 =	sadd.s32 $0xFFFFFFFF, s6;
	[sflag:s29] =	ssyncadd.s32 $0xFFFFD880  }
0x49c: {  	_ =	sfence.sel $0x180000  }
0x49d: {  	[bflag:$0x0] =	sbarrier.arrive $0xFFFF  }
0x49e: {  	_ =	strace $0x9000004A  }
0x49f: {  	s0 =	stileid.u32;
	[bflag:$0x2] =	sbarrier.arrive $0xFFFF  }
0x4a0: {  	p0 =	sne.s32 s0, $0x0;
	s0 =	rddreg [dreg:$0x3]  }
0x4a1: {  	s0 =	sadd.s32 @!p0 $0x100000, s0  }
0x4a2: {  	[sflag:s0] =	ssyncadd.tile.s32 @!p0 $0x1;
	_ =	shalt  }
.Lfunc_end2:
_tile_overlayer_lowered:
.L_overlay_start_2:
0x4a3: {  	(tag) =	ssettag $0x2  }
0x4a4: {  	s0 =	rddreg [dreg:$0x0];
	s2 =	stileid.u32  }
0x4a5: {  	s1 =	rddreg [dreg:$0x1];
	p0 =	sne.s32 s2, $0x0  }
0x4a6: {  	s3 =	rddreg [dreg:$0x2];
	[bflag:$0x3] =	sbarrier.arrive $0xFFFF;
	s2 =	simm.s32 @!p0 $0x1C0B  }
0x4a7: {  	[timem:s3], [sflag:s2] =	dma.local @!p0 [hbm:s0], s1  }
0x4a8: {  	s0 =	simm.s32 @!p0 $0xB  }
0x4a9: {  	_ =	swait.ge @!p0 [sflag:s0], s1  }
0x4aa: {  	s1 =	ssub.s32 @!p0 $0x0, s1;
	[sflag:s0] =	ssyncset.done @!p0 $0x0  }
0x4ab: {  	[sflag:s0] =	ssyncadd.s32 @!p0 s1  }
0x4ac: {  	[bflag:$0x3] =	sbarrier.arrive $0xFFFF  }
0x4ad: {  	_ =	shalt  }

// kernel: kernel.7.cloned.1.call-start
scs
__scs_entry_jumppad:
0x0: {  	(pc) =	sbr.rel $0x88, $3  }
0x1: {  	(tag) =	ssettag $0x0;
	lr =	simm.s32 $0x1  }
0x2: {  	[smem:$0x3F9D] =	sst lr;
	_ =	strace $0xD0000000  }
0x3: {  	_ = 	snop  }
0x4: {  	_ = 	snop  }
0x5: {  	_ = 	snop  }
0x6: {  	_ = 	snop  }
0x7: {  	_ = 	snop  }
__scs_overlays_trampoline_lowered:
0x8: {  	[smem:$0x3FAC] =	sst s0  }
0x9: {  	[smem:$0x3FAD] =	sst s1  }
0xa: {  	[smem:$0x3FAE] =	sst s2  }
0xb: {  	[smem:$0x3FAF] =	sst s3  }
0xc: {  	[smem:$0x3FB0] =	sst s4  }
0xd: {  	[smem:$0x3FB1] =	sst s5  }
0xe: {  	[smem:$0x3FB2] =	sst s6  }
0xf: {  	[smem:$0x3FB3] =	sst s7  }
0x10: {  	[smem:$0x3FB4] =	sst s8  }
0x11: {  	[smem:$0x3FB5] =	sst s9;
	s0 =	simm.s32 @!p0 $0x0  }
0x12: {  	s1 =	sld [smem:$0x3F9B];
	s0 =	simm.s32 @p0 $0x1  }
0x13: {  	[smem:$0x3FB6] =	sst s0;
	s0 =	simm.s32 @!p1 $0x0  }
0x14: {  	s2 =	sld [smem:$0x3F9A];
	s0 =	simm.s32 @p1 $0x1  }
0x15: {  	[smem:$0x3FB7] =	sst s0;
	s0 =	simm.s32 @!p2 $0x0  }
0x16: {  	s3 =	sld [smem:$0x3FDB];
	s0 =	simm.s32 @p2 $0x1  }
0x17: {  	s4 =	simm.s32 $0x1BF5;
	[smem:$0x3FB9] =	sst s0  }
0x18: {  	s0 =	sld [smem:$0x3F9C];
	_ =	swait.ge [sflag:s4], $0x0  }
0x19: {  	s7 =	sld [smem:$0x3F9D]  }
0x1a: {  	s8 =	sadd.s32 $0xFFFFE003, lr  }
0x1b: {  	s9 =	sadd.s32 $0xFFFFFEF7, lr;
	s5 =	simm.s32 $0xFFFFFFFF;
	p2 =	slt.u32 s8, $0xFFFFF086  }
0x1c: {  	p1 =	slt.u32 s9, $0xF7A;
	s5 =	simm.s32 @!p2 $0x0  }
0x1d: {  	s5 =	simm.s32 @p1 $0x1;
	p0 =	seq.s32 s7, s2  }
0x1e: {  	s7 =	smul.u32 @!p0 $0xF7A, s2;
	p2 =	seq.s32 @!p0 s5, $0x0  }
0x1f: {  	s9 =	smul.u32 $0xF7A, s1;
	s8 =	simm.s32 @!p0 $0x1BF5;
	p2 =	por !p2, p0  }
0x20: {  	[sflag:s8] =	ssyncset.s32 @!p0 $0xFFFFF086;
	s6 =	sadd.s32 @!p0 s3, s7;
	s7 =	simm.s32 @!p0 $0x108  }
0x21: {  	s3 =	sadd.s32 s3, s9;
	s6 =	sadd.s32 @!p0 $0x88, s6;
	s7 =	simm.s32 @p2 $0x1082  }
0x22: {  	[simem:s7], [sflag:s8] =	dma.local @!p0 [hbm:s6], $0xF7A  }
0x23: {  	s9 =	sor.u32 $0xD0000000, s2;
	s6 =	simm.s32 $0x108;
	_ =	swait.ge @!p0 [sflag:s8], $0x0  }
0x24: {  	s3 =	sadd.s32 $0x88, s3;
	s6 =	simm.s32 @!p1 $0x1082;
	[sflag:s4] =	ssyncset.s32 $0xFFFFF086  }
0x25: {  	[simem:s6], [sflag:s4] =	dma.local [hbm:s3], $0xF7A  }
0x26: {  	[smem:$0x3F9D] =	sst s1;
	(tag) =	ssettag s2;
	_ =	strace s9  }
0x27: {  	s1 =	sld [smem:$0x3FAD]  }
0x28: {  	s2 =	sld [smem:$0x3FAE]  }
0x29: {  	s4 =	sld [smem:$0x3FB0]  }
0x2a: {  	p0 =	seq.s32 s5, $0x0;
	s5 =	sld [smem:$0x3FB1]  }
0x2b: {  	s6 =	sld [smem:$0x3FB2]  }
0x2c: {  	s7 =	sld [smem:$0x3FB3]  }
0x2d: {  	s3 =	simm.s32 $0x108;
	s8 =	sld [smem:$0x3FB4]  }
0x2e: {  	s3 =	simm.s32 @!p0 $0x1082;
	s9 =	sld [smem:$0x3FB5]  }
0x2f: {  	lr =	sadd.s32 s0, s3;
	s0 =	sld [smem:$0x3FAC]  }
0x30: {  	s3 =	sld [smem:$0x3FAF]  }
0x31: {  	[smem:$0x3FB8] =	sst s10  }
0x32: {  	s10 =	sld [smem:$0x3FB6];
	_ =	sdelay $0x3  }
0x33: {  	p0 =	seq.s32 s10, $0x1;
	s10 =	sld [smem:$0x3FB8];
	_ =	sdelay $0x3  }
0x34: {  	[smem:$0x3FB8] =	sst s10  }
0x35: {  	s10 =	sld [smem:$0x3FB7];
	_ =	sdelay $0x3  }
0x36: {  	p1 =	seq.s32 s10, $0x1;
	s10 =	sld [smem:$0x3FB8];
	_ =	sdelay $0x3  }
0x37: {  	[smem:$0x3FB8] =	sst s10  }
0x38: {  	s10 =	sld [smem:$0x3FB9]  }
0x39: {  	_ = 	snop;
	(pc) =	sbr.ind lr, $3  }
0x3a: {  	_ = 	snop  }
0x3b: {  	_ = 	snop  }
0x3c: {  	p2 =	seq.s32 s10, $0x1;
	s10 =	sld [smem:$0x3FB8]  }
0x3d: {  	_ =	shalt  }
0x3e: {  	_ =	shalt  }
0x3f: {  	_ =	shalt  }
0x40: {  	_ =	shalt  }
0x41: {  	_ =	shalt  }
0x42: {  	_ =	shalt  }
0x43: {  	_ =	shalt  }
0x44: {  	_ =	shalt  }
0x45: {  	_ =	shalt  }
0x46: {  	_ =	shalt  }
0x47: {  	_ =	shalt  }
0x48: {  	_ =	shalt  }
0x49: {  	_ =	shalt  }
0x4a: {  	_ =	shalt  }
0x4b: {  	_ =	shalt  }
0x4c: {  	_ =	shalt  }
0x4d: {  	_ =	shalt  }
0x4e: {  	_ =	shalt  }
0x4f: {  	_ =	shalt  }
0x50: {  	_ =	shalt  }
0x51: {  	_ =	shalt  }
0x52: {  	_ =	shalt  }
0x53: {  	_ =	shalt  }
0x54: {  	_ =	shalt  }
0x55: {  	_ =	shalt  }
0x56: {  	_ =	shalt  }
0x57: {  	_ =	shalt  }
0x58: {  	_ =	shalt  }
0x59: {  	_ =	shalt  }
0x5a: {  	_ =	shalt  }
0x5b: {  	_ =	shalt  }
0x5c: {  	_ =	shalt  }
0x5d: {  	_ =	shalt  }
0x5e: {  	_ =	shalt  }
0x5f: {  	_ =	shalt  }
0x60: {  	_ =	shalt  }
0x61: {  	_ =	shalt  }
0x62: {  	_ =	shalt  }
0x63: {  	_ =	shalt  }
0x64: {  	_ =	shalt  }
0x65: {  	_ =	shalt  }
0x66: {  	_ =	shalt  }
0x67: {  	_ =	shalt  }
0x68: {  	_ =	shalt  }
0x69: {  	_ =	shalt  }
0x6a: {  	_ =	shalt  }
0x6b: {  	_ =	shalt  }
0x6c: {  	_ =	shalt  }
0x6d: {  	_ =	shalt  }
0x6e: {  	_ =	shalt  }
0x6f: {  	_ =	shalt  }
0x70: {  	_ =	shalt  }
0x71: {  	_ =	shalt  }
0x72: {  	_ =	shalt  }
0x73: {  	_ =	shalt  }
0x74: {  	_ =	shalt  }
0x75: {  	_ =	shalt  }
0x76: {  	_ =	shalt  }
0x77: {  	_ =	shalt  }
0x78: {  	_ =	shalt  }
0x79: {  	_ =	shalt  }
0x7a: {  	_ =	shalt  }
0x7b: {  	_ =	shalt  }
0x7c: {  	_ =	shalt  }
0x7d: {  	_ =	shalt  }
0x7e: {  	_ =	shalt  }
0x7f: {  	_ =	shalt  }
0x80: {  	_ =	shalt  }
0x81: {  	_ =	shalt  }
0x82: {  	_ =	shalt  }
0x83: {  	_ =	shalt  }
0x84: {  	_ =	shalt  }
0x85: {  	_ =	shalt  }
0x86: {  	_ =	shalt  }
0x87: {  	_ =	shalt  }
.Lfunc_end0:
.L_simem_size_0:
called_computation_lowered:
.L_overlay_start_0:
0x88: {  	s2 =	sld [smem:$0x3FD9]  }
0x89: {  	s3 =	sld [smem:$0x3FFE];
	_ =	sdelay $0x1  }
0x8a: {  	s1 =	srdreg.scid  }
0x8b: {  	s0 =	sand.u32 $0x1, s1  }
0x8c: {  	s16 =	sshll.u32 s0, $0xA;
	s2 =	sadd.s32 s3, s2  }
0x8d: {  	s2 =	sadd.s32 s2, s16  }
0x8e: {  	[smem:$0x3FC4] =	sst s2  }
0x8f: {  	_ = 	snop  }
0x90: {  	(tm) =	ssettm $0x1  }
0x91: {  	s17 =	sld [smem:$0x3FFB];
	_ =	sdelay $0x3  }
0x92: {  	_ =	strace s17  }
0x93: {  	s2 =	sld [smem:$0x3FFC];
	_ =	sdelay $0x3  }
0x94: {  	_ =	strace s2  }
0x95: {  	s2 =	sld [smem:$0x3FFD];
	_ =	sdelay $0x3  }
0x96: {  	_ =	strace s2  }
0x97: {  	_ =	strace $0x8FFFFFFF  }
0x98: {  	s18 =	sld [smem:$0x3FDB];
	_ =	sdelay $0x1  }
0x99: {  	s19 =	simm.s32 $_scs_section_size  }
0x9a: {  	s4 =	simm.s32 $_size__tile_overlayer_lowered;
	s5 =	simm.s32 $_tile_overlayer_lowered  }
0x9b: {  	s22 =	simm.s32 $0x1BFF;
	s21 =	sshll.u32 s5, $0x1;
	s2 =	sadd.s32 s19, s18  }
0x9c: {  	s6 =	simm.s32 $0x0;
	s20 =	sshll.u32 s4, $0x1;
	s4 =	sadd.s32 s21, s2  }
0x9d: {  	[timem:s6], [sflag:s22] =	dma.local [hbm:s4], s20  }
0x9e: {  	_ =	swait.ge [sflag:s22], s20  }
0x9f: {  	s3 =	ssub.s32 $0x0, s20;
	[sflag:s22] =	ssyncset.done $0x0  }
0xa0: {  	[sflag:s22] =	ssyncadd.s32 s3;
	_ =	sdelay $0x1  }
0xa1: {  	s23 =	simm.s32 $0x1B8B  }
0xa2: {  	_ =	swait.ge [sflag:s23], $0x1  }
0xa3: {  	[sflag:s23] =	ssyncset.done $0x0  }
0xa4: {  	s25 =	simm.s32 $0x1B8E;
	s24 =	sld [smem:$0x3FFE];
	[sflag:s23] =	ssyncadd.s32 $0xFFFFFFFF  }
0xa5: {  	s26 =	simm.s32 $execute0_lowered;
	[smem:$0x3FD2] =	sst s25  }
0xa6: {  	s4 =	sshll.u32 s26, $0x1;
	_ =	strace $0x80000046;
	[dreg:$0x1] =	wrdreg $0xFFFFFFFF  }
0xa7: {  	s28 =	simm.s32 $_size_execute0_lowered;
	s2 =	sadd.s32 s2, s4;
	[dreg:$0x0] =	wrdreg $0x0  }
0xa8: {  	s4 =	sshll.u32 s28, $0x1;
	[dreg:$0x2] =	wrdreg s2  }
0xa9: {  	[dreg:$0x3] =	wrdreg s4  }
0xaa: {  	[dreg:$0x4] =	wrdreg $0xC0  }
0xab: {  	_ =	task [dreg:s6], $0x5FFFF  }
0xac: {  	[dreg:$0x1] =	wrdreg $0xFFFFFFFF  }
0xad: {  	[dreg:$0x0] =	wrdreg $0x60  }
0xae: {  	[dreg:$0x2] =	wrdreg s24  }
0xaf: {  	[dreg:$0x3] =	wrdreg $0x9  }
0xb0: {  	_ =	task.clear_ibuf [dreg:s6], $0x4FFFF;
	_ =	strace $0x90000046  }
0xb1: {  	s29 =	simm.s32 $0x9;
	_ =	strace $0x80000048  }
0xb2: {  	_ =	swait.ge [sflag:s29], $0x1  }
0xb3: {  	[sflag:s29] =	ssyncadd.s32 $0xFFFFFFFF  }
0xb4: {  	_ =	strace $0x90000048  }
0xb5: {  	_ =	sfence  }
0xb6: {  	s30 =	sld [smem:$0x0];
	_ =	sdelay $0x2  }
0xb7: {  	s31 =	sshll.u32 s1, $0xD;
	s1 =	sshrl.u32 s1, $0x2  }
0xb8: {  	s3 =	sand.u32 $0x4000, s31;
	s1 =	sadd.s32 s1, s30  }
0xb9: {  	s0 =	sor.u32 s3, s0;
	s1 =	sshll.u32 s1, $0x11  }
0xba: {  	s0 =	sor.u32 s1, s0  }
0xbb: {  	s0 =	sadd.s32 $0x8F2B, s0  }
0xbc: {  	[sflag:s0] =	ssyncadd.remote.s32 $0x1  }
0xbd: {  	_ =	sfence.sel $0xFFFF  }
0xbe: {  	[dreg:$0x0] =	wrdreg $0xFFFFFFFF;
	(pc) =	sbr.abs _section_cstart, $3  }
0xbf: {  	[dreg:$0x1] =	wrdreg $0xFFFFFFFF  }
0xc0: {  	_ =	task.clear_ibuf [dreg:s6], $0x2FFFF;
	_ =	strace $0x9FFFFFFF  }
0xc1: {  	(tm) =	ssettm $0x7FFFFFFF  }
tec
execute0_lowered:
.L_overlay_start_1:
0x0: {  	(tag) =	ssettag $0x1  }
0x1: {  	s1 =	srdreg.scid  }
0x2: {  	s0 =	stileid.u32;
	s4 =	rddreg [dreg:$0x0]  }
0x3: {  	s2 =	simm.s32 $0x0;
	s3 =	sand.u32 $0x1, s1;
	s31 =	sshll.u32 s0, $0x1  }
0x4: {  	s9 =	simm.s32 $0x0;
	s1 =	rddreg [dreg:$0x1];
	s5 =	sor.u32 s3, s31  }
0x5: {  	[smem:$0x7FF] =	sst s2;
	s7 =	ssub.s32 $0x2, s3;
	s6 =	smul.u32 $0x280, s5  }
0x6: {  	_ =	strace $0x80000047;
	s5 =	smul.u32 $0x13C0, s5;
	s8 =	sshrl.u32 s7, $0x1  }
0x7: {  	v0 =	vlaneseq.u32;
	s3 =	sadd.s32 $0x7400, s4;
	s7 =	ssub.s32 s7, s8;
	s6 =	sadd.s32 s6, s4  }
0x8: {  	v1 =	vimm.f32 $1.000000000e+00;
	vm0 =	vcmask $0x1F10;
	v0 =	vand.u32 $0x3, v0;
	s8 =	simm.s32 $0x9E00;
	s5 =	sadd.s32 s5, s4;
	s4 =	sadd.s32 $0x2400, s6  }
0x9: {  	vm1 =	vcmask $0x2F20;
	vm2 =	vcmask $0x3F30;
	v0 =	vmul.u32 $0x2780, v0;
	s5 =	sadd.s32 $0x8800, s5;
	s6 =	smax.u32 s7, $0x1;
	s7 =	simm.s32 $0x1  }
.LBB2_1:
0xa: {  	[tilespmem:s2], [sflag:$0x1] =	stream.linear.gather [hbm4b:s3+s2], $0x9E00, $0x38;
	[tilespmem:$0xB200] =	vst v63  }
0xb: {  	_ =	swait.ge [sflag:s7], $0x9E00  }
0xc: {  	[sflag:s7] =	ssyncset.done $0x0  }
0xd: {  	[sflag:s7] =	ssyncadd.s32 $0xFFFF6200  }
0xe: {  	[tilespmem:s8], [sflag:$0x1] =	stream.linear.gather [hbm4b:s4+s2], $0x1400, $0x38;
	[tilespmem:$0xB200] =	vst v63  }
0xf: {  	_ =	swait.ge [sflag:s7], $0x1400  }
0x10: {  	[sflag:s7] =	ssyncset.done $0x0  }
0x11: {  	s10 =	simm.s32 $0x0;
	[sflag:s7] =	ssyncadd.s32 $0xFFFFEC00  }
.LBB2_2:
0x12: {  	s11 =	sshra.s32 s10, $0x2  }
0x13: {  	v2 =	vld [tilespmem:s11+$0x9E00];
	_ =	sdelay $0x4  }
0x14: {  	v2 =	vadd.s32 v0, v2;
	_ =	sdelay $0x4  }
0x15: {  	[tilespmem:v2+s2+$0x0] =	vst.idx.add.f32.msk $0xf, v1  }
0x16: {  	[tilespmem:v2+s2+$0x0] =	vst.idx.add.f32.msk vm0, v1  }
0x17: {  	[tilespmem:v2+s2+$0x0] =	vst.idx.add.f32.msk vm1, v1  }
0x18: {  	[tilespmem:v2+s2+$0x0] =	vst.idx.add.f32.msk vm2, v1  }
0x19: {  	v2 =	vld [tilespmem:s11+$0x9E10];
	_ =	sdelay $0x4  }
0x1a: {  	v2 =	vadd.s32 v0, v2;
	_ =	sdelay $0x4  }
0x1b: {  	[tilespmem:v2+s2+$0x0] =	vst.idx.add.f32.msk $0xf, v1  }
0x1c: {  	[tilespmem:v2+s2+$0x0] =	vst.idx.add.f32.msk vm0, v1  }
0x1d: {  	[tilespmem:v2+s2+$0x0] =	vst.idx.add.f32.msk vm1, v1  }
0x1e: {  	[tilespmem:v2+s2+$0x0] =	vst.idx.add.f32.msk vm2, v1  }
0x1f: {  	v2 =	vld [tilespmem:s11+$0x9E20];
	_ =	sdelay $0x4  }
0x20: {  	v2 =	vadd.s32 v0, v2;
	_ =	sdelay $0x4  }
0x21: {  	[tilespmem:v2+s2+$0x0] =	vst.idx.add.f32.msk $0xf, v1  }
0x22: {  	[tilespmem:v2+s2+$0x0] =	vst.idx.add.f32.msk vm0, v1  }
0x23: {  	[tilespmem:v2+s2+$0x0] =	vst.idx.add.f32.msk vm1, v1  }
0x24: {  	[tilespmem:v2+s2+$0x0] =	vst.idx.add.f32.msk vm2, v1  }
0x25: {  	v2 =	vld [tilespmem:s11+$0x9E30];
	_ =	sdelay $0x4  }
0x26: {  	v2 =	vadd.s32 v0, v2;
	_ =	sdelay $0x4  }
0x27: {  	[tilespmem:v2+s2+$0x0] =	vst.idx.add.f32.msk $0xf, v1  }
0x28: {  	[tilespmem:v2+s2+$0x0] =	vst.idx.add.f32.msk vm0, v1  }
0x29: {  	[tilespmem:v2+s2+$0x0] =	vst.idx.add.f32.msk vm1, v1  }
0x2a: {  	[tilespmem:v2+s2+$0x0] =	vst.idx.add.f32.msk vm2, v1  }
0x2b: {  	v2 =	vld [tilespmem:s11+$0x9E40];
	_ =	sdelay $0x4  }
0x2c: {  	v2 =	vadd.s32 v0, v2;
	_ =	sdelay $0x4  }
0x2d: {  	[tilespmem:v2+s2+$0x0] =	vst.idx.add.f32.msk $0xf, v1  }
0x2e: {  	[tilespmem:v2+s2+$0x0] =	vst.idx.add.f32.msk vm0, v1  }
0x2f: {  	[tilespmem:v2+s2+$0x0] =	vst.idx.add.f32.msk vm1, v1  }
0x30: {  	[tilespmem:v2+s2+$0x0] =	vst.idx.add.f32.msk vm2, v1  }
0x31: {  	v2 =	vld [tilespmem:s11+$0x9E50];
	_ =	sdelay $0x4  }
0x32: {  	v2 =	vadd.s32 v0, v2;
	_ =	sdelay $0x4  }
0x33: {  	[tilespmem:v2+s2+$0x0] =	vst.idx.add.f32.msk $0xf, v1  }
0x34: {  	[tilespmem:v2+s2+$0x0] =	vst.idx.add.f32.msk vm0, v1  }
0x35: {  	[tilespmem:v2+s2+$0x0] =	vst.idx.add.f32.msk vm1, v1  }
0x36: {  	[tilespmem:v2+s2+$0x0] =	vst.idx.add.f32.msk vm2, v1  }
0x37: {  	v2 =	vld [tilespmem:s11+$0x9E60];
	_ =	sdelay $0x4  }
0x38: {  	v2 =	vadd.s32 v0, v2;
	_ =	sdelay $0x4  }
0x39: {  	[tilespmem:v2+s2+$0x0] =	vst.idx.add.f32.msk $0xf, v1  }
0x3a: {  	[tilespmem:v2+s2+$0x0] =	vst.idx.add.f32.msk vm0, v1  }
0x3b: {  	[tilespmem:v2+s2+$0x0] =	vst.idx.add.f32.msk vm1, v1  }
0x3c: {  	[tilespmem:v2+s2+$0x0] =	vst.idx.add.f32.msk vm2, v1  }
0x3d: {  	v2 =	vld [tilespmem:s11+$0x9E70];
	_ =	sdelay $0x4  }
0x3e: {  	v2 =	vadd.s32 v0, v2;
	_ =	sdelay $0x2  }
0x3f: {  	p0 =	sne.s32 s10, $0x4E00  }
.Ltmp0:
0x40: {  	_ = 	snop;
	(pc) =	sbr.rel @p0 .LBB2_2-.Ltmp0, $4  }
0x41: {  	[tilespmem:v2+s2+$0x0] =	vst.idx.add.f32.msk $0xf, v1  }
0x42: {  	[tilespmem:v2+s2+$0x0] =	vst.idx.add.f32.msk vm0, v1  }
0x43: {  	[tilespmem:v2+s2+$0x0] =	vst.idx.add.f32.msk vm1, v1  }
0x44: {  	s10 =	sadd.s32 $0x200, s10;
	[tilespmem:v2+s2+$0x0] =	vst.idx.add.f32.msk vm2, v1  }
0x45: {  	s9 =	sadd.s32 $0x1, s9  }
0x46: {  	p0 =	sne.s32 s9, s6  }
.Ltmp1:
0x47: {  	_ = 	snop;
	(pc) =	sbr.rel @p0 .LBB2_1-.Ltmp1, $4  }
0x48: {  	[hbm4b:s5+s2] =	stream.linear.scatter [tilespmem:s2], [sflag:$0x1], $0x9E00, $0x38;
	[tilespmem:$0xB200] =	vst v63  }
0x49: {  	_ =	swait.ge [sflag:s7], $0x9E00  }
0x4a: {  	[sflag:s7] =	ssyncset.done $0x0  }
0x4b: {  	[sflag:s7] =	ssyncadd.s32 $0xFFFF6200  }
0x4c: {  	_ =	sfence.sel $0x180000  }
0x4d: {  	[bflag:$0x0] =	sbarrier.arrive $0xFFFF  }
0x4e: {  	p0 =	sne.s32 s0, $0x0;
	_ =	strace $0x90000047  }
0x4f: {  	s0 =	sadd.s32 @!p0 $0x100000, s1;
	[bflag:$0x2] =	sbarrier.arrive $0xFFFF  }
0x50: {  	[sflag:s0] =	ssyncadd.tile.s32 @!p0 $0x1;
	_ =	shalt  }
.Lfunc_end2:
_tile_overlayer_lowered:
.L_overlay_start_2:
0x51: {  	(tag) =	ssettag $0x2  }
0x52: {  	s0 =	rddreg [dreg:$0x0];
	s2 =	stileid.u32  }
0x53: {  	s1 =	rddreg [dreg:$0x1];
	p0 =	sne.s32 s2, $0x0  }
0x54: {  	s3 =	rddreg [dreg:$0x2];
	[bflag:$0x3] =	sbarrier.arrive $0xFFFF;
	s2 =	simm.s32 @!p0 $0x1C01  }
0x55: {  	[timem:s3], [sflag:s2] =	dma.local @!p0 [hbm:s0], s1  }
0x56: {  	s0 =	simm.s32 @!p0 $0x1  }
0x57: {  	_ =	swait.ge @!p0 [sflag:s0], s1  }
0x58: {  	s1 =	ssub.s32 @!p0 $0x0, s1;
	[sflag:s0] =	ssyncset.done @!p0 $0x0  }
0x59: {  	[sflag:s0] =	ssyncadd.s32 @!p0 s1  }
0x5a: {  	[bflag:$0x3] =	sbarrier.arrive $0xFFFF  }
0x5b: {  	_ =	shalt  }

</sc_bundles>
